<compile_context>
chip_gen: v7x
topology: tpu7x:2x2x1
jax: 0.10.2.dev20260603
libtpu: 0.0.44.dev20260713+nightly
codegen_flags: <defaults>
</compile_context>

<pallas_src>
import functools

import jax
import jax.numpy as jnp
from jax import lax
from jax.experimental import pallas as pl
from jax.experimental.pallas import tpu as pltpu
from jax.experimental.pallas import tpu_sc as plsc

_RING = 8
_G = 16


@functools.lru_cache(maxsize=None)
def _make_colgather(num_ids: int, dim: int):
    info = plsc.get_sparse_core_info()
    num_workers = info.num_cores * info.num_subcores
    assert num_ids % (8 * num_workers) == 0
    b_per_w = num_ids // num_workers
    n_groups = b_per_w // _G

    mesh = plsc.VectorSubcoreMesh(core_axis_name="c", subcore_axis_name="s")

    @functools.partial(
        pl.kernel,
        mesh=mesh,
        out_type=jax.ShapeDtypeStruct((dim, num_ids), jnp.float32),
        scratch_types=[
            pltpu.VMEM((b_per_w,), jnp.int32),
            pltpu.VMEM((_RING, dim, 128), jnp.float32),
            pltpu.VMEM((dim, b_per_w), jnp.float32),
            [pltpu.SemaphoreType.DMA] * _RING,
        ],
        compiler_params=pltpu.CompilerParams(
            use_tc_tiling_on_sc=True, needs_layout_passes=False
        ),
    )
    def colgather(idx_hbm, wt_hbm, out_hbm, idx_v, ring, resbuf, sems):
        wid = lax.axis_index("s") * info.num_cores + lax.axis_index("c")
        base = wid * b_per_w
        pltpu.sync_copy(idx_hbm.at[pl.ds(base, b_per_w)], idx_v)

        lane = lax.iota(jnp.int32, 16)
        rows = [lane + 16 * k for k in range(dim // 16)]

        def fire(v, slot):
            col0 = pl.multiple_of(v & -128, 128)
            pltpu.async_copy(
                wt_hbm.at[:, pl.ds(col0, 128)], ring.at[slot], sems[slot]
            )

        def wait(slot):
            pltpu.make_async_copy(
                wt_hbm.at[:, pl.ds(0, 128)], ring.at[slot], sems[slot]
            ).wait()

        def extract(j, slot, v):
            c = jnp.broadcast_to(v & 127, (16,))
            jv = jnp.broadcast_to(j, (16,))
            for k in range(dim // 16):
                vals = plsc.load_gather(ring.at[slot], [rows[k], c])
                plsc.store_scatter(resbuf, [rows[k], jv], vals)

        vec0 = idx_v[pl.ds(0, _G)]
        for i in range(_RING):
            fire(vec0[i], i)

        def body(g, _):
            vec = idx_v[pl.ds(_G * g, _G)]
            vecn = idx_v[pl.ds(_G * g + _G, _G)]
            for i in range(_G):
                slot = i % _RING
                wait(slot)
                extract(_G * g + i, slot, vec[i])
                vnext = vec[i + _RING] if i < _RING else vecn[i - _RING]
                fire(vnext, slot)
            return 0

        lax.fori_loop(0, n_groups - 1, body, 0)

        vec = idx_v[pl.ds(_G * (n_groups - 1), _G)]
        for i in range(_G):
            slot = i % _RING
            wait(slot)
            extract(_G * (n_groups - 1) + i, slot, vec[i])
            if i + _RING < _G:
                fire(vec[i + _RING], slot)

        pltpu.sync_copy(resbuf, out_hbm.at[:, pl.ds(base, b_per_w)])

    return colgather


def kernel(input_ids, weight):
    ids = input_ids.astype(jnp.int32)
    fn = _make_colgather(ids.shape[0], weight.shape[1])
    out_t = fn(ids, weight.T)
    return out_t.T

# --- scband reference (transcript-rebuilt; emitter-appended) ---
"""Pipeline reference for scband-vocab-parallel-embedding-63153199120494 (READ-ONLY COPY).

The authoritative reference and input builder live on the scoring server;
editing this copy changes nothing except your own understanding.
"""

import jax, jax.numpy as jnp
import numpy as np

NUM_EMBEDDINGS = 1000000
EMBEDDING_DIM = 64
N = 16384


def setup_inputs(seed: int = 0) -> dict:
    key = jax.random.key(seed)
    k1, k2 = jax.random.split(key)
    input_ids = jax.random.randint(k1, (N,), 0, NUM_EMBEDDINGS, dtype=jnp.int64 if jax.config.jax_enable_x64 else jnp.int32)
    weight = jax.random.normal(k2, (NUM_EMBEDDINGS, EMBEDDING_DIM), dtype=jnp.float32) * 0.02
    return {"input_ids": input_ids, "weight": weight}


def reference(input_ids, weight):
    # Single-shard (tp_size == 1) path of VocabParallelEmbedding:
    # plain embedding lookup (gather rows of the table).
    output = jnp.take(weight, input_ids, axis=0)
    return output

if __name__ == "__main__":
    import jax
    _d = setup_inputs()
    print(jax.jit(kernel)(*tuple(_d.values())))

</pallas_src>

<mosaic_0001>
#map = affine_map<(d0, d1) -> (0)>
#map1 = affine_map<(d0, d1) -> (0, 0)>
module attributes {stable_mosaic.version = 14 : i64} {
  func.func @colgather(%arg0: i32, %arg1: i32, %arg2: memref<16384xi32, #tpu.memory_space<hbm>>, %arg3: memref<64x1000000xf32, #tpu.memory_space<hbm>>, %arg4: memref<64x16384xf32, #tpu.memory_space<hbm>>, %arg5: memref<512xi32, #tpu.memory_space<vmem>>, %arg6: memref<8x64x128xf32, #tpu.memory_space<vmem>>, %arg7: memref<64x512xf32, #tpu.memory_space<vmem>>, %arg8: memref<!tpu.dma_semaphore, #tpu.memory_space<semaphore_mem>>, %arg9: memref<!tpu.dma_semaphore, #tpu.memory_space<semaphore_mem>>, %arg10: memref<!tpu.dma_semaphore, #tpu.memory_space<semaphore_mem>>, %arg11: memref<!tpu.dma_semaphore, #tpu.memory_space<semaphore_mem>>, %arg12: memref<!tpu.dma_semaphore, #tpu.memory_space<semaphore_mem>>, %arg13: memref<!tpu.dma_semaphore, #tpu.memory_space<semaphore_mem>>, %arg14: memref<!tpu.dma_semaphore, #tpu.memory_space<semaphore_mem>>, %arg15: memref<!tpu.dma_semaphore, #tpu.memory_space<semaphore_mem>>) attributes {dimension_semantics = [#tpu.dimension_semantics<core_parallel>, #tpu.dimension_semantics<subcore_parallel>], iteration_bounds = array<i64: 2, 16>, scalar_prefetch = 0 : i64, scratch_operands = 11 : i64, tpu.core_type = #tpu.core_type<sc_vector_subcore>, window_params = [{transform_indices = #map}, {transform_indices = #map1}, {transform_indices = #map1}]} {
    %mul3A = arith.constant 2 : i32
    %mul3A_0 = arith.muli %arg1, %mul3A : i32
    %add3A = arith.addi %mul3A_0, %arg0 : i32
    %mul3A_1 = arith.constant 512 : i32
    %mul3A_2 = arith.muli %add3A, %mul3A_1 : i32
    "tpu.region"() ({
      %run_scoped3A = tpu.sem_alloc : memref<!tpu.dma_semaphore, #tpu.memory_space<semaphore_mem>>
      %dma_start3A_1040 = tpu.memref_slice %arg2[%mul3A_2] : memref<16384xi32, #tpu.memory_space<hbm>> -> memref<512xi32, #tpu.memory_space<hbm>>
      %dma_start3A_1041 = tpu.memref_slice %arg2[%mul3A_2] : memref<16384xi32, #tpu.memory_space<hbm>> -> memref<512xi32, #tpu.memory_space<hbm>>
      tpu.enqueue_dma source(%dma_start3A_1041 : memref<512xi32, #tpu.memory_space<hbm>>) target(%arg5 : memref<512xi32, #tpu.memory_space<vmem>>) target_semaphore(%run_scoped3A : memref<!tpu.dma_semaphore, #tpu.memory_space<semaphore_mem>>)
      %dma_wait3A_1042 = tpu.memref_slice %arg2[%mul3A_2] : memref<16384xi32, #tpu.memory_space<hbm>> -> memref<512xi32, #tpu.memory_space<hbm>>
      %dma_wait3A_1043 = tpu.memref_slice %arg2[%mul3A_2] : memref<16384xi32, #tpu.memory_space<hbm>> -> memref<512xi32, #tpu.memory_space<hbm>>
      tpu.wait_dma2 semaphore(%run_scoped3A : memref<!tpu.dma_semaphore, #tpu.memory_space<semaphore_mem>>) src(%dma_wait3A_1043 : memref<512xi32, #tpu.memory_space<hbm>>) dst(%arg5 : memref<512xi32, #tpu.memory_space<vmem>>)
      tpu.yield
    }) : () -> ()
    %iota3A = tpu.iota {dimensions = array<i32: 0>} : vector<16xi32>
    %add3A_3 = arith.constant 0 : i32
    %add3A_4 = vector.broadcast %add3A_3 : i32 to vector<16xi32>
    %add3A_5 = arith.addi %iota3A, %add3A_4 : vector<16xi32>
    %add3A_6 = arith.constant 16 : i32
    %add3A_7 = vector.broadcast %add3A_6 : i32 to vector<16xi32>
    %add3A_8 = arith.addi %iota3A, %add3A_7 : vector<16xi32>
    %add3A_9 = arith.constant 32 : i32
    %add3A_10 = vector.broadcast %add3A_9 : i32 to vector<16xi32>
    %add3A_11 = arith.addi %iota3A, %add3A_10 : vector<16xi32>
    %add3A_12 = arith.constant 48 : i32
    %add3A_13 = vector.broadcast %add3A_12 : i32 to vector<16xi32>
    %add3A_14 = arith.addi %iota3A, %add3A_13 : vector<16xi32>
    %get3A = arith.constant 0 : index
    %get3A_15 = tpu.vector_load %arg5[%get3A] {strides = array<i32>} : memref<512xi32, #tpu.memory_space<vmem>>, vector<16xi32>,
    %slice3A = vector.extract_strided_slice %get3A_15 {offsets = [0], sizes = [1], strides = [1]} : vector<16xi32> to vector<1xi32>
    %squeeze3A = vector.extract %slice3A[0] : i32 from vector<1xi32>
    %and3A = arith.constant -128 : i32
    %and3A_16 = arith.andi %squeeze3A, %and3A : i32
    %multiple_of3A = tpu.assume_multiple %and3A_16, 128 : i32
    %dma_start3A = arith.constant 0 : i32
    %dma_start3A_17 = arith.constant 0 : i32
    %dma_start3A_18 = arith.constant 0 : i32
    %dma_start3A_19 = tpu.memref_slice %arg6[%dma_start3A, %dma_start3A_17, %dma_start3A_18] : memref<8x64x128xf32, #tpu.memory_space<vmem>> -> memref<1x64x128xf32, #tpu.memory_space<vmem>>
    %dma_start3A_20 = tpu.memref_squeeze %dma_start3A_19 : memref<1x64x128xf32, #tpu.memory_space<vmem>> -> memref<64x128xf32, #tpu.memory_space<vmem>>
    %dma_start3A_21 = arith.constant 0 : i32
    %dma_start3A_22 = tpu.memref_slice %arg3[%dma_start3A_21, %multiple_of3A] : memref<64x1000000xf32, #tpu.memory_space<hbm>> -> memref<64x128xf32, #tpu.memory_space<hbm>>
    %dma_start3A_23 = arith.constant 0 : i32
    %dma_start3A_24 = arith.constant 0 : i32
    %dma_start3A_25 = tpu.memref_slice %arg6[%dma_start3A, %dma_start3A_23, %dma_start3A_24] : memref<8x64x128xf32, #tpu.memory_space<vmem>> -> memref<1x64x128xf32, #tpu.memory_space<vmem>>
    %dma_start3A_26 = tpu.memref_squeeze %dma_start3A_25 : memref<1x64x128xf32, #tpu.memory_space<vmem>> -> memref<64x128xf32, #tpu.memory_space<vmem>>
    %dma_start3A_27 = arith.constant 0 : i32
    %dma_start3A_28 = tpu.memref_slice %arg3[%dma_start3A_27, %multiple_of3A] : memref<64x1000000xf32, #tpu.memory_space<hbm>> -> memref<64x128xf32, #tpu.memory_space<hbm>>
    tpu.enqueue_dma source(%dma_start3A_28 : memref<64x128xf32, #tpu.memory_space<hbm>>) target(%dma_start3A_26 : memref<64x128xf32, #tpu.memory_space<vmem>>) target_semaphore(%arg8 : memref<!tpu.dma_semaphore, #tpu.memory_space<semaphore_mem>>)
    %slice3A_29 = vector.extract_strided_slice %get3A_15 {offsets = [1], sizes = [1], strides = [1]} : vector<16xi32> to vector<1xi32>
    %squeeze3A_30 = vector.extract %slice3A_29[0] : i32 from vector<1xi32>
    %and3A_31 = arith.constant -128 : i32
    %and3A_32 = arith.andi %squeeze3A_30, %and3A_31 : i32
    %multiple_of3A_33 = tpu.assume_multiple %and3A_32, 128 : i32
    %dma_start3A_34 = arith.constant 1 : i32
    %dma_start3A_35 = arith.constant 0 : i32
    %dma_start3A_36 = arith.constant 0 : i32
    %dma_start3A_37 = tpu.memref_slice %arg6[%dma_start3A_34, %dma_start3A_35, %dma_start3A_36] : memref<8x64x128xf32, #tpu.memory_space<vmem>> -> memref<1x64x128xf32, #tpu.memory_space<vmem>>
    %dma_start3A_38 = tpu.memref_squeeze %dma_start3A_37 : memref<1x64x128xf32, #tpu.memory_space<vmem>> -> memref<64x128xf32, #tpu.memory_space<vmem>>
    %dma_start3A_39 = arith.constant 0 : i32
    %dma_start3A_40 = tpu.memref_slice %arg3[%dma_start3A_39, %multiple_of3A_33] : memref<64x1000000xf32, #tpu.memory_space<hbm>> -> memref<64x128xf32, #tpu.memory_space<hbm>>
    %dma_start3A_41 = arith.constant 0 : i32
    %dma_start3A_42 = arith.constant 0 : i32
    %dma_start3A_43 = tpu.memref_slice %arg6[%dma_start3A_34, %dma_start3A_41, %dma_start3A_42] : memref<8x64x128xf32, #tpu.memory_space<vmem>> -> memref<1x64x128xf32, #tpu.memory_space<vmem>>
    %dma_start3A_44 = tpu.memref_squeeze %dma_start3A_43 : memref<1x64x128xf32, #tpu.memory_space<vmem>> -> memref<64x128xf32, #tpu.memory_space<vmem>>
    %dma_start3A_45 = arith.constant 0 : i32
    %dma_start3A_46 = tpu.memref_slice %arg3[%dma_start3A_45, %multiple_of3A_33] : memref<64x1000000xf32, #tpu.memory_space<hbm>> -> memref<64x128xf32, #tpu.memory_space<hbm>>
    tpu.enqueue_dma source(%dma_start3A_46 : memref<64x128xf32, #tpu.memory_space<hbm>>) target(%dma_start3A_44 : memref<64x128xf32, #tpu.memory_space<vmem>>) target_semaphore(%arg9 : memref<!tpu.dma_semaphore, #tpu.memory_space<semaphore_mem>>)
    %slice3A_47 = vector.extract_strided_slice %get3A_15 {offsets = [2], sizes = [1], strides = [1]} : vector<16xi32> to vector<1xi32>
    %squeeze3A_48 = vector.extract %slice3A_47[0] : i32 from vector<1xi32>
    %and3A_49 = arith.constant -128 : i32
    %and3A_50 = arith.andi %squeeze3A_48, %and3A_49 : i32
    %multiple_of3A_51 = tpu.assume_multiple %and3A_50, 128 : i32
    %dma_start3A_52 = arith.constant 2 : i32
    %dma_start3A_53 = arith.constant 0 : i32
    %dma_start3A_54 = arith.constant 0 : i32
    %dma_start3A_55 = tpu.memref_slice %arg6[%dma_start3A_52, %dma_start3A_53, %dma_start3A_54] : memref<8x64x128xf32, #tpu.memory_space<vmem>> -> memref<1x64x128xf32, #tpu.memory_space<vmem>>
    %dma_start3A_56 = tpu.memref_squeeze %dma_start3A_55 : memref<1x64x128xf32, #tpu.memory_space<vmem>> -> memref<64x128xf32, #tpu.memory_space<vmem>>
    %dma_start3A_57 = arith.constant 0 : i32
    %dma_start3A_58 = tpu.memref_slice %arg3[%dma_start3A_57, %multiple_of3A_51] : memref<64x1000000xf32, #tpu.memory_space<hbm>> -> memref<64x128xf32, #tpu.memory_space<hbm>>
    %dma_start3A_59 = arith.constant 0 : i32
    %dma_start3A_60 = arith.constant 0 : i32
    %dma_start3A_61 = tpu.memref_slice %arg6[%dma_start3A_52, %dma_start3A_59, %dma_start3A_60] : memref<8x64x128xf32, #tpu.memory_space<vmem>> -> memref<1x64x128xf32, #tpu.memory_space<vmem>>
    %dma_start3A_62 = tpu.memref_squeeze %dma_start3A_61 : memref<1x64x128xf32, #tpu.memory_space<vmem>> -> memref<64x128xf32, #tpu.memory_space<vmem>>
    %dma_start3A_63 = arith.constant 0 : i32
    %dma_start3A_64 = tpu.memref_slice %arg3[%dma_start3A_63, %multiple_of3A_51] : memref<64x1000000xf32, #tpu.memory_space<hbm>> -> memref<64x128xf32, #tpu.memory_space<hbm>>
    tpu.enqueue_dma source(%dma_start3A_64 : memref<64x128xf32, #tpu.memory_space<hbm>>) target(%dma_start3A_62 : memref<64x128xf32, #tpu.memory_space<vmem>>) target_semaphore(%arg10 : memref<!tpu.dma_semaphore, #tpu.memory_space<semaphore_mem>>)
    %slice3A_65 = vector.extract_strided_slice %get3A_15 {offsets = [3], sizes = [1], strides = [1]} : vector<16xi32> to vector<1xi32>
    %squeeze3A_66 = vector.extract %slice3A_65[0] : i32 from vector<1xi32>
    %and3A_67 = arith.constant -128 : i32
    %and3A_68 = arith.andi %squeeze3A_66, %and3A_67 : i32
    %multiple_of3A_69 = tpu.assume_multiple %and3A_68, 128 : i32
    %dma_start3A_70 = arith.constant 3 : i32
    %dma_start3A_71 = arith.constant 0 : i32
    %dma_start3A_72 = arith.constant 0 : i32
    %dma_start3A_73 = tpu.memref_slice %arg6[%dma_start3A_70, %dma_start3A_71, %dma_start3A_72] : memref<8x64x128xf32, #tpu.memory_space<vmem>> -> memref<1x64x128xf32, #tpu.memory_space<vmem>>
    %dma_start3A_74 = tpu.memref_squeeze %dma_start3A_73 : memref<1x64x128xf32, #tpu.memory_space<vmem>> -> memref<64x128xf32, #tpu.memory_space<vmem>>
    %dma_start3A_75 = arith.constant 0 : i32
    %dma_start3A_76 = tpu.memref_slice %arg3[%dma_start3A_75, %multiple_of3A_69] : memref<64x1000000xf32, #tpu.memory_space<hbm>> -> memref<64x128xf32, #tpu.memory_space<hbm>>
    %dma_start3A_77 = arith.constant 0 : i32
    %dma_start3A_78 = arith.constant 0 : i32
    %dma_start3A_79 = tpu.memref_slice %arg6[%dma_start3A_70, %dma_start3A_77, %dma_start3A_78] : memref<8x64x128xf32, #tpu.memory_space<vmem>> -> memref<1x64x128xf32, #tpu.memory_space<vmem>>
    %dma_start3A_80 = tpu.memref_squeeze %dma_start3A_79 : memref<1x64x128xf32, #tpu.memory_space<vmem>> -> memref<64x128xf32, #tpu.memory_space<vmem>>
    %dma_start3A_81 = arith.constant 0 : i32
    %dma_start3A_82 = tpu.memref_slice %arg3[%dma_start3A_81, %multiple_of3A_69] : memref<64x1000000xf32, #tpu.memory_space<hbm>> -> memref<64x128xf32, #tpu.memory_space<hbm>>
    tpu.enqueue_dma source(%dma_start3A_82 : memref<64x128xf32, #tpu.memory_space<hbm>>) target(%dma_start3A_80 : memref<64x128xf32, #tpu.memory_space<vmem>>) target_semaphore(%arg11 : memref<!tpu.dma_semaphore, #tpu.memory_space<semaphore_mem>>)
    %slice3A_83 = vector.extract_strided_slice %get3A_15 {offsets = [4], sizes = [1], strides = [1]} : vector<16xi32> to vector<1xi32>
    %squeeze3A_84 = vector.extract %slice3A_83[0] : i32 from vector<1xi32>
    %and3A_85 = arith.constant -128 : i32
    %and3A_86 = arith.andi %squeeze3A_84, %and3A_85 : i32
    %multiple_of3A_87 = tpu.assume_multiple %and3A_86, 128 : i32
    %dma_start3A_88 = arith.constant 4 : i32
    %dma_start3A_89 = arith.constant 0 : i32
    %dma_start3A_90 = arith.constant 0 : i32
    %dma_start3A_91 = tpu.memref_slice %arg6[%dma_start3A_88, %dma_start3A_89, %dma_start3A_90] : memref<8x64x128xf32, #tpu.memory_space<vmem>> -> memref<1x64x128xf32, #tpu.memory_space<vmem>>
    %dma_start3A_92 = tpu.memref_squeeze %dma_start3A_91 : memref<1x64x128xf32, #tpu.memory_space<vmem>> -> memref<64x128xf32, #tpu.memory_space<vmem>>
    %dma_start3A_93 = arith.constant 0 : i32
    %dma_start3A_94 = tpu.memref_slice %arg3[%dma_start3A_93, %multiple_of3A_87] : memref<64x1000000xf32, #tpu.memory_space<hbm>> -> memref<64x128xf32, #tpu.memory_space<hbm>>
    %dma_start3A_95 = arith.constant 0 : i32
    %dma_start3A_96 = arith.constant 0 : i32
    %dma_start3A_97 = tpu.memref_slice %arg6[%dma_start3A_88, %dma_start3A_95, %dma_start3A_96] : memref<8x64x128xf32, #tpu.memory_space<vmem>> -> memref<1x64x128xf32, #tpu.memory_space<vmem>>
    %dma_start3A_98 = tpu.memref_squeeze %dma_start3A_97 : memref<1x64x128xf32, #tpu.memory_space<vmem>> -> memref<64x128xf32, #tpu.memory_space<vmem>>
    %dma_start3A_99 = arith.constant 0 : i32
    %dma_start3A_100 = tpu.memref_slice %arg3[%dma_start3A_99, %multiple_of3A_87] : memref<64x1000000xf32, #tpu.memory_space<hbm>> -> memref<64x128xf32, #tpu.memory_space<hbm>>
    tpu.enqueue_dma source(%dma_start3A_100 : memref<64x128xf32, #tpu.memory_space<hbm>>) target(%dma_start3A_98 : memref<64x128xf32, #tpu.memory_space<vmem>>) target_semaphore(%arg12 : memref<!tpu.dma_semaphore, #tpu.memory_space<semaphore_mem>>)
    %slice3A_101 = vector.extract_strided_slice %get3A_15 {offsets = [5], sizes = [1], strides = [1]} : vector<16xi32> to vector<1xi32>
    %squeeze3A_102 = vector.extract %slice3A_101[0] : i32 from vector<1xi32>
    %and3A_103 = arith.constant -128 : i32
    %and3A_104 = arith.andi %squeeze3A_102, %and3A_103 : i32
    %multiple_of3A_105 = tpu.assume_multiple %and3A_104, 128 : i32
    %dma_start3A_106 = arith.constant 5 : i32
    %dma_start3A_107 = arith.constant 0 : i32
    %dma_start3A_108 = arith.constant 0 : i32
    %dma_start3A_109 = tpu.memref_slice %arg6[%dma_start3A_106, %dma_start3A_107, %dma_start3A_108] : memref<8x64x128xf32, #tpu.memory_space<vmem>> -> memref<1x64x128xf32, #tpu.memory_space<vmem>>
    %dma_start3A_110 = tpu.memref_squeeze %dma_start3A_109 : memref<1x64x128xf32, #tpu.memory_space<vmem>> -> memref<64x128xf32, #tpu.memory_space<vmem>>
    %dma_start3A_111 = arith.constant 0 : i32
    %dma_start3A_112 = tpu.memref_slice %arg3[%dma_start3A_111, %multiple_of3A_105] : memref<64x1000000xf32, #tpu.memory_space<hbm>> -> memref<64x128xf32, #tpu.memory_space<hbm>>
    %dma_start3A_113 = arith.constant 0 : i32
    %dma_start3A_114 = arith.constant 0 : i32
    %dma_start3A_115 = tpu.memref_slice %arg6[%dma_start3A_106, %dma_start3A_113, %dma_start3A_114] : memref<8x64x128xf32, #tpu.memory_space<vmem>> -> memref<1x64x128xf32, #tpu.memory_space<vmem>>
    %dma_start3A_116 = tpu.memref_squeeze %dma_start3A_115 : memref<1x64x128xf32, #tpu.memory_space<vmem>> -> memref<64x128xf32, #tpu.memory_space<vmem>>
    %dma_start3A_117 = arith.constant 0 : i32
    %dma_start3A_118 = tpu.memref_slice %arg3[%dma_start3A_117, %multiple_of3A_105] : memref<64x1000000xf32, #tpu.memory_space<hbm>> -> memref<64x128xf32, #tpu.memory_space<hbm>>
    tpu.enqueue_dma source(%dma_start3A_118 : memref<64x128xf32, #tpu.memory_space<hbm>>) target(%dma_start3A_116 : memref<64x128xf32, #tpu.memory_space<vmem>>) target_semaphore(%arg13 : memref<!tpu.dma_semaphore, #tpu.memory_space<semaphore_mem>>)
    %slice3A_119 = vector.extract_strided_slice %get3A_15 {offsets = [6], sizes = [1], strides = [1]} : vector<16xi32> to vector<1xi32>
    %squeeze3A_120 = vector.extract %slice3A_119[0] : i32 from vector<1xi32>
    %and3A_121 = arith.constant -128 : i32
    %and3A_122 = arith.andi %squeeze3A_120, %and3A_121 : i32
    %multiple_of3A_123 = tpu.assume_multiple %and3A_122, 128 : i32
    %dma_start3A_124 = arith.constant 6 : i32
    %dma_start3A_125 = arith.constant 0 : i32
    %dma_start3A_126 = arith.constant 0 : i32
    %dma_start3A_127 = tpu.memref_slice %arg6[%dma_start3A_124, %dma_start3A_125, %dma_start3A_126] : memref<8x64x128xf32, #tpu.memory_space<vmem>> -> memref<1x64x128xf32, #tpu.memory_space<vmem>>
    %dma_start3A_128 = tpu.memref_squeeze %dma_start3A_127 : memref<1x64x128xf32, #tpu.memory_space<vmem>> -> memref<64x128xf32, #tpu.memory_space<vmem>>
    %dma_start3A_129 = arith.constant 0 : i32
    %dma_start3A_130 = tpu.memref_slice %arg3[%dma_start3A_129, %multiple_of3A_123] : memref<64x1000000xf32, #tpu.memory_space<hbm>> -> memref<64x128xf32, #tpu.memory_space<hbm>>
    %dma_start3A_131 = arith.constant 0 : i32
    %dma_start3A_132 = arith.constant 0 : i32
    %dma_start3A_133 = tpu.memref_slice %arg6[%dma_start3A_124, %dma_start3A_131, %dma_start3A_132] : memref<8x64x128xf32, #tpu.memory_space<vmem>> -> memref<1x64x128xf32, #tpu.memory_space<vmem>>
    %dma_start3A_134 = tpu.memref_squeeze %dma_start3A_133 : memref<1x64x128xf32, #tpu.memory_space<vmem>> -> memref<64x128xf32, #tpu.memory_space<vmem>>
    %dma_start3A_135 = arith.constant 0 : i32
    %dma_start3A_136 = tpu.memref_slice %arg3[%dma_start3A_135, %multiple_of3A_123] : memref<64x1000000xf32, #tpu.memory_space<hbm>> -> memref<64x128xf32, #tpu.memory_space<hbm>>
    tpu.enqueue_dma source(%dma_start3A_136 : memref<64x128xf32, #tpu.memory_space<hbm>>) target(%dma_start3A_134 : memref<64x128xf32, #tpu.memory_space<vmem>>) target_semaphore(%arg14 : memref<!tpu.dma_semaphore, #tpu.memory_space<semaphore_mem>>)
    %slice3A_137 = vector.extract_strided_slice %get3A_15 {offsets = [7], sizes = [1], strides = [1]} : vector<16xi32> to vector<1xi32>
    %squeeze3A_138 = vector.extract %slice3A_137[0] : i32 from vector<1xi32>
    %and3A_139 = arith.constant -128 : i32
    %and3A_140 = arith.andi %squeeze3A_138, %and3A_139 : i32
    %multiple_of3A_141 = tpu.assume_multiple %and3A_140, 128 : i32
    %dma_start3A_142 = arith.constant 7 : i32
    %dma_start3A_143 = arith.constant 0 : i32
    %dma_start3A_144 = arith.constant 0 : i32
    %dma_start3A_145 = tpu.memref_slice %arg6[%dma_start3A_142, %dma_start3A_143, %dma_start3A_144] : memref<8x64x128xf32, #tpu.memory_space<vmem>> -> memref<1x64x128xf32, #tpu.memory_space<vmem>>
    %dma_start3A_146 = tpu.memref_squeeze %dma_start3A_145 : memref<1x64x128xf32, #tpu.memory_space<vmem>> -> memref<64x128xf32, #tpu.memory_space<vmem>>
    %dma_start3A_147 = arith.constant 0 : i32
    %dma_start3A_148 = tpu.memref_slice %arg3[%dma_start3A_147, %multiple_of3A_141] : memref<64x1000000xf32, #tpu.memory_space<hbm>> -> memref<64x128xf32, #tpu.memory_space<hbm>>
    %dma_start3A_149 = arith.constant 0 : i32
    %dma_start3A_150 = arith.constant 0 : i32
    %dma_start3A_151 = tpu.memref_slice %arg6[%dma_start3A_142, %dma_start3A_149, %dma_start3A_150] : memref<8x64x128xf32, #tpu.memory_space<vmem>> -> memref<1x64x128xf32, #tpu.memory_space<vmem>>
    %dma_start3A_152 = tpu.memref_squeeze %dma_start3A_151 : memref<1x64x128xf32, #tpu.memory_space<vmem>> -> memref<64x128xf32, #tpu.memory_space<vmem>>
    %dma_start3A_153 = arith.constant 0 : i32
    %dma_start3A_154 = tpu.memref_slice %arg3[%dma_start3A_153, %multiple_of3A_141] : memref<64x1000000xf32, #tpu.memory_space<hbm>> -> memref<64x128xf32, #tpu.memory_space<hbm>>
    tpu.enqueue_dma source(%dma_start3A_154 : memref<64x128xf32, #tpu.memory_space<hbm>>) target(%dma_start3A_152 : memref<64x128xf32, #tpu.memory_space<vmem>>) target_semaphore(%arg15 : memref<!tpu.dma_semaphore, #tpu.memory_space<semaphore_mem>>)
    %scan3A = arith.constant 0 : i32
    %scan3A_155 = arith.constant 0 : i32
    %scan3A_156 = arith.constant 31 : i32
    %scan3A_157 = arith.addi %scan3A_155, %scan3A_156 : i32
    %scan3A_158 = arith.constant 1 : i32
    %scan3A_159 = scf.for %scan3A_1040 = %scan3A_155 to %scan3A_157 step %scan3A_158 iter_args(%scan3A_1041 = %scan3A) -> (i32)  : i32 {
      %mul3A_1042 = arith.constant 16 : i32
      %mul3A_1043 = arith.muli %mul3A_1042, %scan3A_1040 : i32
      %get3A_1044 = arith.index_cast %mul3A_1043 : i32 to index
      %get3A_1045 = tpu.vector_load %arg5[%get3A_1044] {strides = array<i32>} : memref<512xi32, #tpu.memory_space<vmem>>, vector<16xi32>,
      %mul3A_1046 = arith.constant 16 : i32
      %mul3A_1047 = arith.muli %mul3A_1046, %scan3A_1040 : i32
      %add3A_1048 = arith.constant 16 : i32
      %add3A_1049 = arith.addi %mul3A_1047, %add3A_1048 : i32
      %get3A_1050 = arith.index_cast %add3A_1049 : i32 to index
      %get3A_1051 = tpu.vector_load %arg5[%get3A_1050] {strides = array<i32>} : memref<512xi32, #tpu.memory_space<vmem>>, vector<16xi32>,
      %dma_wait3A_1052 = arith.constant 0 : i32
      %dma_wait3A_1053 = arith.constant 0 : i32
      %dma_wait3A_1054 = arith.constant 0 : i32
      %dma_wait3A_1055 = tpu.memref_slice %arg6[%dma_wait3A_1052, %dma_wait3A_1053, %dma_wait3A_1054] : memref<8x64x128xf32, #tpu.memory_space<vmem>> -> memref<1x64x128xf32, #tpu.memory_space<vmem>>
      %dma_wait3A_1056 = tpu.memref_squeeze %dma_wait3A_1055 : memref<1x64x128xf32, #tpu.memory_space<vmem>> -> memref<64x128xf32, #tpu.memory_space<vmem>>
      %dma_wait3A_1057 = arith.constant 0 : i32
      %dma_wait3A_1058 = arith.constant 0 : i32
      %dma_wait3A_1059 = tpu.memref_slice %arg3[%dma_wait3A_1057, %dma_wait3A_1058] : memref<64x1000000xf32, #tpu.memory_space<hbm>> -> memref<64x128xf32, #tpu.memory_space<hbm>>
      %dma_wait3A_1060 = arith.constant 0 : i32
      %dma_wait3A_1061 = arith.constant 0 : i32
      %dma_wait3A_1062 = tpu.memref_slice %arg6[%dma_wait3A_1052, %dma_wait3A_1060, %dma_wait3A_1061] : memref<8x64x128xf32, #tpu.memory_space<vmem>> -> memref<1x64x128xf32, #tpu.memory_space<vmem>>
      %dma_wait3A_1063 = tpu.memref_squeeze %dma_wait3A_1062 : memref<1x64x128xf32, #tpu.memory_space<vmem>> -> memref<64x128xf32, #tpu.memory_space<vmem>>
      %dma_wait3A_1064 = arith.constant 0 : i32
      %dma_wait3A_1065 = arith.constant 0 : i32
      %dma_wait3A_1066 = tpu.memref_slice %arg3[%dma_wait3A_1064, %dma_wait3A_1065] : memref<64x1000000xf32, #tpu.memory_space<hbm>> -> memref<64x128xf32, #tpu.memory_space<hbm>>
      tpu.wait_dma2 semaphore(%arg8 : memref<!tpu.dma_semaphore, #tpu.memory_space<semaphore_mem>>) src(%dma_wait3A_1066 : memref<64x128xf32, #tpu.memory_space<hbm>>) dst(%dma_wait3A_1063 : memref<64x128xf32, #tpu.memory_space<vmem>>)
      %mul3A_1067 = arith.constant 16 : i32
      %mul3A_1068 = arith.muli %mul3A_1067, %scan3A_1040 : i32
      %add3A_1069 = arith.constant 0 : i32
      %add3A_1070 = arith.addi %mul3A_1068, %add3A_1069 : i32
      %slice3A_1071 = vector.extract_strided_slice %get3A_1045 {offsets = [0], sizes = [1], strides = [1]} : vector<16xi32> to vector<1xi32>
      %squeeze3A_1072 = vector.extract %slice3A_1071[0] : i32 from vector<1xi32>
      %and3A_1073 = arith.constant 127 : i32
      %and3A_1074 = arith.andi %squeeze3A_1072, %and3A_1073 : i32
      %broadcast_in_dim3A_1075 = vector.broadcast %and3A_1074 : i32 to vector<16xi32>
      %broadcast_in_dim3A_1076 = vector.broadcast %add3A_1070 : i32 to vector<16xi32>
      %gather3A_1077 = arith.constant 0 : i32
      %gather3A_1078 = arith.constant 0 : i32
      %gather3A_1079 = arith.constant 0 : i32
      %gather3A_1080 = tpu.memref_slice %arg6[%gather3A_1077, %gather3A_1078, %gather3A_1079] : memref<8x64x128xf32, #tpu.memory_space<vmem>> -> memref<1x64x128xf32, #tpu.memory_space<vmem>>
      %gather3A_1081 = tpu.memref_squeeze %gather3A_1080 : memref<1x64x128xf32, #tpu.memory_space<vmem>> -> memref<64x128xf32, #tpu.memory_space<vmem>>
      %gather3A_1082 = tpu.vector_load_idx %gather3A_1081[%add3A_5, %broadcast_in_dim3A_1075] : memref<64x128xf32, #tpu.memory_space<vmem>>[vector<16xi32>, vector<16xi32>], vector<16xf32>,
      tpu.vector_store_idx %arg7[%add3A_5, %broadcast_in_dim3A_1076], %gather3A_1082 : memref<64x512xf32, #tpu.memory_space<vmem>>[vector<16xi32>, vector<16xi32>], vector<16xf32>,
      %gather3A_1083 = arith.constant 0 : i32
      %gather3A_1084 = arith.constant 0 : i32
      %gather3A_1085 = arith.constant 0 : i32
      %gather3A_1086 = tpu.memref_slice %arg6[%gather3A_1083, %gather3A_1084, %gather3A_1085] : memref<8x64x128xf32, #tpu.memory_space<vmem>> -> memref<1x64x128xf32, #tpu.memory_space<vmem>>
      %gather3A_1087 = tpu.memref_squeeze %gather3A_1086 : memref<1x64x128xf32, #tpu.memory_space<vmem>> -> memref<64x128xf32, #tpu.memory_space<vmem>>
      %gather3A_1088 = tpu.vector_load_idx %gather3A_1087[%add3A_8, %broadcast_in_dim3A_1075] : memref<64x128xf32, #tpu.memory_space<vmem>>[vector<16xi32>, vector<16xi32>], vector<16xf32>,
      tpu.vector_store_idx %arg7[%add3A_8, %broadcast_in_dim3A_1076], %gather3A_1088 : memref<64x512xf32, #tpu.memory_space<vmem>>[vector<16xi32>, vector<16xi32>], vector<16xf32>,
      %gather3A_1089 = arith.constant 0 : i32
      %gather3A_1090 = arith.constant 0 : i32
      %gather3A_1091 = arith.constant 0 : i32
      %gather3A_1092 = tpu.memref_slice %arg6[%gather3A_1089, %gather3A_1090, %gather3A_1091] : memref<8x64x128xf32, #tpu.memory_space<vmem>> -> memref<1x64x128xf32, #tpu.memory_space<vmem>>
      %gather3A_1093 = tpu.memref_squeeze %gather3A_1092 : memref<1x64x128xf32, #tpu.memory_space<vmem>> -> memref<64x128xf32, #tpu.memory_space<vmem>>
      %gather3A_1094 = tpu.vector_load_idx %gather3A_1093[%add3A_11, %broadcast_in_dim3A_1075] : memref<64x128xf32, #tpu.memory_space<vmem>>[vector<16xi32>, vector<16xi32>], vector<16xf32>,
      tpu.vector_store_idx %arg7[%add3A_11, %broadcast_in_dim3A_1076], %gather3A_1094 : memref<64x512xf32, #tpu.memory_space<vmem>>[vector<16xi32>, vector<16xi32>], vector<16xf32>,
      %gather3A_1095 = arith.constant 0 : i32
      %gather3A_1096 = arith.constant 0 : i32
      %gather3A_1097 = arith.constant 0 : i32
      %gather3A_1098 = tpu.memref_slice %arg6[%gather3A_1095, %gather3A_1096, %gather3A_1097] : memref<8x64x128xf32, #tpu.memory_space<vmem>> -> memref<1x64x128xf32, #tpu.memory_space<vmem>>
      %gather3A_1099 = tpu.memref_squeeze %gather3A_1098 : memref<1x64x128xf32, #tpu.memory_space<vmem>> -> memref<64x128xf32, #tpu.memory_space<vmem>>
      %gather3A_1100 = tpu.vector_load_idx %gather3A_1099[%add3A_14, %broadcast_in_dim3A_1075] : memref<64x128xf32, #tpu.memory_space<vmem>>[vector<16xi32>, vector<16xi32>], vector<16xf32>,
      tpu.vector_store_idx %arg7[%add3A_14, %broadcast_in_dim3A_1076], %gather3A_1100 : memref<64x512xf32, #tpu.memory_space<vmem>>[vector<16xi32>, vector<16xi32>], vector<16xf32>,
      %slice3A_1101 = vector.extract_strided_slice %get3A_1045 {offsets = [8], sizes = [1], strides = [1]} : vector<16xi32> to vector<1xi32>
      %squeeze3A_1102 = vector.extract %slice3A_1101[0] : i32 from vector<1xi32>
      %and3A_1103 = arith.constant -128 : i32
      %and3A_1104 = arith.andi %squeeze3A_1102, %and3A_1103 : i32
      %multiple_of3A_1105 = tpu.assume_multiple %and3A_1104, 128 : i32
      %dma_start3A_1106 = arith.constant 0 : i32
      %dma_start3A_1107 = arith.constant 0 : i32
      %dma_start3A_1108 = arith.constant 0 : i32
      %dma_start3A_1109 = tpu.memref_slice %arg6[%dma_start3A_1106, %dma_start3A_1107, %dma_start3A_1108] : memref<8x64x128xf32, #tpu.memory_space<vmem>> -> memref<1x64x128xf32, #tpu.memory_space<vmem>>
      %dma_start3A_1110 = tpu.memref_squeeze %dma_start3A_1109 : memref<1x64x128xf32, #tpu.memory_space<vmem>> -> memref<64x128xf32, #tpu.memory_space<vmem>>
      %dma_start3A_1111 = arith.constant 0 : i32
      %dma_start3A_1112 = tpu.memref_slice %arg3[%dma_start3A_1111, %multiple_of3A_1105] : memref<64x1000000xf32, #tpu.memory_space<hbm>> -> memref<64x128xf32, #tpu.memory_space<hbm>>
      %dma_start3A_1113 = arith.constant 0 : i32
      %dma_start3A_1114 = arith.constant 0 : i32
      %dma_start3A_1115 = tpu.memref_slice %arg6[%dma_start3A_1106, %dma_start3A_1113, %dma_start3A_1114] : memref<8x64x128xf32, #tpu.memory_space<vmem>> -> memref<1x64x128xf32, #tpu.memory_space<vmem>>
      %dma_start3A_1116 = tpu.memref_squeeze %dma_start3A_1115 : memref<1x64x128xf32, #tpu.memory_space<vmem>> -> memref<64x128xf32, #tpu.memory_space<vmem>>
      %dma_start3A_1117 = arith.constant 0 : i32
      %dma_start3A_1118 = tpu.memref_slice %arg3[%dma_start3A_1117, %multiple_of3A_1105] : memref<64x1000000xf32, #tpu.memory_space<hbm>> -> memref<64x128xf32, #tpu.memory_space<hbm>>
      tpu.enqueue_dma source(%dma_start3A_1118 : memref<64x128xf32, #tpu.memory_space<hbm>>) target(%dma_start3A_1116 : memref<64x128xf32, #tpu.memory_space<vmem>>) target_semaphore(%arg8 : memref<!tpu.dma_semaphore, #tpu.memory_space<semaphore_mem>>)
      %dma_wait3A_1119 = arith.constant 1 : i32
      %dma_wait3A_1120 = arith.constant 0 : i32
      %dma_wait3A_1121 = arith.constant 0 : i32
      %dma_wait3A_1122 = tpu.memref_slice %arg6[%dma_wait3A_1119, %dma_wait3A_1120, %dma_wait3A_1121] : memref<8x64x128xf32, #tpu.memory_space<vmem>> -> memref<1x64x128xf32, #tpu.memory_space<vmem>>
      %dma_wait3A_1123 = tpu.memref_squeeze %dma_wait3A_1122 : memref<1x64x128xf32, #tpu.memory_space<vmem>> -> memref<64x128xf32, #tpu.memory_space<vmem>>
      %dma_wait3A_1124 = arith.constant 0 : i32
      %dma_wait3A_1125 = arith.constant 0 : i32
      %dma_wait3A_1126 = tpu.memref_slice %arg3[%dma_wait3A_1124, %dma_wait3A_1125] : memref<64x1000000xf32, #tpu.memory_space<hbm>> -> memref<64x128xf32, #tpu.memory_space<hbm>>
      %dma_wait3A_1127 = arith.constant 0 : i32
      %dma_wait3A_1128 = arith.constant 0 : i32
      %dma_wait3A_1129 = tpu.memref_slice %arg6[%dma_wait3A_1119, %dma_wait3A_1127, %dma_wait3A_1128] : memref<8x64x128xf32, #tpu.memory_space<vmem>> -> memref<1x64x128xf32, #tpu.memory_space<vmem>>
      %dma_wait3A_1130 = tpu.memref_squeeze %dma_wait3A_1129 : memref<1x64x128xf32, #tpu.memory_space<vmem>> -> memref<64x128xf32, #tpu.memory_space<vmem>>
      %dma_wait3A_1131 = arith.constant 0 : i32
      %dma_wait3A_1132 = arith.constant 0 : i32
      %dma_wait3A_1133 = tpu.memref_slice %arg3[%dma_wait3A_1131, %dma_wait3A_1132] : memref<64x1000000xf32, #tpu.memory_space<hbm>> -> memref<64x128xf32, #tpu.memory_space<hbm>>
      tpu.wait_dma2 semaphore(%arg9 : memref<!tpu.dma_semaphore, #tpu.memory_space<semaphore_mem>>) src(%dma_wait3A_1133 : memref<64x128xf32, #tpu.memory_space<hbm>>) dst(%dma_wait3A_1130 : memref<64x128xf32, #tpu.memory_space<vmem>>)
      %mul3A_1134 = arith.constant 16 : i32
      %mul3A_1135 = arith.muli %mul3A_1134, %scan3A_1040 : i32
      %add3A_1136 = arith.constant 1 : i32
      %add3A_1137 = arith.addi %mul3A_1135, %add3A_1136 : i32
      %slice3A_1138 = vector.extract_strided_slice %get3A_1045 {offsets = [1], sizes = [1], strides = [1]} : vector<16xi32> to vector<1xi32>
      %squeeze3A_1139 = vector.extract %slice3A_1138[0] : i32 from vector<1xi32>
      %and3A_1140 = arith.constant 127 : i32
      %and3A_1141 = arith.andi %squeeze3A_1139, %and3A_1140 : i32
      %broadcast_in_dim3A_1142 = vector.broadcast %and3A_1141 : i32 to vector<16xi32>
      %broadcast_in_dim3A_1143 = vector.broadcast %add3A_1137 : i32 to vector<16xi32>
      %gather3A_1144 = arith.constant 1 : i32
      %gather3A_1145 = arith.constant 0 : i32
      %gather3A_1146 = arith.constant 0 : i32
      %gather3A_1147 = tpu.memref_slice %arg6[%gather3A_1144, %gather3A_1145, %gather3A_1146] : memref<8x64x128xf32, #tpu.memory_space<vmem>> -> memref<1x64x128xf32, #tpu.memory_space<vmem>>
      %gather3A_1148 = tpu.memref_squeeze %gather3A_1147 : memref<1x64x128xf32, #tpu.memory_space<vmem>> -> memref<64x128xf32, #tpu.memory_space<vmem>>
      %gather3A_1149 = tpu.vector_load_idx %gather3A_1148[%add3A_5, %broadcast_in_dim3A_1142] : memref<64x128xf32, #tpu.memory_space<vmem>>[vector<16xi32>, vector<16xi32>], vector<16xf32>,
      tpu.vector_store_idx %arg7[%add3A_5, %broadcast_in_dim3A_1143], %gather3A_1149 : memref<64x512xf32, #tpu.memory_space<vmem>>[vector<16xi32>, vector<16xi32>], vector<16xf32>,
      %gather3A_1150 = arith.constant 1 : i32
      %gather3A_1151 = arith.constant 0 : i32
      %gather3A_1152 = arith.constant 0 : i32
      %gather3A_1153 = tpu.memref_slice %arg6[%gather3A_1150, %gather3A_1151, %gather3A_1152] : memref<8x64x128xf32, #tpu.memory_space<vmem>> -> memref<1x64x128xf32, #tpu.memory_space<vmem>>
      %gather3A_1154 = tpu.memref_squeeze %gather3A_1153 : memref<1x64x128xf32, #tpu.memory_space<vmem>> -> memref<64x128xf32, #tpu.memory_space<vmem>>
      %gather3A_1155 = tpu.vector_load_idx %gather3A_1154[%add3A_8, %broadcast_in_dim3A_1142] : memref<64x128xf32, #tpu.memory_space<vmem>>[vector<16xi32>, vector<16xi32>], vector<16xf32>,
      tpu.vector_store_idx %arg7[%add3A_8, %broadcast_in_dim3A_1143], %gather3A_1155 : memref<64x512xf32, #tpu.memory_space<vmem>>[vector<16xi32>, vector<16xi32>], vector<16xf32>,
      %gather3A_1156 = arith.constant 1 : i32
      %gather3A_1157 = arith.constant 0 : i32
      %gather3A_1158 = arith.constant 0 : i32
      %gather3A_1159 = tpu.memref_slice %arg6[%gather3A_1156, %gather3A_1157, %gather3A_1158] : memref<8x64x128xf32, #tpu.memory_space<vmem>> -> memref<1x64x128xf32, #tpu.memory_space<vmem>>
      %gather3A_1160 = tpu.memref_squeeze %gather3A_1159 : memref<1x64x128xf32, #tpu.memory_space<vmem>> -> memref<64x128xf32, #tpu.memory_space<vmem>>
      %gather3A_1161 = tpu.vector_load_idx %gather3A_1160[%add3A_11, %broadcast_in_dim3A_1142] : memref<64x128xf32, #tpu.memory_space<vmem>>[vector<16xi32>, vector<16xi32>], vector<16xf32>,
      tpu.vector_store_idx %arg7[%add3A_11, %broadcast_in_dim3A_1143], %gather3A_1161 : memref<64x512xf32, #tpu.memory_space<vmem>>[vector<16xi32>, vector<16xi32>], vector<16xf32>,
      %gather3A_1162 = arith.constant 1 : i32
      %gather3A_1163 = arith.constant 0 : i32
      %gather3A_1164 = arith.constant 0 : i32
      %gather3A_1165 = tpu.memref_slice %arg6[%gather3A_1162, %gather3A_1163, %gather3A_1164] : memref<8x64x128xf32, #tpu.memory_space<vmem>> -> memref<1x64x128xf32, #tpu.memory_space<vmem>>
      %gather3A_1166 = tpu.memref_squeeze %gather3A_1165 : memref<1x64x128xf32, #tpu.memory_space<vmem>> -> memref<64x128xf32, #tpu.memory_space<vmem>>
      %gather3A_1167 = tpu.vector_load_idx %gather3A_1166[%add3A_14, %broadcast_in_dim3A_1142] : memref<64x128xf32, #tpu.memory_space<vmem>>[vector<16xi32>, vector<16xi32>], vector<16xf32>,
      tpu.vector_store_idx %arg7[%add3A_14, %broadcast_in_dim3A_1143], %gather3A_1167 : memref<64x512xf32, #tpu.memory_space<vmem>>[vector<16xi32>, vector<16xi32>], vector<16xf32>,
      %slice3A_1168 = vector.extract_strided_slice %get3A_1045 {offsets = [9], sizes = [1], strides = [1]} : vector<16xi32> to vector<1xi32>
      %squeeze3A_1169 = vector.extract %slice3A_1168[0] : i32 from vector<1xi32>
      %and3A_1170 = arith.constant -128 : i32
      %and3A_1171 = arith.andi %squeeze3A_1169, %and3A_1170 : i32
      %multiple_of3A_1172 = tpu.assume_multiple %and3A_1171, 128 : i32
      %dma_start3A_1173 = arith.constant 1 : i32
      %dma_start3A_1174 = arith.constant 0 : i32
      %dma_start3A_1175 = arith.constant 0 : i32
      %dma_start3A_1176 = tpu.memref_slice %arg6[%dma_start3A_1173, %dma_start3A_1174, %dma_start3A_1175] : memref<8x64x128xf32, #tpu.memory_space<vmem>> -> memref<1x64x128xf32, #tpu.memory_space<vmem>>
      %dma_start3A_1177 = tpu.memref_squeeze %dma_start3A_1176 : memref<1x64x128xf32, #tpu.memory_space<vmem>> -> memref<64x128xf32, #tpu.memory_space<vmem>>
      %dma_start3A_1178 = arith.constant 0 : i32
      %dma_start3A_1179 = tpu.memref_slice %arg3[%dma_start3A_1178, %multiple_of3A_1172] : memref<64x1000000xf32, #tpu.memory_space<hbm>> -> memref<64x128xf32, #tpu.memory_space<hbm>>
      %dma_start3A_1180 = arith.constant 0 : i32
      %dma_start3A_1181 = arith.constant 0 : i32
      %dma_start3A_1182 = tpu.memref_slice %arg6[%dma_start3A_1173, %dma_start3A_1180, %dma_start3A_1181] : memref<8x64x128xf32, #tpu.memory_space<vmem>> -> memref<1x64x128xf32, #tpu.memory_space<vmem>>
      %dma_start3A_1183 = tpu.memref_squeeze %dma_start3A_1182 : memref<1x64x128xf32, #tpu.memory_space<vmem>> -> memref<64x128xf32, #tpu.memory_space<vmem>>
      %dma_start3A_1184 = arith.constant 0 : i32
      %dma_start3A_1185 = tpu.memref_slice %arg3[%dma_start3A_1184, %multiple_of3A_1172] : memref<64x1000000xf32, #tpu.memory_space<hbm>> -> memref<64x128xf32, #tpu.memory_space<hbm>>
      tpu.enqueue_dma source(%dma_start3A_1185 : memref<64x128xf32, #tpu.memory_space<hbm>>) target(%dma_start3A_1183 : memref<64x128xf32, #tpu.memory_space<vmem>>) target_semaphore(%arg9 : memref<!tpu.dma_semaphore, #tpu.memory_space<semaphore_mem>>)
      %dma_wait3A_1186 = arith.constant 2 : i32
      %dma_wait3A_1187 = arith.constant 0 : i32
      %dma_wait3A_1188 = arith.constant 0 : i32
      %dma_wait3A_1189 = tpu.memref_slice %arg6[%dma_wait3A_1186, %dma_wait3A_1187, %dma_wait3A_1188] : memref<8x64x128xf32, #tpu.memory_space<vmem>> -> memref<1x64x128xf32, #tpu.memory_space<vmem>>
      %dma_wait3A_1190 = tpu.memref_squeeze %dma_wait3A_1189 : memref<1x64x128xf32, #tpu.memory_space<vmem>> -> memref<64x128xf32, #tpu.memory_space<vmem>>
      %dma_wait3A_1191 = arith.constant 0 : i32
      %dma_wait3A_1192 = arith.constant 0 : i32
      %dma_wait3A_1193 = tpu.memref_slice %arg3[%dma_wait3A_1191, %dma_wait3A_1192] : memref<64x1000000xf32, #tpu.memory_space<hbm>> -> memref<64x128xf32, #tpu.memory_space<hbm>>
      %dma_wait3A_1194 = arith.constant 0 : i32
      %dma_wait3A_1195 = arith.constant 0 : i32
      %dma_wait3A_1196 = tpu.memref_slice %arg6[%dma_wait3A_1186, %dma_wait3A_1194, %dma_wait3A_1195] : memref<8x64x128xf32, #tpu.memory_space<vmem>> -> memref<1x64x128xf32, #tpu.memory_space<vmem>>
      %dma_wait3A_1197 = tpu.memref_squeeze %dma_wait3A_1196 : memref<1x64x128xf32, #tpu.memory_space<vmem>> -> memref<64x128xf32, #tpu.memory_space<vmem>>
      %dma_wait3A_1198 = arith.constant 0 : i32
      %dma_wait3A_1199 = arith.constant 0 : i32
      %dma_wait3A_1200 = tpu.memref_slice %arg3[%dma_wait3A_1198, %dma_wait3A_1199] : memref<64x1000000xf32, #tpu.memory_space<hbm>> -> memref<64x128xf32, #tpu.memory_space<hbm>>
      tpu.wait_dma2 semaphore(%arg10 : memref<!tpu.dma_semaphore, #tpu.memory_space<semaphore_mem>>) src(%dma_wait3A_1200 : memref<64x128xf32, #tpu.memory_space<hbm>>) dst(%dma_wait3A_1197 : memref<64x128xf32, #tpu.memory_space<vmem>>)
      %mul3A_1201 = arith.constant 16 : i32
      %mul3A_1202 = arith.muli %mul3A_1201, %scan3A_1040 : i32
      %add3A_1203 = arith.constant 2 : i32
      %add3A_1204 = arith.addi %mul3A_1202, %add3A_1203 : i32
      %slice3A_1205 = vector.extract_strided_slice %get3A_1045 {offsets = [2], sizes = [1], strides = [1]} : vector<16xi32> to vector<1xi32>
      %squeeze3A_1206 = vector.extract %slice3A_1205[0] : i32 from vector<1xi32>
      %and3A_1207 = arith.constant 127 : i32
      %and3A_1208 = arith.andi %squeeze3A_1206, %and3A_1207 : i32
      %broadcast_in_dim3A_1209 = vector.broadcast %and3A_1208 : i32 to vector<16xi32>
      %broadcast_in_dim3A_1210 = vector.broadcast %add3A_1204 : i32 to vector<16xi32>
      %gather3A_1211 = arith.constant 2 : i32
      %gather3A_1212 = arith.constant 0 : i32
      %gather3A_1213 = arith.constant 0 : i32
      %gather3A_1214 = tpu.memref_slice %arg6[%gather3A_1211, %gather3A_1212, %gather3A_1213] : memref<8x64x128xf32, #tpu.memory_space<vmem>> -> memref<1x64x128xf32, #tpu.memory_space<vmem>>
      %gather3A_1215 = tpu.memref_squeeze %gather3A_1214 : memref<1x64x128xf32, #tpu.memory_space<vmem>> -> memref<64x128xf32, #tpu.memory_space<vmem>>
      %gather3A_1216 = tpu.vector_load_idx %gather3A_1215[%add3A_5, %broadcast_in_dim3A_1209] : memref<64x128xf32, #tpu.memory_space<vmem>>[vector<16xi32>, vector<16xi32>], vector<16xf32>,
      tpu.vector_store_idx %arg7[%add3A_5, %broadcast_in_dim3A_1210], %gather3A_1216 : memref<64x512xf32, #tpu.memory_space<vmem>>[vector<16xi32>, vector<16xi32>], vector<16xf32>,
      %gather3A_1217 = arith.constant 2 : i32
      %gather3A_1218 = arith.constant 0 : i32
      %gather3A_1219 = arith.constant 0 : i32
      %gather3A_1220 = tpu.memref_slice %arg6[%gather3A_1217, %gather3A_1218, %gather3A_1219] : memref<8x64x128xf32, #tpu.memory_space<vmem>> -> memref<1x64x128xf32, #tpu.memory_space<vmem>>
      %gather3A_1221 = tpu.memref_squeeze %gather3A_1220 : memref<1x64x128xf32, #tpu.memory_space<vmem>> -> memref<64x128xf32, #tpu.memory_space<vmem>>
      %gather3A_1222 = tpu.vector_load_idx %gather3A_1221[%add3A_8, %broadcast_in_dim3A_1209] : memref<64x128xf32, #tpu.memory_space<vmem>>[vector<16xi32>, vector<16xi32>], vector<16xf32>,
      tpu.vector_store_idx %arg7[%add3A_8, %broadcast_in_dim3A_1210], %gather3A_1222 : memref<64x512xf32, #tpu.memory_space<vmem>>[vector<16xi32>, vector<16xi32>], vector<16xf32>,
      %gather3A_1223 = arith.constant 2 : i32
      %gather3A_1224 = arith.constant 0 : i32
      %gather3A_1225 = arith.constant 0 : i32
      %gather3A_1226 = tpu.memref_slice %arg6[%gather3A_1223, %gather3A_1224, %gather3A_1225] : memref<8x64x128xf32, #tpu.memory_space<vmem>> -> memref<1x64x128xf32, #tpu.memory_space<vmem>>
      %gather3A_1227 = tpu.memref_squeeze %gather3A_1226 : memref<1x64x128xf32, #tpu.memory_space<vmem>> -> memref<64x128xf32, #tpu.memory_space<vmem>>
      %gather3A_1228 = tpu.vector_load_idx %gather3A_1227[%add3A_11, %broadcast_in_dim3A_1209] : memref<64x128xf32, #tpu.memory_space<vmem>>[vector<16xi32>, vector<16xi32>], vector<16xf32>,
      tpu.vector_store_idx %arg7[%add3A_11, %broadcast_in_dim3A_1210], %gather3A_1228 : memref<64x512xf32, #tpu.memory_space<vmem>>[vector<16xi32>, vector<16xi32>], vector<16xf32>,
      %gather3A_1229 = arith.constant 2 : i32
      %gather3A_1230 = arith.constant 0 : i32
      %gather3A_1231 = arith.constant 0 : i32
      %gather3A_1232 = tpu.memref_slice %arg6[%gather3A_1229, %gather3A_1230, %gather3A_1231] : memref<8x64x128xf32, #tpu.memory_space<vmem>> -> memref<1x64x128xf32, #tpu.memory_space<vmem>>
      %gather3A_1233 = tpu.memref_squeeze %gather3A_1232 : memref<1x64x128xf32, #tpu.memory_space<vmem>> -> memref<64x128xf32, #tpu.memory_space<vmem>>
      %gather3A_1234 = tpu.vector_load_idx %gather3A_1233[%add3A_14, %broadcast_in_dim3A_1209] : memref<64x128xf32, #tpu.memory_space<vmem>>[vector<16xi32>, vector<16xi32>], vector<16xf32>,
      tpu.vector_store_idx %arg7[%add3A_14, %broadcast_in_dim3A_1210], %gather3A_1234 : memref<64x512xf32, #tpu.memory_space<vmem>>[vector<16xi32>, vector<16xi32>], vector<16xf32>,
      %slice3A_1235 = vector.extract_strided_slice %get3A_1045 {offsets = [10], sizes = [1], strides = [1]} : vector<16xi32> to vector<1xi32>
      %squeeze3A_1236 = vector.extract %slice3A_1235[0] : i32 from vector<1xi32>
      %and3A_1237 = arith.constant -128 : i32
      %and3A_1238 = arith.andi %squeeze3A_1236, %and3A_1237 : i32
      %multiple_of3A_1239 = tpu.assume_multiple %and3A_1238, 128 : i32
      %dma_start3A_1240 = arith.constant 2 : i32
      %dma_start3A_1241 = arith.constant 0 : i32
      %dma_start3A_1242 = arith.constant 0 : i32
      %dma_start3A_1243 = tpu.memref_slice %arg6[%dma_start3A_1240, %dma_start3A_1241, %dma_start3A_1242] : memref<8x64x128xf32, #tpu.memory_space<vmem>> -> memref<1x64x128xf32, #tpu.memory_space<vmem>>
      %dma_start3A_1244 = tpu.memref_squeeze %dma_start3A_1243 : memref<1x64x128xf32, #tpu.memory_space<vmem>> -> memref<64x128xf32, #tpu.memory_space<vmem>>
      %dma_start3A_1245 = arith.constant 0 : i32
      %dma_start3A_1246 = tpu.memref_slice %arg3[%dma_start3A_1245, %multiple_of3A_1239] : memref<64x1000000xf32, #tpu.memory_space<hbm>> -> memref<64x128xf32, #tpu.memory_space<hbm>>
      %dma_start3A_1247 = arith.constant 0 : i32
      %dma_start3A_1248 = arith.constant 0 : i32
      %dma_start3A_1249 = tpu.memref_slice %arg6[%dma_start3A_1240, %dma_start3A_1247, %dma_start3A_1248] : memref<8x64x128xf32, #tpu.memory_space<vmem>> -> memref<1x64x128xf32, #tpu.memory_space<vmem>>
      %dma_start3A_1250 = tpu.memref_squeeze %dma_start3A_1249 : memref<1x64x128xf32, #tpu.memory_space<vmem>> -> memref<64x128xf32, #tpu.memory_space<vmem>>
      %dma_start3A_1251 = arith.constant 0 : i32
      %dma_start3A_1252 = tpu.memref_slice %arg3[%dma_start3A_1251, %multiple_of3A_1239] : memref<64x1000000xf32, #tpu.memory_space<hbm>> -> memref<64x128xf32, #tpu.memory_space<hbm>>
      tpu.enqueue_dma source(%dma_start3A_1252 : memref<64x128xf32, #tpu.memory_space<hbm>>) target(%dma_start3A_1250 : memref<64x128xf32, #tpu.memory_space<vmem>>) target_semaphore(%arg10 : memref<!tpu.dma_semaphore, #tpu.memory_space<semaphore_mem>>)
      %dma_wait3A_1253 = arith.constant 3 : i32
      %dma_wait3A_1254 = arith.constant 0 : i32
      %dma_wait3A_1255 = arith.constant 0 : i32
      %dma_wait3A_1256 = tpu.memref_slice %arg6[%dma_wait3A_1253, %dma_wait3A_1254, %dma_wait3A_1255] : memref<8x64x128xf32, #tpu.memory_space<vmem>> -> memref<1x64x128xf32, #tpu.memory_space<vmem>>
      %dma_wait3A_1257 = tpu.memref_squeeze %dma_wait3A_1256 : memref<1x64x128xf32, #tpu.memory_space<vmem>> -> memref<64x128xf32, #tpu.memory_space<vmem>>
      %dma_wait3A_1258 = arith.constant 0 : i32
      %dma_wait3A_1259 = arith.constant 0 : i32
      %dma_wait3A_1260 = tpu.memref_slice %arg3[%dma_wait3A_1258, %dma_wait3A_1259] : memref<64x1000000xf32, #tpu.memory_space<hbm>> -> memref<64x128xf32, #tpu.memory_space<hbm>>
      %dma_wait3A_1261 = arith.constant 0 : i32
      %dma_wait3A_1262 = arith.constant 0 : i32
      %dma_wait3A_1263 = tpu.memref_slice %arg6[%dma_wait3A_1253, %dma_wait3A_1261, %dma_wait3A_1262] : memref<8x64x128xf32, #tpu.memory_space<vmem>> -> memref<1x64x128xf32, #tpu.memory_space<vmem>>
      %dma_wait3A_1264 = tpu.memref_squeeze %dma_wait3A_1263 : memref<1x64x128xf32, #tpu.memory_space<vmem>> -> memref<64x128xf32, #tpu.memory_space<vmem>>
      %dma_wait3A_1265 = arith.constant 0 : i32
      %dma_wait3A_1266 = arith.constant 0 : i32
      %dma_wait3A_1267 = tpu.memref_slice %arg3[%dma_wait3A_1265, %dma_wait3A_1266] : memref<64x1000000xf32, #tpu.memory_space<hbm>> -> memref<64x128xf32, #tpu.memory_space<hbm>>
      tpu.wait_dma2 semaphore(%arg11 : memref<!tpu.dma_semaphore, #tpu.memory_space<semaphore_mem>>) src(%dma_wait3A_1267 : memref<64x128xf32, #tpu.memory_space<hbm>>) dst(%dma_wait3A_1264 : memref<64x128xf32, #tpu.memory_space<vmem>>)
      %mul3A_1268 = arith.constant 16 : i32
      %mul3A_1269 = arith.muli %mul3A_1268, %scan3A_1040 : i32
      %add3A_1270 = arith.constant 3 : i32
      %add3A_1271 = arith.addi %mul3A_1269, %add3A_1270 : i32
      %slice3A_1272 = vector.extract_strided_slice %get3A_1045 {offsets = [3], sizes = [1], strides = [1]} : vector<16xi32> to vector<1xi32>
      %squeeze3A_1273 = vector.extract %slice3A_1272[0] : i32 from vector<1xi32>
      %and3A_1274 = arith.constant 127 : i32
      %and3A_1275 = arith.andi %squeeze3A_1273, %and3A_1274 : i32
      %broadcast_in_dim3A_1276 = vector.broadcast %and3A_1275 : i32 to vector<16xi32>
      %broadcast_in_dim3A_1277 = vector.broadcast %add3A_1271 : i32 to vector<16xi32>
      %gather3A_1278 = arith.constant 3 : i32
      %gather3A_1279 = arith.constant 0 : i32
      %gather3A_1280 = arith.constant 0 : i32
      %gather3A_1281 = tpu.memref_slice %arg6[%gather3A_1278, %gather3A_1279, %gather3A_1280] : memref<8x64x128xf32, #tpu.memory_space<vmem>> -> memref<1x64x128xf32, #tpu.memory_space<vmem>>
      %gather3A_1282 = tpu.memref_squeeze %gather3A_1281 : memref<1x64x128xf32, #tpu.memory_space<vmem>> -> memref<64x128xf32, #tpu.memory_space<vmem>>
      %gather3A_1283 = tpu.vector_load_idx %gather3A_1282[%add3A_5, %broadcast_in_dim3A_1276] : memref<64x128xf32, #tpu.memory_space<vmem>>[vector<16xi32>, vector<16xi32>], vector<16xf32>,
      tpu.vector_store_idx %arg7[%add3A_5, %broadcast_in_dim3A_1277], %gather3A_1283 : memref<64x512xf32, #tpu.memory_space<vmem>>[vector<16xi32>, vector<16xi32>], vector<16xf32>,
      %gather3A_1284 = arith.constant 3 : i32
      %gather3A_1285 = arith.constant 0 : i32
      %gather3A_1286 = arith.constant 0 : i32
      %gather3A_1287 = tpu.memref_slice %arg6[%gather3A_1284, %gather3A_1285, %gather3A_1286] : memref<8x64x128xf32, #tpu.memory_space<vmem>> -> memref<1x64x128xf32, #tpu.memory_space<vmem>>
      %gather3A_1288 = tpu.memref_squeeze %gather3A_1287 : memref<1x64x128xf32, #tpu.memory_space<vmem>> -> memref<64x128xf32, #tpu.memory_space<vmem>>
      %gather3A_1289 = tpu.vector_load_idx %gather3A_1288[%add3A_8, %broadcast_in_dim3A_1276] : memref<64x128xf32, #tpu.memory_space<vmem>>[vector<16xi32>, vector<16xi32>], vector<16xf32>,
      tpu.vector_store_idx %arg7[%add3A_8, %broadcast_in_dim3A_1277], %gather3A_1289 : memref<64x512xf32, #tpu.memory_space<vmem>>[vector<16xi32>, vector<16xi32>], vector<16xf32>,
      %gather3A_1290 = arith.constant 3 : i32
      %gather3A_1291 = arith.constant 0 : i32
      %gather3A_1292 = arith.constant 0 : i32
      %gather3A_1293 = tpu.memref_slice %arg6[%gather3A_1290, %gather3A_1291, %gather3A_1292] : memref<8x64x128xf32, #tpu.memory_space<vmem>> -> memref<1x64x128xf32, #tpu.memory_space<vmem>>
      %gather3A_1294 = tpu.memref_squeeze %gather3A_1293 : memref<1x64x128xf32, #tpu.memory_space<vmem>> -> memref<64x128xf32, #tpu.memory_space<vmem>>
      %gather3A_1295 = tpu.vector_load_idx %gather3A_1294[%add3A_11, %broadcast_in_dim3A_1276] : memref<64x128xf32, #tpu.memory_space<vmem>>[vector<16xi32>, vector<16xi32>], vector<16xf32>,
      tpu.vector_store_idx %arg7[%add3A_11, %broadcast_in_dim3A_1277], %gather3A_1295 : memref<64x512xf32, #tpu.memory_space<vmem>>[vector<16xi32>, vector<16xi32>], vector<16xf32>,
      %gather3A_1296 = arith.constant 3 : i32
      %gather3A_1297 = arith.constant 0 : i32
      %gather3A_1298 = arith.constant 0 : i32
      %gather3A_1299 = tpu.memref_slice %arg6[%gather3A_1296, %gather3A_1297, %gather3A_1298] : memref<8x64x128xf32, #tpu.memory_space<vmem>> -> memref<1x64x128xf32, #tpu.memory_space<vmem>>
      %gather3A_1300 = tpu.memref_squeeze %gather3A_1299 : memref<1x64x128xf32, #tpu.memory_space<vmem>> -> memref<64x128xf32, #tpu.memory_space<vmem>>
      %gather3A_1301 = tpu.vector_load_idx %gather3A_1300[%add3A_14, %broadcast_in_dim3A_1276] : memref<64x128xf32, #tpu.memory_space<vmem>>[vector<16xi32>, vector<16xi32>], vector<16xf32>,
      tpu.vector_store_idx %arg7[%add3A_14, %broadcast_in_dim3A_1277], %gather3A_1301 : memref<64x512xf32, #tpu.memory_space<vmem>>[vector<16xi32>, vector<16xi32>], vector<16xf32>,
      %slice3A_1302 = vector.extract_strided_slice %get3A_1045 {offsets = [11], sizes = [1], strides = [1]} : vector<16xi32> to vector<1xi32>
      %squeeze3A_1303 = vector.extract %slice3A_1302[0] : i32 from vector<1xi32>
      %and3A_1304 = arith.constant -128 : i32
      %and3A_1305 = arith.andi %squeeze3A_1303, %and3A_1304 : i32
      %multiple_of3A_1306 = tpu.assume_multiple %and3A_1305, 128 : i32
      %dma_start3A_1307 = arith.constant 3 : i32
      %dma_start3A_1308 = arith.constant 0 : i32
      %dma_start3A_1309 = arith.constant 0 : i32
      %dma_start3A_1310 = tpu.memref_slice %arg6[%dma_start3A_1307, %dma_start3A_1308, %dma_start3A_1309] : memref<8x64x128xf32, #tpu.memory_space<vmem>> -> memref<1x64x128xf32, #tpu.memory_space<vmem>>
      %dma_start3A_1311 = tpu.memref_squeeze %dma_start3A_1310 : memref<1x64x128xf32, #tpu.memory_space<vmem>> -> memref<64x128xf32, #tpu.memory_space<vmem>>
      %dma_start3A_1312 = arith.constant 0 : i32
      %dma_start3A_1313 = tpu.memref_slice %arg3[%dma_start3A_1312, %multiple_of3A_1306] : memref<64x1000000xf32, #tpu.memory_space<hbm>> -> memref<64x128xf32, #tpu.memory_space<hbm>>
      %dma_start3A_1314 = arith.constant 0 : i32
      %dma_start3A_1315 = arith.constant 0 : i32
      %dma_start3A_1316 = tpu.memref_slice %arg6[%dma_start3A_1307, %dma_start3A_1314, %dma_start3A_1315] : memref<8x64x128xf32, #tpu.memory_space<vmem>> -> memref<1x64x128xf32, #tpu.memory_space<vmem>>
      %dma_start3A_1317 = tpu.memref_squeeze %dma_start3A_1316 : memref<1x64x128xf32, #tpu.memory_space<vmem>> -> memref<64x128xf32, #tpu.memory_space<vmem>>
      %dma_start3A_1318 = arith.constant 0 : i32
      %dma_start3A_1319 = tpu.memref_slice %arg3[%dma_start3A_1318, %multiple_of3A_1306] : memref<64x1000000xf32, #tpu.memory_space<hbm>> -> memref<64x128xf32, #tpu.memory_space<hbm>>
      tpu.enqueue_dma source(%dma_start3A_1319 : memref<64x128xf32, #tpu.memory_space<hbm>>) target(%dma_start3A_1317 : memref<64x128xf32, #tpu.memory_space<vmem>>) target_semaphore(%arg11 : memref<!tpu.dma_semaphore, #tpu.memory_space<semaphore_mem>>)
      %dma_wait3A_1320 = arith.constant 4 : i32
      %dma_wait3A_1321 = arith.constant 0 : i32
      %dma_wait3A_1322 = arith.constant 0 : i32
      %dma_wait3A_1323 = tpu.memref_slice %arg6[%dma_wait3A_1320, %dma_wait3A_1321, %dma_wait3A_1322] : memref<8x64x128xf32, #tpu.memory_space<vmem>> -> memref<1x64x128xf32, #tpu.memory_space<vmem>>
      %dma_wait3A_1324 = tpu.memref_squeeze %dma_wait3A_1323 : memref<1x64x128xf32, #tpu.memory_space<vmem>> -> memref<64x128xf32, #tpu.memory_space<vmem>>
      %dma_wait3A_1325 = arith.constant 0 : i32
      %dma_wait3A_1326 = arith.constant 0 : i32
      %dma_wait3A_1327 = tpu.memref_slice %arg3[%dma_wait3A_1325, %dma_wait3A_1326] : memref<64x1000000xf32, #tpu.memory_space<hbm>> -> memref<64x128xf32, #tpu.memory_space<hbm>>
      %dma_wait3A_1328 = arith.constant 0 : i32
      %dma_wait3A_1329 = arith.constant 0 : i32
      %dma_wait3A_1330 = tpu.memref_slice %arg6[%dma_wait3A_1320, %dma_wait3A_1328, %dma_wait3A_1329] : memref<8x64x128xf32, #tpu.memory_space<vmem>> -> memref<1x64x128xf32, #tpu.memory_space<vmem>>
      %dma_wait3A_1331 = tpu.memref_squeeze %dma_wait3A_1330 : memref<1x64x128xf32, #tpu.memory_space<vmem>> -> memref<64x128xf32, #tpu.memory_space<vmem>>
      %dma_wait3A_1332 = arith.constant 0 : i32
      %dma_wait3A_1333 = arith.constant 0 : i32
      %dma_wait3A_1334 = tpu.memref_slice %arg3[%dma_wait3A_1332, %dma_wait3A_1333] : memref<64x1000000xf32, #tpu.memory_space<hbm>> -> memref<64x128xf32, #tpu.memory_space<hbm>>
      tpu.wait_dma2 semaphore(%arg12 : memref<!tpu.dma_semaphore, #tpu.memory_space<semaphore_mem>>) src(%dma_wait3A_1334 : memref<64x128xf32, #tpu.memory_space<hbm>>) dst(%dma_wait3A_1331 : memref<64x128xf32, #tpu.memory_space<vmem>>)
      %mul3A_1335 = arith.constant 16 : i32
      %mul3A_1336 = arith.muli %mul3A_1335, %scan3A_1040 : i32
      %add3A_1337 = arith.constant 4 : i32
      %add3A_1338 = arith.addi %mul3A_1336, %add3A_1337 : i32
      %slice3A_1339 = vector.extract_strided_slice %get3A_1045 {offsets = [4], sizes = [1], strides = [1]} : vector<16xi32> to vector<1xi32>
      %squeeze3A_1340 = vector.extract %slice3A_1339[0] : i32 from vector<1xi32>
      %and3A_1341 = arith.constant 127 : i32
      %and3A_1342 = arith.andi %squeeze3A_1340, %and3A_1341 : i32
      %broadcast_in_dim3A_1343 = vector.broadcast %and3A_1342 : i32 to vector<16xi32>
      %broadcast_in_dim3A_1344 = vector.broadcast %add3A_1338 : i32 to vector<16xi32>
      %gather3A_1345 = arith.constant 4 : i32
      %gather3A_1346 = arith.constant 0 : i32
      %gather3A_1347 = arith.constant 0 : i32
      %gather3A_1348 = tpu.memref_slice %arg6[%gather3A_1345, %gather3A_1346, %gather3A_1347] : memref<8x64x128xf32, #tpu.memory_space<vmem>> -> memref<1x64x128xf32, #tpu.memory_space<vmem>>
      %gather3A_1349 = tpu.memref_squeeze %gather3A_1348 : memref<1x64x128xf32, #tpu.memory_space<vmem>> -> memref<64x128xf32, #tpu.memory_space<vmem>>
      %gather3A_1350 = tpu.vector_load_idx %gather3A_1349[%add3A_5, %broadcast_in_dim3A_1343] : memref<64x128xf32, #tpu.memory_space<vmem>>[vector<16xi32>, vector<16xi32>], vector<16xf32>,
      tpu.vector_store_idx %arg7[%add3A_5, %broadcast_in_dim3A_1344], %gather3A_1350 : memref<64x512xf32, #tpu.memory_space<vmem>>[vector<16xi32>, vector<16xi32>], vector<16xf32>,
      %gather3A_1351 = arith.constant 4 : i32
      %gather3A_1352 = arith.constant 0 : i32
      %gather3A_1353 = arith.constant 0 : i32
      %gather3A_1354 = tpu.memref_slice %arg6[%gather3A_1351, %gather3A_1352, %gather3A_1353] : memref<8x64x128xf32, #tpu.memory_space<vmem>> -> memref<1x64x128xf32, #tpu.memory_space<vmem>>
      %gather3A_1355 = tpu.memref_squeeze %gather3A_1354 : memref<1x64x128xf32, #tpu.memory_space<vmem>> -> memref<64x128xf32, #tpu.memory_space<vmem>>
      %gather3A_1356 = tpu.vector_load_idx %gather3A_1355[%add3A_8, %broadcast_in_dim3A_1343] : memref<64x128xf32, #tpu.memory_space<vmem>>[vector<16xi32>, vector<16xi32>], vector<16xf32>,
      tpu.vector_store_idx %arg7[%add3A_8, %broadcast_in_dim3A_1344], %gather3A_1356 : memref<64x512xf32, #tpu.memory_space<vmem>>[vector<16xi32>, vector<16xi32>], vector<16xf32>,
      %gather3A_1357 = arith.constant 4 : i32
      %gather3A_1358 = arith.constant 0 : i32
      %gather3A_1359 = arith.constant 0 : i32
      %gather3A_1360 = tpu.memref_slice %arg6[%gather3A_1357, %gather3A_1358, %gather3A_1359] : memref<8x64x128xf32, #tpu.memory_space<vmem>> -> memref<1x64x128xf32, #tpu.memory_space<vmem>>
      %gather3A_1361 = tpu.memref_squeeze %gather3A_1360 : memref<1x64x128xf32, #tpu.memory_space<vmem>> -> memref<64x128xf32, #tpu.memory_space<vmem>>
      %gather3A_1362 = tpu.vector_load_idx %gather3A_1361[%add3A_11, %broadcast_in_dim3A_1343] : memref<64x128xf32, #tpu.memory_space<vmem>>[vector<16xi32>, vector<16xi32>], vector<16xf32>,
      tpu.vector_store_idx %arg7[%add3A_11, %broadcast_in_dim3A_1344], %gather3A_1362 : memref<64x512xf32, #tpu.memory_space<vmem>>[vector<16xi32>, vector<16xi32>], vector<16xf32>,
      %gather3A_1363 = arith.constant 4 : i32
      %gather3A_1364 = arith.constant 0 : i32
      %gather3A_1365 = arith.constant 0 : i32
      %gather3A_1366 = tpu.memref_slice %arg6[%gather3A_1363, %gather3A_1364, %gather3A_1365] : memref<8x64x128xf32, #tpu.memory_space<vmem>> -> memref<1x64x128xf32, #tpu.memory_space<vmem>>
      %gather3A_1367 = tpu.memref_squeeze %gather3A_1366 : memref<1x64x128xf32, #tpu.memory_space<vmem>> -> memref<64x128xf32, #tpu.memory_space<vmem>>
      %gather3A_1368 = tpu.vector_load_idx %gather3A_1367[%add3A_14, %broadcast_in_dim3A_1343] : memref<64x128xf32, #tpu.memory_space<vmem>>[vector<16xi32>, vector<16xi32>], vector<16xf32>,
      tpu.vector_store_idx %arg7[%add3A_14, %broadcast_in_dim3A_1344], %gather3A_1368 : memref<64x512xf32, #tpu.memory_space<vmem>>[vector<16xi32>, vector<16xi32>], vector<16xf32>,
      %slice3A_1369 = vector.extract_strided_slice %get3A_1045 {offsets = [12], sizes = [1], strides = [1]} : vector<16xi32> to vector<1xi32>
      %squeeze3A_1370 = vector.extract %slice3A_1369[0] : i32 from vector<1xi32>
      %and3A_1371 = arith.constant -128 : i32
      %and3A_1372 = arith.andi %squeeze3A_1370, %and3A_1371 : i32
      %multiple_of3A_1373 = tpu.assume_multiple %and3A_1372, 128 : i32
      %dma_start3A_1374 = arith.constant 4 : i32
      %dma_start3A_1375 = arith.constant 0 : i32
      %dma_start3A_1376 = arith.constant 0 : i32
      %dma_start3A_1377 = tpu.memref_slice %arg6[%dma_start3A_1374, %dma_start3A_1375, %dma_start3A_1376] : memref<8x64x128xf32, #tpu.memory_space<vmem>> -> memref<1x64x128xf32, #tpu.memory_space<vmem>>
      %dma_start3A_1378 = tpu.memref_squeeze %dma_start3A_1377 : memref<1x64x128xf32, #tpu.memory_space<vmem>> -> memref<64x128xf32, #tpu.memory_space<vmem>>
      %dma_start3A_1379 = arith.constant 0 : i32
      %dma_start3A_1380 = tpu.memref_slice %arg3[%dma_start3A_1379, %multiple_of3A_1373] : memref<64x1000000xf32, #tpu.memory_space<hbm>> -> memref<64x128xf32, #tpu.memory_space<hbm>>
      %dma_start3A_1381 = arith.constant 0 : i32
      %dma_start3A_1382 = arith.constant 0 : i32
      %dma_start3A_1383 = tpu.memref_slice %arg6[%dma_start3A_1374, %dma_start3A_1381, %dma_start3A_1382] : memref<8x64x128xf32, #tpu.memory_space<vmem>> -> memref<1x64x128xf32, #tpu.memory_space<vmem>>
      %dma_start3A_1384 = tpu.memref_squeeze %dma_start3A_1383 : memref<1x64x128xf32, #tpu.memory_space<vmem>> -> memref<64x128xf32, #tpu.memory_space<vmem>>
      %dma_start3A_1385 = arith.constant 0 : i32
      %dma_start3A_1386 = tpu.memref_slice %arg3[%dma_start3A_1385, %multiple_of3A_1373] : memref<64x1000000xf32, #tpu.memory_space<hbm>> -> memref<64x128xf32, #tpu.memory_space<hbm>>
      tpu.enqueue_dma source(%dma_start3A_1386 : memref<64x128xf32, #tpu.memory_space<hbm>>) target(%dma_start3A_1384 : memref<64x128xf32, #tpu.memory_space<vmem>>) target_semaphore(%arg12 : memref<!tpu.dma_semaphore, #tpu.memory_space<semaphore_mem>>)
      %dma_wait3A_1387 = arith.constant 5 : i32
      %dma_wait3A_1388 = arith.constant 0 : i32
      %dma_wait3A_1389 = arith.constant 0 : i32
      %dma_wait3A_1390 = tpu.memref_slice %arg6[%dma_wait3A_1387, %dma_wait3A_1388, %dma_wait3A_1389] : memref<8x64x128xf32, #tpu.memory_space<vmem>> -> memref<1x64x128xf32, #tpu.memory_space<vmem>>
      %dma_wait3A_1391 = tpu.memref_squeeze %dma_wait3A_1390 : memref<1x64x128xf32, #tpu.memory_space<vmem>> -> memref<64x128xf32, #tpu.memory_space<vmem>>
      %dma_wait3A_1392 = arith.constant 0 : i32
      %dma_wait3A_1393 = arith.constant 0 : i32
      %dma_wait3A_1394 = tpu.memref_slice %arg3[%dma_wait3A_1392, %dma_wait3A_1393] : memref<64x1000000xf32, #tpu.memory_space<hbm>> -> memref<64x128xf32, #tpu.memory_space<hbm>>
      %dma_wait3A_1395 = arith.constant 0 : i32
      %dma_wait3A_1396 = arith.constant 0 : i32
      %dma_wait3A_1397 = tpu.memref_slice %arg6[%dma_wait3A_1387, %dma_wait3A_1395, %dma_wait3A_1396] : memref<8x64x128xf32, #tpu.memory_space<vmem>> -> memref<1x64x128xf32, #tpu.memory_space<vmem>>
      %dma_wait3A_1398 = tpu.memref_squeeze %dma_wait3A_1397 : memref<1x64x128xf32, #tpu.memory_space<vmem>> -> memref<64x128xf32, #tpu.memory_space<vmem>>
      %dma_wait3A_1399 = arith.constant 0 : i32
      %dma_wait3A_1400 = arith.constant 0 : i32
      %dma_wait3A_1401 = tpu.memref_slice %arg3[%dma_wait3A_1399, %dma_wait3A_1400] : memref<64x1000000xf32, #tpu.memory_space<hbm>> -> memref<64x128xf32, #tpu.memory_space<hbm>>
      tpu.wait_dma2 semaphore(%arg13 : memref<!tpu.dma_semaphore, #tpu.memory_space<semaphore_mem>>) src(%dma_wait3A_1401 : memref<64x128xf32, #tpu.memory_space<hbm>>) dst(%dma_wait3A_1398 : memref<64x128xf32, #tpu.memory_space<vmem>>)
      %mul3A_1402 = arith.constant 16 : i32
      %mul3A_1403 = arith.muli %mul3A_1402, %scan3A_1040 : i32
      %add3A_1404 = arith.constant 5 : i32
      %add3A_1405 = arith.addi %mul3A_1403, %add3A_1404 : i32
      %slice3A_1406 = vector.extract_strided_slice %get3A_1045 {offsets = [5], sizes = [1], strides = [1]} : vector<16xi32> to vector<1xi32>
      %squeeze3A_1407 = vector.extract %slice3A_1406[0] : i32 from vector<1xi32>
      %and3A_1408 = arith.constant 127 : i32
      %and3A_1409 = arith.andi %squeeze3A_1407, %and3A_1408 : i32
      %broadcast_in_dim3A_1410 = vector.broadcast %and3A_1409 : i32 to vector<16xi32>
      %broadcast_in_dim3A_1411 = vector.broadcast %add3A_1405 : i32 to vector<16xi32>
      %gather3A_1412 = arith.constant 5 : i32
      %gather3A_1413 = arith.constant 0 : i32
      %gather3A_1414 = arith.constant 0 : i32
      %gather3A_1415 = tpu.memref_slice %arg6[%gather3A_1412, %gather3A_1413, %gather3A_1414] : memref<8x64x128xf32, #tpu.memory_space<vmem>> -> memref<1x64x128xf32, #tpu.memory_space<vmem>>
      %gather3A_1416 = tpu.memref_squeeze %gather3A_1415 : memref<1x64x128xf32, #tpu.memory_space<vmem>> -> memref<64x128xf32, #tpu.memory_space<vmem>>
      %gather3A_1417 = tpu.vector_load_idx %gather3A_1416[%add3A_5, %broadcast_in_dim3A_1410] : memref<64x128xf32, #tpu.memory_space<vmem>>[vector<16xi32>, vector<16xi32>], vector<16xf32>,
      tpu.vector_store_idx %arg7[%add3A_5, %broadcast_in_dim3A_1411], %gather3A_1417 : memref<64x512xf32, #tpu.memory_space<vmem>>[vector<16xi32>, vector<16xi32>], vector<16xf32>,
      %gather3A_1418 = arith.constant 5 : i32
      %gather3A_1419 = arith.constant 0 : i32
      %gather3A_1420 = arith.constant 0 : i32
      %gather3A_1421 = tpu.memref_slice %arg6[%gather3A_1418, %gather3A_1419, %gather3A_1420] : memref<8x64x128xf32, #tpu.memory_space<vmem>> -> memref<1x64x128xf32, #tpu.memory_space<vmem>>
      %gather3A_1422 = tpu.memref_squeeze %gather3A_1421 : memref<1x64x128xf32, #tpu.memory_space<vmem>> -> memref<64x128xf32, #tpu.memory_space<vmem>>
      %gather3A_1423 = tpu.vector_load_idx %gather3A_1422[%add3A_8, %broadcast_in_dim3A_1410] : memref<64x128xf32, #tpu.memory_space<vmem>>[vector<16xi32>, vector<16xi32>], vector<16xf32>,
      tpu.vector_store_idx %arg7[%add3A_8, %broadcast_in_dim3A_1411], %gather3A_1423 : memref<64x512xf32, #tpu.memory_space<vmem>>[vector<16xi32>, vector<16xi32>], vector<16xf32>,
      %gather3A_1424 = arith.constant 5 : i32
      %gather3A_1425 = arith.constant 0 : i32
      %gather3A_1426 = arith.constant 0 : i32
      %gather3A_1427 = tpu.memref_slice %arg6[%gather3A_1424, %gather3A_1425, %gather3A_1426] : memref<8x64x128xf32, #tpu.memory_space<vmem>> -> memref<1x64x128xf32, #tpu.memory_space<vmem>>
      %gather3A_1428 = tpu.memref_squeeze %gather3A_1427 : memref<1x64x128xf32, #tpu.memory_space<vmem>> -> memref<64x128xf32, #tpu.memory_space<vmem>>
      %gather3A_1429 = tpu.vector_load_idx %gather3A_1428[%add3A_11, %broadcast_in_dim3A_1410] : memref<64x128xf32, #tpu.memory_space<vmem>>[vector<16xi32>, vector<16xi32>], vector<16xf32>,
      tpu.vector_store_idx %arg7[%add3A_11, %broadcast_in_dim3A_1411], %gather3A_1429 : memref<64x512xf32, #tpu.memory_space<vmem>>[vector<16xi32>, vector<16xi32>], vector<16xf32>,
      %gather3A_1430 = arith.constant 5 : i32
      %gather3A_1431 = arith.constant 0 : i32
      %gather3A_1432 = arith.constant 0 : i32
      %gather3A_1433 = tpu.memref_slice %arg6[%gather3A_1430, %gather3A_1431, %gather3A_1432] : memref<8x64x128xf32, #tpu.memory_space<vmem>> -> memref<1x64x128xf32, #tpu.memory_space<vmem>>
      %gather3A_1434 = tpu.memref_squeeze %gather3A_1433 : memref<1x64x128xf32, #tpu.memory_space<vmem>> -> memref<64x128xf32, #tpu.memory_space<vmem>>
      %gather3A_1435 = tpu.vector_load_idx %gather3A_1434[%add3A_14, %broadcast_in_dim3A_1410] : memref<64x128xf32, #tpu.memory_space<vmem>>[vector<16xi32>, vector<16xi32>], vector<16xf32>,
      tpu.vector_store_idx %arg7[%add3A_14, %broadcast_in_dim3A_1411], %gather3A_1435 : memref<64x512xf32, #tpu.memory_space<vmem>>[vector<16xi32>, vector<16xi32>], vector<16xf32>,
      %slice3A_1436 = vector.extract_strided_slice %get3A_1045 {offsets = [13], sizes = [1], strides = [1]} : vector<16xi32> to vector<1xi32>
      %squeeze3A_1437 = vector.extract %slice3A_1436[0] : i32 from vector<1xi32>
      %and3A_1438 = arith.constant -128 : i32
      %and3A_1439 = arith.andi %squeeze3A_1437, %and3A_1438 : i32
      %multiple_of3A_1440 = tpu.assume_multiple %and3A_1439, 128 : i32
      %dma_start3A_1441 = arith.constant 5 : i32
      %dma_start3A_1442 = arith.constant 0 : i32
      %dma_start3A_1443 = arith.constant 0 : i32
      %dma_start3A_1444 = tpu.memref_slice %arg6[%dma_start3A_1441, %dma_start3A_1442, %dma_start3A_1443] : memref<8x64x128xf32, #tpu.memory_space<vmem>> -> memref<1x64x128xf32, #tpu.memory_space<vmem>>
      %dma_start3A_1445 = tpu.memref_squeeze %dma_start3A_1444 : memref<1x64x128xf32, #tpu.memory_space<vmem>> -> memref<64x128xf32, #tpu.memory_space<vmem>>
      %dma_start3A_1446 = arith.constant 0 : i32
      %dma_start3A_1447 = tpu.memref_slice %arg3[%dma_start3A_1446, %multiple_of3A_1440] : memref<64x1000000xf32, #tpu.memory_space<hbm>> -> memref<64x128xf32, #tpu.memory_space<hbm>>
      %dma_start3A_1448 = arith.constant 0 : i32
      %dma_start3A_1449 = arith.constant 0 : i32
      %dma_start3A_1450 = tpu.memref_slice %arg6[%dma_start3A_1441, %dma_start3A_1448, %dma_start3A_1449] : memref<8x64x128xf32, #tpu.memory_space<vmem>> -> memref<1x64x128xf32, #tpu.memory_space<vmem>>
      %dma_start3A_1451 = tpu.memref_squeeze %dma_start3A_1450 : memref<1x64x128xf32, #tpu.memory_space<vmem>> -> memref<64x128xf32, #tpu.memory_space<vmem>>
      %dma_start3A_1452 = arith.constant 0 : i32
      %dma_start3A_1453 = tpu.memref_slice %arg3[%dma_start3A_1452, %multiple_of3A_1440] : memref<64x1000000xf32, #tpu.memory_space<hbm>> -> memref<64x128xf32, #tpu.memory_space<hbm>>
      tpu.enqueue_dma source(%dma_start3A_1453 : memref<64x128xf32, #tpu.memory_space<hbm>>) target(%dma_start3A_1451 : memref<64x128xf32, #tpu.memory_space<vmem>>) target_semaphore(%arg13 : memref<!tpu.dma_semaphore, #tpu.memory_space<semaphore_mem>>)
      %dma_wait3A_1454 = arith.constant 6 : i32
      %dma_wait3A_1455 = arith.constant 0 : i32
      %dma_wait3A_1456 = arith.constant 0 : i32
      %dma_wait3A_1457 = tpu.memref_slice %arg6[%dma_wait3A_1454, %dma_wait3A_1455, %dma_wait3A_1456] : memref<8x64x128xf32, #tpu.memory_space<vmem>> -> memref<1x64x128xf32, #tpu.memory_space<vmem>>
      %dma_wait3A_1458 = tpu.memref_squeeze %dma_wait3A_1457 : memref<1x64x128xf32, #tpu.memory_space<vmem>> -> memref<64x128xf32, #tpu.memory_space<vmem>>
      %dma_wait3A_1459 = arith.constant 0 : i32
      %dma_wait3A_1460 = arith.constant 0 : i32
      %dma_wait3A_1461 = tpu.memref_slice %arg3[%dma_wait3A_1459, %dma_wait3A_1460] : memref<64x1000000xf32, #tpu.memory_space<hbm>> -> memref<64x128xf32, #tpu.memory_space<hbm>>
      %dma_wait3A_1462 = arith.constant 0 : i32
      %dma_wait3A_1463 = arith.constant 0 : i32
      %dma_wait3A_1464 = tpu.memref_slice %arg6[%dma_wait3A_1454, %dma_wait3A_1462, %dma_wait3A_1463] : memref<8x64x128xf32, #tpu.memory_space<vmem>> -> memref<1x64x128xf32, #tpu.memory_space<vmem>>
      %dma_wait3A_1465 = tpu.memref_squeeze %dma_wait3A_1464 : memref<1x64x128xf32, #tpu.memory_space<vmem>> -> memref<64x128xf32, #tpu.memory_space<vmem>>
      %dma_wait3A_1466 = arith.constant 0 : i32
      %dma_wait3A_1467 = arith.constant 0 : i32
      %dma_wait3A_1468 = tpu.memref_slice %arg3[%dma_wait3A_1466, %dma_wait3A_1467] : memref<64x1000000xf32, #tpu.memory_space<hbm>> -> memref<64x128xf32, #tpu.memory_space<hbm>>
      tpu.wait_dma2 semaphore(%arg14 : memref<!tpu.dma_semaphore, #tpu.memory_space<semaphore_mem>>) src(%dma_wait3A_1468 : memref<64x128xf32, #tpu.memory_space<hbm>>) dst(%dma_wait3A_1465 : memref<64x128xf32, #tpu.memory_space<vmem>>)
      %mul3A_1469 = arith.constant 16 : i32
      %mul3A_1470 = arith.muli %mul3A_1469, %scan3A_1040 : i32
      %add3A_1471 = arith.constant 6 : i32
      %add3A_1472 = arith.addi %mul3A_1470, %add3A_1471 : i32
      %slice3A_1473 = vector.extract_strided_slice %get3A_1045 {offsets = [6], sizes = [1], strides = [1]} : vector<16xi32> to vector<1xi32>
      %squeeze3A_1474 = vector.extract %slice3A_1473[0] : i32 from vector<1xi32>
      %and3A_1475 = arith.constant 127 : i32
      %and3A_1476 = arith.andi %squeeze3A_1474, %and3A_1475 : i32
      %broadcast_in_dim3A_1477 = vector.broadcast %and3A_1476 : i32 to vector<16xi32>
      %broadcast_in_dim3A_1478 = vector.broadcast %add3A_1472 : i32 to vector<16xi32>
      %gather3A_1479 = arith.constant 6 : i32
      %gather3A_1480 = arith.constant 0 : i32
      %gather3A_1481 = arith.constant 0 : i32
      %gather3A_1482 = tpu.memref_slice %arg6[%gather3A_1479, %gather3A_1480, %gather3A_1481] : memref<8x64x128xf32, #tpu.memory_space<vmem>> -> memref<1x64x128xf32, #tpu.memory_space<vmem>>
      %gather3A_1483 = tpu.memref_squeeze %gather3A_1482 : memref<1x64x128xf32, #tpu.memory_space<vmem>> -> memref<64x128xf32, #tpu.memory_space<vmem>>
      %gather3A_1484 = tpu.vector_load_idx %gather3A_1483[%add3A_5, %broadcast_in_dim3A_1477] : memref<64x128xf32, #tpu.memory_space<vmem>>[vector<16xi32>, vector<16xi32>], vector<16xf32>,
      tpu.vector_store_idx %arg7[%add3A_5, %broadcast_in_dim3A_1478], %gather3A_1484 : memref<64x512xf32, #tpu.memory_space<vmem>>[vector<16xi32>, vector<16xi32>], vector<16xf32>,
      %gather3A_1485 = arith.constant 6 : i32
      %gather3A_1486 = arith.constant 0 : i32
      %gather3A_1487 = arith.constant 0 : i32
      %gather3A_1488 = tpu.memref_slice %arg6[%gather3A_1485, %gather3A_1486, %gather3A_1487] : memref<8x64x128xf32, #tpu.memory_space<vmem>> -> memref<1x64x128xf32, #tpu.memory_space<vmem>>
      %gather3A_1489 = tpu.memref_squeeze %gather3A_1488 : memref<1x64x128xf32, #tpu.memory_space<vmem>> -> memref<64x128xf32, #tpu.memory_space<vmem>>
      %gather3A_1490 = tpu.vector_load_idx %gather3A_1489[%add3A_8, %broadcast_in_dim3A_1477] : memref<64x128xf32, #tpu.memory_space<vmem>>[vector<16xi32>, vector<16xi32>], vector<16xf32>,
      tpu.vector_store_idx %arg7[%add3A_8, %broadcast_in_dim3A_1478], %gather3A_1490 : memref<64x512xf32, #tpu.memory_space<vmem>>[vector<16xi32>, vector<16xi32>], vector<16xf32>,
      %gather3A_1491 = arith.constant 6 : i32
      %gather3A_1492 = arith.constant 0 : i32
      %gather3A_1493 = arith.constant 0 : i32
      %gather3A_1494 = tpu.memref_slice %arg6[%gather3A_1491, %gather3A_1492, %gather3A_1493] : memref<8x64x128xf32, #tpu.memory_space<vmem>> -> memref<1x64x128xf32, #tpu.memory_space<vmem>>
      %gather3A_1495 = tpu.memref_squeeze %gather3A_1494 : memref<1x64x128xf32, #tpu.memory_space<vmem>> -> memref<64x128xf32, #tpu.memory_space<vmem>>
      %gather3A_1496 = tpu.vector_load_idx %gather3A_1495[%add3A_11, %broadcast_in_dim3A_1477] : memref<64x128xf32, #tpu.memory_space<vmem>>[vector<16xi32>, vector<16xi32>], vector<16xf32>,
      tpu.vector_store_idx %arg7[%add3A_11, %broadcast_in_dim3A_1478], %gather3A_1496 : memref<64x512xf32, #tpu.memory_space<vmem>>[vector<16xi32>, vector<16xi32>], vector<16xf32>,
      %gather3A_1497 = arith.constant 6 : i32
      %gather3A_1498 = arith.constant 0 : i32
      %gather3A_1499 = arith.constant 0 : i32
      %gather3A_1500 = tpu.memref_slice %arg6[%gather3A_1497, %gather3A_1498, %gather3A_1499] : memref<8x64x128xf32, #tpu.memory_space<vmem>> -> memref<1x64x128xf32, #tpu.memory_space<vmem>>
      %gather3A_1501 = tpu.memref_squeeze %gather3A_1500 : memref<1x64x128xf32, #tpu.memory_space<vmem>> -> memref<64x128xf32, #tpu.memory_space<vmem>>
      %gather3A_1502 = tpu.vector_load_idx %gather3A_1501[%add3A_14, %broadcast_in_dim3A_1477] : memref<64x128xf32, #tpu.memory_space<vmem>>[vector<16xi32>, vector<16xi32>], vector<16xf32>,
      tpu.vector_store_idx %arg7[%add3A_14, %broadcast_in_dim3A_1478], %gather3A_1502 : memref<64x512xf32, #tpu.memory_space<vmem>>[vector<16xi32>, vector<16xi32>], vector<16xf32>,
      %slice3A_1503 = vector.extract_strided_slice %get3A_1045 {offsets = [14], sizes = [1], strides = [1]} : vector<16xi32> to vector<1xi32>
      %squeeze3A_1504 = vector.extract %slice3A_1503[0] : i32 from vector<1xi32>
      %and3A_1505 = arith.constant -128 : i32
      %and3A_1506 = arith.andi %squeeze3A_1504, %and3A_1505 : i32
      %multiple_of3A_1507 = tpu.assume_multiple %and3A_1506, 128 : i32
      %dma_start3A_1508 = arith.constant 6 : i32
      %dma_start3A_1509 = arith.constant 0 : i32
      %dma_start3A_1510 = arith.constant 0 : i32
      %dma_start3A_1511 = tpu.memref_slice %arg6[%dma_start3A_1508, %dma_start3A_1509, %dma_start3A_1510] : memref<8x64x128xf32, #tpu.memory_space<vmem>> -> memref<1x64x128xf32, #tpu.memory_space<vmem>>
      %dma_start3A_1512 = tpu.memref_squeeze %dma_start3A_1511 : memref<1x64x128xf32, #tpu.memory_space<vmem>> -> memref<64x128xf32, #tpu.memory_space<vmem>>
      %dma_start3A_1513 = arith.constant 0 : i32
      %dma_start3A_1514 = tpu.memref_slice %arg3[%dma_start3A_1513, %multiple_of3A_1507] : memref<64x1000000xf32, #tpu.memory_space<hbm>> -> memref<64x128xf32, #tpu.memory_space<hbm>>
      %dma_start3A_1515 = arith.constant 0 : i32
      %dma_start3A_1516 = arith.constant 0 : i32
      %dma_start3A_1517 = tpu.memref_slice %arg6[%dma_start3A_1508, %dma_start3A_1515, %dma_start3A_1516] : memref<8x64x128xf32, #tpu.memory_space<vmem>> -> memref<1x64x128xf32, #tpu.memory_space<vmem>>
      %dma_start3A_1518 = tpu.memref_squeeze %dma_start3A_1517 : memref<1x64x128xf32, #tpu.memory_space<vmem>> -> memref<64x128xf32, #tpu.memory_space<vmem>>
      %dma_start3A_1519 = arith.constant 0 : i32
      %dma_start3A_1520 = tpu.memref_slice %arg3[%dma_start3A_1519, %multiple_of3A_1507] : memref<64x1000000xf32, #tpu.memory_space<hbm>> -> memref<64x128xf32, #tpu.memory_space<hbm>>
      tpu.enqueue_dma source(%dma_start3A_1520 : memref<64x128xf32, #tpu.memory_space<hbm>>) target(%dma_start3A_1518 : memref<64x128xf32, #tpu.memory_space<vmem>>) target_semaphore(%arg14 : memref<!tpu.dma_semaphore, #tpu.memory_space<semaphore_mem>>)
      %dma_wait3A_1521 = arith.constant 7 : i32
      %dma_wait3A_1522 = arith.constant 0 : i32
      %dma_wait3A_1523 = arith.constant 0 : i32
      %dma_wait3A_1524 = tpu.memref_slice %arg6[%dma_wait3A_1521, %dma_wait3A_1522, %dma_wait3A_1523] : memref<8x64x128xf32, #tpu.memory_space<vmem>> -> memref<1x64x128xf32, #tpu.memory_space<vmem>>
      %dma_wait3A_1525 = tpu.memref_squeeze %dma_wait3A_1524 : memref<1x64x128xf32, #tpu.memory_space<vmem>> -> memref<64x128xf32, #tpu.memory_space<vmem>>
      %dma_wait3A_1526 = arith.constant 0 : i32
      %dma_wait3A_1527 = arith.constant 0 : i32
      %dma_wait3A_1528 = tpu.memref_slice %arg3[%dma_wait3A_1526, %dma_wait3A_1527] : memref<64x1000000xf32, #tpu.memory_space<hbm>> -> memref<64x128xf32, #tpu.memory_space<hbm>>
      %dma_wait3A_1529 = arith.constant 0 : i32
      %dma_wait3A_1530 = arith.constant 0 : i32
      %dma_wait3A_1531 = tpu.memref_slice %arg6[%dma_wait3A_1521, %dma_wait3A_1529, %dma_wait3A_1530] : memref<8x64x128xf32, #tpu.memory_space<vmem>> -> memref<1x64x128xf32, #tpu.memory_space<vmem>>
      %dma_wait3A_1532 = tpu.memref_squeeze %dma_wait3A_1531 : memref<1x64x128xf32, #tpu.memory_space<vmem>> -> memref<64x128xf32, #tpu.memory_space<vmem>>
      %dma_wait3A_1533 = arith.constant 0 : i32
      %dma_wait3A_1534 = arith.constant 0 : i32
      %dma_wait3A_1535 = tpu.memref_slice %arg3[%dma_wait3A_1533, %dma_wait3A_1534] : memref<64x1000000xf32, #tpu.memory_space<hbm>> -> memref<64x128xf32, #tpu.memory_space<hbm>>
      tpu.wait_dma2 semaphore(%arg15 : memref<!tpu.dma_semaphore, #tpu.memory_space<semaphore_mem>>) src(%dma_wait3A_1535 : memref<64x128xf32, #tpu.memory_space<hbm>>) dst(%dma_wait3A_1532 : memref<64x128xf32, #tpu.memory_space<vmem>>)
      %mul3A_1536 = arith.constant 16 : i32
      %mul3A_1537 = arith.muli %mul3A_1536, %scan3A_1040 : i32
      %add3A_1538 = arith.constant 7 : i32
      %add3A_1539 = arith.addi %mul3A_1537, %add3A_1538 : i32
      %slice3A_1540 = vector.extract_strided_slice %get3A_1045 {offsets = [7], sizes = [1], strides = [1]} : vector<16xi32> to vector<1xi32>
      %squeeze3A_1541 = vector.extract %slice3A_1540[0] : i32 from vector<1xi32>
      %and3A_1542 = arith.constant 127 : i32
      %and3A_1543 = arith.andi %squeeze3A_1541, %and3A_1542 : i32
      %broadcast_in_dim3A_1544 = vector.broadcast %and3A_1543 : i32 to vector<16xi32>
      %broadcast_in_dim3A_1545 = vector.broadcast %add3A_1539 : i32 to vector<16xi32>
      %gather3A_1546 = arith.constant 7 : i32
      %gather3A_1547 = arith.constant 0 : i32
      %gather3A_1548 = arith.constant 0 : i32
      %gather3A_1549 = tpu.memref_slice %arg6[%gather3A_1546, %gather3A_1547, %gather3A_1548] : memref<8x64x128xf32, #tpu.memory_space<vmem>> -> memref<1x64x128xf32, #tpu.memory_space<vmem>>
      %gather3A_1550 = tpu.memref_squeeze %gather3A_1549 : memref<1x64x128xf32, #tpu.memory_space<vmem>> -> memref<64x128xf32, #tpu.memory_space<vmem>>
      %gather3A_1551 = tpu.vector_load_idx %gather3A_1550[%add3A_5, %broadcast_in_dim3A_1544] : memref<64x128xf32, #tpu.memory_space<vmem>>[vector<16xi32>, vector<16xi32>], vector<16xf32>,
      tpu.vector_store_idx %arg7[%add3A_5, %broadcast_in_dim3A_1545], %gather3A_1551 : memref<64x512xf32, #tpu.memory_space<vmem>>[vector<16xi32>, vector<16xi32>], vector<16xf32>,
      %gather3A_1552 = arith.constant 7 : i32
      %gather3A_1553 = arith.constant 0 : i32
      %gather3A_1554 = arith.constant 0 : i32
      %gather3A_1555 = tpu.memref_slice %arg6[%gather3A_1552, %gather3A_1553, %gather3A_1554] : memref<8x64x128xf32, #tpu.memory_space<vmem>> -> memref<1x64x128xf32, #tpu.memory_space<vmem>>
      %gather3A_1556 = tpu.memref_squeeze %gather3A_1555 : memref<1x64x128xf32, #tpu.memory_space<vmem>> -> memref<64x128xf32, #tpu.memory_space<vmem>>
      %gather3A_1557 = tpu.vector_load_idx %gather3A_1556[%add3A_8, %broadcast_in_dim3A_1544] : memref<64x128xf32, #tpu.memory_space<vmem>>[vector<16xi32>, vector<16xi32>], vector<16xf32>,
      tpu.vector_store_idx %arg7[%add3A_8, %broadcast_in_dim3A_1545], %gather3A_1557 : memref<64x512xf32, #tpu.memory_space<vmem>>[vector<16xi32>, vector<16xi32>], vector<16xf32>,
      %gather3A_1558 = arith.constant 7 : i32
      %gather3A_1559 = arith.constant 0 : i32
      %gather3A_1560 = arith.constant 0 : i32
      %gather3A_1561 = tpu.memref_slice %arg6[%gather3A_1558, %gather3A_1559, %gather3A_1560] : memref<8x64x128xf32, #tpu.memory_space<vmem>> -> memref<1x64x128xf32, #tpu.memory_space<vmem>>
      %gather3A_1562 = tpu.memref_squeeze %gather3A_1561 : memref<1x64x128xf32, #tpu.memory_space<vmem>> -> memref<64x128xf32, #tpu.memory_space<vmem>>
      %gather3A_1563 = tpu.vector_load_idx %gather3A_1562[%add3A_11, %broadcast_in_dim3A_1544] : memref<64x128xf32, #tpu.memory_space<vmem>>[vector<16xi32>, vector<16xi32>], vector<16xf32>,
      tpu.vector_store_idx %arg7[%add3A_11, %broadcast_in_dim3A_1545], %gather3A_1563 : memref<64x512xf32, #tpu.memory_space<vmem>>[vector<16xi32>, vector<16xi32>], vector<16xf32>,
      %gather3A_1564 = arith.constant 7 : i32
      %gather3A_1565 = arith.constant 0 : i32
      %gather3A_1566 = arith.constant 0 : i32
      %gather3A_1567 = tpu.memref_slice %arg6[%gather3A_1564, %gather3A_1565, %gather3A_1566] : memref<8x64x128xf32, #tpu.memory_space<vmem>> -> memref<1x64x128xf32, #tpu.memory_space<vmem>>
      %gather3A_1568 = tpu.memref_squeeze %gather3A_1567 : memref<1x64x128xf32, #tpu.memory_space<vmem>> -> memref<64x128xf32, #tpu.memory_space<vmem>>
      %gather3A_1569 = tpu.vector_load_idx %gather3A_1568[%add3A_14, %broadcast_in_dim3A_1544] : memref<64x128xf32, #tpu.memory_space<vmem>>[vector<16xi32>, vector<16xi32>], vector<16xf32>,
      tpu.vector_store_idx %arg7[%add3A_14, %broadcast_in_dim3A_1545], %gather3A_1569 : memref<64x512xf32, #tpu.memory_space<vmem>>[vector<16xi32>, vector<16xi32>], vector<16xf32>,
      %slice3A_1570 = vector.extract_strided_slice %get3A_1045 {offsets = [15], sizes = [1], strides = [1]} : vector<16xi32> to vector<1xi32>
      %squeeze3A_1571 = vector.extract %slice3A_1570[0] : i32 from vector<1xi32>
      %and3A_1572 = arith.constant -128 : i32
      %and3A_1573 = arith.andi %squeeze3A_1571, %and3A_1572 : i32
      %multiple_of3A_1574 = tpu.assume_multiple %and3A_1573, 128 : i32
      %dma_start3A_1575 = arith.constant 7 : i32
      %dma_start3A_1576 = arith.constant 0 : i32
      %dma_start3A_1577 = arith.constant 0 : i32
      %dma_start3A_1578 = tpu.memref_slice %arg6[%dma_start3A_1575, %dma_start3A_1576, %dma_start3A_1577] : memref<8x64x128xf32, #tpu.memory_space<vmem>> -> memref<1x64x128xf32, #tpu.memory_space<vmem>>
      %dma_start3A_1579 = tpu.memref_squeeze %dma_start3A_1578 : memref<1x64x128xf32, #tpu.memory_space<vmem>> -> memref<64x128xf32, #tpu.memory_space<vmem>>
      %dma_start3A_1580 = arith.constant 0 : i32
      %dma_start3A_1581 = tpu.memref_slice %arg3[%dma_start3A_1580, %multiple_of3A_1574] : memref<64x1000000xf32, #tpu.memory_space<hbm>> -> memref<64x128xf32, #tpu.memory_space<hbm>>
      %dma_start3A_1582 = arith.constant 0 : i32
      %dma_start3A_1583 = arith.constant 0 : i32
      %dma_start3A_1584 = tpu.memref_slice %arg6[%dma_start3A_1575, %dma_start3A_1582, %dma_start3A_1583] : memref<8x64x128xf32, #tpu.memory_space<vmem>> -> memref<1x64x128xf32, #tpu.memory_space<vmem>>
      %dma_start3A_1585 = tpu.memref_squeeze %dma_start3A_1584 : memref<1x64x128xf32, #tpu.memory_space<vmem>> -> memref<64x128xf32, #tpu.memory_space<vmem>>
      %dma_start3A_1586 = arith.constant 0 : i32
      %dma_start3A_1587 = tpu.memref_slice %arg3[%dma_start3A_1586, %multiple_of3A_1574] : memref<64x1000000xf32, #tpu.memory_space<hbm>> -> memref<64x128xf32, #tpu.memory_space<hbm>>
      tpu.enqueue_dma source(%dma_start3A_1587 : memref<64x128xf32, #tpu.memory_space<hbm>>) target(%dma_start3A_1585 : memref<64x128xf32, #tpu.memory_space<vmem>>) target_semaphore(%arg15 : memref<!tpu.dma_semaphore, #tpu.memory_space<semaphore_mem>>)
      %dma_wait3A_1588 = arith.constant 0 : i32
      %dma_wait3A_1589 = arith.constant 0 : i32
      %dma_wait3A_1590 = arith.constant 0 : i32
      %dma_wait3A_1591 = tpu.memref_slice %arg6[%dma_wait3A_1588, %dma_wait3A_1589, %dma_wait3A_1590] : memref<8x64x128xf32, #tpu.memory_space<vmem>> -> memref<1x64x128xf32, #tpu.memory_space<vmem>>
      %dma_wait3A_1592 = tpu.memref_squeeze %dma_wait3A_1591 : memref<1x64x128xf32, #tpu.memory_space<vmem>> -> memref<64x128xf32, #tpu.memory_space<vmem>>
      %dma_wait3A_1593 = arith.constant 0 : i32
      %dma_wait3A_1594 = arith.constant 0 : i32
      %dma_wait3A_1595 = tpu.memref_slice %arg3[%dma_wait3A_1593, %dma_wait3A_1594] : memref<64x1000000xf32, #tpu.memory_space<hbm>> -> memref<64x128xf32, #tpu.memory_space<hbm>>
      %dma_wait3A_1596 = arith.constant 0 : i32
      %dma_wait3A_1597 = arith.constant 0 : i32
      %dma_wait3A_1598 = tpu.memref_slice %arg6[%dma_wait3A_1588, %dma_wait3A_1596, %dma_wait3A_1597] : memref<8x64x128xf32, #tpu.memory_space<vmem>> -> memref<1x64x128xf32, #tpu.memory_space<vmem>>
      %dma_wait3A_1599 = tpu.memref_squeeze %dma_wait3A_1598 : memref<1x64x128xf32, #tpu.memory_space<vmem>> -> memref<64x128xf32, #tpu.memory_space<vmem>>
      %dma_wait3A_1600 = arith.constant 0 : i32
      %dma_wait3A_1601 = arith.constant 0 : i32
      %dma_wait3A_1602 = tpu.memref_slice %arg3[%dma_wait3A_1600, %dma_wait3A_1601] : memref<64x1000000xf32, #tpu.memory_space<hbm>> -> memref<64x128xf32, #tpu.memory_space<hbm>>
      tpu.wait_dma2 semaphore(%arg8 : memref<!tpu.dma_semaphore, #tpu.memory_space<semaphore_mem>>) src(%dma_wait3A_1602 : memref<64x128xf32, #tpu.memory_space<hbm>>) dst(%dma_wait3A_1599 : memref<64x128xf32, #tpu.memory_space<vmem>>)
      %mul3A_1603 = arith.constant 16 : i32
      %mul3A_1604 = arith.muli %mul3A_1603, %scan3A_1040 : i32
      %add3A_1605 = arith.constant 8 : i32
      %add3A_1606 = arith.addi %mul3A_1604, %add3A_1605 : i32
      %slice3A_1607 = vector.extract_strided_slice %get3A_1045 {offsets = [8], sizes = [1], strides = [1]} : vector<16xi32> to vector<1xi32>
      %squeeze3A_1608 = vector.extract %slice3A_1607[0] : i32 from vector<1xi32>
      %and3A_1609 = arith.constant 127 : i32
      %and3A_1610 = arith.andi %squeeze3A_1608, %and3A_1609 : i32
      %broadcast_in_dim3A_1611 = vector.broadcast %and3A_1610 : i32 to vector<16xi32>
      %broadcast_in_dim3A_1612 = vector.broadcast %add3A_1606 : i32 to vector<16xi32>
      %gather3A_1613 = arith.constant 0 : i32
      %gather3A_1614 = arith.constant 0 : i32
      %gather3A_1615 = arith.constant 0 : i32
      %gather3A_1616 = tpu.memref_slice %arg6[%gather3A_1613, %gather3A_1614, %gather3A_1615] : memref<8x64x128xf32, #tpu.memory_space<vmem>> -> memref<1x64x128xf32, #tpu.memory_space<vmem>>
      %gather3A_1617 = tpu.memref_squeeze %gather3A_1616 : memref<1x64x128xf32, #tpu.memory_space<vmem>> -> memref<64x128xf32, #tpu.memory_space<vmem>>
      %gather3A_1618 = tpu.vector_load_idx %gather3A_1617[%add3A_5, %broadcast_in_dim3A_1611] : memref<64x128xf32, #tpu.memory_space<vmem>>[vector<16xi32>, vector<16xi32>], vector<16xf32>,
      tpu.vector_store_idx %arg7[%add3A_5, %broadcast_in_dim3A_1612], %gather3A_1618 : memref<64x512xf32, #tpu.memory_space<vmem>>[vector<16xi32>, vector<16xi32>], vector<16xf32>,
      %gather3A_1619 = arith.constant 0 : i32
      %gather3A_1620 = arith.constant 0 : i32
      %gather3A_1621 = arith.constant 0 : i32
      %gather3A_1622 = tpu.memref_slice %arg6[%gather3A_1619, %gather3A_1620, %gather3A_1621] : memref<8x64x128xf32, #tpu.memory_space<vmem>> -> memref<1x64x128xf32, #tpu.memory_space<vmem>>
      %gather3A_1623 = tpu.memref_squeeze %gather3A_1622 : memref<1x64x128xf32, #tpu.memory_space<vmem>> -> memref<64x128xf32, #tpu.memory_space<vmem>>
      %gather3A_1624 = tpu.vector_load_idx %gather3A_1623[%add3A_8, %broadcast_in_dim3A_1611] : memref<64x128xf32, #tpu.memory_space<vmem>>[vector<16xi32>, vector<16xi32>], vector<16xf32>,
      tpu.vector_store_idx %arg7[%add3A_8, %broadcast_in_dim3A_1612], %gather3A_1624 : memref<64x512xf32, #tpu.memory_space<vmem>>[vector<16xi32>, vector<16xi32>], vector<16xf32>,
      %gather3A_1625 = arith.constant 0 : i32
      %gather3A_1626 = arith.constant 0 : i32
      %gather3A_1627 = arith.constant 0 : i32
      %gather3A_1628 = tpu.memref_slice %arg6[%gather3A_1625, %gather3A_1626, %gather3A_1627] : memref<8x64x128xf32, #tpu.memory_space<vmem>> -> memref<1x64x128xf32, #tpu.memory_space<vmem>>
      %gather3A_1629 = tpu.memref_squeeze %gather3A_1628 : memref<1x64x128xf32, #tpu.memory_space<vmem>> -> memref<64x128xf32, #tpu.memory_space<vmem>>
      %gather3A_1630 = tpu.vector_load_idx %gather3A_1629[%add3A_11, %broadcast_in_dim3A_1611] : memref<64x128xf32, #tpu.memory_space<vmem>>[vector<16xi32>, vector<16xi32>], vector<16xf32>,
      tpu.vector_store_idx %arg7[%add3A_11, %broadcast_in_dim3A_1612], %gather3A_1630 : memref<64x512xf32, #tpu.memory_space<vmem>>[vector<16xi32>, vector<16xi32>], vector<16xf32>,
      %gather3A_1631 = arith.constant 0 : i32
      %gather3A_1632 = arith.constant 0 : i32
      %gather3A_1633 = arith.constant 0 : i32
      %gather3A_1634 = tpu.memref_slice %arg6[%gather3A_1631, %gather3A_1632, %gather3A_1633] : memref<8x64x128xf32, #tpu.memory_space<vmem>> -> memref<1x64x128xf32, #tpu.memory_space<vmem>>
      %gather3A_1635 = tpu.memref_squeeze %gather3A_1634 : memref<1x64x128xf32, #tpu.memory_space<vmem>> -> memref<64x128xf32, #tpu.memory_space<vmem>>
      %gather3A_1636 = tpu.vector_load_idx %gather3A_1635[%add3A_14, %broadcast_in_dim3A_1611] : memref<64x128xf32, #tpu.memory_space<vmem>>[vector<16xi32>, vector<16xi32>], vector<16xf32>,
      tpu.vector_store_idx %arg7[%add3A_14, %broadcast_in_dim3A_1612], %gather3A_1636 : memref<64x512xf32, #tpu.memory_space<vmem>>[vector<16xi32>, vector<16xi32>], vector<16xf32>,
      %slice3A_1637 = vector.extract_strided_slice %get3A_1051 {offsets = [0], sizes = [1], strides = [1]} : vector<16xi32> to vector<1xi32>
      %squeeze3A_1638 = vector.extract %slice3A_1637[0] : i32 from vector<1xi32>
      %and3A_1639 = arith.constant -128 : i32
      %and3A_1640 = arith.andi %squeeze3A_1638, %and3A_1639 : i32
      %multiple_of3A_1641 = tpu.assume_multiple %and3A_1640, 128 : i32
      %dma_start3A_1642 = arith.constant 0 : i32
      %dma_start3A_1643 = arith.constant 0 : i32
      %dma_start3A_1644 = arith.constant 0 : i32
      %dma_start3A_1645 = tpu.memref_slice %arg6[%dma_start3A_1642, %dma_start3A_1643, %dma_start3A_1644] : memref<8x64x128xf32, #tpu.memory_space<vmem>> -> memref<1x64x128xf32, #tpu.memory_space<vmem>>
      %dma_start3A_1646 = tpu.memref_squeeze %dma_start3A_1645 : memref<1x64x128xf32, #tpu.memory_space<vmem>> -> memref<64x128xf32, #tpu.memory_space<vmem>>
      %dma_start3A_1647 = arith.constant 0 : i32
      %dma_start3A_1648 = tpu.memref_slice %arg3[%dma_start3A_1647, %multiple_of3A_1641] : memref<64x1000000xf32, #tpu.memory_space<hbm>> -> memref<64x128xf32, #tpu.memory_space<hbm>>
      %dma_start3A_1649 = arith.constant 0 : i32
      %dma_start3A_1650 = arith.constant 0 : i32
      %dma_start3A_1651 = tpu.memref_slice %arg6[%dma_start3A_1642, %dma_start3A_1649, %dma_start3A_1650] : memref<8x64x128xf32, #tpu.memory_space<vmem>> -> memref<1x64x128xf32, #tpu.memory_space<vmem>>
      %dma_start3A_1652 = tpu.memref_squeeze %dma_start3A_1651 : memref<1x64x128xf32, #tpu.memory_space<vmem>> -> memref<64x128xf32, #tpu.memory_space<vmem>>
      %dma_start3A_1653 = arith.constant 0 : i32
      %dma_start3A_1654 = tpu.memref_slice %arg3[%dma_start3A_1653, %multiple_of3A_1641] : memref<64x1000000xf32, #tpu.memory_space<hbm>> -> memref<64x128xf32, #tpu.memory_space<hbm>>
      tpu.enqueue_dma source(%dma_start3A_1654 : memref<64x128xf32, #tpu.memory_space<hbm>>) target(%dma_start3A_1652 : memref<64x128xf32, #tpu.memory_space<vmem>>) target_semaphore(%arg8 : memref<!tpu.dma_semaphore, #tpu.memory_space<semaphore_mem>>)
      %dma_wait3A_1655 = arith.constant 1 : i32
      %dma_wait3A_1656 = arith.constant 0 : i32
      %dma_wait3A_1657 = arith.constant 0 : i32
      %dma_wait3A_1658 = tpu.memref_slice %arg6[%dma_wait3A_1655, %dma_wait3A_1656, %dma_wait3A_1657] : memref<8x64x128xf32, #tpu.memory_space<vmem>> -> memref<1x64x128xf32, #tpu.memory_space<vmem>>
      %dma_wait3A_1659 = tpu.memref_squeeze %dma_wait3A_1658 : memref<1x64x128xf32, #tpu.memory_space<vmem>> -> memref<64x128xf32, #tpu.memory_space<vmem>>
      %dma_wait3A_1660 = arith.constant 0 : i32
      %dma_wait3A_1661 = arith.constant 0 : i32
      %dma_wait3A_1662 = tpu.memref_slice %arg3[%dma_wait3A_1660, %dma_wait3A_1661] : memref<64x1000000xf32, #tpu.memory_space<hbm>> -> memref<64x128xf32, #tpu.memory_space<hbm>>
      %dma_wait3A_1663 = arith.constant 0 : i32
      %dma_wait3A_1664 = arith.constant 0 : i32
      %dma_wait3A_1665 = tpu.memref_slice %arg6[%dma_wait3A_1655, %dma_wait3A_1663, %dma_wait3A_1664] : memref<8x64x128xf32, #tpu.memory_space<vmem>> -> memref<1x64x128xf32, #tpu.memory_space<vmem>>
      %dma_wait3A_1666 = tpu.memref_squeeze %dma_wait3A_1665 : memref<1x64x128xf32, #tpu.memory_space<vmem>> -> memref<64x128xf32, #tpu.memory_space<vmem>>
      %dma_wait3A_1667 = arith.constant 0 : i32
      %dma_wait3A_1668 = arith.constant 0 : i32
      %dma_wait3A_1669 = tpu.memref_slice %arg3[%dma_wait3A_1667, %dma_wait3A_1668] : memref<64x1000000xf32, #tpu.memory_space<hbm>> -> memref<64x128xf32, #tpu.memory_space<hbm>>
      tpu.wait_dma2 semaphore(%arg9 : memref<!tpu.dma_semaphore, #tpu.memory_space<semaphore_mem>>) src(%dma_wait3A_1669 : memref<64x128xf32, #tpu.memory_space<hbm>>) dst(%dma_wait3A_1666 : memref<64x128xf32, #tpu.memory_space<vmem>>)
      %mul3A_1670 = arith.constant 16 : i32
      %mul3A_1671 = arith.muli %mul3A_1670, %scan3A_1040 : i32
      %add3A_1672 = arith.constant 9 : i32
      %add3A_1673 = arith.addi %mul3A_1671, %add3A_1672 : i32
      %slice3A_1674 = vector.extract_strided_slice %get3A_1045 {offsets = [9], sizes = [1], strides = [1]} : vector<16xi32> to vector<1xi32>
      %squeeze3A_1675 = vector.extract %slice3A_1674[0] : i32 from vector<1xi32>
      %and3A_1676 = arith.constant 127 : i32
      %and3A_1677 = arith.andi %squeeze3A_1675, %and3A_1676 : i32
      %broadcast_in_dim3A_1678 = vector.broadcast %and3A_1677 : i32 to vector<16xi32>
      %broadcast_in_dim3A_1679 = vector.broadcast %add3A_1673 : i32 to vector<16xi32>
      %gather3A_1680 = arith.constant 1 : i32
      %gather3A_1681 = arith.constant 0 : i32
      %gather3A_1682 = arith.constant 0 : i32
      %gather3A_1683 = tpu.memref_slice %arg6[%gather3A_1680, %gather3A_1681, %gather3A_1682] : memref<8x64x128xf32, #tpu.memory_space<vmem>> -> memref<1x64x128xf32, #tpu.memory_space<vmem>>
      %gather3A_1684 = tpu.memref_squeeze %gather3A_1683 : memref<1x64x128xf32, #tpu.memory_space<vmem>> -> memref<64x128xf32, #tpu.memory_space<vmem>>
      %gather3A_1685 = tpu.vector_load_idx %gather3A_1684[%add3A_5, %broadcast_in_dim3A_1678] : memref<64x128xf32, #tpu.memory_space<vmem>>[vector<16xi32>, vector<16xi32>], vector<16xf32>,
      tpu.vector_store_idx %arg7[%add3A_5, %broadcast_in_dim3A_1679], %gather3A_1685 : memref<64x512xf32, #tpu.memory_space<vmem>>[vector<16xi32>, vector<16xi32>], vector<16xf32>,
      %gather3A_1686 = arith.constant 1 : i32
      %gather3A_1687 = arith.constant 0 : i32
      %gather3A_1688 = arith.constant 0 : i32
      %gather3A_1689 = tpu.memref_slice %arg6[%gather3A_1686, %gather3A_1687, %gather3A_1688] : memref<8x64x128xf32, #tpu.memory_space<vmem>> -> memref<1x64x128xf32, #tpu.memory_space<vmem>>
      %gather3A_1690 = tpu.memref_squeeze %gather3A_1689 : memref<1x64x128xf32, #tpu.memory_space<vmem>> -> memref<64x128xf32, #tpu.memory_space<vmem>>
      %gather3A_1691 = tpu.vector_load_idx %gather3A_1690[%add3A_8, %broadcast_in_dim3A_1678] : memref<64x128xf32, #tpu.memory_space<vmem>>[vector<16xi32>, vector<16xi32>], vector<16xf32>,
      tpu.vector_store_idx %arg7[%add3A_8, %broadcast_in_dim3A_1679], %gather3A_1691 : memref<64x512xf32, #tpu.memory_space<vmem>>[vector<16xi32>, vector<16xi32>], vector<16xf32>,
      %gather3A_1692 = arith.constant 1 : i32
      %gather3A_1693 = arith.constant 0 : i32
      %gather3A_1694 = arith.constant 0 : i32
      %gather3A_1695 = tpu.memref_slice %arg6[%gather3A_1692, %gather3A_1693, %gather3A_1694] : memref<8x64x128xf32, #tpu.memory_space<vmem>> -> memref<1x64x128xf32, #tpu.memory_space<vmem>>
      %gather3A_1696 = tpu.memref_squeeze %gather3A_1695 : memref<1x64x128xf32, #tpu.memory_space<vmem>> -> memref<64x128xf32, #tpu.memory_space<vmem>>
      %gather3A_1697 = tpu.vector_load_idx %gather3A_1696[%add3A_11, %broadcast_in_dim3A_1678] : memref<64x128xf32, #tpu.memory_space<vmem>>[vector<16xi32>, vector<16xi32>], vector<16xf32>,
      tpu.vector_store_idx %arg7[%add3A_11, %broadcast_in_dim3A_1679], %gather3A_1697 : memref<64x512xf32, #tpu.memory_space<vmem>>[vector<16xi32>, vector<16xi32>], vector<16xf32>,
      %gather3A_1698 = arith.constant 1 : i32
      %gather3A_1699 = arith.constant 0 : i32
      %gather3A_1700 = arith.constant 0 : i32
      %gather3A_1701 = tpu.memref_slice %arg6[%gather3A_1698, %gather3A_1699, %gather3A_1700] : memref<8x64x128xf32, #tpu.memory_space<vmem>> -> memref<1x64x128xf32, #tpu.memory_space<vmem>>
      %gather3A_1702 = tpu.memref_squeeze %gather3A_1701 : memref<1x64x128xf32, #tpu.memory_space<vmem>> -> memref<64x128xf32, #tpu.memory_space<vmem>>
      %gather3A_1703 = tpu.vector_load_idx %gather3A_1702[%add3A_14, %broadcast_in_dim3A_1678] : memref<64x128xf32, #tpu.memory_space<vmem>>[vector<16xi32>, vector<16xi32>], vector<16xf32>,
      tpu.vector_store_idx %arg7[%add3A_14, %broadcast_in_dim3A_1679], %gather3A_1703 : memref<64x512xf32, #tpu.memory_space<vmem>>[vector<16xi32>, vector<16xi32>], vector<16xf32>,
      %slice3A_1704 = vector.extract_strided_slice %get3A_1051 {offsets = [1], sizes = [1], strides = [1]} : vector<16xi32> to vector<1xi32>
      %squeeze3A_1705 = vector.extract %slice3A_1704[0] : i32 from vector<1xi32>
      %and3A_1706 = arith.constant -128 : i32
      %and3A_1707 = arith.andi %squeeze3A_1705, %and3A_1706 : i32
      %multiple_of3A_1708 = tpu.assume_multiple %and3A_1707, 128 : i32
      %dma_start3A_1709 = arith.constant 1 : i32
      %dma_start3A_1710 = arith.constant 0 : i32
      %dma_start3A_1711 = arith.constant 0 : i32
      %dma_start3A_1712 = tpu.memref_slice %arg6[%dma_start3A_1709, %dma_start3A_1710, %dma_start3A_1711] : memref<8x64x128xf32, #tpu.memory_space<vmem>> -> memref<1x64x128xf32, #tpu.memory_space<vmem>>
      %dma_start3A_1713 = tpu.memref_squeeze %dma_start3A_1712 : memref<1x64x128xf32, #tpu.memory_space<vmem>> -> memref<64x128xf32, #tpu.memory_space<vmem>>
      %dma_start3A_1714 = arith.constant 0 : i32
      %dma_start3A_1715 = tpu.memref_slice %arg3[%dma_start3A_1714, %multiple_of3A_1708] : memref<64x1000000xf32, #tpu.memory_space<hbm>> -> memref<64x128xf32, #tpu.memory_space<hbm>>
      %dma_start3A_1716 = arith.constant 0 : i32
      %dma_start3A_1717 = arith.constant 0 : i32
      %dma_start3A_1718 = tpu.memref_slice %arg6[%dma_start3A_1709, %dma_start3A_1716, %dma_start3A_1717] : memref<8x64x128xf32, #tpu.memory_space<vmem>> -> memref<1x64x128xf32, #tpu.memory_space<vmem>>
      %dma_start3A_1719 = tpu.memref_squeeze %dma_start3A_1718 : memref<1x64x128xf32, #tpu.memory_space<vmem>> -> memref<64x128xf32, #tpu.memory_space<vmem>>
      %dma_start3A_1720 = arith.constant 0 : i32
      %dma_start3A_1721 = tpu.memref_slice %arg3[%dma_start3A_1720, %multiple_of3A_1708] : memref<64x1000000xf32, #tpu.memory_space<hbm>> -> memref<64x128xf32, #tpu.memory_space<hbm>>
      tpu.enqueue_dma source(%dma_start3A_1721 : memref<64x128xf32, #tpu.memory_space<hbm>>) target(%dma_start3A_1719 : memref<64x128xf32, #tpu.memory_space<vmem>>) target_semaphore(%arg9 : memref<!tpu.dma_semaphore, #tpu.memory_space<semaphore_mem>>)
      %dma_wait3A_1722 = arith.constant 2 : i32
      %dma_wait3A_1723 = arith.constant 0 : i32
      %dma_wait3A_1724 = arith.constant 0 : i32
      %dma_wait3A_1725 = tpu.memref_slice %arg6[%dma_wait3A_1722, %dma_wait3A_1723, %dma_wait3A_1724] : memref<8x64x128xf32, #tpu.memory_space<vmem>> -> memref<1x64x128xf32, #tpu.memory_space<vmem>>
      %dma_wait3A_1726 = tpu.memref_squeeze %dma_wait3A_1725 : memref<1x64x128xf32, #tpu.memory_space<vmem>> -> memref<64x128xf32, #tpu.memory_space<vmem>>
      %dma_wait3A_1727 = arith.constant 0 : i32
      %dma_wait3A_1728 = arith.constant 0 : i32
      %dma_wait3A_1729 = tpu.memref_slice %arg3[%dma_wait3A_1727, %dma_wait3A_1728] : memref<64x1000000xf32, #tpu.memory_space<hbm>> -> memref<64x128xf32, #tpu.memory_space<hbm>>
      %dma_wait3A_1730 = arith.constant 0 : i32
      %dma_wait3A_1731 = arith.constant 0 : i32
      %dma_wait3A_1732 = tpu.memref_slice %arg6[%dma_wait3A_1722, %dma_wait3A_1730, %dma_wait3A_1731] : memref<8x64x128xf32, #tpu.memory_space<vmem>> -> memref<1x64x128xf32, #tpu.memory_space<vmem>>
      %dma_wait3A_1733 = tpu.memref_squeeze %dma_wait3A_1732 : memref<1x64x128xf32, #tpu.memory_space<vmem>> -> memref<64x128xf32, #tpu.memory_space<vmem>>
      %dma_wait3A_1734 = arith.constant 0 : i32
      %dma_wait3A_1735 = arith.constant 0 : i32
      %dma_wait3A_1736 = tpu.memref_slice %arg3[%dma_wait3A_1734, %dma_wait3A_1735] : memref<64x1000000xf32, #tpu.memory_space<hbm>> -> memref<64x128xf32, #tpu.memory_space<hbm>>
      tpu.wait_dma2 semaphore(%arg10 : memref<!tpu.dma_semaphore, #tpu.memory_space<semaphore_mem>>) src(%dma_wait3A_1736 : memref<64x128xf32, #tpu.memory_space<hbm>>) dst(%dma_wait3A_1733 : memref<64x128xf32, #tpu.memory_space<vmem>>)
      %mul3A_1737 = arith.constant 16 : i32
      %mul3A_1738 = arith.muli %mul3A_1737, %scan3A_1040 : i32
      %add3A_1739 = arith.constant 10 : i32
      %add3A_1740 = arith.addi %mul3A_1738, %add3A_1739 : i32
      %slice3A_1741 = vector.extract_strided_slice %get3A_1045 {offsets = [10], sizes = [1], strides = [1]} : vector<16xi32> to vector<1xi32>
      %squeeze3A_1742 = vector.extract %slice3A_1741[0] : i32 from vector<1xi32>
      %and3A_1743 = arith.constant 127 : i32
      %and3A_1744 = arith.andi %squeeze3A_1742, %and3A_1743 : i32
      %broadcast_in_dim3A_1745 = vector.broadcast %and3A_1744 : i32 to vector<16xi32>
      %broadcast_in_dim3A_1746 = vector.broadcast %add3A_1740 : i32 to vector<16xi32>
      %gather3A_1747 = arith.constant 2 : i32
      %gather3A_1748 = arith.constant 0 : i32
      %gather3A_1749 = arith.constant 0 : i32
      %gather3A_1750 = tpu.memref_slice %arg6[%gather3A_1747, %gather3A_1748, %gather3A_1749] : memref<8x64x128xf32, #tpu.memory_space<vmem>> -> memref<1x64x128xf32, #tpu.memory_space<vmem>>
      %gather3A_1751 = tpu.memref_squeeze %gather3A_1750 : memref<1x64x128xf32, #tpu.memory_space<vmem>> -> memref<64x128xf32, #tpu.memory_space<vmem>>
      %gather3A_1752 = tpu.vector_load_idx %gather3A_1751[%add3A_5, %broadcast_in_dim3A_1745] : memref<64x128xf32, #tpu.memory_space<vmem>>[vector<16xi32>, vector<16xi32>], vector<16xf32>,
      tpu.vector_store_idx %arg7[%add3A_5, %broadcast_in_dim3A_1746], %gather3A_1752 : memref<64x512xf32, #tpu.memory_space<vmem>>[vector<16xi32>, vector<16xi32>], vector<16xf32>,
      %gather3A_1753 = arith.constant 2 : i32
      %gather3A_1754 = arith.constant 0 : i32
      %gather3A_1755 = arith.constant 0 : i32
      %gather3A_1756 = tpu.memref_slice %arg6[%gather3A_1753, %gather3A_1754, %gather3A_1755] : memref<8x64x128xf32, #tpu.memory_space<vmem>> -> memref<1x64x128xf32, #tpu.memory_space<vmem>>
      %gather3A_1757 = tpu.memref_squeeze %gather3A_1756 : memref<1x64x128xf32, #tpu.memory_space<vmem>> -> memref<64x128xf32, #tpu.memory_space<vmem>>
      %gather3A_1758 = tpu.vector_load_idx %gather3A_1757[%add3A_8, %broadcast_in_dim3A_1745] : memref<64x128xf32, #tpu.memory_space<vmem>>[vector<16xi32>, vector<16xi32>], vector<16xf32>,
      tpu.vector_store_idx %arg7[%add3A_8, %broadcast_in_dim3A_1746], %gather3A_1758 : memref<64x512xf32, #tpu.memory_space<vmem>>[vector<16xi32>, vector<16xi32>], vector<16xf32>,
      %gather3A_1759 = arith.constant 2 : i32
      %gather3A_1760 = arith.constant 0 : i32
      %gather3A_1761 = arith.constant 0 : i32
      %gather3A_1762 = tpu.memref_slice %arg6[%gather3A_1759, %gather3A_1760, %gather3A_1761] : memref<8x64x128xf32, #tpu.memory_space<vmem>> -> memref<1x64x128xf32, #tpu.memory_space<vmem>>
      %gather3A_1763 = tpu.memref_squeeze %gather3A_1762 : memref<1x64x128xf32, #tpu.memory_space<vmem>> -> memref<64x128xf32, #tpu.memory_space<vmem>>
      %gather3A_1764 = tpu.vector_load_idx %gather3A_1763[%add3A_11, %broadcast_in_dim3A_1745] : memref<64x128xf32, #tpu.memory_space<vmem>>[vector<16xi32>, vector<16xi32>], vector<16xf32>,
      tpu.vector_store_idx %arg7[%add3A_11, %broadcast_in_dim3A_1746], %gather3A_1764 : memref<64x512xf32, #tpu.memory_space<vmem>>[vector<16xi32>, vector<16xi32>], vector<16xf32>,
      %gather3A_1765 = arith.constant 2 : i32
      %gather3A_1766 = arith.constant 0 : i32
      %gather3A_1767 = arith.constant 0 : i32
      %gather3A_1768 = tpu.memref_slice %arg6[%gather3A_1765, %gather3A_1766, %gather3A_1767] : memref<8x64x128xf32, #tpu.memory_space<vmem>> -> memref<1x64x128xf32, #tpu.memory_space<vmem>>
      %gather3A_1769 = tpu.memref_squeeze %gather3A_1768 : memref<1x64x128xf32, #tpu.memory_space<vmem>> -> memref<64x128xf32, #tpu.memory_space<vmem>>
      %gather3A_1770 = tpu.vector_load_idx %gather3A_1769[%add3A_14, %broadcast_in_dim3A_1745] : memref<64x128xf32, #tpu.memory_space<vmem>>[vector<16xi32>, vector<16xi32>], vector<16xf32>,
      tpu.vector_store_idx %arg7[%add3A_14, %broadcast_in_dim3A_1746], %gather3A_1770 : memref<64x512xf32, #tpu.memory_space<vmem>>[vector<16xi32>, vector<16xi32>], vector<16xf32>,
      %slice3A_1771 = vector.extract_strided_slice %get3A_1051 {offsets = [2], sizes = [1], strides = [1]} : vector<16xi32> to vector<1xi32>
      %squeeze3A_1772 = vector.extract %slice3A_1771[0] : i32 from vector<1xi32>
      %and3A_1773 = arith.constant -128 : i32
      %and3A_1774 = arith.andi %squeeze3A_1772, %and3A_1773 : i32
      %multiple_of3A_1775 = tpu.assume_multiple %and3A_1774, 128 : i32
      %dma_start3A_1776 = arith.constant 2 : i32
      %dma_start3A_1777 = arith.constant 0 : i32
      %dma_start3A_1778 = arith.constant 0 : i32
      %dma_start3A_1779 = tpu.memref_slice %arg6[%dma_start3A_1776, %dma_start3A_1777, %dma_start3A_1778] : memref<8x64x128xf32, #tpu.memory_space<vmem>> -> memref<1x64x128xf32, #tpu.memory_space<vmem>>
      %dma_start3A_1780 = tpu.memref_squeeze %dma_start3A_1779 : memref<1x64x128xf32, #tpu.memory_space<vmem>> -> memref<64x128xf32, #tpu.memory_space<vmem>>
      %dma_start3A_1781 = arith.constant 0 : i32
      %dma_start3A_1782 = tpu.memref_slice %arg3[%dma_start3A_1781, %multiple_of3A_1775] : memref<64x1000000xf32, #tpu.memory_space<hbm>> -> memref<64x128xf32, #tpu.memory_space<hbm>>
      %dma_start3A_1783 = arith.constant 0 : i32
      %dma_start3A_1784 = arith.constant 0 : i32
      %dma_start3A_1785 = tpu.memref_slice %arg6[%dma_start3A_1776, %dma_start3A_1783, %dma_start3A_1784] : memref<8x64x128xf32, #tpu.memory_space<vmem>> -> memref<1x64x128xf32, #tpu.memory_space<vmem>>
      %dma_start3A_1786 = tpu.memref_squeeze %dma_start3A_1785 : memref<1x64x128xf32, #tpu.memory_space<vmem>> -> memref<64x128xf32, #tpu.memory_space<vmem>>
      %dma_start3A_1787 = arith.constant 0 : i32
      %dma_start3A_1788 = tpu.memref_slice %arg3[%dma_start3A_1787, %multiple_of3A_1775] : memref<64x1000000xf32, #tpu.memory_space<hbm>> -> memref<64x128xf32, #tpu.memory_space<hbm>>
      tpu.enqueue_dma source(%dma_start3A_1788 : memref<64x128xf32, #tpu.memory_space<hbm>>) target(%dma_start3A_1786 : memref<64x128xf32, #tpu.memory_space<vmem>>) target_semaphore(%arg10 : memref<!tpu.dma_semaphore, #tpu.memory_space<semaphore_mem>>)
      %dma_wait3A_1789 = arith.constant 3 : i32
      %dma_wait3A_1790 = arith.constant 0 : i32
      %dma_wait3A_1791 = arith.constant 0 : i32
      %dma_wait3A_1792 = tpu.memref_slice %arg6[%dma_wait3A_1789, %dma_wait3A_1790, %dma_wait3A_1791] : memref<8x64x128xf32, #tpu.memory_space<vmem>> -> memref<1x64x128xf32, #tpu.memory_space<vmem>>
      %dma_wait3A_1793 = tpu.memref_squeeze %dma_wait3A_1792 : memref<1x64x128xf32, #tpu.memory_space<vmem>> -> memref<64x128xf32, #tpu.memory_space<vmem>>
      %dma_wait3A_1794 = arith.constant 0 : i32
      %dma_wait3A_1795 = arith.constant 0 : i32
      %dma_wait3A_1796 = tpu.memref_slice %arg3[%dma_wait3A_1794, %dma_wait3A_1795] : memref<64x1000000xf32, #tpu.memory_space<hbm>> -> memref<64x128xf32, #tpu.memory_space<hbm>>
      %dma_wait3A_1797 = arith.constant 0 : i32
      %dma_wait3A_1798 = arith.constant 0 : i32
      %dma_wait3A_1799 = tpu.memref_slice %arg6[%dma_wait3A_1789, %dma_wait3A_1797, %dma_wait3A_1798] : memref<8x64x128xf32, #tpu.memory_space<vmem>> -> memref<1x64x128xf32, #tpu.memory_space<vmem>>
      %dma_wait3A_1800 = tpu.memref_squeeze %dma_wait3A_1799 : memref<1x64x128xf32, #tpu.memory_space<vmem>> -> memref<64x128xf32, #tpu.memory_space<vmem>>
      %dma_wait3A_1801 = arith.constant 0 : i32
      %dma_wait3A_1802 = arith.constant 0 : i32
      %dma_wait3A_1803 = tpu.memref_slice %arg3[%dma_wait3A_1801, %dma_wait3A_1802] : memref<64x1000000xf32, #tpu.memory_space<hbm>> -> memref<64x128xf32, #tpu.memory_space<hbm>>
      tpu.wait_dma2 semaphore(%arg11 : memref<!tpu.dma_semaphore, #tpu.memory_space<semaphore_mem>>) src(%dma_wait3A_1803 : memref<64x128xf32, #tpu.memory_space<hbm>>) dst(%dma_wait3A_1800 : memref<64x128xf32, #tpu.memory_space<vmem>>)
      %mul3A_1804 = arith.constant 16 : i32
      %mul3A_1805 = arith.muli %mul3A_1804, %scan3A_1040 : i32
      %add3A_1806 = arith.constant 11 : i32
      %add3A_1807 = arith.addi %mul3A_1805, %add3A_1806 : i32
      %slice3A_1808 = vector.extract_strided_slice %get3A_1045 {offsets = [11], sizes = [1], strides = [1]} : vector<16xi32> to vector<1xi32>
      %squeeze3A_1809 = vector.extract %slice3A_1808[0] : i32 from vector<1xi32>
      %and3A_1810 = arith.constant 127 : i32
      %and3A_1811 = arith.andi %squeeze3A_1809, %and3A_1810 : i32
      %broadcast_in_dim3A_1812 = vector.broadcast %and3A_1811 : i32 to vector<16xi32>
      %broadcast_in_dim3A_1813 = vector.broadcast %add3A_1807 : i32 to vector<16xi32>
      %gather3A_1814 = arith.constant 3 : i32
      %gather3A_1815 = arith.constant 0 : i32
      %gather3A_1816 = arith.constant 0 : i32
      %gather3A_1817 = tpu.memref_slice %arg6[%gather3A_1814, %gather3A_1815, %gather3A_1816] : memref<8x64x128xf32, #tpu.memory_space<vmem>> -> memref<1x64x128xf32, #tpu.memory_space<vmem>>
      %gather3A_1818 = tpu.memref_squeeze %gather3A_1817 : memref<1x64x128xf32, #tpu.memory_space<vmem>> -> memref<64x128xf32, #tpu.memory_space<vmem>>
      %gather3A_1819 = tpu.vector_load_idx %gather3A_1818[%add3A_5, %broadcast_in_dim3A_1812] : memref<64x128xf32, #tpu.memory_space<vmem>>[vector<16xi32>, vector<16xi32>], vector<16xf32>,
      tpu.vector_store_idx %arg7[%add3A_5, %broadcast_in_dim3A_1813], %gather3A_1819 : memref<64x512xf32, #tpu.memory_space<vmem>>[vector<16xi32>, vector<16xi32>], vector<16xf32>,
      %gather3A_1820 = arith.constant 3 : i32
      %gather3A_1821 = arith.constant 0 : i32
      %gather3A_1822 = arith.constant 0 : i32
      %gather3A_1823 = tpu.memref_slice %arg6[%gather3A_1820, %gather3A_1821, %gather3A_1822] : memref<8x64x128xf32, #tpu.memory_space<vmem>> -> memref<1x64x128xf32, #tpu.memory_space<vmem>>
      %gather3A_1824 = tpu.memref_squeeze %gather3A_1823 : memref<1x64x128xf32, #tpu.memory_space<vmem>> -> memref<64x128xf32, #tpu.memory_space<vmem>>
      %gather3A_1825 = tpu.vector_load_idx %gather3A_1824[%add3A_8, %broadcast_in_dim3A_1812] : memref<64x128xf32, #tpu.memory_space<vmem>>[vector<16xi32>, vector<16xi32>], vector<16xf32>,
      tpu.vector_store_idx %arg7[%add3A_8, %broadcast_in_dim3A_1813], %gather3A_1825 : memref<64x512xf32, #tpu.memory_space<vmem>>[vector<16xi32>, vector<16xi32>], vector<16xf32>,
      %gather3A_1826 = arith.constant 3 : i32
      %gather3A_1827 = arith.constant 0 : i32
      %gather3A_1828 = arith.constant 0 : i32
      %gather3A_1829 = tpu.memref_slice %arg6[%gather3A_1826, %gather3A_1827, %gather3A_1828] : memref<8x64x128xf32, #tpu.memory_space<vmem>> -> memref<1x64x128xf32, #tpu.memory_space<vmem>>
      %gather3A_1830 = tpu.memref_squeeze %gather3A_1829 : memref<1x64x128xf32, #tpu.memory_space<vmem>> -> memref<64x128xf32, #tpu.memory_space<vmem>>
      %gather3A_1831 = tpu.vector_load_idx %gather3A_1830[%add3A_11, %broadcast_in_dim3A_1812] : memref<64x128xf32, #tpu.memory_space<vmem>>[vector<16xi32>, vector<16xi32>], vector<16xf32>,
      tpu.vector_store_idx %arg7[%add3A_11, %broadcast_in_dim3A_1813], %gather3A_1831 : memref<64x512xf32, #tpu.memory_space<vmem>>[vector<16xi32>, vector<16xi32>], vector<16xf32>,
      %gather3A_1832 = arith.constant 3 : i32
      %gather3A_1833 = arith.constant 0 : i32
      %gather3A_1834 = arith.constant 0 : i32
      %gather3A_1835 = tpu.memref_slice %arg6[%gather3A_1832, %gather3A_1833, %gather3A_1834] : memref<8x64x128xf32, #tpu.memory_space<vmem>> -> memref<1x64x128xf32, #tpu.memory_space<vmem>>
      %gather3A_1836 = tpu.memref_squeeze %gather3A_1835 : memref<1x64x128xf32, #tpu.memory_space<vmem>> -> memref<64x128xf32, #tpu.memory_space<vmem>>
      %gather3A_1837 = tpu.vector_load_idx %gather3A_1836[%add3A_14, %broadcast_in_dim3A_1812] : memref<64x128xf32, #tpu.memory_space<vmem>>[vector<16xi32>, vector<16xi32>], vector<16xf32>,
      tpu.vector_store_idx %arg7[%add3A_14, %broadcast_in_dim3A_1813], %gather3A_1837 : memref<64x512xf32, #tpu.memory_space<vmem>>[vector<16xi32>, vector<16xi32>], vector<16xf32>,
      %slice3A_1838 = vector.extract_strided_slice %get3A_1051 {offsets = [3], sizes = [1], strides = [1]} : vector<16xi32> to vector<1xi32>
      %squeeze3A_1839 = vector.extract %slice3A_1838[0] : i32 from vector<1xi32>
      %and3A_1840 = arith.constant -128 : i32
      %and3A_1841 = arith.andi %squeeze3A_1839, %and3A_1840 : i32
      %multiple_of3A_1842 = tpu.assume_multiple %and3A_1841, 128 : i32
      %dma_start3A_1843 = arith.constant 3 : i32
      %dma_start3A_1844 = arith.constant 0 : i32
      %dma_start3A_1845 = arith.constant 0 : i32
      %dma_start3A_1846 = tpu.memref_slice %arg6[%dma_start3A_1843, %dma_start3A_1844, %dma_start3A_1845] : memref<8x64x128xf32, #tpu.memory_space<vmem>> -> memref<1x64x128xf32, #tpu.memory_space<vmem>>
      %dma_start3A_1847 = tpu.memref_squeeze %dma_start3A_1846 : memref<1x64x128xf32, #tpu.memory_space<vmem>> -> memref<64x128xf32, #tpu.memory_space<vmem>>
      %dma_start3A_1848 = arith.constant 0 : i32
      %dma_start3A_1849 = tpu.memref_slice %arg3[%dma_start3A_1848, %multiple_of3A_1842] : memref<64x1000000xf32, #tpu.memory_space<hbm>> -> memref<64x128xf32, #tpu.memory_space<hbm>>
      %dma_start3A_1850 = arith.constant 0 : i32
      %dma_start3A_1851 = arith.constant 0 : i32
      %dma_start3A_1852 = tpu.memref_slice %arg6[%dma_start3A_1843, %dma_start3A_1850, %dma_start3A_1851] : memref<8x64x128xf32, #tpu.memory_space<vmem>> -> memref<1x64x128xf32, #tpu.memory_space<vmem>>
      %dma_start3A_1853 = tpu.memref_squeeze %dma_start3A_1852 : memref<1x64x128xf32, #tpu.memory_space<vmem>> -> memref<64x128xf32, #tpu.memory_space<vmem>>
      %dma_start3A_1854 = arith.constant 0 : i32
      %dma_start3A_1855 = tpu.memref_slice %arg3[%dma_start3A_1854, %multiple_of3A_1842] : memref<64x1000000xf32, #tpu.memory_space<hbm>> -> memref<64x128xf32, #tpu.memory_space<hbm>>
      tpu.enqueue_dma source(%dma_start3A_1855 : memref<64x128xf32, #tpu.memory_space<hbm>>) target(%dma_start3A_1853 : memref<64x128xf32, #tpu.memory_space<vmem>>) target_semaphore(%arg11 : memref<!tpu.dma_semaphore, #tpu.memory_space<semaphore_mem>>)
      %dma_wait3A_1856 = arith.constant 4 : i32
      %dma_wait3A_1857 = arith.constant 0 : i32
      %dma_wait3A_1858 = arith.constant 0 : i32
      %dma_wait3A_1859 = tpu.memref_slice %arg6[%dma_wait3A_1856, %dma_wait3A_1857, %dma_wait3A_1858] : memref<8x64x128xf32, #tpu.memory_space<vmem>> -> memref<1x64x128xf32, #tpu.memory_space<vmem>>
      %dma_wait3A_1860 = tpu.memref_squeeze %dma_wait3A_1859 : memref<1x64x128xf32, #tpu.memory_space<vmem>> -> memref<64x128xf32, #tpu.memory_space<vmem>>
      %dma_wait3A_1861 = arith.constant 0 : i32
      %dma_wait3A_1862 = arith.constant 0 : i32
      %dma_wait3A_1863 = tpu.memref_slice %arg3[%dma_wait3A_1861, %dma_wait3A_1862] : memref<64x1000000xf32, #tpu.memory_space<hbm>> -> memref<64x128xf32, #tpu.memory_space<hbm>>
      %dma_wait3A_1864 = arith.constant 0 : i32
      %dma_wait3A_1865 = arith.constant 0 : i32
      %dma_wait3A_1866 = tpu.memref_slice %arg6[%dma_wait3A_1856, %dma_wait3A_1864, %dma_wait3A_1865] : memref<8x64x128xf32, #tpu.memory_space<vmem>> -> memref<1x64x128xf32, #tpu.memory_space<vmem>>
      %dma_wait3A_1867 = tpu.memref_squeeze %dma_wait3A_1866 : memref<1x64x128xf32, #tpu.memory_space<vmem>> -> memref<64x128xf32, #tpu.memory_space<vmem>>
      %dma_wait3A_1868 = arith.constant 0 : i32
      %dma_wait3A_1869 = arith.constant 0 : i32
      %dma_wait3A_1870 = tpu.memref_slice %arg3[%dma_wait3A_1868, %dma_wait3A_1869] : memref<64x1000000xf32, #tpu.memory_space<hbm>> -> memref<64x128xf32, #tpu.memory_space<hbm>>
      tpu.wait_dma2 semaphore(%arg12 : memref<!tpu.dma_semaphore, #tpu.memory_space<semaphore_mem>>) src(%dma_wait3A_1870 : memref<64x128xf32, #tpu.memory_space<hbm>>) dst(%dma_wait3A_1867 : memref<64x128xf32, #tpu.memory_space<vmem>>)
      %mul3A_1871 = arith.constant 16 : i32
      %mul3A_1872 = arith.muli %mul3A_1871, %scan3A_1040 : i32
      %add3A_1873 = arith.constant 12 : i32
      %add3A_1874 = arith.addi %mul3A_1872, %add3A_1873 : i32
      %slice3A_1875 = vector.extract_strided_slice %get3A_1045 {offsets = [12], sizes = [1], strides = [1]} : vector<16xi32> to vector<1xi32>
      %squeeze3A_1876 = vector.extract %slice3A_1875[0] : i32 from vector<1xi32>
      %and3A_1877 = arith.constant 127 : i32
      %and3A_1878 = arith.andi %squeeze3A_1876, %and3A_1877 : i32
      %broadcast_in_dim3A_1879 = vector.broadcast %and3A_1878 : i32 to vector<16xi32>
      %broadcast_in_dim3A_1880 = vector.broadcast %add3A_1874 : i32 to vector<16xi32>
      %gather3A_1881 = arith.constant 4 : i32
      %gather3A_1882 = arith.constant 0 : i32
      %gather3A_1883 = arith.constant 0 : i32
      %gather3A_1884 = tpu.memref_slice %arg6[%gather3A_1881, %gather3A_1882, %gather3A_1883] : memref<8x64x128xf32, #tpu.memory_space<vmem>> -> memref<1x64x128xf32, #tpu.memory_space<vmem>>
      %gather3A_1885 = tpu.memref_squeeze %gather3A_1884 : memref<1x64x128xf32, #tpu.memory_space<vmem>> -> memref<64x128xf32, #tpu.memory_space<vmem>>
      %gather3A_1886 = tpu.vector_load_idx %gather3A_1885[%add3A_5, %broadcast_in_dim3A_1879] : memref<64x128xf32, #tpu.memory_space<vmem>>[vector<16xi32>, vector<16xi32>], vector<16xf32>,
      tpu.vector_store_idx %arg7[%add3A_5, %broadcast_in_dim3A_1880], %gather3A_1886 : memref<64x512xf32, #tpu.memory_space<vmem>>[vector<16xi32>, vector<16xi32>], vector<16xf32>,
      %gather3A_1887 = arith.constant 4 : i32
      %gather3A_1888 = arith.constant 0 : i32
      %gather3A_1889 = arith.constant 0 : i32
      %gather3A_1890 = tpu.memref_slice %arg6[%gather3A_1887, %gather3A_1888, %gather3A_1889] : memref<8x64x128xf32, #tpu.memory_space<vmem>> -> memref<1x64x128xf32, #tpu.memory_space<vmem>>
      %gather3A_1891 = tpu.memref_squeeze %gather3A_1890 : memref<1x64x128xf32, #tpu.memory_space<vmem>> -> memref<64x128xf32, #tpu.memory_space<vmem>>
      %gather3A_1892 = tpu.vector_load_idx %gather3A_1891[%add3A_8, %broadcast_in_dim3A_1879] : memref<64x128xf32, #tpu.memory_space<vmem>>[vector<16xi32>, vector<16xi32>], vector<16xf32>,
      tpu.vector_store_idx %arg7[%add3A_8, %broadcast_in_dim3A_1880], %gather3A_1892 : memref<64x512xf32, #tpu.memory_space<vmem>>[vector<16xi32>, vector<16xi32>], vector<16xf32>,
      %gather3A_1893 = arith.constant 4 : i32
      %gather3A_1894 = arith.constant 0 : i32
      %gather3A_1895 = arith.constant 0 : i32
      %gather3A_1896 = tpu.memref_slice %arg6[%gather3A_1893, %gather3A_1894, %gather3A_1895] : memref<8x64x128xf32, #tpu.memory_space<vmem>> -> memref<1x64x128xf32, #tpu.memory_space<vmem>>
      %gather3A_1897 = tpu.memref_squeeze %gather3A_1896 : memref<1x64x128xf32, #tpu.memory_space<vmem>> -> memref<64x128xf32, #tpu.memory_space<vmem>>
      %gather3A_1898 = tpu.vector_load_idx %gather3A_1897[%add3A_11, %broadcast_in_dim3A_1879] : memref<64x128xf32, #tpu.memory_space<vmem>>[vector<16xi32>, vector<16xi32>], vector<16xf32>,
      tpu.vector_store_idx %arg7[%add3A_11, %broadcast_in_dim3A_1880], %gather3A_1898 : memref<64x512xf32, #tpu.memory_space<vmem>>[vector<16xi32>, vector<16xi32>], vector<16xf32>,
      %gather3A_1899 = arith.constant 4 : i32
      %gather3A_1900 = arith.constant 0 : i32
      %gather3A_1901 = arith.constant 0 : i32
      %gather3A_1902 = tpu.memref_slice %arg6[%gather3A_1899, %gather3A_1900, %gather3A_1901] : memref<8x64x128xf32, #tpu.memory_space<vmem>> -> memref<1x64x128xf32, #tpu.memory_space<vmem>>
      %gather3A_1903 = tpu.memref_squeeze %gather3A_1902 : memref<1x64x128xf32, #tpu.memory_space<vmem>> -> memref<64x128xf32, #tpu.memory_space<vmem>>
      %gather3A_1904 = tpu.vector_load_idx %gather3A_1903[%add3A_14, %broadcast_in_dim3A_1879] : memref<64x128xf32, #tpu.memory_space<vmem>>[vector<16xi32>, vector<16xi32>], vector<16xf32>,
      tpu.vector_store_idx %arg7[%add3A_14, %broadcast_in_dim3A_1880], %gather3A_1904 : memref<64x512xf32, #tpu.memory_space<vmem>>[vector<16xi32>, vector<16xi32>], vector<16xf32>,
      %slice3A_1905 = vector.extract_strided_slice %get3A_1051 {offsets = [4], sizes = [1], strides = [1]} : vector<16xi32> to vector<1xi32>
      %squeeze3A_1906 = vector.extract %slice3A_1905[0] : i32 from vector<1xi32>
      %and3A_1907 = arith.constant -128 : i32
      %and3A_1908 = arith.andi %squeeze3A_1906, %and3A_1907 : i32
      %multiple_of3A_1909 = tpu.assume_multiple %and3A_1908, 128 : i32
      %dma_start3A_1910 = arith.constant 4 : i32
      %dma_start3A_1911 = arith.constant 0 : i32
      %dma_start3A_1912 = arith.constant 0 : i32
      %dma_start3A_1913 = tpu.memref_slice %arg6[%dma_start3A_1910, %dma_start3A_1911, %dma_start3A_1912] : memref<8x64x128xf32, #tpu.memory_space<vmem>> -> memref<1x64x128xf32, #tpu.memory_space<vmem>>
      %dma_start3A_1914 = tpu.memref_squeeze %dma_start3A_1913 : memref<1x64x128xf32, #tpu.memory_space<vmem>> -> memref<64x128xf32, #tpu.memory_space<vmem>>
      %dma_start3A_1915 = arith.constant 0 : i32
      %dma_start3A_1916 = tpu.memref_slice %arg3[%dma_start3A_1915, %multiple_of3A_1909] : memref<64x1000000xf32, #tpu.memory_space<hbm>> -> memref<64x128xf32, #tpu.memory_space<hbm>>
      %dma_start3A_1917 = arith.constant 0 : i32
      %dma_start3A_1918 = arith.constant 0 : i32
      %dma_start3A_1919 = tpu.memref_slice %arg6[%dma_start3A_1910, %dma_start3A_1917, %dma_start3A_1918] : memref<8x64x128xf32, #tpu.memory_space<vmem>> -> memref<1x64x128xf32, #tpu.memory_space<vmem>>
      %dma_start3A_1920 = tpu.memref_squeeze %dma_start3A_1919 : memref<1x64x128xf32, #tpu.memory_space<vmem>> -> memref<64x128xf32, #tpu.memory_space<vmem>>
      %dma_start3A_1921 = arith.constant 0 : i32
      %dma_start3A_1922 = tpu.memref_slice %arg3[%dma_start3A_1921, %multiple_of3A_1909] : memref<64x1000000xf32, #tpu.memory_space<hbm>> -> memref<64x128xf32, #tpu.memory_space<hbm>>
      tpu.enqueue_dma source(%dma_start3A_1922 : memref<64x128xf32, #tpu.memory_space<hbm>>) target(%dma_start3A_1920 : memref<64x128xf32, #tpu.memory_space<vmem>>) target_semaphore(%arg12 : memref<!tpu.dma_semaphore, #tpu.memory_space<semaphore_mem>>)
      %dma_wait3A_1923 = arith.constant 5 : i32
      %dma_wait3A_1924 = arith.constant 0 : i32
      %dma_wait3A_1925 = arith.constant 0 : i32
      %dma_wait3A_1926 = tpu.memref_slice %arg6[%dma_wait3A_1923, %dma_wait3A_1924, %dma_wait3A_1925] : memref<8x64x128xf32, #tpu.memory_space<vmem>> -> memref<1x64x128xf32, #tpu.memory_space<vmem>>
      %dma_wait3A_1927 = tpu.memref_squeeze %dma_wait3A_1926 : memref<1x64x128xf32, #tpu.memory_space<vmem>> -> memref<64x128xf32, #tpu.memory_space<vmem>>
      %dma_wait3A_1928 = arith.constant 0 : i32
      %dma_wait3A_1929 = arith.constant 0 : i32
      %dma_wait3A_1930 = tpu.memref_slice %arg3[%dma_wait3A_1928, %dma_wait3A_1929] : memref<64x1000000xf32, #tpu.memory_space<hbm>> -> memref<64x128xf32, #tpu.memory_space<hbm>>
      %dma_wait3A_1931 = arith.constant 0 : i32
      %dma_wait3A_1932 = arith.constant 0 : i32
      %dma_wait3A_1933 = tpu.memref_slice %arg6[%dma_wait3A_1923, %dma_wait3A_1931, %dma_wait3A_1932] : memref<8x64x128xf32, #tpu.memory_space<vmem>> -> memref<1x64x128xf32, #tpu.memory_space<vmem>>
      %dma_wait3A_1934 = tpu.memref_squeeze %dma_wait3A_1933 : memref<1x64x128xf32, #tpu.memory_space<vmem>> -> memref<64x128xf32, #tpu.memory_space<vmem>>
      %dma_wait3A_1935 = arith.constant 0 : i32
      %dma_wait3A_1936 = arith.constant 0 : i32
      %dma_wait3A_1937 = tpu.memref_slice %arg3[%dma_wait3A_1935, %dma_wait3A_1936] : memref<64x1000000xf32, #tpu.memory_space<hbm>> -> memref<64x128xf32, #tpu.memory_space<hbm>>
      tpu.wait_dma2 semaphore(%arg13 : memref<!tpu.dma_semaphore, #tpu.memory_space<semaphore_mem>>) src(%dma_wait3A_1937 : memref<64x128xf32, #tpu.memory_space<hbm>>) dst(%dma_wait3A_1934 : memref<64x128xf32, #tpu.memory_space<vmem>>)
      %mul3A_1938 = arith.constant 16 : i32
      %mul3A_1939 = arith.muli %mul3A_1938, %scan3A_1040 : i32
      %add3A_1940 = arith.constant 13 : i32
      %add3A_1941 = arith.addi %mul3A_1939, %add3A_1940 : i32
      %slice3A_1942 = vector.extract_strided_slice %get3A_1045 {offsets = [13], sizes = [1], strides = [1]} : vector<16xi32> to vector<1xi32>
      %squeeze3A_1943 = vector.extract %slice3A_1942[0] : i32 from vector<1xi32>
      %and3A_1944 = arith.constant 127 : i32
      %and3A_1945 = arith.andi %squeeze3A_1943, %and3A_1944 : i32
      %broadcast_in_dim3A_1946 = vector.broadcast %and3A_1945 : i32 to vector<16xi32>
      %broadcast_in_dim3A_1947 = vector.broadcast %add3A_1941 : i32 to vector<16xi32>
      %gather3A_1948 = arith.constant 5 : i32
      %gather3A_1949 = arith.constant 0 : i32
      %gather3A_1950 = arith.constant 0 : i32
      %gather3A_1951 = tpu.memref_slice %arg6[%gather3A_1948, %gather3A_1949, %gather3A_1950] : memref<8x64x128xf32, #tpu.memory_space<vmem>> -> memref<1x64x128xf32, #tpu.memory_space<vmem>>
      %gather3A_1952 = tpu.memref_squeeze %gather3A_1951 : memref<1x64x128xf32, #tpu.memory_space<vmem>> -> memref<64x128xf32, #tpu.memory_space<vmem>>
      %gather3A_1953 = tpu.vector_load_idx %gather3A_1952[%add3A_5, %broadcast_in_dim3A_1946] : memref<64x128xf32, #tpu.memory_space<vmem>>[vector<16xi32>, vector<16xi32>], vector<16xf32>,
      tpu.vector_store_idx %arg7[%add3A_5, %broadcast_in_dim3A_1947], %gather3A_1953 : memref<64x512xf32, #tpu.memory_space<vmem>>[vector<16xi32>, vector<16xi32>], vector<16xf32>,
      %gather3A_1954 = arith.constant 5 : i32
      %gather3A_1955 = arith.constant 0 : i32
      %gather3A_1956 = arith.constant 0 : i32
      %gather3A_1957 = tpu.memref_slice %arg6[%gather3A_1954, %gather3A_1955, %gather3A_1956] : memref<8x64x128xf32, #tpu.memory_space<vmem>> -> memref<1x64x128xf32, #tpu.memory_space<vmem>>
      %gather3A_1958 = tpu.memref_squeeze %gather3A_1957 : memref<1x64x128xf32, #tpu.memory_space<vmem>> -> memref<64x128xf32, #tpu.memory_space<vmem>>
      %gather3A_1959 = tpu.vector_load_idx %gather3A_1958[%add3A_8, %broadcast_in_dim3A_1946] : memref<64x128xf32, #tpu.memory_space<vmem>>[vector<16xi32>, vector<16xi32>], vector<16xf32>,
      tpu.vector_store_idx %arg7[%add3A_8, %broadcast_in_dim3A_1947], %gather3A_1959 : memref<64x512xf32, #tpu.memory_space<vmem>>[vector<16xi32>, vector<16xi32>], vector<16xf32>,
      %gather3A_1960 = arith.constant 5 : i32
      %gather3A_1961 = arith.constant 0 : i32
      %gather3A_1962 = arith.constant 0 : i32
      %gather3A_1963 = tpu.memref_slice %arg6[%gather3A_1960, %gather3A_1961, %gather3A_1962] : memref<8x64x128xf32, #tpu.memory_space<vmem>> -> memref<1x64x128xf32, #tpu.memory_space<vmem>>
      %gather3A_1964 = tpu.memref_squeeze %gather3A_1963 : memref<1x64x128xf32, #tpu.memory_space<vmem>> -> memref<64x128xf32, #tpu.memory_space<vmem>>
      %gather3A_1965 = tpu.vector_load_idx %gather3A_1964[%add3A_11, %broadcast_in_dim3A_1946] : memref<64x128xf32, #tpu.memory_space<vmem>>[vector<16xi32>, vector<16xi32>], vector<16xf32>,
      tpu.vector_store_idx %arg7[%add3A_11, %broadcast_in_dim3A_1947], %gather3A_1965 : memref<64x512xf32, #tpu.memory_space<vmem>>[vector<16xi32>, vector<16xi32>], vector<16xf32>,
      %gather3A_1966 = arith.constant 5 : i32
      %gather3A_1967 = arith.constant 0 : i32
      %gather3A_1968 = arith.constant 0 : i32
      %gather3A_1969 = tpu.memref_slice %arg6[%gather3A_1966, %gather3A_1967, %gather3A_1968] : memref<8x64x128xf32, #tpu.memory_space<vmem>> -> memref<1x64x128xf32, #tpu.memory_space<vmem>>
      %gather3A_1970 = tpu.memref_squeeze %gather3A_1969 : memref<1x64x128xf32, #tpu.memory_space<vmem>> -> memref<64x128xf32, #tpu.memory_space<vmem>>
      %gather3A_1971 = tpu.vector_load_idx %gather3A_1970[%add3A_14, %broadcast_in_dim3A_1946] : memref<64x128xf32, #tpu.memory_space<vmem>>[vector<16xi32>, vector<16xi32>], vector<16xf32>,
      tpu.vector_store_idx %arg7[%add3A_14, %broadcast_in_dim3A_1947], %gather3A_1971 : memref<64x512xf32, #tpu.memory_space<vmem>>[vector<16xi32>, vector<16xi32>], vector<16xf32>,
      %slice3A_1972 = vector.extract_strided_slice %get3A_1051 {offsets = [5], sizes = [1], strides = [1]} : vector<16xi32> to vector<1xi32>
      %squeeze3A_1973 = vector.extract %slice3A_1972[0] : i32 from vector<1xi32>
      %and3A_1974 = arith.constant -128 : i32
      %and3A_1975 = arith.andi %squeeze3A_1973, %and3A_1974 : i32
      %multiple_of3A_1976 = tpu.assume_multiple %and3A_1975, 128 : i32
      %dma_start3A_1977 = arith.constant 5 : i32
      %dma_start3A_1978 = arith.constant 0 : i32
      %dma_start3A_1979 = arith.constant 0 : i32
      %dma_start3A_1980 = tpu.memref_slice %arg6[%dma_start3A_1977, %dma_start3A_1978, %dma_start3A_1979] : memref<8x64x128xf32, #tpu.memory_space<vmem>> -> memref<1x64x128xf32, #tpu.memory_space<vmem>>
      %dma_start3A_1981 = tpu.memref_squeeze %dma_start3A_1980 : memref<1x64x128xf32, #tpu.memory_space<vmem>> -> memref<64x128xf32, #tpu.memory_space<vmem>>
      %dma_start3A_1982 = arith.constant 0 : i32
      %dma_start3A_1983 = tpu.memref_slice %arg3[%dma_start3A_1982, %multiple_of3A_1976] : memref<64x1000000xf32, #tpu.memory_space<hbm>> -> memref<64x128xf32, #tpu.memory_space<hbm>>
      %dma_start3A_1984 = arith.constant 0 : i32
      %dma_start3A_1985 = arith.constant 0 : i32
      %dma_start3A_1986 = tpu.memref_slice %arg6[%dma_start3A_1977, %dma_start3A_1984, %dma_start3A_1985] : memref<8x64x128xf32, #tpu.memory_space<vmem>> -> memref<1x64x128xf32, #tpu.memory_space<vmem>>
      %dma_start3A_1987 = tpu.memref_squeeze %dma_start3A_1986 : memref<1x64x128xf32, #tpu.memory_space<vmem>> -> memref<64x128xf32, #tpu.memory_space<vmem>>
      %dma_start3A_1988 = arith.constant 0 : i32
      %dma_start3A_1989 = tpu.memref_slice %arg3[%dma_start3A_1988, %multiple_of3A_1976] : memref<64x1000000xf32, #tpu.memory_space<hbm>> -> memref<64x128xf32, #tpu.memory_space<hbm>>
      tpu.enqueue_dma source(%dma_start3A_1989 : memref<64x128xf32, #tpu.memory_space<hbm>>) target(%dma_start3A_1987 : memref<64x128xf32, #tpu.memory_space<vmem>>) target_semaphore(%arg13 : memref<!tpu.dma_semaphore, #tpu.memory_space<semaphore_mem>>)
      %dma_wait3A_1990 = arith.constant 6 : i32
      %dma_wait3A_1991 = arith.constant 0 : i32
      %dma_wait3A_1992 = arith.constant 0 : i32
      %dma_wait3A_1993 = tpu.memref_slice %arg6[%dma_wait3A_1990, %dma_wait3A_1991, %dma_wait3A_1992] : memref<8x64x128xf32, #tpu.memory_space<vmem>> -> memref<1x64x128xf32, #tpu.memory_space<vmem>>
      %dma_wait3A_1994 = tpu.memref_squeeze %dma_wait3A_1993 : memref<1x64x128xf32, #tpu.memory_space<vmem>> -> memref<64x128xf32, #tpu.memory_space<vmem>>
      %dma_wait3A_1995 = arith.constant 0 : i32
      %dma_wait3A_1996 = arith.constant 0 : i32
      %dma_wait3A_1997 = tpu.memref_slice %arg3[%dma_wait3A_1995, %dma_wait3A_1996] : memref<64x1000000xf32, #tpu.memory_space<hbm>> -> memref<64x128xf32, #tpu.memory_space<hbm>>
      %dma_wait3A_1998 = arith.constant 0 : i32
      %dma_wait3A_1999 = arith.constant 0 : i32
      %dma_wait3A_2000 = tpu.memref_slice %arg6[%dma_wait3A_1990, %dma_wait3A_1998, %dma_wait3A_1999] : memref<8x64x128xf32, #tpu.memory_space<vmem>> -> memref<1x64x128xf32, #tpu.memory_space<vmem>>
      %dma_wait3A_2001 = tpu.memref_squeeze %dma_wait3A_2000 : memref<1x64x128xf32, #tpu.memory_space<vmem>> -> memref<64x128xf32, #tpu.memory_space<vmem>>
      %dma_wait3A_2002 = arith.constant 0 : i32
      %dma_wait3A_2003 = arith.constant 0 : i32
      %dma_wait3A_2004 = tpu.memref_slice %arg3[%dma_wait3A_2002, %dma_wait3A_2003] : memref<64x1000000xf32, #tpu.memory_space<hbm>> -> memref<64x128xf32, #tpu.memory_space<hbm>>
      tpu.wait_dma2 semaphore(%arg14 : memref<!tpu.dma_semaphore, #tpu.memory_space<semaphore_mem>>) src(%dma_wait3A_2004 : memref<64x128xf32, #tpu.memory_space<hbm>>) dst(%dma_wait3A_2001 : memref<64x128xf32, #tpu.memory_space<vmem>>)
      %mul3A_2005 = arith.constant 16 : i32
      %mul3A_2006 = arith.muli %mul3A_2005, %scan3A_1040 : i32
      %add3A_2007 = arith.constant 14 : i32
      %add3A_2008 = arith.addi %mul3A_2006, %add3A_2007 : i32
      %slice3A_2009 = vector.extract_strided_slice %get3A_1045 {offsets = [14], sizes = [1], strides = [1]} : vector<16xi32> to vector<1xi32>
      %squeeze3A_2010 = vector.extract %slice3A_2009[0] : i32 from vector<1xi32>
      %and3A_2011 = arith.constant 127 : i32
      %and3A_2012 = arith.andi %squeeze3A_2010, %and3A_2011 : i32
      %broadcast_in_dim3A_2013 = vector.broadcast %and3A_2012 : i32 to vector<16xi32>
      %broadcast_in_dim3A_2014 = vector.broadcast %add3A_2008 : i32 to vector<16xi32>
      %gather3A_2015 = arith.constant 6 : i32
      %gather3A_2016 = arith.constant 0 : i32
      %gather3A_2017 = arith.constant 0 : i32
      %gather3A_2018 = tpu.memref_slice %arg6[%gather3A_2015, %gather3A_2016, %gather3A_2017] : memref<8x64x128xf32, #tpu.memory_space<vmem>> -> memref<1x64x128xf32, #tpu.memory_space<vmem>>
      %gather3A_2019 = tpu.memref_squeeze %gather3A_2018 : memref<1x64x128xf32, #tpu.memory_space<vmem>> -> memref<64x128xf32, #tpu.memory_space<vmem>>
      %gather3A_2020 = tpu.vector_load_idx %gather3A_2019[%add3A_5, %broadcast_in_dim3A_2013] : memref<64x128xf32, #tpu.memory_space<vmem>>[vector<16xi32>, vector<16xi32>], vector<16xf32>,
      tpu.vector_store_idx %arg7[%add3A_5, %broadcast_in_dim3A_2014], %gather3A_2020 : memref<64x512xf32, #tpu.memory_space<vmem>>[vector<16xi32>, vector<16xi32>], vector<16xf32>,
      %gather3A_2021 = arith.constant 6 : i32
      %gather3A_2022 = arith.constant 0 : i32
      %gather3A_2023 = arith.constant 0 : i32
      %gather3A_2024 = tpu.memref_slice %arg6[%gather3A_2021, %gather3A_2022, %gather3A_2023] : memref<8x64x128xf32, #tpu.memory_space<vmem>> -> memref<1x64x128xf32, #tpu.memory_space<vmem>>
      %gather3A_2025 = tpu.memref_squeeze %gather3A_2024 : memref<1x64x128xf32, #tpu.memory_space<vmem>> -> memref<64x128xf32, #tpu.memory_space<vmem>>
      %gather3A_2026 = tpu.vector_load_idx %gather3A_2025[%add3A_8, %broadcast_in_dim3A_2013] : memref<64x128xf32, #tpu.memory_space<vmem>>[vector<16xi32>, vector<16xi32>], vector<16xf32>,
      tpu.vector_store_idx %arg7[%add3A_8, %broadcast_in_dim3A_2014], %gather3A_2026 : memref<64x512xf32, #tpu.memory_space<vmem>>[vector<16xi32>, vector<16xi32>], vector<16xf32>,
      %gather3A_2027 = arith.constant 6 : i32
      %gather3A_2028 = arith.constant 0 : i32
      %gather3A_2029 = arith.constant 0 : i32
      %gather3A_2030 = tpu.memref_slice %arg6[%gather3A_2027, %gather3A_2028, %gather3A_2029] : memref<8x64x128xf32, #tpu.memory_space<vmem>> -> memref<1x64x128xf32, #tpu.memory_space<vmem>>
      %gather3A_2031 = tpu.memref_squeeze %gather3A_2030 : memref<1x64x128xf32, #tpu.memory_space<vmem>> -> memref<64x128xf32, #tpu.memory_space<vmem>>
      %gather3A_2032 = tpu.vector_load_idx %gather3A_2031[%add3A_11, %broadcast_in_dim3A_2013] : memref<64x128xf32, #tpu.memory_space<vmem>>[vector<16xi32>, vector<16xi32>], vector<16xf32>,
      tpu.vector_store_idx %arg7[%add3A_11, %broadcast_in_dim3A_2014], %gather3A_2032 : memref<64x512xf32, #tpu.memory_space<vmem>>[vector<16xi32>, vector<16xi32>], vector<16xf32>,
      %gather3A_2033 = arith.constant 6 : i32
      %gather3A_2034 = arith.constant 0 : i32
      %gather3A_2035 = arith.constant 0 : i32
      %gather3A_2036 = tpu.memref_slice %arg6[%gather3A_2033, %gather3A_2034, %gather3A_2035] : memref<8x64x128xf32, #tpu.memory_space<vmem>> -> memref<1x64x128xf32, #tpu.memory_space<vmem>>
      %gather3A_2037 = tpu.memref_squeeze %gather3A_2036 : memref<1x64x128xf32, #tpu.memory_space<vmem>> -> memref<64x128xf32, #tpu.memory_space<vmem>>
      %gather3A_2038 = tpu.vector_load_idx %gather3A_2037[%add3A_14, %broadcast_in_dim3A_2013] : memref<64x128xf32, #tpu.memory_space<vmem>>[vector<16xi32>, vector<16xi32>], vector<16xf32>,
      tpu.vector_store_idx %arg7[%add3A_14, %broadcast_in_dim3A_2014], %gather3A_2038 : memref<64x512xf32, #tpu.memory_space<vmem>>[vector<16xi32>, vector<16xi32>], vector<16xf32>,
      %slice3A_2039 = vector.extract_strided_slice %get3A_1051 {offsets = [6], sizes = [1], strides = [1]} : vector<16xi32> to vector<1xi32>
      %squeeze3A_2040 = vector.extract %slice3A_2039[0] : i32 from vector<1xi32>
      %and3A_2041 = arith.constant -128 : i32
      %and3A_2042 = arith.andi %squeeze3A_2040, %and3A_2041 : i32
      %multiple_of3A_2043 = tpu.assume_multiple %and3A_2042, 128 : i32
      %dma_start3A_2044 = arith.constant 6 : i32
      %dma_start3A_2045 = arith.constant 0 : i32
      %dma_start3A_2046 = arith.constant 0 : i32
      %dma_start3A_2047 = tpu.memref_slice %arg6[%dma_start3A_2044, %dma_start3A_2045, %dma_start3A_2046] : memref<8x64x128xf32, #tpu.memory_space<vmem>> -> memref<1x64x128xf32, #tpu.memory_space<vmem>>
      %dma_start3A_2048 = tpu.memref_squeeze %dma_start3A_2047 : memref<1x64x128xf32, #tpu.memory_space<vmem>> -> memref<64x128xf32, #tpu.memory_space<vmem>>
      %dma_start3A_2049 = arith.constant 0 : i32
      %dma_start3A_2050 = tpu.memref_slice %arg3[%dma_start3A_2049, %multiple_of3A_2043] : memref<64x1000000xf32, #tpu.memory_space<hbm>> -> memref<64x128xf32, #tpu.memory_space<hbm>>
      %dma_start3A_2051 = arith.constant 0 : i32
      %dma_start3A_2052 = arith.constant 0 : i32
      %dma_start3A_2053 = tpu.memref_slice %arg6[%dma_start3A_2044, %dma_start3A_2051, %dma_start3A_2052] : memref<8x64x128xf32, #tpu.memory_space<vmem>> -> memref<1x64x128xf32, #tpu.memory_space<vmem>>
      %dma_start3A_2054 = tpu.memref_squeeze %dma_start3A_2053 : memref<1x64x128xf32, #tpu.memory_space<vmem>> -> memref<64x128xf32, #tpu.memory_space<vmem>>
      %dma_start3A_2055 = arith.constant 0 : i32
      %dma_start3A_2056 = tpu.memref_slice %arg3[%dma_start3A_2055, %multiple_of3A_2043] : memref<64x1000000xf32, #tpu.memory_space<hbm>> -> memref<64x128xf32, #tpu.memory_space<hbm>>
      tpu.enqueue_dma source(%dma_start3A_2056 : memref<64x128xf32, #tpu.memory_space<hbm>>) target(%dma_start3A_2054 : memref<64x128xf32, #tpu.memory_space<vmem>>) target_semaphore(%arg14 : memref<!tpu.dma_semaphore, #tpu.memory_space<semaphore_mem>>)
      %dma_wait3A_2057 = arith.constant 7 : i32
      %dma_wait3A_2058 = arith.constant 0 : i32
      %dma_wait3A_2059 = arith.constant 0 : i32
      %dma_wait3A_2060 = tpu.memref_slice %arg6[%dma_wait3A_2057, %dma_wait3A_2058, %dma_wait3A_2059] : memref<8x64x128xf32, #tpu.memory_space<vmem>> -> memref<1x64x128xf32, #tpu.memory_space<vmem>>
      %dma_wait3A_2061 = tpu.memref_squeeze %dma_wait3A_2060 : memref<1x64x128xf32, #tpu.memory_space<vmem>> -> memref<64x128xf32, #tpu.memory_space<vmem>>
      %dma_wait3A_2062 = arith.constant 0 : i32
      %dma_wait3A_2063 = arith.constant 0 : i32
      %dma_wait3A_2064 = tpu.memref_slice %arg3[%dma_wait3A_2062, %dma_wait3A_2063] : memref<64x1000000xf32, #tpu.memory_space<hbm>> -> memref<64x128xf32, #tpu.memory_space<hbm>>
      %dma_wait3A_2065 = arith.constant 0 : i32
      %dma_wait3A_2066 = arith.constant 0 : i32
      %dma_wait3A_2067 = tpu.memref_slice %arg6[%dma_wait3A_2057, %dma_wait3A_2065, %dma_wait3A_2066] : memref<8x64x128xf32, #tpu.memory_space<vmem>> -> memref<1x64x128xf32, #tpu.memory_space<vmem>>
      %dma_wait3A_2068 = tpu.memref_squeeze %dma_wait3A_2067 : memref<1x64x128xf32, #tpu.memory_space<vmem>> -> memref<64x128xf32, #tpu.memory_space<vmem>>
      %dma_wait3A_2069 = arith.constant 0 : i32
      %dma_wait3A_2070 = arith.constant 0 : i32
      %dma_wait3A_2071 = tpu.memref_slice %arg3[%dma_wait3A_2069, %dma_wait3A_2070] : memref<64x1000000xf32, #tpu.memory_space<hbm>> -> memref<64x128xf32, #tpu.memory_space<hbm>>
      tpu.wait_dma2 semaphore(%arg15 : memref<!tpu.dma_semaphore, #tpu.memory_space<semaphore_mem>>) src(%dma_wait3A_2071 : memref<64x128xf32, #tpu.memory_space<hbm>>) dst(%dma_wait3A_2068 : memref<64x128xf32, #tpu.memory_space<vmem>>)
      %mul3A_2072 = arith.constant 16 : i32
      %mul3A_2073 = arith.muli %mul3A_2072, %scan3A_1040 : i32
      %add3A_2074 = arith.constant 15 : i32
      %add3A_2075 = arith.addi %mul3A_2073, %add3A_2074 : i32
      %slice3A_2076 = vector.extract_strided_slice %get3A_1045 {offsets = [15], sizes = [1], strides = [1]} : vector<16xi32> to vector<1xi32>
      %squeeze3A_2077 = vector.extract %slice3A_2076[0] : i32 from vector<1xi32>
      %and3A_2078 = arith.constant 127 : i32
      %and3A_2079 = arith.andi %squeeze3A_2077, %and3A_2078 : i32
      %broadcast_in_dim3A_2080 = vector.broadcast %and3A_2079 : i32 to vector<16xi32>
      %broadcast_in_dim3A_2081 = vector.broadcast %add3A_2075 : i32 to vector<16xi32>
      %gather3A_2082 = arith.constant 7 : i32
      %gather3A_2083 = arith.constant 0 : i32
      %gather3A_2084 = arith.constant 0 : i32
      %gather3A_2085 = tpu.memref_slice %arg6[%gather3A_2082, %gather3A_2083, %gather3A_2084] : memref<8x64x128xf32, #tpu.memory_space<vmem>> -> memref<1x64x128xf32, #tpu.memory_space<vmem>>
      %gather3A_2086 = tpu.memref_squeeze %gather3A_2085 : memref<1x64x128xf32, #tpu.memory_space<vmem>> -> memref<64x128xf32, #tpu.memory_space<vmem>>
      %gather3A_2087 = tpu.vector_load_idx %gather3A_2086[%add3A_5, %broadcast_in_dim3A_2080] : memref<64x128xf32, #tpu.memory_space<vmem>>[vector<16xi32>, vector<16xi32>], vector<16xf32>,
      tpu.vector_store_idx %arg7[%add3A_5, %broadcast_in_dim3A_2081], %gather3A_2087 : memref<64x512xf32, #tpu.memory_space<vmem>>[vector<16xi32>, vector<16xi32>], vector<16xf32>,
      %gather3A_2088 = arith.constant 7 : i32
      %gather3A_2089 = arith.constant 0 : i32
      %gather3A_2090 = arith.constant 0 : i32
      %gather3A_2091 = tpu.memref_slice %arg6[%gather3A_2088, %gather3A_2089, %gather3A_2090] : memref<8x64x128xf32, #tpu.memory_space<vmem>> -> memref<1x64x128xf32, #tpu.memory_space<vmem>>
      %gather3A_2092 = tpu.memref_squeeze %gather3A_2091 : memref<1x64x128xf32, #tpu.memory_space<vmem>> -> memref<64x128xf32, #tpu.memory_space<vmem>>
      %gather3A_2093 = tpu.vector_load_idx %gather3A_2092[%add3A_8, %broadcast_in_dim3A_2080] : memref<64x128xf32, #tpu.memory_space<vmem>>[vector<16xi32>, vector<16xi32>], vector<16xf32>,
      tpu.vector_store_idx %arg7[%add3A_8, %broadcast_in_dim3A_2081], %gather3A_2093 : memref<64x512xf32, #tpu.memory_space<vmem>>[vector<16xi32>, vector<16xi32>], vector<16xf32>,
      %gather3A_2094 = arith.constant 7 : i32
      %gather3A_2095 = arith.constant 0 : i32
      %gather3A_2096 = arith.constant 0 : i32
      %gather3A_2097 = tpu.memref_slice %arg6[%gather3A_2094, %gather3A_2095, %gather3A_2096] : memref<8x64x128xf32, #tpu.memory_space<vmem>> -> memref<1x64x128xf32, #tpu.memory_space<vmem>>
      %gather3A_2098 = tpu.memref_squeeze %gather3A_2097 : memref<1x64x128xf32, #tpu.memory_space<vmem>> -> memref<64x128xf32, #tpu.memory_space<vmem>>
      %gather3A_2099 = tpu.vector_load_idx %gather3A_2098[%add3A_11, %broadcast_in_dim3A_2080] : memref<64x128xf32, #tpu.memory_space<vmem>>[vector<16xi32>, vector<16xi32>], vector<16xf32>,
      tpu.vector_store_idx %arg7[%add3A_11, %broadcast_in_dim3A_2081], %gather3A_2099 : memref<64x512xf32, #tpu.memory_space<vmem>>[vector<16xi32>, vector<16xi32>], vector<16xf32>,
      %gather3A_2100 = arith.constant 7 : i32
      %gather3A_2101 = arith.constant 0 : i32
      %gather3A_2102 = arith.constant 0 : i32
      %gather3A_2103 = tpu.memref_slice %arg6[%gather3A_2100, %gather3A_2101, %gather3A_2102] : memref<8x64x128xf32, #tpu.memory_space<vmem>> -> memref<1x64x128xf32, #tpu.memory_space<vmem>>
      %gather3A_2104 = tpu.memref_squeeze %gather3A_2103 : memref<1x64x128xf32, #tpu.memory_space<vmem>> -> memref<64x128xf32, #tpu.memory_space<vmem>>
      %gather3A_2105 = tpu.vector_load_idx %gather3A_2104[%add3A_14, %broadcast_in_dim3A_2080] : memref<64x128xf32, #tpu.memory_space<vmem>>[vector<16xi32>, vector<16xi32>], vector<16xf32>,
      tpu.vector_store_idx %arg7[%add3A_14, %broadcast_in_dim3A_2081], %gather3A_2105 : memref<64x512xf32, #tpu.memory_space<vmem>>[vector<16xi32>, vector<16xi32>], vector<16xf32>,
      %slice3A_2106 = vector.extract_strided_slice %get3A_1051 {offsets = [7], sizes = [1], strides = [1]} : vector<16xi32> to vector<1xi32>
      %squeeze3A_2107 = vector.extract %slice3A_2106[0] : i32 from vector<1xi32>
      %and3A_2108 = arith.constant -128 : i32
      %and3A_2109 = arith.andi %squeeze3A_2107, %and3A_2108 : i32
      %multiple_of3A_2110 = tpu.assume_multiple %and3A_2109, 128 : i32
      %dma_start3A_2111 = arith.constant 7 : i32
      %dma_start3A_2112 = arith.constant 0 : i32
      %dma_start3A_2113 = arith.constant 0 : i32
      %dma_start3A_2114 = tpu.memref_slice %arg6[%dma_start3A_2111, %dma_start3A_2112, %dma_start3A_2113] : memref<8x64x128xf32, #tpu.memory_space<vmem>> -> memref<1x64x128xf32, #tpu.memory_space<vmem>>
      %dma_start3A_2115 = tpu.memref_squeeze %dma_start3A_2114 : memref<1x64x128xf32, #tpu.memory_space<vmem>> -> memref<64x128xf32, #tpu.memory_space<vmem>>
      %dma_start3A_2116 = arith.constant 0 : i32
      %dma_start3A_2117 = tpu.memref_slice %arg3[%dma_start3A_2116, %multiple_of3A_2110] : memref<64x1000000xf32, #tpu.memory_space<hbm>> -> memref<64x128xf32, #tpu.memory_space<hbm>>
      %dma_start3A_2118 = arith.constant 0 : i32
      %dma_start3A_2119 = arith.constant 0 : i32
      %dma_start3A_2120 = tpu.memref_slice %arg6[%dma_start3A_2111, %dma_start3A_2118, %dma_start3A_2119] : memref<8x64x128xf32, #tpu.memory_space<vmem>> -> memref<1x64x128xf32, #tpu.memory_space<vmem>>
      %dma_start3A_2121 = tpu.memref_squeeze %dma_start3A_2120 : memref<1x64x128xf32, #tpu.memory_space<vmem>> -> memref<64x128xf32, #tpu.memory_space<vmem>>
      %dma_start3A_2122 = arith.constant 0 : i32
      %dma_start3A_2123 = tpu.memref_slice %arg3[%dma_start3A_2122, %multiple_of3A_2110] : memref<64x1000000xf32, #tpu.memory_space<hbm>> -> memref<64x128xf32, #tpu.memory_space<hbm>>
      tpu.enqueue_dma source(%dma_start3A_2123 : memref<64x128xf32, #tpu.memory_space<hbm>>) target(%dma_start3A_2121 : memref<64x128xf32, #tpu.memory_space<vmem>>) target_semaphore(%arg15 : memref<!tpu.dma_semaphore, #tpu.memory_space<semaphore_mem>>)
      %scan3A_2124 = arith.constant 0 : i32
      scf.yield %scan3A_2124 : i32
    }
    %scan3A_160 = arith.constant 31 : i32
    %get3A_161 = arith.constant 496 : index
    %get3A_162 = tpu.vector_load %arg5[%get3A_161] {strides = array<i32>} : memref<512xi32, #tpu.memory_space<vmem>>, vector<16xi32>,
    %dma_wait3A = arith.constant 0 : i32
    %dma_wait3A_163 = arith.constant 0 : i32
    %dma_wait3A_164 = arith.constant 0 : i32
    %dma_wait3A_165 = tpu.memref_slice %arg6[%dma_wait3A, %dma_wait3A_163, %dma_wait3A_164] : memref<8x64x128xf32, #tpu.memory_space<vmem>> -> memref<1x64x128xf32, #tpu.memory_space<vmem>>
    %dma_wait3A_166 = tpu.memref_squeeze %dma_wait3A_165 : memref<1x64x128xf32, #tpu.memory_space<vmem>> -> memref<64x128xf32, #tpu.memory_space<vmem>>
    %dma_wait3A_167 = arith.constant 0 : i32
    %dma_wait3A_168 = arith.constant 0 : i32
    %dma_wait3A_169 = tpu.memref_slice %arg3[%dma_wait3A_167, %dma_wait3A_168] : memref<64x1000000xf32, #tpu.memory_space<hbm>> -> memref<64x128xf32, #tpu.memory_space<hbm>>
    %dma_wait3A_170 = arith.constant 0 : i32
    %dma_wait3A_171 = arith.constant 0 : i32
    %dma_wait3A_172 = tpu.memref_slice %arg6[%dma_wait3A, %dma_wait3A_170, %dma_wait3A_171] : memref<8x64x128xf32, #tpu.memory_space<vmem>> -> memref<1x64x128xf32, #tpu.memory_space<vmem>>
    %dma_wait3A_173 = tpu.memref_squeeze %dma_wait3A_172 : memref<1x64x128xf32, #tpu.memory_space<vmem>> -> memref<64x128xf32, #tpu.memory_space<vmem>>
    %dma_wait3A_174 = arith.constant 0 : i32
    %dma_wait3A_175 = arith.constant 0 : i32
    %dma_wait3A_176 = tpu.memref_slice %arg3[%dma_wait3A_174, %dma_wait3A_175] : memref<64x1000000xf32, #tpu.memory_space<hbm>> -> memref<64x128xf32, #tpu.memory_space<hbm>>
    tpu.wait_dma2 semaphore(%arg8 : memref<!tpu.dma_semaphore, #tpu.memory_space<semaphore_mem>>) src(%dma_wait3A_176 : memref<64x128xf32, #tpu.memory_space<hbm>>) dst(%dma_wait3A_173 : memref<64x128xf32, #tpu.memory_space<vmem>>)
    %slice3A_177 = vector.extract_strided_slice %get3A_162 {offsets = [0], sizes = [1], strides = [1]} : vector<16xi32> to vector<1xi32>
    %squeeze3A_178 = vector.extract %slice3A_177[0] : i32 from vector<1xi32>
    %and3A_179 = arith.constant 127 : i32
    %and3A_180 = arith.andi %squeeze3A_178, %and3A_179 : i32
    %broadcast_in_dim3A = vector.broadcast %and3A_180 : i32 to vector<16xi32>
    %broadcast_in_dim3A_181 = arith.constant 496 : i32
    %broadcast_in_dim3A_182 = vector.broadcast %broadcast_in_dim3A_181 : i32 to vector<16xi32>
    %gather3A = arith.constant 0 : i32
    %gather3A_183 = arith.constant 0 : i32
    %gather3A_184 = arith.constant 0 : i32
    %gather3A_185 = tpu.memref_slice %arg6[%gather3A, %gather3A_183, %gather3A_184] : memref<8x64x128xf32, #tpu.memory_space<vmem>> -> memref<1x64x128xf32, #tpu.memory_space<vmem>>
    %gather3A_186 = tpu.memref_squeeze %gather3A_185 : memref<1x64x128xf32, #tpu.memory_space<vmem>> -> memref<64x128xf32, #tpu.memory_space<vmem>>
    %gather3A_187 = tpu.vector_load_idx %gather3A_186[%add3A_5, %broadcast_in_dim3A] : memref<64x128xf32, #tpu.memory_space<vmem>>[vector<16xi32>, vector<16xi32>], vector<16xf32>,
    tpu.vector_store_idx %arg7[%add3A_5, %broadcast_in_dim3A_182], %gather3A_187 : memref<64x512xf32, #tpu.memory_space<vmem>>[vector<16xi32>, vector<16xi32>], vector<16xf32>,
    %gather3A_188 = arith.constant 0 : i32
    %gather3A_189 = arith.constant 0 : i32
    %gather3A_190 = arith.constant 0 : i32
    %gather3A_191 = tpu.memref_slice %arg6[%gather3A_188, %gather3A_189, %gather3A_190] : memref<8x64x128xf32, #tpu.memory_space<vmem>> -> memref<1x64x128xf32, #tpu.memory_space<vmem>>
    %gather3A_192 = tpu.memref_squeeze %gather3A_191 : memref<1x64x128xf32, #tpu.memory_space<vmem>> -> memref<64x128xf32, #tpu.memory_space<vmem>>
    %gather3A_193 = tpu.vector_load_idx %gather3A_192[%add3A_8, %broadcast_in_dim3A] : memref<64x128xf32, #tpu.memory_space<vmem>>[vector<16xi32>, vector<16xi32>], vector<16xf32>,
    tpu.vector_store_idx %arg7[%add3A_8, %broadcast_in_dim3A_182], %gather3A_193 : memref<64x512xf32, #tpu.memory_space<vmem>>[vector<16xi32>, vector<16xi32>], vector<16xf32>,
    %gather3A_194 = arith.constant 0 : i32
    %gather3A_195 = arith.constant 0 : i32
    %gather3A_196 = arith.constant 0 : i32
    %gather3A_197 = tpu.memref_slice %arg6[%gather3A_194, %gather3A_195, %gather3A_196] : memref<8x64x128xf32, #tpu.memory_space<vmem>> -> memref<1x64x128xf32, #tpu.memory_space<vmem>>
    %gather3A_198 = tpu.memref_squeeze %gather3A_197 : memref<1x64x128xf32, #tpu.memory_space<vmem>> -> memref<64x128xf32, #tpu.memory_space<vmem>>
    %gather3A_199 = tpu.vector_load_idx %gather3A_198[%add3A_11, %broadcast_in_dim3A] : memref<64x128xf32, #tpu.memory_space<vmem>>[vector<16xi32>, vector<16xi32>], vector<16xf32>,
    tpu.vector_store_idx %arg7[%add3A_11, %broadcast_in_dim3A_182], %gather3A_199 : memref<64x512xf32, #tpu.memory_space<vmem>>[vector<16xi32>, vector<16xi32>], vector<16xf32>,
    %gather3A_200 = arith.constant 0 : i32
    %gather3A_201 = arith.constant 0 : i32
    %gather3A_202 = arith.constant 0 : i32
    %gather3A_203 = tpu.memref_slice %arg6[%gather3A_200, %gather3A_201, %gather3A_202] : memref<8x64x128xf32, #tpu.memory_space<vmem>> -> memref<1x64x128xf32, #tpu.memory_space<vmem>>
    %gather3A_204 = tpu.memref_squeeze %gather3A_203 : memref<1x64x128xf32, #tpu.memory_space<vmem>> -> memref<64x128xf32, #tpu.memory_space<vmem>>
    %gather3A_205 = tpu.vector_load_idx %gather3A_204[%add3A_14, %broadcast_in_dim3A] : memref<64x128xf32, #tpu.memory_space<vmem>>[vector<16xi32>, vector<16xi32>], vector<16xf32>,
    tpu.vector_store_idx %arg7[%add3A_14, %broadcast_in_dim3A_182], %gather3A_205 : memref<64x512xf32, #tpu.memory_space<vmem>>[vector<16xi32>, vector<16xi32>], vector<16xf32>,
    %slice3A_206 = vector.extract_strided_slice %get3A_162 {offsets = [8], sizes = [1], strides = [1]} : vector<16xi32> to vector<1xi32>
    %squeeze3A_207 = vector.extract %slice3A_206[0] : i32 from vector<1xi32>
    %and3A_208 = arith.constant -128 : i32
    %and3A_209 = arith.andi %squeeze3A_207, %and3A_208 : i32
    %multiple_of3A_210 = tpu.assume_multiple %and3A_209, 128 : i32
    %dma_start3A_211 = arith.constant 0 : i32
    %dma_start3A_212 = arith.constant 0 : i32
    %dma_start3A_213 = arith.constant 0 : i32
    %dma_start3A_214 = tpu.memref_slice %arg6[%dma_start3A_211, %dma_start3A_212, %dma_start3A_213] : memref<8x64x128xf32, #tpu.memory_space<vmem>> -> memref<1x64x128xf32, #tpu.memory_space<vmem>>
    %dma_start3A_215 = tpu.memref_squeeze %dma_start3A_214 : memref<1x64x128xf32, #tpu.memory_space<vmem>> -> memref<64x128xf32, #tpu.memory_space<vmem>>
    %dma_start3A_216 = arith.constant 0 : i32
    %dma_start3A_217 = tpu.memref_slice %arg3[%dma_start3A_216, %multiple_of3A_210] : memref<64x1000000xf32, #tpu.memory_space<hbm>> -> memref<64x128xf32, #tpu.memory_space<hbm>>
    %dma_start3A_218 = arith.constant 0 : i32
    %dma_start3A_219 = arith.constant 0 : i32
    %dma_start3A_220 = tpu.memref_slice %arg6[%dma_start3A_211, %dma_start3A_218, %dma_start3A_219] : memref<8x64x128xf32, #tpu.memory_space<vmem>> -> memref<1x64x128xf32, #tpu.memory_space<vmem>>
    %dma_start3A_221 = tpu.memref_squeeze %dma_start3A_220 : memref<1x64x128xf32, #tpu.memory_space<vmem>> -> memref<64x128xf32, #tpu.memory_space<vmem>>
    %dma_start3A_222 = arith.constant 0 : i32
    %dma_start3A_223 = tpu.memref_slice %arg3[%dma_start3A_222, %multiple_of3A_210] : memref<64x1000000xf32, #tpu.memory_space<hbm>> -> memref<64x128xf32, #tpu.memory_space<hbm>>
    tpu.enqueue_dma source(%dma_start3A_223 : memref<64x128xf32, #tpu.memory_space<hbm>>) target(%dma_start3A_221 : memref<64x128xf32, #tpu.memory_space<vmem>>) target_semaphore(%arg8 : memref<!tpu.dma_semaphore, #tpu.memory_space<semaphore_mem>>)
    %dma_wait3A_224 = arith.constant 1 : i32
    %dma_wait3A_225 = arith.constant 0 : i32
    %dma_wait3A_226 = arith.constant 0 : i32
    %dma_wait3A_227 = tpu.memref_slice %arg6[%dma_wait3A_224, %dma_wait3A_225, %dma_wait3A_226] : memref<8x64x128xf32, #tpu.memory_space<vmem>> -> memref<1x64x128xf32, #tpu.memory_space<vmem>>
    %dma_wait3A_228 = tpu.memref_squeeze %dma_wait3A_227 : memref<1x64x128xf32, #tpu.memory_space<vmem>> -> memref<64x128xf32, #tpu.memory_space<vmem>>
    %dma_wait3A_229 = arith.constant 0 : i32
    %dma_wait3A_230 = arith.constant 0 : i32
    %dma_wait3A_231 = tpu.memref_slice %arg3[%dma_wait3A_229, %dma_wait3A_230] : memref<64x1000000xf32, #tpu.memory_space<hbm>> -> memref<64x128xf32, #tpu.memory_space<hbm>>
    %dma_wait3A_232 = arith.constant 0 : i32
    %dma_wait3A_233 = arith.constant 0 : i32
    %dma_wait3A_234 = tpu.memref_slice %arg6[%dma_wait3A_224, %dma_wait3A_232, %dma_wait3A_233] : memref<8x64x128xf32, #tpu.memory_space<vmem>> -> memref<1x64x128xf32, #tpu.memory_space<vmem>>
    %dma_wait3A_235 = tpu.memref_squeeze %dma_wait3A_234 : memref<1x64x128xf32, #tpu.memory_space<vmem>> -> memref<64x128xf32, #tpu.memory_space<vmem>>
    %dma_wait3A_236 = arith.constant 0 : i32
    %dma_wait3A_237 = arith.constant 0 : i32
    %dma_wait3A_238 = tpu.memref_slice %arg3[%dma_wait3A_236, %dma_wait3A_237] : memref<64x1000000xf32, #tpu.memory_space<hbm>> -> memref<64x128xf32, #tpu.memory_space<hbm>>
    tpu.wait_dma2 semaphore(%arg9 : memref<!tpu.dma_semaphore, #tpu.memory_space<semaphore_mem>>) src(%dma_wait3A_238 : memref<64x128xf32, #tpu.memory_space<hbm>>) dst(%dma_wait3A_235 : memref<64x128xf32, #tpu.memory_space<vmem>>)
    %slice3A_239 = vector.extract_strided_slice %get3A_162 {offsets = [1], sizes = [1], strides = [1]} : vector<16xi32> to vector<1xi32>
    %squeeze3A_240 = vector.extract %slice3A_239[0] : i32 from vector<1xi32>
    %and3A_241 = arith.constant 127 : i32
    %and3A_242 = arith.andi %squeeze3A_240, %and3A_241 : i32
    %broadcast_in_dim3A_243 = vector.broadcast %and3A_242 : i32 to vector<16xi32>
    %broadcast_in_dim3A_244 = arith.constant 497 : i32
    %broadcast_in_dim3A_245 = vector.broadcast %broadcast_in_dim3A_244 : i32 to vector<16xi32>
    %gather3A_246 = arith.constant 1 : i32
    %gather3A_247 = arith.constant 0 : i32
    %gather3A_248 = arith.constant 0 : i32
    %gather3A_249 = tpu.memref_slice %arg6[%gather3A_246, %gather3A_247, %gather3A_248] : memref<8x64x128xf32, #tpu.memory_space<vmem>> -> memref<1x64x128xf32, #tpu.memory_space<vmem>>
    %gather3A_250 = tpu.memref_squeeze %gather3A_249 : memref<1x64x128xf32, #tpu.memory_space<vmem>> -> memref<64x128xf32, #tpu.memory_space<vmem>>
    %gather3A_251 = tpu.vector_load_idx %gather3A_250[%add3A_5, %broadcast_in_dim3A_243] : memref<64x128xf32, #tpu.memory_space<vmem>>[vector<16xi32>, vector<16xi32>], vector<16xf32>,
    tpu.vector_store_idx %arg7[%add3A_5, %broadcast_in_dim3A_245], %gather3A_251 : memref<64x512xf32, #tpu.memory_space<vmem>>[vector<16xi32>, vector<16xi32>], vector<16xf32>,
    %gather3A_252 = arith.constant 1 : i32
    %gather3A_253 = arith.constant 0 : i32
    %gather3A_254 = arith.constant 0 : i32
    %gather3A_255 = tpu.memref_slice %arg6[%gather3A_252, %gather3A_253, %gather3A_254] : memref<8x64x128xf32, #tpu.memory_space<vmem>> -> memref<1x64x128xf32, #tpu.memory_space<vmem>>
    %gather3A_256 = tpu.memref_squeeze %gather3A_255 : memref<1x64x128xf32, #tpu.memory_space<vmem>> -> memref<64x128xf32, #tpu.memory_space<vmem>>
    %gather3A_257 = tpu.vector_load_idx %gather3A_256[%add3A_8, %broadcast_in_dim3A_243] : memref<64x128xf32, #tpu.memory_space<vmem>>[vector<16xi32>, vector<16xi32>], vector<16xf32>,
    tpu.vector_store_idx %arg7[%add3A_8, %broadcast_in_dim3A_245], %gather3A_257 : memref<64x512xf32, #tpu.memory_space<vmem>>[vector<16xi32>, vector<16xi32>], vector<16xf32>,
    %gather3A_258 = arith.constant 1 : i32
    %gather3A_259 = arith.constant 0 : i32
    %gather3A_260 = arith.constant 0 : i32
    %gather3A_261 = tpu.memref_slice %arg6[%gather3A_258, %gather3A_259, %gather3A_260] : memref<8x64x128xf32, #tpu.memory_space<vmem>> -> memref<1x64x128xf32, #tpu.memory_space<vmem>>
    %gather3A_262 = tpu.memref_squeeze %gather3A_261 : memref<1x64x128xf32, #tpu.memory_space<vmem>> -> memref<64x128xf32, #tpu.memory_space<vmem>>
    %gather3A_263 = tpu.vector_load_idx %gather3A_262[%add3A_11, %broadcast_in_dim3A_243] : memref<64x128xf32, #tpu.memory_space<vmem>>[vector<16xi32>, vector<16xi32>], vector<16xf32>,
    tpu.vector_store_idx %arg7[%add3A_11, %broadcast_in_dim3A_245], %gather3A_263 : memref<64x512xf32, #tpu.memory_space<vmem>>[vector<16xi32>, vector<16xi32>], vector<16xf32>,
    %gather3A_264 = arith.constant 1 : i32
    %gather3A_265 = arith.constant 0 : i32
    %gather3A_266 = arith.constant 0 : i32
    %gather3A_267 = tpu.memref_slice %arg6[%gather3A_264, %gather3A_265, %gather3A_266] : memref<8x64x128xf32, #tpu.memory_space<vmem>> -> memref<1x64x128xf32, #tpu.memory_space<vmem>>
    %gather3A_268 = tpu.memref_squeeze %gather3A_267 : memref<1x64x128xf32, #tpu.memory_space<vmem>> -> memref<64x128xf32, #tpu.memory_space<vmem>>
    %gather3A_269 = tpu.vector_load_idx %gather3A_268[%add3A_14, %broadcast_in_dim3A_243] : memref<64x128xf32, #tpu.memory_space<vmem>>[vector<16xi32>, vector<16xi32>], vector<16xf32>,
    tpu.vector_store_idx %arg7[%add3A_14, %broadcast_in_dim3A_245], %gather3A_269 : memref<64x512xf32, #tpu.memory_space<vmem>>[vector<16xi32>, vector<16xi32>], vector<16xf32>,
    %slice3A_270 = vector.extract_strided_slice %get3A_162 {offsets = [9], sizes = [1], strides = [1]} : vector<16xi32> to vector<1xi32>
    %squeeze3A_271 = vector.extract %slice3A_270[0] : i32 from vector<1xi32>
    %and3A_272 = arith.constant -128 : i32
    %and3A_273 = arith.andi %squeeze3A_271, %and3A_272 : i32
    %multiple_of3A_274 = tpu.assume_multiple %and3A_273, 128 : i32
    %dma_start3A_275 = arith.constant 1 : i32
    %dma_start3A_276 = arith.constant 0 : i32
    %dma_start3A_277 = arith.constant 0 : i32
    %dma_start3A_278 = tpu.memref_slice %arg6[%dma_start3A_275, %dma_start3A_276, %dma_start3A_277] : memref<8x64x128xf32, #tpu.memory_space<vmem>> -> memref<1x64x128xf32, #tpu.memory_space<vmem>>
    %dma_start3A_279 = tpu.memref_squeeze %dma_start3A_278 : memref<1x64x128xf32, #tpu.memory_space<vmem>> -> memref<64x128xf32, #tpu.memory_space<vmem>>
    %dma_start3A_280 = arith.constant 0 : i32
    %dma_start3A_281 = tpu.memref_slice %arg3[%dma_start3A_280, %multiple_of3A_274] : memref<64x1000000xf32, #tpu.memory_space<hbm>> -> memref<64x128xf32, #tpu.memory_space<hbm>>
    %dma_start3A_282 = arith.constant 0 : i32
    %dma_start3A_283 = arith.constant 0 : i32
    %dma_start3A_284 = tpu.memref_slice %arg6[%dma_start3A_275, %dma_start3A_282, %dma_start3A_283] : memref<8x64x128xf32, #tpu.memory_space<vmem>> -> memref<1x64x128xf32, #tpu.memory_space<vmem>>
    %dma_start3A_285 = tpu.memref_squeeze %dma_start3A_284 : memref<1x64x128xf32, #tpu.memory_space<vmem>> -> memref<64x128xf32, #tpu.memory_space<vmem>>
    %dma_start3A_286 = arith.constant 0 : i32
    %dma_start3A_287 = tpu.memref_slice %arg3[%dma_start3A_286, %multiple_of3A_274] : memref<64x1000000xf32, #tpu.memory_space<hbm>> -> memref<64x128xf32, #tpu.memory_space<hbm>>
    tpu.enqueue_dma source(%dma_start3A_287 : memref<64x128xf32, #tpu.memory_space<hbm>>) target(%dma_start3A_285 : memref<64x128xf32, #tpu.memory_space<vmem>>) target_semaphore(%arg9 : memref<!tpu.dma_semaphore, #tpu.memory_space<semaphore_mem>>)
    %dma_wait3A_288 = arith.constant 2 : i32
    %dma_wait3A_289 = arith.constant 0 : i32
    %dma_wait3A_290 = arith.constant 0 : i32
    %dma_wait3A_291 = tpu.memref_slice %arg6[%dma_wait3A_288, %dma_wait3A_289, %dma_wait3A_290] : memref<8x64x128xf32, #tpu.memory_space<vmem>> -> memref<1x64x128xf32, #tpu.memory_space<vmem>>
    %dma_wait3A_292 = tpu.memref_squeeze %dma_wait3A_291 : memref<1x64x128xf32, #tpu.memory_space<vmem>> -> memref<64x128xf32, #tpu.memory_space<vmem>>
    %dma_wait3A_293 = arith.constant 0 : i32
    %dma_wait3A_294 = arith.constant 0 : i32
    %dma_wait3A_295 = tpu.memref_slice %arg3[%dma_wait3A_293, %dma_wait3A_294] : memref<64x1000000xf32, #tpu.memory_space<hbm>> -> memref<64x128xf32, #tpu.memory_space<hbm>>
    %dma_wait3A_296 = arith.constant 0 : i32
    %dma_wait3A_297 = arith.constant 0 : i32
    %dma_wait3A_298 = tpu.memref_slice %arg6[%dma_wait3A_288, %dma_wait3A_296, %dma_wait3A_297] : memref<8x64x128xf32, #tpu.memory_space<vmem>> -> memref<1x64x128xf32, #tpu.memory_space<vmem>>
    %dma_wait3A_299 = tpu.memref_squeeze %dma_wait3A_298 : memref<1x64x128xf32, #tpu.memory_space<vmem>> -> memref<64x128xf32, #tpu.memory_space<vmem>>
    %dma_wait3A_300 = arith.constant 0 : i32
    %dma_wait3A_301 = arith.constant 0 : i32
    %dma_wait3A_302 = tpu.memref_slice %arg3[%dma_wait3A_300, %dma_wait3A_301] : memref<64x1000000xf32, #tpu.memory_space<hbm>> -> memref<64x128xf32, #tpu.memory_space<hbm>>
    tpu.wait_dma2 semaphore(%arg10 : memref<!tpu.dma_semaphore, #tpu.memory_space<semaphore_mem>>) src(%dma_wait3A_302 : memref<64x128xf32, #tpu.memory_space<hbm>>) dst(%dma_wait3A_299 : memref<64x128xf32, #tpu.memory_space<vmem>>)
    %slice3A_303 = vector.extract_strided_slice %get3A_162 {offsets = [2], sizes = [1], strides = [1]} : vector<16xi32> to vector<1xi32>
    %squeeze3A_304 = vector.extract %slice3A_303[0] : i32 from vector<1xi32>
    %and3A_305 = arith.constant 127 : i32
    %and3A_306 = arith.andi %squeeze3A_304, %and3A_305 : i32
    %broadcast_in_dim3A_307 = vector.broadcast %and3A_306 : i32 to vector<16xi32>
    %broadcast_in_dim3A_308 = arith.constant 498 : i32
    %broadcast_in_dim3A_309 = vector.broadcast %broadcast_in_dim3A_308 : i32 to vector<16xi32>
    %gather3A_310 = arith.constant 2 : i32
    %gather3A_311 = arith.constant 0 : i32
    %gather3A_312 = arith.constant 0 : i32
    %gather3A_313 = tpu.memref_slice %arg6[%gather3A_310, %gather3A_311, %gather3A_312] : memref<8x64x128xf32, #tpu.memory_space<vmem>> -> memref<1x64x128xf32, #tpu.memory_space<vmem>>
    %gather3A_314 = tpu.memref_squeeze %gather3A_313 : memref<1x64x128xf32, #tpu.memory_space<vmem>> -> memref<64x128xf32, #tpu.memory_space<vmem>>
    %gather3A_315 = tpu.vector_load_idx %gather3A_314[%add3A_5, %broadcast_in_dim3A_307] : memref<64x128xf32, #tpu.memory_space<vmem>>[vector<16xi32>, vector<16xi32>], vector<16xf32>,
    tpu.vector_store_idx %arg7[%add3A_5, %broadcast_in_dim3A_309], %gather3A_315 : memref<64x512xf32, #tpu.memory_space<vmem>>[vector<16xi32>, vector<16xi32>], vector<16xf32>,
    %gather3A_316 = arith.constant 2 : i32
    %gather3A_317 = arith.constant 0 : i32
    %gather3A_318 = arith.constant 0 : i32
    %gather3A_319 = tpu.memref_slice %arg6[%gather3A_316, %gather3A_317, %gather3A_318] : memref<8x64x128xf32, #tpu.memory_space<vmem>> -> memref<1x64x128xf32, #tpu.memory_space<vmem>>
    %gather3A_320 = tpu.memref_squeeze %gather3A_319 : memref<1x64x128xf32, #tpu.memory_space<vmem>> -> memref<64x128xf32, #tpu.memory_space<vmem>>
    %gather3A_321 = tpu.vector_load_idx %gather3A_320[%add3A_8, %broadcast_in_dim3A_307] : memref<64x128xf32, #tpu.memory_space<vmem>>[vector<16xi32>, vector<16xi32>], vector<16xf32>,
    tpu.vector_store_idx %arg7[%add3A_8, %broadcast_in_dim3A_309], %gather3A_321 : memref<64x512xf32, #tpu.memory_space<vmem>>[vector<16xi32>, vector<16xi32>], vector<16xf32>,
    %gather3A_322 = arith.constant 2 : i32
    %gather3A_323 = arith.constant 0 : i32
    %gather3A_324 = arith.constant 0 : i32
    %gather3A_325 = tpu.memref_slice %arg6[%gather3A_322, %gather3A_323, %gather3A_324] : memref<8x64x128xf32, #tpu.memory_space<vmem>> -> memref<1x64x128xf32, #tpu.memory_space<vmem>>
    %gather3A_326 = tpu.memref_squeeze %gather3A_325 : memref<1x64x128xf32, #tpu.memory_space<vmem>> -> memref<64x128xf32, #tpu.memory_space<vmem>>
    %gather3A_327 = tpu.vector_load_idx %gather3A_326[%add3A_11, %broadcast_in_dim3A_307] : memref<64x128xf32, #tpu.memory_space<vmem>>[vector<16xi32>, vector<16xi32>], vector<16xf32>,
    tpu.vector_store_idx %arg7[%add3A_11, %broadcast_in_dim3A_309], %gather3A_327 : memref<64x512xf32, #tpu.memory_space<vmem>>[vector<16xi32>, vector<16xi32>], vector<16xf32>,
    %gather3A_328 = arith.constant 2 : i32
    %gather3A_329 = arith.constant 0 : i32
    %gather3A_330 = arith.constant 0 : i32
    %gather3A_331 = tpu.memref_slice %arg6[%gather3A_328, %gather3A_329, %gather3A_330] : memref<8x64x128xf32, #tpu.memory_space<vmem>> -> memref<1x64x128xf32, #tpu.memory_space<vmem>>
    %gather3A_332 = tpu.memref_squeeze %gather3A_331 : memref<1x64x128xf32, #tpu.memory_space<vmem>> -> memref<64x128xf32, #tpu.memory_space<vmem>>
    %gather3A_333 = tpu.vector_load_idx %gather3A_332[%add3A_14, %broadcast_in_dim3A_307] : memref<64x128xf32, #tpu.memory_space<vmem>>[vector<16xi32>, vector<16xi32>], vector<16xf32>,
    tpu.vector_store_idx %arg7[%add3A_14, %broadcast_in_dim3A_309], %gather3A_333 : memref<64x512xf32, #tpu.memory_space<vmem>>[vector<16xi32>, vector<16xi32>], vector<16xf32>,
    %slice3A_334 = vector.extract_strided_slice %get3A_162 {offsets = [10], sizes = [1], strides = [1]} : vector<16xi32> to vector<1xi32>
    %squeeze3A_335 = vector.extract %slice3A_334[0] : i32 from vector<1xi32>
    %and3A_336 = arith.constant -128 : i32
    %and3A_337 = arith.andi %squeeze3A_335, %and3A_336 : i32
    %multiple_of3A_338 = tpu.assume_multiple %and3A_337, 128 : i32
    %dma_start3A_339 = arith.constant 2 : i32
    %dma_start3A_340 = arith.constant 0 : i32
    %dma_start3A_341 = arith.constant 0 : i32
    %dma_start3A_342 = tpu.memref_slice %arg6[%dma_start3A_339, %dma_start3A_340, %dma_start3A_341] : memref<8x64x128xf32, #tpu.memory_space<vmem>> -> memref<1x64x128xf32, #tpu.memory_space<vmem>>
    %dma_start3A_343 = tpu.memref_squeeze %dma_start3A_342 : memref<1x64x128xf32, #tpu.memory_space<vmem>> -> memref<64x128xf32, #tpu.memory_space<vmem>>
    %dma_start3A_344 = arith.constant 0 : i32
    %dma_start3A_345 = tpu.memref_slice %arg3[%dma_start3A_344, %multiple_of3A_338] : memref<64x1000000xf32, #tpu.memory_space<hbm>> -> memref<64x128xf32, #tpu.memory_space<hbm>>
    %dma_start3A_346 = arith.constant 0 : i32
    %dma_start3A_347 = arith.constant 0 : i32
    %dma_start3A_348 = tpu.memref_slice %arg6[%dma_start3A_339, %dma_start3A_346, %dma_start3A_347] : memref<8x64x128xf32, #tpu.memory_space<vmem>> -> memref<1x64x128xf32, #tpu.memory_space<vmem>>
    %dma_start3A_349 = tpu.memref_squeeze %dma_start3A_348 : memref<1x64x128xf32, #tpu.memory_space<vmem>> -> memref<64x128xf32, #tpu.memory_space<vmem>>
    %dma_start3A_350 = arith.constant 0 : i32
    %dma_start3A_351 = tpu.memref_slice %arg3[%dma_start3A_350, %multiple_of3A_338] : memref<64x1000000xf32, #tpu.memory_space<hbm>> -> memref<64x128xf32, #tpu.memory_space<hbm>>
    tpu.enqueue_dma source(%dma_start3A_351 : memref<64x128xf32, #tpu.memory_space<hbm>>) target(%dma_start3A_349 : memref<64x128xf32, #tpu.memory_space<vmem>>) target_semaphore(%arg10 : memref<!tpu.dma_semaphore, #tpu.memory_space<semaphore_mem>>)
    %dma_wait3A_352 = arith.constant 3 : i32
    %dma_wait3A_353 = arith.constant 0 : i32
    %dma_wait3A_354 = arith.constant 0 : i32
    %dma_wait3A_355 = tpu.memref_slice %arg6[%dma_wait3A_352, %dma_wait3A_353, %dma_wait3A_354] : memref<8x64x128xf32, #tpu.memory_space<vmem>> -> memref<1x64x128xf32, #tpu.memory_space<vmem>>
    %dma_wait3A_356 = tpu.memref_squeeze %dma_wait3A_355 : memref<1x64x128xf32, #tpu.memory_space<vmem>> -> memref<64x128xf32, #tpu.memory_space<vmem>>
    %dma_wait3A_357 = arith.constant 0 : i32
    %dma_wait3A_358 = arith.constant 0 : i32
    %dma_wait3A_359 = tpu.memref_slice %arg3[%dma_wait3A_357, %dma_wait3A_358] : memref<64x1000000xf32, #tpu.memory_space<hbm>> -> memref<64x128xf32, #tpu.memory_space<hbm>>
    %dma_wait3A_360 = arith.constant 0 : i32
    %dma_wait3A_361 = arith.constant 0 : i32
    %dma_wait3A_362 = tpu.memref_slice %arg6[%dma_wait3A_352, %dma_wait3A_360, %dma_wait3A_361] : memref<8x64x128xf32, #tpu.memory_space<vmem>> -> memref<1x64x128xf32, #tpu.memory_space<vmem>>
    %dma_wait3A_363 = tpu.memref_squeeze %dma_wait3A_362 : memref<1x64x128xf32, #tpu.memory_space<vmem>> -> memref<64x128xf32, #tpu.memory_space<vmem>>
    %dma_wait3A_364 = arith.constant 0 : i32
    %dma_wait3A_365 = arith.constant 0 : i32
    %dma_wait3A_366 = tpu.memref_slice %arg3[%dma_wait3A_364, %dma_wait3A_365] : memref<64x1000000xf32, #tpu.memory_space<hbm>> -> memref<64x128xf32, #tpu.memory_space<hbm>>
    tpu.wait_dma2 semaphore(%arg11 : memref<!tpu.dma_semaphore, #tpu.memory_space<semaphore_mem>>) src(%dma_wait3A_366 : memref<64x128xf32, #tpu.memory_space<hbm>>) dst(%dma_wait3A_363 : memref<64x128xf32, #tpu.memory_space<vmem>>)
    %slice3A_367 = vector.extract_strided_slice %get3A_162 {offsets = [3], sizes = [1], strides = [1]} : vector<16xi32> to vector<1xi32>
    %squeeze3A_368 = vector.extract %slice3A_367[0] : i32 from vector<1xi32>
    %and3A_369 = arith.constant 127 : i32
    %and3A_370 = arith.andi %squeeze3A_368, %and3A_369 : i32
    %broadcast_in_dim3A_371 = vector.broadcast %and3A_370 : i32 to vector<16xi32>
    %broadcast_in_dim3A_372 = arith.constant 499 : i32
    %broadcast_in_dim3A_373 = vector.broadcast %broadcast_in_dim3A_372 : i32 to vector<16xi32>
    %gather3A_374 = arith.constant 3 : i32
    %gather3A_375 = arith.constant 0 : i32
    %gather3A_376 = arith.constant 0 : i32
    %gather3A_377 = tpu.memref_slice %arg6[%gather3A_374, %gather3A_375, %gather3A_376] : memref<8x64x128xf32, #tpu.memory_space<vmem>> -> memref<1x64x128xf32, #tpu.memory_space<vmem>>
    %gather3A_378 = tpu.memref_squeeze %gather3A_377 : memref<1x64x128xf32, #tpu.memory_space<vmem>> -> memref<64x128xf32, #tpu.memory_space<vmem>>
    %gather3A_379 = tpu.vector_load_idx %gather3A_378[%add3A_5, %broadcast_in_dim3A_371] : memref<64x128xf32, #tpu.memory_space<vmem>>[vector<16xi32>, vector<16xi32>], vector<16xf32>,
    tpu.vector_store_idx %arg7[%add3A_5, %broadcast_in_dim3A_373], %gather3A_379 : memref<64x512xf32, #tpu.memory_space<vmem>>[vector<16xi32>, vector<16xi32>], vector<16xf32>,
    %gather3A_380 = arith.constant 3 : i32
    %gather3A_381 = arith.constant 0 : i32
    %gather3A_382 = arith.constant 0 : i32
    %gather3A_383 = tpu.memref_slice %arg6[%gather3A_380, %gather3A_381, %gather3A_382] : memref<8x64x128xf32, #tpu.memory_space<vmem>> -> memref<1x64x128xf32, #tpu.memory_space<vmem>>
    %gather3A_384 = tpu.memref_squeeze %gather3A_383 : memref<1x64x128xf32, #tpu.memory_space<vmem>> -> memref<64x128xf32, #tpu.memory_space<vmem>>
    %gather3A_385 = tpu.vector_load_idx %gather3A_384[%add3A_8, %broadcast_in_dim3A_371] : memref<64x128xf32, #tpu.memory_space<vmem>>[vector<16xi32>, vector<16xi32>], vector<16xf32>,
    tpu.vector_store_idx %arg7[%add3A_8, %broadcast_in_dim3A_373], %gather3A_385 : memref<64x512xf32, #tpu.memory_space<vmem>>[vector<16xi32>, vector<16xi32>], vector<16xf32>,
    %gather3A_386 = arith.constant 3 : i32
    %gather3A_387 = arith.constant 0 : i32
    %gather3A_388 = arith.constant 0 : i32
    %gather3A_389 = tpu.memref_slice %arg6[%gather3A_386, %gather3A_387, %gather3A_388] : memref<8x64x128xf32, #tpu.memory_space<vmem>> -> memref<1x64x128xf32, #tpu.memory_space<vmem>>
    %gather3A_390 = tpu.memref_squeeze %gather3A_389 : memref<1x64x128xf32, #tpu.memory_space<vmem>> -> memref<64x128xf32, #tpu.memory_space<vmem>>
    %gather3A_391 = tpu.vector_load_idx %gather3A_390[%add3A_11, %broadcast_in_dim3A_371] : memref<64x128xf32, #tpu.memory_space<vmem>>[vector<16xi32>, vector<16xi32>], vector<16xf32>,
    tpu.vector_store_idx %arg7[%add3A_11, %broadcast_in_dim3A_373], %gather3A_391 : memref<64x512xf32, #tpu.memory_space<vmem>>[vector<16xi32>, vector<16xi32>], vector<16xf32>,
    %gather3A_392 = arith.constant 3 : i32
    %gather3A_393 = arith.constant 0 : i32
    %gather3A_394 = arith.constant 0 : i32
    %gather3A_395 = tpu.memref_slice %arg6[%gather3A_392, %gather3A_393, %gather3A_394] : memref<8x64x128xf32, #tpu.memory_space<vmem>> -> memref<1x64x128xf32, #tpu.memory_space<vmem>>
    %gather3A_396 = tpu.memref_squeeze %gather3A_395 : memref<1x64x128xf32, #tpu.memory_space<vmem>> -> memref<64x128xf32, #tpu.memory_space<vmem>>
    %gather3A_397 = tpu.vector_load_idx %gather3A_396[%add3A_14, %broadcast_in_dim3A_371] : memref<64x128xf32, #tpu.memory_space<vmem>>[vector<16xi32>, vector<16xi32>], vector<16xf32>,
    tpu.vector_store_idx %arg7[%add3A_14, %broadcast_in_dim3A_373], %gather3A_397 : memref<64x512xf32, #tpu.memory_space<vmem>>[vector<16xi32>, vector<16xi32>], vector<16xf32>,
    %slice3A_398 = vector.extract_strided_slice %get3A_162 {offsets = [11], sizes = [1], strides = [1]} : vector<16xi32> to vector<1xi32>
    %squeeze3A_399 = vector.extract %slice3A_398[0] : i32 from vector<1xi32>
    %and3A_400 = arith.constant -128 : i32
    %and3A_401 = arith.andi %squeeze3A_399, %and3A_400 : i32
    %multiple_of3A_402 = tpu.assume_multiple %and3A_401, 128 : i32
    %dma_start3A_403 = arith.constant 3 : i32
    %dma_start3A_404 = arith.constant 0 : i32
    %dma_start3A_405 = arith.constant 0 : i32
    %dma_start3A_406 = tpu.memref_slice %arg6[%dma_start3A_403, %dma_start3A_404, %dma_start3A_405] : memref<8x64x128xf32, #tpu.memory_space<vmem>> -> memref<1x64x128xf32, #tpu.memory_space<vmem>>
    %dma_start3A_407 = tpu.memref_squeeze %dma_start3A_406 : memref<1x64x128xf32, #tpu.memory_space<vmem>> -> memref<64x128xf32, #tpu.memory_space<vmem>>
    %dma_start3A_408 = arith.constant 0 : i32
    %dma_start3A_409 = tpu.memref_slice %arg3[%dma_start3A_408, %multiple_of3A_402] : memref<64x1000000xf32, #tpu.memory_space<hbm>> -> memref<64x128xf32, #tpu.memory_space<hbm>>
    %dma_start3A_410 = arith.constant 0 : i32
    %dma_start3A_411 = arith.constant 0 : i32
    %dma_start3A_412 = tpu.memref_slice %arg6[%dma_start3A_403, %dma_start3A_410, %dma_start3A_411] : memref<8x64x128xf32, #tpu.memory_space<vmem>> -> memref<1x64x128xf32, #tpu.memory_space<vmem>>
    %dma_start3A_413 = tpu.memref_squeeze %dma_start3A_412 : memref<1x64x128xf32, #tpu.memory_space<vmem>> -> memref<64x128xf32, #tpu.memory_space<vmem>>
    %dma_start3A_414 = arith.constant 0 : i32
    %dma_start3A_415 = tpu.memref_slice %arg3[%dma_start3A_414, %multiple_of3A_402] : memref<64x1000000xf32, #tpu.memory_space<hbm>> -> memref<64x128xf32, #tpu.memory_space<hbm>>
    tpu.enqueue_dma source(%dma_start3A_415 : memref<64x128xf32, #tpu.memory_space<hbm>>) target(%dma_start3A_413 : memref<64x128xf32, #tpu.memory_space<vmem>>) target_semaphore(%arg11 : memref<!tpu.dma_semaphore, #tpu.memory_space<semaphore_mem>>)
    %dma_wait3A_416 = arith.constant 4 : i32
    %dma_wait3A_417 = arith.constant 0 : i32
    %dma_wait3A_418 = arith.constant 0 : i32
    %dma_wait3A_419 = tpu.memref_slice %arg6[%dma_wait3A_416, %dma_wait3A_417, %dma_wait3A_418] : memref<8x64x128xf32, #tpu.memory_space<vmem>> -> memref<1x64x128xf32, #tpu.memory_space<vmem>>
    %dma_wait3A_420 = tpu.memref_squeeze %dma_wait3A_419 : memref<1x64x128xf32, #tpu.memory_space<vmem>> -> memref<64x128xf32, #tpu.memory_space<vmem>>
    %dma_wait3A_421 = arith.constant 0 : i32
    %dma_wait3A_422 = arith.constant 0 : i32
    %dma_wait3A_423 = tpu.memref_slice %arg3[%dma_wait3A_421, %dma_wait3A_422] : memref<64x1000000xf32, #tpu.memory_space<hbm>> -> memref<64x128xf32, #tpu.memory_space<hbm>>
    %dma_wait3A_424 = arith.constant 0 : i32
    %dma_wait3A_425 = arith.constant 0 : i32
    %dma_wait3A_426 = tpu.memref_slice %arg6[%dma_wait3A_416, %dma_wait3A_424, %dma_wait3A_425] : memref<8x64x128xf32, #tpu.memory_space<vmem>> -> memref<1x64x128xf32, #tpu.memory_space<vmem>>
    %dma_wait3A_427 = tpu.memref_squeeze %dma_wait3A_426 : memref<1x64x128xf32, #tpu.memory_space<vmem>> -> memref<64x128xf32, #tpu.memory_space<vmem>>
    %dma_wait3A_428 = arith.constant 0 : i32
    %dma_wait3A_429 = arith.constant 0 : i32
    %dma_wait3A_430 = tpu.memref_slice %arg3[%dma_wait3A_428, %dma_wait3A_429] : memref<64x1000000xf32, #tpu.memory_space<hbm>> -> memref<64x128xf32, #tpu.memory_space<hbm>>
    tpu.wait_dma2 semaphore(%arg12 : memref<!tpu.dma_semaphore, #tpu.memory_space<semaphore_mem>>) src(%dma_wait3A_430 : memref<64x128xf32, #tpu.memory_space<hbm>>) dst(%dma_wait3A_427 : memref<64x128xf32, #tpu.memory_space<vmem>>)
    %slice3A_431 = vector.extract_strided_slice %get3A_162 {offsets = [4], sizes = [1], strides = [1]} : vector<16xi32> to vector<1xi32>
    %squeeze3A_432 = vector.extract %slice3A_431[0] : i32 from vector<1xi32>
    %and3A_433 = arith.constant 127 : i32
    %and3A_434 = arith.andi %squeeze3A_432, %and3A_433 : i32
    %broadcast_in_dim3A_435 = vector.broadcast %and3A_434 : i32 to vector<16xi32>
    %broadcast_in_dim3A_436 = arith.constant 500 : i32
    %broadcast_in_dim3A_437 = vector.broadcast %broadcast_in_dim3A_436 : i32 to vector<16xi32>
    %gather3A_438 = arith.constant 4 : i32
    %gather3A_439 = arith.constant 0 : i32
    %gather3A_440 = arith.constant 0 : i32
    %gather3A_441 = tpu.memref_slice %arg6[%gather3A_438, %gather3A_439, %gather3A_440] : memref<8x64x128xf32, #tpu.memory_space<vmem>> -> memref<1x64x128xf32, #tpu.memory_space<vmem>>
    %gather3A_442 = tpu.memref_squeeze %gather3A_441 : memref<1x64x128xf32, #tpu.memory_space<vmem>> -> memref<64x128xf32, #tpu.memory_space<vmem>>
    %gather3A_443 = tpu.vector_load_idx %gather3A_442[%add3A_5, %broadcast_in_dim3A_435] : memref<64x128xf32, #tpu.memory_space<vmem>>[vector<16xi32>, vector<16xi32>], vector<16xf32>,
    tpu.vector_store_idx %arg7[%add3A_5, %broadcast_in_dim3A_437], %gather3A_443 : memref<64x512xf32, #tpu.memory_space<vmem>>[vector<16xi32>, vector<16xi32>], vector<16xf32>,
    %gather3A_444 = arith.constant 4 : i32
    %gather3A_445 = arith.constant 0 : i32
    %gather3A_446 = arith.constant 0 : i32
    %gather3A_447 = tpu.memref_slice %arg6[%gather3A_444, %gather3A_445, %gather3A_446] : memref<8x64x128xf32, #tpu.memory_space<vmem>> -> memref<1x64x128xf32, #tpu.memory_space<vmem>>
    %gather3A_448 = tpu.memref_squeeze %gather3A_447 : memref<1x64x128xf32, #tpu.memory_space<vmem>> -> memref<64x128xf32, #tpu.memory_space<vmem>>
    %gather3A_449 = tpu.vector_load_idx %gather3A_448[%add3A_8, %broadcast_in_dim3A_435] : memref<64x128xf32, #tpu.memory_space<vmem>>[vector<16xi32>, vector<16xi32>], vector<16xf32>,
    tpu.vector_store_idx %arg7[%add3A_8, %broadcast_in_dim3A_437], %gather3A_449 : memref<64x512xf32, #tpu.memory_space<vmem>>[vector<16xi32>, vector<16xi32>], vector<16xf32>,
    %gather3A_450 = arith.constant 4 : i32
    %gather3A_451 = arith.constant 0 : i32
    %gather3A_452 = arith.constant 0 : i32
    %gather3A_453 = tpu.memref_slice %arg6[%gather3A_450, %gather3A_451, %gather3A_452] : memref<8x64x128xf32, #tpu.memory_space<vmem>> -> memref<1x64x128xf32, #tpu.memory_space<vmem>>
    %gather3A_454 = tpu.memref_squeeze %gather3A_453 : memref<1x64x128xf32, #tpu.memory_space<vmem>> -> memref<64x128xf32, #tpu.memory_space<vmem>>
    %gather3A_455 = tpu.vector_load_idx %gather3A_454[%add3A_11, %broadcast_in_dim3A_435] : memref<64x128xf32, #tpu.memory_space<vmem>>[vector<16xi32>, vector<16xi32>], vector<16xf32>,
    tpu.vector_store_idx %arg7[%add3A_11, %broadcast_in_dim3A_437], %gather3A_455 : memref<64x512xf32, #tpu.memory_space<vmem>>[vector<16xi32>, vector<16xi32>], vector<16xf32>,
    %gather3A_456 = arith.constant 4 : i32
    %gather3A_457 = arith.constant 0 : i32
    %gather3A_458 = arith.constant 0 : i32
    %gather3A_459 = tpu.memref_slice %arg6[%gather3A_456, %gather3A_457, %gather3A_458] : memref<8x64x128xf32, #tpu.memory_space<vmem>> -> memref<1x64x128xf32, #tpu.memory_space<vmem>>
    %gather3A_460 = tpu.memref_squeeze %gather3A_459 : memref<1x64x128xf32, #tpu.memory_space<vmem>> -> memref<64x128xf32, #tpu.memory_space<vmem>>
    %gather3A_461 = tpu.vector_load_idx %gather3A_460[%add3A_14, %broadcast_in_dim3A_435] : memref<64x128xf32, #tpu.memory_space<vmem>>[vector<16xi32>, vector<16xi32>], vector<16xf32>,
    tpu.vector_store_idx %arg7[%add3A_14, %broadcast_in_dim3A_437], %gather3A_461 : memref<64x512xf32, #tpu.memory_space<vmem>>[vector<16xi32>, vector<16xi32>], vector<16xf32>,
    %slice3A_462 = vector.extract_strided_slice %get3A_162 {offsets = [12], sizes = [1], strides = [1]} : vector<16xi32> to vector<1xi32>
    %squeeze3A_463 = vector.extract %slice3A_462[0] : i32 from vector<1xi32>
    %and3A_464 = arith.constant -128 : i32
    %and3A_465 = arith.andi %squeeze3A_463, %and3A_464 : i32
    %multiple_of3A_466 = tpu.assume_multiple %and3A_465, 128 : i32
    %dma_start3A_467 = arith.constant 4 : i32
    %dma_start3A_468 = arith.constant 0 : i32
    %dma_start3A_469 = arith.constant 0 : i32
    %dma_start3A_470 = tpu.memref_slice %arg6[%dma_start3A_467, %dma_start3A_468, %dma_start3A_469] : memref<8x64x128xf32, #tpu.memory_space<vmem>> -> memref<1x64x128xf32, #tpu.memory_space<vmem>>
    %dma_start3A_471 = tpu.memref_squeeze %dma_start3A_470 : memref<1x64x128xf32, #tpu.memory_space<vmem>> -> memref<64x128xf32, #tpu.memory_space<vmem>>
    %dma_start3A_472 = arith.constant 0 : i32
    %dma_start3A_473 = tpu.memref_slice %arg3[%dma_start3A_472, %multiple_of3A_466] : memref<64x1000000xf32, #tpu.memory_space<hbm>> -> memref<64x128xf32, #tpu.memory_space<hbm>>
    %dma_start3A_474 = arith.constant 0 : i32
    %dma_start3A_475 = arith.constant 0 : i32
    %dma_start3A_476 = tpu.memref_slice %arg6[%dma_start3A_467, %dma_start3A_474, %dma_start3A_475] : memref<8x64x128xf32, #tpu.memory_space<vmem>> -> memref<1x64x128xf32, #tpu.memory_space<vmem>>
    %dma_start3A_477 = tpu.memref_squeeze %dma_start3A_476 : memref<1x64x128xf32, #tpu.memory_space<vmem>> -> memref<64x128xf32, #tpu.memory_space<vmem>>
    %dma_start3A_478 = arith.constant 0 : i32
    %dma_start3A_479 = tpu.memref_slice %arg3[%dma_start3A_478, %multiple_of3A_466] : memref<64x1000000xf32, #tpu.memory_space<hbm>> -> memref<64x128xf32, #tpu.memory_space<hbm>>
    tpu.enqueue_dma source(%dma_start3A_479 : memref<64x128xf32, #tpu.memory_space<hbm>>) target(%dma_start3A_477 : memref<64x128xf32, #tpu.memory_space<vmem>>) target_semaphore(%arg12 : memref<!tpu.dma_semaphore, #tpu.memory_space<semaphore_mem>>)
    %dma_wait3A_480 = arith.constant 5 : i32
    %dma_wait3A_481 = arith.constant 0 : i32
    %dma_wait3A_482 = arith.constant 0 : i32
    %dma_wait3A_483 = tpu.memref_slice %arg6[%dma_wait3A_480, %dma_wait3A_481, %dma_wait3A_482] : memref<8x64x128xf32, #tpu.memory_space<vmem>> -> memref<1x64x128xf32, #tpu.memory_space<vmem>>
    %dma_wait3A_484 = tpu.memref_squeeze %dma_wait3A_483 : memref<1x64x128xf32, #tpu.memory_space<vmem>> -> memref<64x128xf32, #tpu.memory_space<vmem>>
    %dma_wait3A_485 = arith.constant 0 : i32
    %dma_wait3A_486 = arith.constant 0 : i32
    %dma_wait3A_487 = tpu.memref_slice %arg3[%dma_wait3A_485, %dma_wait3A_486] : memref<64x1000000xf32, #tpu.memory_space<hbm>> -> memref<64x128xf32, #tpu.memory_space<hbm>>
    %dma_wait3A_488 = arith.constant 0 : i32
    %dma_wait3A_489 = arith.constant 0 : i32
    %dma_wait3A_490 = tpu.memref_slice %arg6[%dma_wait3A_480, %dma_wait3A_488, %dma_wait3A_489] : memref<8x64x128xf32, #tpu.memory_space<vmem>> -> memref<1x64x128xf32, #tpu.memory_space<vmem>>
    %dma_wait3A_491 = tpu.memref_squeeze %dma_wait3A_490 : memref<1x64x128xf32, #tpu.memory_space<vmem>> -> memref<64x128xf32, #tpu.memory_space<vmem>>
    %dma_wait3A_492 = arith.constant 0 : i32
    %dma_wait3A_493 = arith.constant 0 : i32
    %dma_wait3A_494 = tpu.memref_slice %arg3[%dma_wait3A_492, %dma_wait3A_493] : memref<64x1000000xf32, #tpu.memory_space<hbm>> -> memref<64x128xf32, #tpu.memory_space<hbm>>
    tpu.wait_dma2 semaphore(%arg13 : memref<!tpu.dma_semaphore, #tpu.memory_space<semaphore_mem>>) src(%dma_wait3A_494 : memref<64x128xf32, #tpu.memory_space<hbm>>) dst(%dma_wait3A_491 : memref<64x128xf32, #tpu.memory_space<vmem>>)
    %slice3A_495 = vector.extract_strided_slice %get3A_162 {offsets = [5], sizes = [1], strides = [1]} : vector<16xi32> to vector<1xi32>
    %squeeze3A_496 = vector.extract %slice3A_495[0] : i32 from vector<1xi32>
    %and3A_497 = arith.constant 127 : i32
    %and3A_498 = arith.andi %squeeze3A_496, %and3A_497 : i32
    %broadcast_in_dim3A_499 = vector.broadcast %and3A_498 : i32 to vector<16xi32>
    %broadcast_in_dim3A_500 = arith.constant 501 : i32
    %broadcast_in_dim3A_501 = vector.broadcast %broadcast_in_dim3A_500 : i32 to vector<16xi32>
    %gather3A_502 = arith.constant 5 : i32
    %gather3A_503 = arith.constant 0 : i32
    %gather3A_504 = arith.constant 0 : i32
    %gather3A_505 = tpu.memref_slice %arg6[%gather3A_502, %gather3A_503, %gather3A_504] : memref<8x64x128xf32, #tpu.memory_space<vmem>> -> memref<1x64x128xf32, #tpu.memory_space<vmem>>
    %gather3A_506 = tpu.memref_squeeze %gather3A_505 : memref<1x64x128xf32, #tpu.memory_space<vmem>> -> memref<64x128xf32, #tpu.memory_space<vmem>>
    %gather3A_507 = tpu.vector_load_idx %gather3A_506[%add3A_5, %broadcast_in_dim3A_499] : memref<64x128xf32, #tpu.memory_space<vmem>>[vector<16xi32>, vector<16xi32>], vector<16xf32>,
    tpu.vector_store_idx %arg7[%add3A_5, %broadcast_in_dim3A_501], %gather3A_507 : memref<64x512xf32, #tpu.memory_space<vmem>>[vector<16xi32>, vector<16xi32>], vector<16xf32>,
    %gather3A_508 = arith.constant 5 : i32
    %gather3A_509 = arith.constant 0 : i32
    %gather3A_510 = arith.constant 0 : i32
    %gather3A_511 = tpu.memref_slice %arg6[%gather3A_508, %gather3A_509, %gather3A_510] : memref<8x64x128xf32, #tpu.memory_space<vmem>> -> memref<1x64x128xf32, #tpu.memory_space<vmem>>
    %gather3A_512 = tpu.memref_squeeze %gather3A_511 : memref<1x64x128xf32, #tpu.memory_space<vmem>> -> memref<64x128xf32, #tpu.memory_space<vmem>>
    %gather3A_513 = tpu.vector_load_idx %gather3A_512[%add3A_8, %broadcast_in_dim3A_499] : memref<64x128xf32, #tpu.memory_space<vmem>>[vector<16xi32>, vector<16xi32>], vector<16xf32>,
    tpu.vector_store_idx %arg7[%add3A_8, %broadcast_in_dim3A_501], %gather3A_513 : memref<64x512xf32, #tpu.memory_space<vmem>>[vector<16xi32>, vector<16xi32>], vector<16xf32>,
    %gather3A_514 = arith.constant 5 : i32
    %gather3A_515 = arith.constant 0 : i32
    %gather3A_516 = arith.constant 0 : i32
    %gather3A_517 = tpu.memref_slice %arg6[%gather3A_514, %gather3A_515, %gather3A_516] : memref<8x64x128xf32, #tpu.memory_space<vmem>> -> memref<1x64x128xf32, #tpu.memory_space<vmem>>
    %gather3A_518 = tpu.memref_squeeze %gather3A_517 : memref<1x64x128xf32, #tpu.memory_space<vmem>> -> memref<64x128xf32, #tpu.memory_space<vmem>>
    %gather3A_519 = tpu.vector_load_idx %gather3A_518[%add3A_11, %broadcast_in_dim3A_499] : memref<64x128xf32, #tpu.memory_space<vmem>>[vector<16xi32>, vector<16xi32>], vector<16xf32>,
    tpu.vector_store_idx %arg7[%add3A_11, %broadcast_in_dim3A_501], %gather3A_519 : memref<64x512xf32, #tpu.memory_space<vmem>>[vector<16xi32>, vector<16xi32>], vector<16xf32>,
    %gather3A_520 = arith.constant 5 : i32
    %gather3A_521 = arith.constant 0 : i32
    %gather3A_522 = arith.constant 0 : i32
    %gather3A_523 = tpu.memref_slice %arg6[%gather3A_520, %gather3A_521, %gather3A_522] : memref<8x64x128xf32, #tpu.memory_space<vmem>> -> memref<1x64x128xf32, #tpu.memory_space<vmem>>
    %gather3A_524 = tpu.memref_squeeze %gather3A_523 : memref<1x64x128xf32, #tpu.memory_space<vmem>> -> memref<64x128xf32, #tpu.memory_space<vmem>>
    %gather3A_525 = tpu.vector_load_idx %gather3A_524[%add3A_14, %broadcast_in_dim3A_499] : memref<64x128xf32, #tpu.memory_space<vmem>>[vector<16xi32>, vector<16xi32>], vector<16xf32>,
    tpu.vector_store_idx %arg7[%add3A_14, %broadcast_in_dim3A_501], %gather3A_525 : memref<64x512xf32, #tpu.memory_space<vmem>>[vector<16xi32>, vector<16xi32>], vector<16xf32>,
    %slice3A_526 = vector.extract_strided_slice %get3A_162 {offsets = [13], sizes = [1], strides = [1]} : vector<16xi32> to vector<1xi32>
    %squeeze3A_527 = vector.extract %slice3A_526[0] : i32 from vector<1xi32>
    %and3A_528 = arith.constant -128 : i32
    %and3A_529 = arith.andi %squeeze3A_527, %and3A_528 : i32
    %multiple_of3A_530 = tpu.assume_multiple %and3A_529, 128 : i32
    %dma_start3A_531 = arith.constant 5 : i32
    %dma_start3A_532 = arith.constant 0 : i32
    %dma_start3A_533 = arith.constant 0 : i32
    %dma_start3A_534 = tpu.memref_slice %arg6[%dma_start3A_531, %dma_start3A_532, %dma_start3A_533] : memref<8x64x128xf32, #tpu.memory_space<vmem>> -> memref<1x64x128xf32, #tpu.memory_space<vmem>>
    %dma_start3A_535 = tpu.memref_squeeze %dma_start3A_534 : memref<1x64x128xf32, #tpu.memory_space<vmem>> -> memref<64x128xf32, #tpu.memory_space<vmem>>
    %dma_start3A_536 = arith.constant 0 : i32
    %dma_start3A_537 = tpu.memref_slice %arg3[%dma_start3A_536, %multiple_of3A_530] : memref<64x1000000xf32, #tpu.memory_space<hbm>> -> memref<64x128xf32, #tpu.memory_space<hbm>>
    %dma_start3A_538 = arith.constant 0 : i32
    %dma_start3A_539 = arith.constant 0 : i32
    %dma_start3A_540 = tpu.memref_slice %arg6[%dma_start3A_531, %dma_start3A_538, %dma_start3A_539] : memref<8x64x128xf32, #tpu.memory_space<vmem>> -> memref<1x64x128xf32, #tpu.memory_space<vmem>>
    %dma_start3A_541 = tpu.memref_squeeze %dma_start3A_540 : memref<1x64x128xf32, #tpu.memory_space<vmem>> -> memref<64x128xf32, #tpu.memory_space<vmem>>
    %dma_start3A_542 = arith.constant 0 : i32
    %dma_start3A_543 = tpu.memref_slice %arg3[%dma_start3A_542, %multiple_of3A_530] : memref<64x1000000xf32, #tpu.memory_space<hbm>> -> memref<64x128xf32, #tpu.memory_space<hbm>>
    tpu.enqueue_dma source(%dma_start3A_543 : memref<64x128xf32, #tpu.memory_space<hbm>>) target(%dma_start3A_541 : memref<64x128xf32, #tpu.memory_space<vmem>>) target_semaphore(%arg13 : memref<!tpu.dma_semaphore, #tpu.memory_space<semaphore_mem>>)
    %dma_wait3A_544 = arith.constant 6 : i32
    %dma_wait3A_545 = arith.constant 0 : i32
    %dma_wait3A_546 = arith.constant 0 : i32
    %dma_wait3A_547 = tpu.memref_slice %arg6[%dma_wait3A_544, %dma_wait3A_545, %dma_wait3A_546] : memref<8x64x128xf32, #tpu.memory_space<vmem>> -> memref<1x64x128xf32, #tpu.memory_space<vmem>>
    %dma_wait3A_548 = tpu.memref_squeeze %dma_wait3A_547 : memref<1x64x128xf32, #tpu.memory_space<vmem>> -> memref<64x128xf32, #tpu.memory_space<vmem>>
    %dma_wait3A_549 = arith.constant 0 : i32
    %dma_wait3A_550 = arith.constant 0 : i32
    %dma_wait3A_551 = tpu.memref_slice %arg3[%dma_wait3A_549, %dma_wait3A_550] : memref<64x1000000xf32, #tpu.memory_space<hbm>> -> memref<64x128xf32, #tpu.memory_space<hbm>>
    %dma_wait3A_552 = arith.constant 0 : i32
    %dma_wait3A_553 = arith.constant 0 : i32
    %dma_wait3A_554 = tpu.memref_slice %arg6[%dma_wait3A_544, %dma_wait3A_552, %dma_wait3A_553] : memref<8x64x128xf32, #tpu.memory_space<vmem>> -> memref<1x64x128xf32, #tpu.memory_space<vmem>>
    %dma_wait3A_555 = tpu.memref_squeeze %dma_wait3A_554 : memref<1x64x128xf32, #tpu.memory_space<vmem>> -> memref<64x128xf32, #tpu.memory_space<vmem>>
    %dma_wait3A_556 = arith.constant 0 : i32
    %dma_wait3A_557 = arith.constant 0 : i32
    %dma_wait3A_558 = tpu.memref_slice %arg3[%dma_wait3A_556, %dma_wait3A_557] : memref<64x1000000xf32, #tpu.memory_space<hbm>> -> memref<64x128xf32, #tpu.memory_space<hbm>>
    tpu.wait_dma2 semaphore(%arg14 : memref<!tpu.dma_semaphore, #tpu.memory_space<semaphore_mem>>) src(%dma_wait3A_558 : memref<64x128xf32, #tpu.memory_space<hbm>>) dst(%dma_wait3A_555 : memref<64x128xf32, #tpu.memory_space<vmem>>)
    %slice3A_559 = vector.extract_strided_slice %get3A_162 {offsets = [6], sizes = [1], strides = [1]} : vector<16xi32> to vector<1xi32>
    %squeeze3A_560 = vector.extract %slice3A_559[0] : i32 from vector<1xi32>
    %and3A_561 = arith.constant 127 : i32
    %and3A_562 = arith.andi %squeeze3A_560, %and3A_561 : i32
    %broadcast_in_dim3A_563 = vector.broadcast %and3A_562 : i32 to vector<16xi32>
    %broadcast_in_dim3A_564 = arith.constant 502 : i32
    %broadcast_in_dim3A_565 = vector.broadcast %broadcast_in_dim3A_564 : i32 to vector<16xi32>
    %gather3A_566 = arith.constant 6 : i32
    %gather3A_567 = arith.constant 0 : i32
    %gather3A_568 = arith.constant 0 : i32
    %gather3A_569 = tpu.memref_slice %arg6[%gather3A_566, %gather3A_567, %gather3A_568] : memref<8x64x128xf32, #tpu.memory_space<vmem>> -> memref<1x64x128xf32, #tpu.memory_space<vmem>>
    %gather3A_570 = tpu.memref_squeeze %gather3A_569 : memref<1x64x128xf32, #tpu.memory_space<vmem>> -> memref<64x128xf32, #tpu.memory_space<vmem>>
    %gather3A_571 = tpu.vector_load_idx %gather3A_570[%add3A_5, %broadcast_in_dim3A_563] : memref<64x128xf32, #tpu.memory_space<vmem>>[vector<16xi32>, vector<16xi32>], vector<16xf32>,
    tpu.vector_store_idx %arg7[%add3A_5, %broadcast_in_dim3A_565], %gather3A_571 : memref<64x512xf32, #tpu.memory_space<vmem>>[vector<16xi32>, vector<16xi32>], vector<16xf32>,
    %gather3A_572 = arith.constant 6 : i32
    %gather3A_573 = arith.constant 0 : i32
    %gather3A_574 = arith.constant 0 : i32
    %gather3A_575 = tpu.memref_slice %arg6[%gather3A_572, %gather3A_573, %gather3A_574] : memref<8x64x128xf32, #tpu.memory_space<vmem>> -> memref<1x64x128xf32, #tpu.memory_space<vmem>>
    %gather3A_576 = tpu.memref_squeeze %gather3A_575 : memref<1x64x128xf32, #tpu.memory_space<vmem>> -> memref<64x128xf32, #tpu.memory_space<vmem>>
    %gather3A_577 = tpu.vector_load_idx %gather3A_576[%add3A_8, %broadcast_in_dim3A_563] : memref<64x128xf32, #tpu.memory_space<vmem>>[vector<16xi32>, vector<16xi32>], vector<16xf32>,
    tpu.vector_store_idx %arg7[%add3A_8, %broadcast_in_dim3A_565], %gather3A_577 : memref<64x512xf32, #tpu.memory_space<vmem>>[vector<16xi32>, vector<16xi32>], vector<16xf32>,
    %gather3A_578 = arith.constant 6 : i32
    %gather3A_579 = arith.constant 0 : i32
    %gather3A_580 = arith.constant 0 : i32
    %gather3A_581 = tpu.memref_slice %arg6[%gather3A_578, %gather3A_579, %gather3A_580] : memref<8x64x128xf32, #tpu.memory_space<vmem>> -> memref<1x64x128xf32, #tpu.memory_space<vmem>>
    %gather3A_582 = tpu.memref_squeeze %gather3A_581 : memref<1x64x128xf32, #tpu.memory_space<vmem>> -> memref<64x128xf32, #tpu.memory_space<vmem>>
    %gather3A_583 = tpu.vector_load_idx %gather3A_582[%add3A_11, %broadcast_in_dim3A_563] : memref<64x128xf32, #tpu.memory_space<vmem>>[vector<16xi32>, vector<16xi32>], vector<16xf32>,
    tpu.vector_store_idx %arg7[%add3A_11, %broadcast_in_dim3A_565], %gather3A_583 : memref<64x512xf32, #tpu.memory_space<vmem>>[vector<16xi32>, vector<16xi32>], vector<16xf32>,
    %gather3A_584 = arith.constant 6 : i32
    %gather3A_585 = arith.constant 0 : i32
    %gather3A_586 = arith.constant 0 : i32
    %gather3A_587 = tpu.memref_slice %arg6[%gather3A_584, %gather3A_585, %gather3A_586] : memref<8x64x128xf32, #tpu.memory_space<vmem>> -> memref<1x64x128xf32, #tpu.memory_space<vmem>>
    %gather3A_588 = tpu.memref_squeeze %gather3A_587 : memref<1x64x128xf32, #tpu.memory_space<vmem>> -> memref<64x128xf32, #tpu.memory_space<vmem>>
    %gather3A_589 = tpu.vector_load_idx %gather3A_588[%add3A_14, %broadcast_in_dim3A_563] : memref<64x128xf32, #tpu.memory_space<vmem>>[vector<16xi32>, vector<16xi32>], vector<16xf32>,
    tpu.vector_store_idx %arg7[%add3A_14, %broadcast_in_dim3A_565], %gather3A_589 : memref<64x512xf32, #tpu.memory_space<vmem>>[vector<16xi32>, vector<16xi32>], vector<16xf32>,
    %slice3A_590 = vector.extract_strided_slice %get3A_162 {offsets = [14], sizes = [1], strides = [1]} : vector<16xi32> to vector<1xi32>
    %squeeze3A_591 = vector.extract %slice3A_590[0] : i32 from vector<1xi32>
    %and3A_592 = arith.constant -128 : i32
    %and3A_593 = arith.andi %squeeze3A_591, %and3A_592 : i32
    %multiple_of3A_594 = tpu.assume_multiple %and3A_593, 128 : i32
    %dma_start3A_595 = arith.constant 6 : i32
    %dma_start3A_596 = arith.constant 0 : i32
    %dma_start3A_597 = arith.constant 0 : i32
    %dma_start3A_598 = tpu.memref_slice %arg6[%dma_start3A_595, %dma_start3A_596, %dma_start3A_597] : memref<8x64x128xf32, #tpu.memory_space<vmem>> -> memref<1x64x128xf32, #tpu.memory_space<vmem>>
    %dma_start3A_599 = tpu.memref_squeeze %dma_start3A_598 : memref<1x64x128xf32, #tpu.memory_space<vmem>> -> memref<64x128xf32, #tpu.memory_space<vmem>>
    %dma_start3A_600 = arith.constant 0 : i32
    %dma_start3A_601 = tpu.memref_slice %arg3[%dma_start3A_600, %multiple_of3A_594] : memref<64x1000000xf32, #tpu.memory_space<hbm>> -> memref<64x128xf32, #tpu.memory_space<hbm>>
    %dma_start3A_602 = arith.constant 0 : i32
    %dma_start3A_603 = arith.constant 0 : i32
    %dma_start3A_604 = tpu.memref_slice %arg6[%dma_start3A_595, %dma_start3A_602, %dma_start3A_603] : memref<8x64x128xf32, #tpu.memory_space<vmem>> -> memref<1x64x128xf32, #tpu.memory_space<vmem>>
    %dma_start3A_605 = tpu.memref_squeeze %dma_start3A_604 : memref<1x64x128xf32, #tpu.memory_space<vmem>> -> memref<64x128xf32, #tpu.memory_space<vmem>>
    %dma_start3A_606 = arith.constant 0 : i32
    %dma_start3A_607 = tpu.memref_slice %arg3[%dma_start3A_606, %multiple_of3A_594] : memref<64x1000000xf32, #tpu.memory_space<hbm>> -> memref<64x128xf32, #tpu.memory_space<hbm>>
    tpu.enqueue_dma source(%dma_start3A_607 : memref<64x128xf32, #tpu.memory_space<hbm>>) target(%dma_start3A_605 : memref<64x128xf32, #tpu.memory_space<vmem>>) target_semaphore(%arg14 : memref<!tpu.dma_semaphore, #tpu.memory_space<semaphore_mem>>)
    %dma_wait3A_608 = arith.constant 7 : i32
    %dma_wait3A_609 = arith.constant 0 : i32
    %dma_wait3A_610 = arith.constant 0 : i32
    %dma_wait3A_611 = tpu.memref_slice %arg6[%dma_wait3A_608, %dma_wait3A_609, %dma_wait3A_610] : memref<8x64x128xf32, #tpu.memory_space<vmem>> -> memref<1x64x128xf32, #tpu.memory_space<vmem>>
    %dma_wait3A_612 = tpu.memref_squeeze %dma_wait3A_611 : memref<1x64x128xf32, #tpu.memory_space<vmem>> -> memref<64x128xf32, #tpu.memory_space<vmem>>
    %dma_wait3A_613 = arith.constant 0 : i32
    %dma_wait3A_614 = arith.constant 0 : i32
    %dma_wait3A_615 = tpu.memref_slice %arg3[%dma_wait3A_613, %dma_wait3A_614] : memref<64x1000000xf32, #tpu.memory_space<hbm>> -> memref<64x128xf32, #tpu.memory_space<hbm>>
    %dma_wait3A_616 = arith.constant 0 : i32
    %dma_wait3A_617 = arith.constant 0 : i32
    %dma_wait3A_618 = tpu.memref_slice %arg6[%dma_wait3A_608, %dma_wait3A_616, %dma_wait3A_617] : memref<8x64x128xf32, #tpu.memory_space<vmem>> -> memref<1x64x128xf32, #tpu.memory_space<vmem>>
    %dma_wait3A_619 = tpu.memref_squeeze %dma_wait3A_618 : memref<1x64x128xf32, #tpu.memory_space<vmem>> -> memref<64x128xf32, #tpu.memory_space<vmem>>
    %dma_wait3A_620 = arith.constant 0 : i32
    %dma_wait3A_621 = arith.constant 0 : i32
    %dma_wait3A_622 = tpu.memref_slice %arg3[%dma_wait3A_620, %dma_wait3A_621] : memref<64x1000000xf32, #tpu.memory_space<hbm>> -> memref<64x128xf32, #tpu.memory_space<hbm>>
    tpu.wait_dma2 semaphore(%arg15 : memref<!tpu.dma_semaphore, #tpu.memory_space<semaphore_mem>>) src(%dma_wait3A_622 : memref<64x128xf32, #tpu.memory_space<hbm>>) dst(%dma_wait3A_619 : memref<64x128xf32, #tpu.memory_space<vmem>>)
    %slice3A_623 = vector.extract_strided_slice %get3A_162 {offsets = [7], sizes = [1], strides = [1]} : vector<16xi32> to vector<1xi32>
    %squeeze3A_624 = vector.extract %slice3A_623[0] : i32 from vector<1xi32>
    %and3A_625 = arith.constant 127 : i32
    %and3A_626 = arith.andi %squeeze3A_624, %and3A_625 : i32
    %broadcast_in_dim3A_627 = vector.broadcast %and3A_626 : i32 to vector<16xi32>
    %broadcast_in_dim3A_628 = arith.constant 503 : i32
    %broadcast_in_dim3A_629 = vector.broadcast %broadcast_in_dim3A_628 : i32 to vector<16xi32>
    %gather3A_630 = arith.constant 7 : i32
    %gather3A_631 = arith.constant 0 : i32
    %gather3A_632 = arith.constant 0 : i32
    %gather3A_633 = tpu.memref_slice %arg6[%gather3A_630, %gather3A_631, %gather3A_632] : memref<8x64x128xf32, #tpu.memory_space<vmem>> -> memref<1x64x128xf32, #tpu.memory_space<vmem>>
    %gather3A_634 = tpu.memref_squeeze %gather3A_633 : memref<1x64x128xf32, #tpu.memory_space<vmem>> -> memref<64x128xf32, #tpu.memory_space<vmem>>
    %gather3A_635 = tpu.vector_load_idx %gather3A_634[%add3A_5, %broadcast_in_dim3A_627] : memref<64x128xf32, #tpu.memory_space<vmem>>[vector<16xi32>, vector<16xi32>], vector<16xf32>,
    tpu.vector_store_idx %arg7[%add3A_5, %broadcast_in_dim3A_629], %gather3A_635 : memref<64x512xf32, #tpu.memory_space<vmem>>[vector<16xi32>, vector<16xi32>], vector<16xf32>,
    %gather3A_636 = arith.constant 7 : i32
    %gather3A_637 = arith.constant 0 : i32
    %gather3A_638 = arith.constant 0 : i32
    %gather3A_639 = tpu.memref_slice %arg6[%gather3A_636, %gather3A_637, %gather3A_638] : memref<8x64x128xf32, #tpu.memory_space<vmem>> -> memref<1x64x128xf32, #tpu.memory_space<vmem>>
    %gather3A_640 = tpu.memref_squeeze %gather3A_639 : memref<1x64x128xf32, #tpu.memory_space<vmem>> -> memref<64x128xf32, #tpu.memory_space<vmem>>
    %gather3A_641 = tpu.vector_load_idx %gather3A_640[%add3A_8, %broadcast_in_dim3A_627] : memref<64x128xf32, #tpu.memory_space<vmem>>[vector<16xi32>, vector<16xi32>], vector<16xf32>,
    tpu.vector_store_idx %arg7[%add3A_8, %broadcast_in_dim3A_629], %gather3A_641 : memref<64x512xf32, #tpu.memory_space<vmem>>[vector<16xi32>, vector<16xi32>], vector<16xf32>,
    %gather3A_642 = arith.constant 7 : i32
    %gather3A_643 = arith.constant 0 : i32
    %gather3A_644 = arith.constant 0 : i32
    %gather3A_645 = tpu.memref_slice %arg6[%gather3A_642, %gather3A_643, %gather3A_644] : memref<8x64x128xf32, #tpu.memory_space<vmem>> -> memref<1x64x128xf32, #tpu.memory_space<vmem>>
    %gather3A_646 = tpu.memref_squeeze %gather3A_645 : memref<1x64x128xf32, #tpu.memory_space<vmem>> -> memref<64x128xf32, #tpu.memory_space<vmem>>
    %gather3A_647 = tpu.vector_load_idx %gather3A_646[%add3A_11, %broadcast_in_dim3A_627] : memref<64x128xf32, #tpu.memory_space<vmem>>[vector<16xi32>, vector<16xi32>], vector<16xf32>,
    tpu.vector_store_idx %arg7[%add3A_11, %broadcast_in_dim3A_629], %gather3A_647 : memref<64x512xf32, #tpu.memory_space<vmem>>[vector<16xi32>, vector<16xi32>], vector<16xf32>,
    %gather3A_648 = arith.constant 7 : i32
    %gather3A_649 = arith.constant 0 : i32
    %gather3A_650 = arith.constant 0 : i32
    %gather3A_651 = tpu.memref_slice %arg6[%gather3A_648, %gather3A_649, %gather3A_650] : memref<8x64x128xf32, #tpu.memory_space<vmem>> -> memref<1x64x128xf32, #tpu.memory_space<vmem>>
    %gather3A_652 = tpu.memref_squeeze %gather3A_651 : memref<1x64x128xf32, #tpu.memory_space<vmem>> -> memref<64x128xf32, #tpu.memory_space<vmem>>
    %gather3A_653 = tpu.vector_load_idx %gather3A_652[%add3A_14, %broadcast_in_dim3A_627] : memref<64x128xf32, #tpu.memory_space<vmem>>[vector<16xi32>, vector<16xi32>], vector<16xf32>,
    tpu.vector_store_idx %arg7[%add3A_14, %broadcast_in_dim3A_629], %gather3A_653 : memref<64x512xf32, #tpu.memory_space<vmem>>[vector<16xi32>, vector<16xi32>], vector<16xf32>,
    %slice3A_654 = vector.extract_strided_slice %get3A_162 {offsets = [15], sizes = [1], strides = [1]} : vector<16xi32> to vector<1xi32>
    %squeeze3A_655 = vector.extract %slice3A_654[0] : i32 from vector<1xi32>
    %and3A_656 = arith.constant -128 : i32
    %and3A_657 = arith.andi %squeeze3A_655, %and3A_656 : i32
    %multiple_of3A_658 = tpu.assume_multiple %and3A_657, 128 : i32
    %dma_start3A_659 = arith.constant 7 : i32
    %dma_start3A_660 = arith.constant 0 : i32
    %dma_start3A_661 = arith.constant 0 : i32
    %dma_start3A_662 = tpu.memref_slice %arg6[%dma_start3A_659, %dma_start3A_660, %dma_start3A_661] : memref<8x64x128xf32, #tpu.memory_space<vmem>> -> memref<1x64x128xf32, #tpu.memory_space<vmem>>
    %dma_start3A_663 = tpu.memref_squeeze %dma_start3A_662 : memref<1x64x128xf32, #tpu.memory_space<vmem>> -> memref<64x128xf32, #tpu.memory_space<vmem>>
    %dma_start3A_664 = arith.constant 0 : i32
    %dma_start3A_665 = tpu.memref_slice %arg3[%dma_start3A_664, %multiple_of3A_658] : memref<64x1000000xf32, #tpu.memory_space<hbm>> -> memref<64x128xf32, #tpu.memory_space<hbm>>
    %dma_start3A_666 = arith.constant 0 : i32
    %dma_start3A_667 = arith.constant 0 : i32
    %dma_start3A_668 = tpu.memref_slice %arg6[%dma_start3A_659, %dma_start3A_666, %dma_start3A_667] : memref<8x64x128xf32, #tpu.memory_space<vmem>> -> memref<1x64x128xf32, #tpu.memory_space<vmem>>
    %dma_start3A_669 = tpu.memref_squeeze %dma_start3A_668 : memref<1x64x128xf32, #tpu.memory_space<vmem>> -> memref<64x128xf32, #tpu.memory_space<vmem>>
    %dma_start3A_670 = arith.constant 0 : i32
    %dma_start3A_671 = tpu.memref_slice %arg3[%dma_start3A_670, %multiple_of3A_658] : memref<64x1000000xf32, #tpu.memory_space<hbm>> -> memref<64x128xf32, #tpu.memory_space<hbm>>
    tpu.enqueue_dma source(%dma_start3A_671 : memref<64x128xf32, #tpu.memory_space<hbm>>) target(%dma_start3A_669 : memref<64x128xf32, #tpu.memory_space<vmem>>) target_semaphore(%arg15 : memref<!tpu.dma_semaphore, #tpu.memory_space<semaphore_mem>>)
    %dma_wait3A_672 = arith.constant 0 : i32
    %dma_wait3A_673 = arith.constant 0 : i32
    %dma_wait3A_674 = arith.constant 0 : i32
    %dma_wait3A_675 = tpu.memref_slice %arg6[%dma_wait3A_672, %dma_wait3A_673, %dma_wait3A_674] : memref<8x64x128xf32, #tpu.memory_space<vmem>> -> memref<1x64x128xf32, #tpu.memory_space<vmem>>
    %dma_wait3A_676 = tpu.memref_squeeze %dma_wait3A_675 : memref<1x64x128xf32, #tpu.memory_space<vmem>> -> memref<64x128xf32, #tpu.memory_space<vmem>>
    %dma_wait3A_677 = arith.constant 0 : i32
    %dma_wait3A_678 = arith.constant 0 : i32
    %dma_wait3A_679 = tpu.memref_slice %arg3[%dma_wait3A_677, %dma_wait3A_678] : memref<64x1000000xf32, #tpu.memory_space<hbm>> -> memref<64x128xf32, #tpu.memory_space<hbm>>
    %dma_wait3A_680 = arith.constant 0 : i32
    %dma_wait3A_681 = arith.constant 0 : i32
    %dma_wait3A_682 = tpu.memref_slice %arg6[%dma_wait3A_672, %dma_wait3A_680, %dma_wait3A_681] : memref<8x64x128xf32, #tpu.memory_space<vmem>> -> memref<1x64x128xf32, #tpu.memory_space<vmem>>
    %dma_wait3A_683 = tpu.memref_squeeze %dma_wait3A_682 : memref<1x64x128xf32, #tpu.memory_space<vmem>> -> memref<64x128xf32, #tpu.memory_space<vmem>>
    %dma_wait3A_684 = arith.constant 0 : i32
    %dma_wait3A_685 = arith.constant 0 : i32
    %dma_wait3A_686 = tpu.memref_slice %arg3[%dma_wait3A_684, %dma_wait3A_685] : memref<64x1000000xf32, #tpu.memory_space<hbm>> -> memref<64x128xf32, #tpu.memory_space<hbm>>
    tpu.wait_dma2 semaphore(%arg8 : memref<!tpu.dma_semaphore, #tpu.memory_space<semaphore_mem>>) src(%dma_wait3A_686 : memref<64x128xf32, #tpu.memory_space<hbm>>) dst(%dma_wait3A_683 : memref<64x128xf32, #tpu.memory_space<vmem>>)
    %slice3A_687 = vector.extract_strided_slice %get3A_162 {offsets = [8], sizes = [1], strides = [1]} : vector<16xi32> to vector<1xi32>
    %squeeze3A_688 = vector.extract %slice3A_687[0] : i32 from vector<1xi32>
    %and3A_689 = arith.constant 127 : i32
    %and3A_690 = arith.andi %squeeze3A_688, %and3A_689 : i32
    %broadcast_in_dim3A_691 = vector.broadcast %and3A_690 : i32 to vector<16xi32>
    %broadcast_in_dim3A_692 = arith.constant 504 : i32
    %broadcast_in_dim3A_693 = vector.broadcast %broadcast_in_dim3A_692 : i32 to vector<16xi32>
    %gather3A_694 = arith.constant 0 : i32
    %gather3A_695 = arith.constant 0 : i32
    %gather3A_696 = arith.constant 0 : i32
    %gather3A_697 = tpu.memref_slice %arg6[%gather3A_694, %gather3A_695, %gather3A_696] : memref<8x64x128xf32, #tpu.memory_space<vmem>> -> memref<1x64x128xf32, #tpu.memory_space<vmem>>
    %gather3A_698 = tpu.memref_squeeze %gather3A_697 : memref<1x64x128xf32, #tpu.memory_space<vmem>> -> memref<64x128xf32, #tpu.memory_space<vmem>>
    %gather3A_699 = tpu.vector_load_idx %gather3A_698[%add3A_5, %broadcast_in_dim3A_691] : memref<64x128xf32, #tpu.memory_space<vmem>>[vector<16xi32>, vector<16xi32>], vector<16xf32>,
    tpu.vector_store_idx %arg7[%add3A_5, %broadcast_in_dim3A_693], %gather3A_699 : memref<64x512xf32, #tpu.memory_space<vmem>>[vector<16xi32>, vector<16xi32>], vector<16xf32>,
    %gather3A_700 = arith.constant 0 : i32
    %gather3A_701 = arith.constant 0 : i32
    %gather3A_702 = arith.constant 0 : i32
    %gather3A_703 = tpu.memref_slice %arg6[%gather3A_700, %gather3A_701, %gather3A_702] : memref<8x64x128xf32, #tpu.memory_space<vmem>> -> memref<1x64x128xf32, #tpu.memory_space<vmem>>
    %gather3A_704 = tpu.memref_squeeze %gather3A_703 : memref<1x64x128xf32, #tpu.memory_space<vmem>> -> memref<64x128xf32, #tpu.memory_space<vmem>>
    %gather3A_705 = tpu.vector_load_idx %gather3A_704[%add3A_8, %broadcast_in_dim3A_691] : memref<64x128xf32, #tpu.memory_space<vmem>>[vector<16xi32>, vector<16xi32>], vector<16xf32>,
    tpu.vector_store_idx %arg7[%add3A_8, %broadcast_in_dim3A_693], %gather3A_705 : memref<64x512xf32, #tpu.memory_space<vmem>>[vector<16xi32>, vector<16xi32>], vector<16xf32>,
    %gather3A_706 = arith.constant 0 : i32
    %gather3A_707 = arith.constant 0 : i32
    %gather3A_708 = arith.constant 0 : i32
    %gather3A_709 = tpu.memref_slice %arg6[%gather3A_706, %gather3A_707, %gather3A_708] : memref<8x64x128xf32, #tpu.memory_space<vmem>> -> memref<1x64x128xf32, #tpu.memory_space<vmem>>
    %gather3A_710 = tpu.memref_squeeze %gather3A_709 : memref<1x64x128xf32, #tpu.memory_space<vmem>> -> memref<64x128xf32, #tpu.memory_space<vmem>>
    %gather3A_711 = tpu.vector_load_idx %gather3A_710[%add3A_11, %broadcast_in_dim3A_691] : memref<64x128xf32, #tpu.memory_space<vmem>>[vector<16xi32>, vector<16xi32>], vector<16xf32>,
    tpu.vector_store_idx %arg7[%add3A_11, %broadcast_in_dim3A_693], %gather3A_711 : memref<64x512xf32, #tpu.memory_space<vmem>>[vector<16xi32>, vector<16xi32>], vector<16xf32>,
    %gather3A_712 = arith.constant 0 : i32
    %gather3A_713 = arith.constant 0 : i32
    %gather3A_714 = arith.constant 0 : i32
    %gather3A_715 = tpu.memref_slice %arg6[%gather3A_712, %gather3A_713, %gather3A_714] : memref<8x64x128xf32, #tpu.memory_space<vmem>> -> memref<1x64x128xf32, #tpu.memory_space<vmem>>
    %gather3A_716 = tpu.memref_squeeze %gather3A_715 : memref<1x64x128xf32, #tpu.memory_space<vmem>> -> memref<64x128xf32, #tpu.memory_space<vmem>>
    %gather3A_717 = tpu.vector_load_idx %gather3A_716[%add3A_14, %broadcast_in_dim3A_691] : memref<64x128xf32, #tpu.memory_space<vmem>>[vector<16xi32>, vector<16xi32>], vector<16xf32>,
    tpu.vector_store_idx %arg7[%add3A_14, %broadcast_in_dim3A_693], %gather3A_717 : memref<64x512xf32, #tpu.memory_space<vmem>>[vector<16xi32>, vector<16xi32>], vector<16xf32>,
    %dma_wait3A_718 = arith.constant 1 : i32
    %dma_wait3A_719 = arith.constant 0 : i32
    %dma_wait3A_720 = arith.constant 0 : i32
    %dma_wait3A_721 = tpu.memref_slice %arg6[%dma_wait3A_718, %dma_wait3A_719, %dma_wait3A_720] : memref<8x64x128xf32, #tpu.memory_space<vmem>> -> memref<1x64x128xf32, #tpu.memory_space<vmem>>
    %dma_wait3A_722 = tpu.memref_squeeze %dma_wait3A_721 : memref<1x64x128xf32, #tpu.memory_space<vmem>> -> memref<64x128xf32, #tpu.memory_space<vmem>>
    %dma_wait3A_723 = arith.constant 0 : i32
    %dma_wait3A_724 = arith.constant 0 : i32
    %dma_wait3A_725 = tpu.memref_slice %arg3[%dma_wait3A_723, %dma_wait3A_724] : memref<64x1000000xf32, #tpu.memory_space<hbm>> -> memref<64x128xf32, #tpu.memory_space<hbm>>
    %dma_wait3A_726 = arith.constant 0 : i32
    %dma_wait3A_727 = arith.constant 0 : i32
    %dma_wait3A_728 = tpu.memref_slice %arg6[%dma_wait3A_718, %dma_wait3A_726, %dma_wait3A_727] : memref<8x64x128xf32, #tpu.memory_space<vmem>> -> memref<1x64x128xf32, #tpu.memory_space<vmem>>
    %dma_wait3A_729 = tpu.memref_squeeze %dma_wait3A_728 : memref<1x64x128xf32, #tpu.memory_space<vmem>> -> memref<64x128xf32, #tpu.memory_space<vmem>>
    %dma_wait3A_730 = arith.constant 0 : i32
    %dma_wait3A_731 = arith.constant 0 : i32
    %dma_wait3A_732 = tpu.memref_slice %arg3[%dma_wait3A_730, %dma_wait3A_731] : memref<64x1000000xf32, #tpu.memory_space<hbm>> -> memref<64x128xf32, #tpu.memory_space<hbm>>
    tpu.wait_dma2 semaphore(%arg9 : memref<!tpu.dma_semaphore, #tpu.memory_space<semaphore_mem>>) src(%dma_wait3A_732 : memref<64x128xf32, #tpu.memory_space<hbm>>) dst(%dma_wait3A_729 : memref<64x128xf32, #tpu.memory_space<vmem>>)
    %slice3A_733 = vector.extract_strided_slice %get3A_162 {offsets = [9], sizes = [1], strides = [1]} : vector<16xi32> to vector<1xi32>
    %squeeze3A_734 = vector.extract %slice3A_733[0] : i32 from vector<1xi32>
    %and3A_735 = arith.constant 127 : i32
    %and3A_736 = arith.andi %squeeze3A_734, %and3A_735 : i32
    %broadcast_in_dim3A_737 = vector.broadcast %and3A_736 : i32 to vector<16xi32>
    %broadcast_in_dim3A_738 = arith.constant 505 : i32
    %broadcast_in_dim3A_739 = vector.broadcast %broadcast_in_dim3A_738 : i32 to vector<16xi32>
    %gather3A_740 = arith.constant 1 : i32
    %gather3A_741 = arith.constant 0 : i32
    %gather3A_742 = arith.constant 0 : i32
    %gather3A_743 = tpu.memref_slice %arg6[%gather3A_740, %gather3A_741, %gather3A_742] : memref<8x64x128xf32, #tpu.memory_space<vmem>> -> memref<1x64x128xf32, #tpu.memory_space<vmem>>
    %gather3A_744 = tpu.memref_squeeze %gather3A_743 : memref<1x64x128xf32, #tpu.memory_space<vmem>> -> memref<64x128xf32, #tpu.memory_space<vmem>>
    %gather3A_745 = tpu.vector_load_idx %gather3A_744[%add3A_5, %broadcast_in_dim3A_737] : memref<64x128xf32, #tpu.memory_space<vmem>>[vector<16xi32>, vector<16xi32>], vector<16xf32>,
    tpu.vector_store_idx %arg7[%add3A_5, %broadcast_in_dim3A_739], %gather3A_745 : memref<64x512xf32, #tpu.memory_space<vmem>>[vector<16xi32>, vector<16xi32>], vector<16xf32>,
    %gather3A_746 = arith.constant 1 : i32
    %gather3A_747 = arith.constant 0 : i32
    %gather3A_748 = arith.constant 0 : i32
    %gather3A_749 = tpu.memref_slice %arg6[%gather3A_746, %gather3A_747, %gather3A_748] : memref<8x64x128xf32, #tpu.memory_space<vmem>> -> memref<1x64x128xf32, #tpu.memory_space<vmem>>
    %gather3A_750 = tpu.memref_squeeze %gather3A_749 : memref<1x64x128xf32, #tpu.memory_space<vmem>> -> memref<64x128xf32, #tpu.memory_space<vmem>>
    %gather3A_751 = tpu.vector_load_idx %gather3A_750[%add3A_8, %broadcast_in_dim3A_737] : memref<64x128xf32, #tpu.memory_space<vmem>>[vector<16xi32>, vector<16xi32>], vector<16xf32>,
    tpu.vector_store_idx %arg7[%add3A_8, %broadcast_in_dim3A_739], %gather3A_751 : memref<64x512xf32, #tpu.memory_space<vmem>>[vector<16xi32>, vector<16xi32>], vector<16xf32>,
    %gather3A_752 = arith.constant 1 : i32
    %gather3A_753 = arith.constant 0 : i32
    %gather3A_754 = arith.constant 0 : i32
    %gather3A_755 = tpu.memref_slice %arg6[%gather3A_752, %gather3A_753, %gather3A_754] : memref<8x64x128xf32, #tpu.memory_space<vmem>> -> memref<1x64x128xf32, #tpu.memory_space<vmem>>
    %gather3A_756 = tpu.memref_squeeze %gather3A_755 : memref<1x64x128xf32, #tpu.memory_space<vmem>> -> memref<64x128xf32, #tpu.memory_space<vmem>>
    %gather3A_757 = tpu.vector_load_idx %gather3A_756[%add3A_11, %broadcast_in_dim3A_737] : memref<64x128xf32, #tpu.memory_space<vmem>>[vector<16xi32>, vector<16xi32>], vector<16xf32>,
    tpu.vector_store_idx %arg7[%add3A_11, %broadcast_in_dim3A_739], %gather3A_757 : memref<64x512xf32, #tpu.memory_space<vmem>>[vector<16xi32>, vector<16xi32>], vector<16xf32>,
    %gather3A_758 = arith.constant 1 : i32
    %gather3A_759 = arith.constant 0 : i32
    %gather3A_760 = arith.constant 0 : i32
    %gather3A_761 = tpu.memref_slice %arg6[%gather3A_758, %gather3A_759, %gather3A_760] : memref<8x64x128xf32, #tpu.memory_space<vmem>> -> memref<1x64x128xf32, #tpu.memory_space<vmem>>
    %gather3A_762 = tpu.memref_squeeze %gather3A_761 : memref<1x64x128xf32, #tpu.memory_space<vmem>> -> memref<64x128xf32, #tpu.memory_space<vmem>>
    %gather3A_763 = tpu.vector_load_idx %gather3A_762[%add3A_14, %broadcast_in_dim3A_737] : memref<64x128xf32, #tpu.memory_space<vmem>>[vector<16xi32>, vector<16xi32>], vector<16xf32>,
    tpu.vector_store_idx %arg7[%add3A_14, %broadcast_in_dim3A_739], %gather3A_763 : memref<64x512xf32, #tpu.memory_space<vmem>>[vector<16xi32>, vector<16xi32>], vector<16xf32>,
    %dma_wait3A_764 = arith.constant 2 : i32
    %dma_wait3A_765 = arith.constant 0 : i32
    %dma_wait3A_766 = arith.constant 0 : i32
    %dma_wait3A_767 = tpu.memref_slice %arg6[%dma_wait3A_764, %dma_wait3A_765, %dma_wait3A_766] : memref<8x64x128xf32, #tpu.memory_space<vmem>> -> memref<1x64x128xf32, #tpu.memory_space<vmem>>
    %dma_wait3A_768 = tpu.memref_squeeze %dma_wait3A_767 : memref<1x64x128xf32, #tpu.memory_space<vmem>> -> memref<64x128xf32, #tpu.memory_space<vmem>>
    %dma_wait3A_769 = arith.constant 0 : i32
    %dma_wait3A_770 = arith.constant 0 : i32
    %dma_wait3A_771 = tpu.memref_slice %arg3[%dma_wait3A_769, %dma_wait3A_770] : memref<64x1000000xf32, #tpu.memory_space<hbm>> -> memref<64x128xf32, #tpu.memory_space<hbm>>
    %dma_wait3A_772 = arith.constant 0 : i32
    %dma_wait3A_773 = arith.constant 0 : i32
    %dma_wait3A_774 = tpu.memref_slice %arg6[%dma_wait3A_764, %dma_wait3A_772, %dma_wait3A_773] : memref<8x64x128xf32, #tpu.memory_space<vmem>> -> memref<1x64x128xf32, #tpu.memory_space<vmem>>
    %dma_wait3A_775 = tpu.memref_squeeze %dma_wait3A_774 : memref<1x64x128xf32, #tpu.memory_space<vmem>> -> memref<64x128xf32, #tpu.memory_space<vmem>>
    %dma_wait3A_776 = arith.constant 0 : i32
    %dma_wait3A_777 = arith.constant 0 : i32
    %dma_wait3A_778 = tpu.memref_slice %arg3[%dma_wait3A_776, %dma_wait3A_777] : memref<64x1000000xf32, #tpu.memory_space<hbm>> -> memref<64x128xf32, #tpu.memory_space<hbm>>
    tpu.wait_dma2 semaphore(%arg10 : memref<!tpu.dma_semaphore, #tpu.memory_space<semaphore_mem>>) src(%dma_wait3A_778 : memref<64x128xf32, #tpu.memory_space<hbm>>) dst(%dma_wait3A_775 : memref<64x128xf32, #tpu.memory_space<vmem>>)
    %slice3A_779 = vector.extract_strided_slice %get3A_162 {offsets = [10], sizes = [1], strides = [1]} : vector<16xi32> to vector<1xi32>
    %squeeze3A_780 = vector.extract %slice3A_779[0] : i32 from vector<1xi32>
    %and3A_781 = arith.constant 127 : i32
    %and3A_782 = arith.andi %squeeze3A_780, %and3A_781 : i32
    %broadcast_in_dim3A_783 = vector.broadcast %and3A_782 : i32 to vector<16xi32>
    %broadcast_in_dim3A_784 = arith.constant 506 : i32
    %broadcast_in_dim3A_785 = vector.broadcast %broadcast_in_dim3A_784 : i32 to vector<16xi32>
    %gather3A_786 = arith.constant 2 : i32
    %gather3A_787 = arith.constant 0 : i32
    %gather3A_788 = arith.constant 0 : i32
    %gather3A_789 = tpu.memref_slice %arg6[%gather3A_786, %gather3A_787, %gather3A_788] : memref<8x64x128xf32, #tpu.memory_space<vmem>> -> memref<1x64x128xf32, #tpu.memory_space<vmem>>
    %gather3A_790 = tpu.memref_squeeze %gather3A_789 : memref<1x64x128xf32, #tpu.memory_space<vmem>> -> memref<64x128xf32, #tpu.memory_space<vmem>>
    %gather3A_791 = tpu.vector_load_idx %gather3A_790[%add3A_5, %broadcast_in_dim3A_783] : memref<64x128xf32, #tpu.memory_space<vmem>>[vector<16xi32>, vector<16xi32>], vector<16xf32>,
    tpu.vector_store_idx %arg7[%add3A_5, %broadcast_in_dim3A_785], %gather3A_791 : memref<64x512xf32, #tpu.memory_space<vmem>>[vector<16xi32>, vector<16xi32>], vector<16xf32>,
    %gather3A_792 = arith.constant 2 : i32
    %gather3A_793 = arith.constant 0 : i32
    %gather3A_794 = arith.constant 0 : i32
    %gather3A_795 = tpu.memref_slice %arg6[%gather3A_792, %gather3A_793, %gather3A_794] : memref<8x64x128xf32, #tpu.memory_space<vmem>> -> memref<1x64x128xf32, #tpu.memory_space<vmem>>
    %gather3A_796 = tpu.memref_squeeze %gather3A_795 : memref<1x64x128xf32, #tpu.memory_space<vmem>> -> memref<64x128xf32, #tpu.memory_space<vmem>>
    %gather3A_797 = tpu.vector_load_idx %gather3A_796[%add3A_8, %broadcast_in_dim3A_783] : memref<64x128xf32, #tpu.memory_space<vmem>>[vector<16xi32>, vector<16xi32>], vector<16xf32>,
    tpu.vector_store_idx %arg7[%add3A_8, %broadcast_in_dim3A_785], %gather3A_797 : memref<64x512xf32, #tpu.memory_space<vmem>>[vector<16xi32>, vector<16xi32>], vector<16xf32>,
    %gather3A_798 = arith.constant 2 : i32
    %gather3A_799 = arith.constant 0 : i32
    %gather3A_800 = arith.constant 0 : i32
    %gather3A_801 = tpu.memref_slice %arg6[%gather3A_798, %gather3A_799, %gather3A_800] : memref<8x64x128xf32, #tpu.memory_space<vmem>> -> memref<1x64x128xf32, #tpu.memory_space<vmem>>
    %gather3A_802 = tpu.memref_squeeze %gather3A_801 : memref<1x64x128xf32, #tpu.memory_space<vmem>> -> memref<64x128xf32, #tpu.memory_space<vmem>>
    %gather3A_803 = tpu.vector_load_idx %gather3A_802[%add3A_11, %broadcast_in_dim3A_783] : memref<64x128xf32, #tpu.memory_space<vmem>>[vector<16xi32>, vector<16xi32>], vector<16xf32>,
    tpu.vector_store_idx %arg7[%add3A_11, %broadcast_in_dim3A_785], %gather3A_803 : memref<64x512xf32, #tpu.memory_space<vmem>>[vector<16xi32>, vector<16xi32>], vector<16xf32>,
    %gather3A_804 = arith.constant 2 : i32
    %gather3A_805 = arith.constant 0 : i32
    %gather3A_806 = arith.constant 0 : i32
    %gather3A_807 = tpu.memref_slice %arg6[%gather3A_804, %gather3A_805, %gather3A_806] : memref<8x64x128xf32, #tpu.memory_space<vmem>> -> memref<1x64x128xf32, #tpu.memory_space<vmem>>
    %gather3A_808 = tpu.memref_squeeze %gather3A_807 : memref<1x64x128xf32, #tpu.memory_space<vmem>> -> memref<64x128xf32, #tpu.memory_space<vmem>>
    %gather3A_809 = tpu.vector_load_idx %gather3A_808[%add3A_14, %broadcast_in_dim3A_783] : memref<64x128xf32, #tpu.memory_space<vmem>>[vector<16xi32>, vector<16xi32>], vector<16xf32>,
    tpu.vector_store_idx %arg7[%add3A_14, %broadcast_in_dim3A_785], %gather3A_809 : memref<64x512xf32, #tpu.memory_space<vmem>>[vector<16xi32>, vector<16xi32>], vector<16xf32>,
    %dma_wait3A_810 = arith.constant 3 : i32
    %dma_wait3A_811 = arith.constant 0 : i32
    %dma_wait3A_812 = arith.constant 0 : i32
    %dma_wait3A_813 = tpu.memref_slice %arg6[%dma_wait3A_810, %dma_wait3A_811, %dma_wait3A_812] : memref<8x64x128xf32, #tpu.memory_space<vmem>> -> memref<1x64x128xf32, #tpu.memory_space<vmem>>
    %dma_wait3A_814 = tpu.memref_squeeze %dma_wait3A_813 : memref<1x64x128xf32, #tpu.memory_space<vmem>> -> memref<64x128xf32, #tpu.memory_space<vmem>>
    %dma_wait3A_815 = arith.constant 0 : i32
    %dma_wait3A_816 = arith.constant 0 : i32
    %dma_wait3A_817 = tpu.memref_slice %arg3[%dma_wait3A_815, %dma_wait3A_816] : memref<64x1000000xf32, #tpu.memory_space<hbm>> -> memref<64x128xf32, #tpu.memory_space<hbm>>
    %dma_wait3A_818 = arith.constant 0 : i32
    %dma_wait3A_819 = arith.constant 0 : i32
    %dma_wait3A_820 = tpu.memref_slice %arg6[%dma_wait3A_810, %dma_wait3A_818, %dma_wait3A_819] : memref<8x64x128xf32, #tpu.memory_space<vmem>> -> memref<1x64x128xf32, #tpu.memory_space<vmem>>
    %dma_wait3A_821 = tpu.memref_squeeze %dma_wait3A_820 : memref<1x64x128xf32, #tpu.memory_space<vmem>> -> memref<64x128xf32, #tpu.memory_space<vmem>>
    %dma_wait3A_822 = arith.constant 0 : i32
    %dma_wait3A_823 = arith.constant 0 : i32
    %dma_wait3A_824 = tpu.memref_slice %arg3[%dma_wait3A_822, %dma_wait3A_823] : memref<64x1000000xf32, #tpu.memory_space<hbm>> -> memref<64x128xf32, #tpu.memory_space<hbm>>
    tpu.wait_dma2 semaphore(%arg11 : memref<!tpu.dma_semaphore, #tpu.memory_space<semaphore_mem>>) src(%dma_wait3A_824 : memref<64x128xf32, #tpu.memory_space<hbm>>) dst(%dma_wait3A_821 : memref<64x128xf32, #tpu.memory_space<vmem>>)
    %slice3A_825 = vector.extract_strided_slice %get3A_162 {offsets = [11], sizes = [1], strides = [1]} : vector<16xi32> to vector<1xi32>
    %squeeze3A_826 = vector.extract %slice3A_825[0] : i32 from vector<1xi32>
    %and3A_827 = arith.constant 127 : i32
    %and3A_828 = arith.andi %squeeze3A_826, %and3A_827 : i32
    %broadcast_in_dim3A_829 = vector.broadcast %and3A_828 : i32 to vector<16xi32>
    %broadcast_in_dim3A_830 = arith.constant 507 : i32
    %broadcast_in_dim3A_831 = vector.broadcast %broadcast_in_dim3A_830 : i32 to vector<16xi32>
    %gather3A_832 = arith.constant 3 : i32
    %gather3A_833 = arith.constant 0 : i32
    %gather3A_834 = arith.constant 0 : i32
    %gather3A_835 = tpu.memref_slice %arg6[%gather3A_832, %gather3A_833, %gather3A_834] : memref<8x64x128xf32, #tpu.memory_space<vmem>> -> memref<1x64x128xf32, #tpu.memory_space<vmem>>
    %gather3A_836 = tpu.memref_squeeze %gather3A_835 : memref<1x64x128xf32, #tpu.memory_space<vmem>> -> memref<64x128xf32, #tpu.memory_space<vmem>>
    %gather3A_837 = tpu.vector_load_idx %gather3A_836[%add3A_5, %broadcast_in_dim3A_829] : memref<64x128xf32, #tpu.memory_space<vmem>>[vector<16xi32>, vector<16xi32>], vector<16xf32>,
    tpu.vector_store_idx %arg7[%add3A_5, %broadcast_in_dim3A_831], %gather3A_837 : memref<64x512xf32, #tpu.memory_space<vmem>>[vector<16xi32>, vector<16xi32>], vector<16xf32>,
    %gather3A_838 = arith.constant 3 : i32
    %gather3A_839 = arith.constant 0 : i32
    %gather3A_840 = arith.constant 0 : i32
    %gather3A_841 = tpu.memref_slice %arg6[%gather3A_838, %gather3A_839, %gather3A_840] : memref<8x64x128xf32, #tpu.memory_space<vmem>> -> memref<1x64x128xf32, #tpu.memory_space<vmem>>
    %gather3A_842 = tpu.memref_squeeze %gather3A_841 : memref<1x64x128xf32, #tpu.memory_space<vmem>> -> memref<64x128xf32, #tpu.memory_space<vmem>>
    %gather3A_843 = tpu.vector_load_idx %gather3A_842[%add3A_8, %broadcast_in_dim3A_829] : memref<64x128xf32, #tpu.memory_space<vmem>>[vector<16xi32>, vector<16xi32>], vector<16xf32>,
    tpu.vector_store_idx %arg7[%add3A_8, %broadcast_in_dim3A_831], %gather3A_843 : memref<64x512xf32, #tpu.memory_space<vmem>>[vector<16xi32>, vector<16xi32>], vector<16xf32>,
    %gather3A_844 = arith.constant 3 : i32
    %gather3A_845 = arith.constant 0 : i32
    %gather3A_846 = arith.constant 0 : i32
    %gather3A_847 = tpu.memref_slice %arg6[%gather3A_844, %gather3A_845, %gather3A_846] : memref<8x64x128xf32, #tpu.memory_space<vmem>> -> memref<1x64x128xf32, #tpu.memory_space<vmem>>
    %gather3A_848 = tpu.memref_squeeze %gather3A_847 : memref<1x64x128xf32, #tpu.memory_space<vmem>> -> memref<64x128xf32, #tpu.memory_space<vmem>>
    %gather3A_849 = tpu.vector_load_idx %gather3A_848[%add3A_11, %broadcast_in_dim3A_829] : memref<64x128xf32, #tpu.memory_space<vmem>>[vector<16xi32>, vector<16xi32>], vector<16xf32>,
    tpu.vector_store_idx %arg7[%add3A_11, %broadcast_in_dim3A_831], %gather3A_849 : memref<64x512xf32, #tpu.memory_space<vmem>>[vector<16xi32>, vector<16xi32>], vector<16xf32>,
    %gather3A_850 = arith.constant 3 : i32
    %gather3A_851 = arith.constant 0 : i32
    %gather3A_852 = arith.constant 0 : i32
    %gather3A_853 = tpu.memref_slice %arg6[%gather3A_850, %gather3A_851, %gather3A_852] : memref<8x64x128xf32, #tpu.memory_space<vmem>> -> memref<1x64x128xf32, #tpu.memory_space<vmem>>
    %gather3A_854 = tpu.memref_squeeze %gather3A_853 : memref<1x64x128xf32, #tpu.memory_space<vmem>> -> memref<64x128xf32, #tpu.memory_space<vmem>>
    %gather3A_855 = tpu.vector_load_idx %gather3A_854[%add3A_14, %broadcast_in_dim3A_829] : memref<64x128xf32, #tpu.memory_space<vmem>>[vector<16xi32>, vector<16xi32>], vector<16xf32>,
    tpu.vector_store_idx %arg7[%add3A_14, %broadcast_in_dim3A_831], %gather3A_855 : memref<64x512xf32, #tpu.memory_space<vmem>>[vector<16xi32>, vector<16xi32>], vector<16xf32>,
    %dma_wait3A_856 = arith.constant 4 : i32
    %dma_wait3A_857 = arith.constant 0 : i32
    %dma_wait3A_858 = arith.constant 0 : i32
    %dma_wait3A_859 = tpu.memref_slice %arg6[%dma_wait3A_856, %dma_wait3A_857, %dma_wait3A_858] : memref<8x64x128xf32, #tpu.memory_space<vmem>> -> memref<1x64x128xf32, #tpu.memory_space<vmem>>
    %dma_wait3A_860 = tpu.memref_squeeze %dma_wait3A_859 : memref<1x64x128xf32, #tpu.memory_space<vmem>> -> memref<64x128xf32, #tpu.memory_space<vmem>>
    %dma_wait3A_861 = arith.constant 0 : i32
    %dma_wait3A_862 = arith.constant 0 : i32
    %dma_wait3A_863 = tpu.memref_slice %arg3[%dma_wait3A_861, %dma_wait3A_862] : memref<64x1000000xf32, #tpu.memory_space<hbm>> -> memref<64x128xf32, #tpu.memory_space<hbm>>
    %dma_wait3A_864 = arith.constant 0 : i32
    %dma_wait3A_865 = arith.constant 0 : i32
    %dma_wait3A_866 = tpu.memref_slice %arg6[%dma_wait3A_856, %dma_wait3A_864, %dma_wait3A_865] : memref<8x64x128xf32, #tpu.memory_space<vmem>> -> memref<1x64x128xf32, #tpu.memory_space<vmem>>
    %dma_wait3A_867 = tpu.memref_squeeze %dma_wait3A_866 : memref<1x64x128xf32, #tpu.memory_space<vmem>> -> memref<64x128xf32, #tpu.memory_space<vmem>>
    %dma_wait3A_868 = arith.constant 0 : i32
    %dma_wait3A_869 = arith.constant 0 : i32
    %dma_wait3A_870 = tpu.memref_slice %arg3[%dma_wait3A_868, %dma_wait3A_869] : memref<64x1000000xf32, #tpu.memory_space<hbm>> -> memref<64x128xf32, #tpu.memory_space<hbm>>
    tpu.wait_dma2 semaphore(%arg12 : memref<!tpu.dma_semaphore, #tpu.memory_space<semaphore_mem>>) src(%dma_wait3A_870 : memref<64x128xf32, #tpu.memory_space<hbm>>) dst(%dma_wait3A_867 : memref<64x128xf32, #tpu.memory_space<vmem>>)
    %slice3A_871 = vector.extract_strided_slice %get3A_162 {offsets = [12], sizes = [1], strides = [1]} : vector<16xi32> to vector<1xi32>
    %squeeze3A_872 = vector.extract %slice3A_871[0] : i32 from vector<1xi32>
    %and3A_873 = arith.constant 127 : i32
    %and3A_874 = arith.andi %squeeze3A_872, %and3A_873 : i32
    %broadcast_in_dim3A_875 = vector.broadcast %and3A_874 : i32 to vector<16xi32>
    %broadcast_in_dim3A_876 = arith.constant 508 : i32
    %broadcast_in_dim3A_877 = vector.broadcast %broadcast_in_dim3A_876 : i32 to vector<16xi32>
    %gather3A_878 = arith.constant 4 : i32
    %gather3A_879 = arith.constant 0 : i32
    %gather3A_880 = arith.constant 0 : i32
    %gather3A_881 = tpu.memref_slice %arg6[%gather3A_878, %gather3A_879, %gather3A_880] : memref<8x64x128xf32, #tpu.memory_space<vmem>> -> memref<1x64x128xf32, #tpu.memory_space<vmem>>
    %gather3A_882 = tpu.memref_squeeze %gather3A_881 : memref<1x64x128xf32, #tpu.memory_space<vmem>> -> memref<64x128xf32, #tpu.memory_space<vmem>>
    %gather3A_883 = tpu.vector_load_idx %gather3A_882[%add3A_5, %broadcast_in_dim3A_875] : memref<64x128xf32, #tpu.memory_space<vmem>>[vector<16xi32>, vector<16xi32>], vector<16xf32>,
    tpu.vector_store_idx %arg7[%add3A_5, %broadcast_in_dim3A_877], %gather3A_883 : memref<64x512xf32, #tpu.memory_space<vmem>>[vector<16xi32>, vector<16xi32>], vector<16xf32>,
    %gather3A_884 = arith.constant 4 : i32
    %gather3A_885 = arith.constant 0 : i32
    %gather3A_886 = arith.constant 0 : i32
    %gather3A_887 = tpu.memref_slice %arg6[%gather3A_884, %gather3A_885, %gather3A_886] : memref<8x64x128xf32, #tpu.memory_space<vmem>> -> memref<1x64x128xf32, #tpu.memory_space<vmem>>
    %gather3A_888 = tpu.memref_squeeze %gather3A_887 : memref<1x64x128xf32, #tpu.memory_space<vmem>> -> memref<64x128xf32, #tpu.memory_space<vmem>>
    %gather3A_889 = tpu.vector_load_idx %gather3A_888[%add3A_8, %broadcast_in_dim3A_875] : memref<64x128xf32, #tpu.memory_space<vmem>>[vector<16xi32>, vector<16xi32>], vector<16xf32>,
    tpu.vector_store_idx %arg7[%add3A_8, %broadcast_in_dim3A_877], %gather3A_889 : memref<64x512xf32, #tpu.memory_space<vmem>>[vector<16xi32>, vector<16xi32>], vector<16xf32>,
    %gather3A_890 = arith.constant 4 : i32
    %gather3A_891 = arith.constant 0 : i32
    %gather3A_892 = arith.constant 0 : i32
    %gather3A_893 = tpu.memref_slice %arg6[%gather3A_890, %gather3A_891, %gather3A_892] : memref<8x64x128xf32, #tpu.memory_space<vmem>> -> memref<1x64x128xf32, #tpu.memory_space<vmem>>
    %gather3A_894 = tpu.memref_squeeze %gather3A_893 : memref<1x64x128xf32, #tpu.memory_space<vmem>> -> memref<64x128xf32, #tpu.memory_space<vmem>>
    %gather3A_895 = tpu.vector_load_idx %gather3A_894[%add3A_11, %broadcast_in_dim3A_875] : memref<64x128xf32, #tpu.memory_space<vmem>>[vector<16xi32>, vector<16xi32>], vector<16xf32>,
    tpu.vector_store_idx %arg7[%add3A_11, %broadcast_in_dim3A_877], %gather3A_895 : memref<64x512xf32, #tpu.memory_space<vmem>>[vector<16xi32>, vector<16xi32>], vector<16xf32>,
    %gather3A_896 = arith.constant 4 : i32
    %gather3A_897 = arith.constant 0 : i32
    %gather3A_898 = arith.constant 0 : i32
    %gather3A_899 = tpu.memref_slice %arg6[%gather3A_896, %gather3A_897, %gather3A_898] : memref<8x64x128xf32, #tpu.memory_space<vmem>> -> memref<1x64x128xf32, #tpu.memory_space<vmem>>
    %gather3A_900 = tpu.memref_squeeze %gather3A_899 : memref<1x64x128xf32, #tpu.memory_space<vmem>> -> memref<64x128xf32, #tpu.memory_space<vmem>>
    %gather3A_901 = tpu.vector_load_idx %gather3A_900[%add3A_14, %broadcast_in_dim3A_875] : memref<64x128xf32, #tpu.memory_space<vmem>>[vector<16xi32>, vector<16xi32>], vector<16xf32>,
    tpu.vector_store_idx %arg7[%add3A_14, %broadcast_in_dim3A_877], %gather3A_901 : memref<64x512xf32, #tpu.memory_space<vmem>>[vector<16xi32>, vector<16xi32>], vector<16xf32>,
    %dma_wait3A_902 = arith.constant 5 : i32
    %dma_wait3A_903 = arith.constant 0 : i32
    %dma_wait3A_904 = arith.constant 0 : i32
    %dma_wait3A_905 = tpu.memref_slice %arg6[%dma_wait3A_902, %dma_wait3A_903, %dma_wait3A_904] : memref<8x64x128xf32, #tpu.memory_space<vmem>> -> memref<1x64x128xf32, #tpu.memory_space<vmem>>
    %dma_wait3A_906 = tpu.memref_squeeze %dma_wait3A_905 : memref<1x64x128xf32, #tpu.memory_space<vmem>> -> memref<64x128xf32, #tpu.memory_space<vmem>>
    %dma_wait3A_907 = arith.constant 0 : i32
    %dma_wait3A_908 = arith.constant 0 : i32
    %dma_wait3A_909 = tpu.memref_slice %arg3[%dma_wait3A_907, %dma_wait3A_908] : memref<64x1000000xf32, #tpu.memory_space<hbm>> -> memref<64x128xf32, #tpu.memory_space<hbm>>
    %dma_wait3A_910 = arith.constant 0 : i32
    %dma_wait3A_911 = arith.constant 0 : i32
    %dma_wait3A_912 = tpu.memref_slice %arg6[%dma_wait3A_902, %dma_wait3A_910, %dma_wait3A_911] : memref<8x64x128xf32, #tpu.memory_space<vmem>> -> memref<1x64x128xf32, #tpu.memory_space<vmem>>
    %dma_wait3A_913 = tpu.memref_squeeze %dma_wait3A_912 : memref<1x64x128xf32, #tpu.memory_space<vmem>> -> memref<64x128xf32, #tpu.memory_space<vmem>>
    %dma_wait3A_914 = arith.constant 0 : i32
    %dma_wait3A_915 = arith.constant 0 : i32
    %dma_wait3A_916 = tpu.memref_slice %arg3[%dma_wait3A_914, %dma_wait3A_915] : memref<64x1000000xf32, #tpu.memory_space<hbm>> -> memref<64x128xf32, #tpu.memory_space<hbm>>
    tpu.wait_dma2 semaphore(%arg13 : memref<!tpu.dma_semaphore, #tpu.memory_space<semaphore_mem>>) src(%dma_wait3A_916 : memref<64x128xf32, #tpu.memory_space<hbm>>) dst(%dma_wait3A_913 : memref<64x128xf32, #tpu.memory_space<vmem>>)
    %slice3A_917 = vector.extract_strided_slice %get3A_162 {offsets = [13], sizes = [1], strides = [1]} : vector<16xi32> to vector<1xi32>
    %squeeze3A_918 = vector.extract %slice3A_917[0] : i32 from vector<1xi32>
    %and3A_919 = arith.constant 127 : i32
    %and3A_920 = arith.andi %squeeze3A_918, %and3A_919 : i32
    %broadcast_in_dim3A_921 = vector.broadcast %and3A_920 : i32 to vector<16xi32>
    %broadcast_in_dim3A_922 = arith.constant 509 : i32
    %broadcast_in_dim3A_923 = vector.broadcast %broadcast_in_dim3A_922 : i32 to vector<16xi32>
    %gather3A_924 = arith.constant 5 : i32
    %gather3A_925 = arith.constant 0 : i32
    %gather3A_926 = arith.constant 0 : i32
    %gather3A_927 = tpu.memref_slice %arg6[%gather3A_924, %gather3A_925, %gather3A_926] : memref<8x64x128xf32, #tpu.memory_space<vmem>> -> memref<1x64x128xf32, #tpu.memory_space<vmem>>
    %gather3A_928 = tpu.memref_squeeze %gather3A_927 : memref<1x64x128xf32, #tpu.memory_space<vmem>> -> memref<64x128xf32, #tpu.memory_space<vmem>>
    %gather3A_929 = tpu.vector_load_idx %gather3A_928[%add3A_5, %broadcast_in_dim3A_921] : memref<64x128xf32, #tpu.memory_space<vmem>>[vector<16xi32>, vector<16xi32>], vector<16xf32>,
    tpu.vector_store_idx %arg7[%add3A_5, %broadcast_in_dim3A_923], %gather3A_929 : memref<64x512xf32, #tpu.memory_space<vmem>>[vector<16xi32>, vector<16xi32>], vector<16xf32>,
    %gather3A_930 = arith.constant 5 : i32
    %gather3A_931 = arith.constant 0 : i32
    %gather3A_932 = arith.constant 0 : i32
    %gather3A_933 = tpu.memref_slice %arg6[%gather3A_930, %gather3A_931, %gather3A_932] : memref<8x64x128xf32, #tpu.memory_space<vmem>> -> memref<1x64x128xf32, #tpu.memory_space<vmem>>
    %gather3A_934 = tpu.memref_squeeze %gather3A_933 : memref<1x64x128xf32, #tpu.memory_space<vmem>> -> memref<64x128xf32, #tpu.memory_space<vmem>>
    %gather3A_935 = tpu.vector_load_idx %gather3A_934[%add3A_8, %broadcast_in_dim3A_921] : memref<64x128xf32, #tpu.memory_space<vmem>>[vector<16xi32>, vector<16xi32>], vector<16xf32>,
    tpu.vector_store_idx %arg7[%add3A_8, %broadcast_in_dim3A_923], %gather3A_935 : memref<64x512xf32, #tpu.memory_space<vmem>>[vector<16xi32>, vector<16xi32>], vector<16xf32>,
    %gather3A_936 = arith.constant 5 : i32
    %gather3A_937 = arith.constant 0 : i32
    %gather3A_938 = arith.constant 0 : i32
    %gather3A_939 = tpu.memref_slice %arg6[%gather3A_936, %gather3A_937, %gather3A_938] : memref<8x64x128xf32, #tpu.memory_space<vmem>> -> memref<1x64x128xf32, #tpu.memory_space<vmem>>
    %gather3A_940 = tpu.memref_squeeze %gather3A_939 : memref<1x64x128xf32, #tpu.memory_space<vmem>> -> memref<64x128xf32, #tpu.memory_space<vmem>>
    %gather3A_941 = tpu.vector_load_idx %gather3A_940[%add3A_11, %broadcast_in_dim3A_921] : memref<64x128xf32, #tpu.memory_space<vmem>>[vector<16xi32>, vector<16xi32>], vector<16xf32>,
    tpu.vector_store_idx %arg7[%add3A_11, %broadcast_in_dim3A_923], %gather3A_941 : memref<64x512xf32, #tpu.memory_space<vmem>>[vector<16xi32>, vector<16xi32>], vector<16xf32>,
    %gather3A_942 = arith.constant 5 : i32
    %gather3A_943 = arith.constant 0 : i32
    %gather3A_944 = arith.constant 0 : i32
    %gather3A_945 = tpu.memref_slice %arg6[%gather3A_942, %gather3A_943, %gather3A_944] : memref<8x64x128xf32, #tpu.memory_space<vmem>> -> memref<1x64x128xf32, #tpu.memory_space<vmem>>
    %gather3A_946 = tpu.memref_squeeze %gather3A_945 : memref<1x64x128xf32, #tpu.memory_space<vmem>> -> memref<64x128xf32, #tpu.memory_space<vmem>>
    %gather3A_947 = tpu.vector_load_idx %gather3A_946[%add3A_14, %broadcast_in_dim3A_921] : memref<64x128xf32, #tpu.memory_space<vmem>>[vector<16xi32>, vector<16xi32>], vector<16xf32>,
    tpu.vector_store_idx %arg7[%add3A_14, %broadcast_in_dim3A_923], %gather3A_947 : memref<64x512xf32, #tpu.memory_space<vmem>>[vector<16xi32>, vector<16xi32>], vector<16xf32>,
    %dma_wait3A_948 = arith.constant 6 : i32
    %dma_wait3A_949 = arith.constant 0 : i32
    %dma_wait3A_950 = arith.constant 0 : i32
    %dma_wait3A_951 = tpu.memref_slice %arg6[%dma_wait3A_948, %dma_wait3A_949, %dma_wait3A_950] : memref<8x64x128xf32, #tpu.memory_space<vmem>> -> memref<1x64x128xf32, #tpu.memory_space<vmem>>
    %dma_wait3A_952 = tpu.memref_squeeze %dma_wait3A_951 : memref<1x64x128xf32, #tpu.memory_space<vmem>> -> memref<64x128xf32, #tpu.memory_space<vmem>>
    %dma_wait3A_953 = arith.constant 0 : i32
    %dma_wait3A_954 = arith.constant 0 : i32
    %dma_wait3A_955 = tpu.memref_slice %arg3[%dma_wait3A_953, %dma_wait3A_954] : memref<64x1000000xf32, #tpu.memory_space<hbm>> -> memref<64x128xf32, #tpu.memory_space<hbm>>
    %dma_wait3A_956 = arith.constant 0 : i32
    %dma_wait3A_957 = arith.constant 0 : i32
    %dma_wait3A_958 = tpu.memref_slice %arg6[%dma_wait3A_948, %dma_wait3A_956, %dma_wait3A_957] : memref<8x64x128xf32, #tpu.memory_space<vmem>> -> memref<1x64x128xf32, #tpu.memory_space<vmem>>
    %dma_wait3A_959 = tpu.memref_squeeze %dma_wait3A_958 : memref<1x64x128xf32, #tpu.memory_space<vmem>> -> memref<64x128xf32, #tpu.memory_space<vmem>>
    %dma_wait3A_960 = arith.constant 0 : i32
    %dma_wait3A_961 = arith.constant 0 : i32
    %dma_wait3A_962 = tpu.memref_slice %arg3[%dma_wait3A_960, %dma_wait3A_961] : memref<64x1000000xf32, #tpu.memory_space<hbm>> -> memref<64x128xf32, #tpu.memory_space<hbm>>
    tpu.wait_dma2 semaphore(%arg14 : memref<!tpu.dma_semaphore, #tpu.memory_space<semaphore_mem>>) src(%dma_wait3A_962 : memref<64x128xf32, #tpu.memory_space<hbm>>) dst(%dma_wait3A_959 : memref<64x128xf32, #tpu.memory_space<vmem>>)
    %slice3A_963 = vector.extract_strided_slice %get3A_162 {offsets = [14], sizes = [1], strides = [1]} : vector<16xi32> to vector<1xi32>
    %squeeze3A_964 = vector.extract %slice3A_963[0] : i32 from vector<1xi32>
    %and3A_965 = arith.constant 127 : i32
    %and3A_966 = arith.andi %squeeze3A_964, %and3A_965 : i32
    %broadcast_in_dim3A_967 = vector.broadcast %and3A_966 : i32 to vector<16xi32>
    %broadcast_in_dim3A_968 = arith.constant 510 : i32
    %broadcast_in_dim3A_969 = vector.broadcast %broadcast_in_dim3A_968 : i32 to vector<16xi32>
    %gather3A_970 = arith.constant 6 : i32
    %gather3A_971 = arith.constant 0 : i32
    %gather3A_972 = arith.constant 0 : i32
    %gather3A_973 = tpu.memref_slice %arg6[%gather3A_970, %gather3A_971, %gather3A_972] : memref<8x64x128xf32, #tpu.memory_space<vmem>> -> memref<1x64x128xf32, #tpu.memory_space<vmem>>
    %gather3A_974 = tpu.memref_squeeze %gather3A_973 : memref<1x64x128xf32, #tpu.memory_space<vmem>> -> memref<64x128xf32, #tpu.memory_space<vmem>>
    %gather3A_975 = tpu.vector_load_idx %gather3A_974[%add3A_5, %broadcast_in_dim3A_967] : memref<64x128xf32, #tpu.memory_space<vmem>>[vector<16xi32>, vector<16xi32>], vector<16xf32>,
    tpu.vector_store_idx %arg7[%add3A_5, %broadcast_in_dim3A_969], %gather3A_975 : memref<64x512xf32, #tpu.memory_space<vmem>>[vector<16xi32>, vector<16xi32>], vector<16xf32>,
    %gather3A_976 = arith.constant 6 : i32
    %gather3A_977 = arith.constant 0 : i32
    %gather3A_978 = arith.constant 0 : i32
    %gather3A_979 = tpu.memref_slice %arg6[%gather3A_976, %gather3A_977, %gather3A_978] : memref<8x64x128xf32, #tpu.memory_space<vmem>> -> memref<1x64x128xf32, #tpu.memory_space<vmem>>
    %gather3A_980 = tpu.memref_squeeze %gather3A_979 : memref<1x64x128xf32, #tpu.memory_space<vmem>> -> memref<64x128xf32, #tpu.memory_space<vmem>>
    %gather3A_981 = tpu.vector_load_idx %gather3A_980[%add3A_8, %broadcast_in_dim3A_967] : memref<64x128xf32, #tpu.memory_space<vmem>>[vector<16xi32>, vector<16xi32>], vector<16xf32>,
    tpu.vector_store_idx %arg7[%add3A_8, %broadcast_in_dim3A_969], %gather3A_981 : memref<64x512xf32, #tpu.memory_space<vmem>>[vector<16xi32>, vector<16xi32>], vector<16xf32>,
    %gather3A_982 = arith.constant 6 : i32
    %gather3A_983 = arith.constant 0 : i32
    %gather3A_984 = arith.constant 0 : i32
    %gather3A_985 = tpu.memref_slice %arg6[%gather3A_982, %gather3A_983, %gather3A_984] : memref<8x64x128xf32, #tpu.memory_space<vmem>> -> memref<1x64x128xf32, #tpu.memory_space<vmem>>
    %gather3A_986 = tpu.memref_squeeze %gather3A_985 : memref<1x64x128xf32, #tpu.memory_space<vmem>> -> memref<64x128xf32, #tpu.memory_space<vmem>>
    %gather3A_987 = tpu.vector_load_idx %gather3A_986[%add3A_11, %broadcast_in_dim3A_967] : memref<64x128xf32, #tpu.memory_space<vmem>>[vector<16xi32>, vector<16xi32>], vector<16xf32>,
    tpu.vector_store_idx %arg7[%add3A_11, %broadcast_in_dim3A_969], %gather3A_987 : memref<64x512xf32, #tpu.memory_space<vmem>>[vector<16xi32>, vector<16xi32>], vector<16xf32>,
    %gather3A_988 = arith.constant 6 : i32
    %gather3A_989 = arith.constant 0 : i32
    %gather3A_990 = arith.constant 0 : i32
    %gather3A_991 = tpu.memref_slice %arg6[%gather3A_988, %gather3A_989, %gather3A_990] : memref<8x64x128xf32, #tpu.memory_space<vmem>> -> memref<1x64x128xf32, #tpu.memory_space<vmem>>
    %gather3A_992 = tpu.memref_squeeze %gather3A_991 : memref<1x64x128xf32, #tpu.memory_space<vmem>> -> memref<64x128xf32, #tpu.memory_space<vmem>>
    %gather3A_993 = tpu.vector_load_idx %gather3A_992[%add3A_14, %broadcast_in_dim3A_967] : memref<64x128xf32, #tpu.memory_space<vmem>>[vector<16xi32>, vector<16xi32>], vector<16xf32>,
    tpu.vector_store_idx %arg7[%add3A_14, %broadcast_in_dim3A_969], %gather3A_993 : memref<64x512xf32, #tpu.memory_space<vmem>>[vector<16xi32>, vector<16xi32>], vector<16xf32>,
    %dma_wait3A_994 = arith.constant 7 : i32
    %dma_wait3A_995 = arith.constant 0 : i32
    %dma_wait3A_996 = arith.constant 0 : i32
    %dma_wait3A_997 = tpu.memref_slice %arg6[%dma_wait3A_994, %dma_wait3A_995, %dma_wait3A_996] : memref<8x64x128xf32, #tpu.memory_space<vmem>> -> memref<1x64x128xf32, #tpu.memory_space<vmem>>
    %dma_wait3A_998 = tpu.memref_squeeze %dma_wait3A_997 : memref<1x64x128xf32, #tpu.memory_space<vmem>> -> memref<64x128xf32, #tpu.memory_space<vmem>>
    %dma_wait3A_999 = arith.constant 0 : i32
    %dma_wait3A_1000 = arith.constant 0 : i32
    %dma_wait3A_1001 = tpu.memref_slice %arg3[%dma_wait3A_999, %dma_wait3A_1000] : memref<64x1000000xf32, #tpu.memory_space<hbm>> -> memref<64x128xf32, #tpu.memory_space<hbm>>
    %dma_wait3A_1002 = arith.constant 0 : i32
    %dma_wait3A_1003 = arith.constant 0 : i32
    %dma_wait3A_1004 = tpu.memref_slice %arg6[%dma_wait3A_994, %dma_wait3A_1002, %dma_wait3A_1003] : memref<8x64x128xf32, #tpu.memory_space<vmem>> -> memref<1x64x128xf32, #tpu.memory_space<vmem>>
    %dma_wait3A_1005 = tpu.memref_squeeze %dma_wait3A_1004 : memref<1x64x128xf32, #tpu.memory_space<vmem>> -> memref<64x128xf32, #tpu.memory_space<vmem>>
    %dma_wait3A_1006 = arith.constant 0 : i32
    %dma_wait3A_1007 = arith.constant 0 : i32
    %dma_wait3A_1008 = tpu.memref_slice %arg3[%dma_wait3A_1006, %dma_wait3A_1007] : memref<64x1000000xf32, #tpu.memory_space<hbm>> -> memref<64x128xf32, #tpu.memory_space<hbm>>
    tpu.wait_dma2 semaphore(%arg15 : memref<!tpu.dma_semaphore, #tpu.memory_space<semaphore_mem>>) src(%dma_wait3A_1008 : memref<64x128xf32, #tpu.memory_space<hbm>>) dst(%dma_wait3A_1005 : memref<64x128xf32, #tpu.memory_space<vmem>>)
    %slice3A_1009 = vector.extract_strided_slice %get3A_162 {offsets = [15], sizes = [1], strides = [1]} : vector<16xi32> to vector<1xi32>
    %squeeze3A_1010 = vector.extract %slice3A_1009[0] : i32 from vector<1xi32>
    %and3A_1011 = arith.constant 127 : i32
    %and3A_1012 = arith.andi %squeeze3A_1010, %and3A_1011 : i32
    %broadcast_in_dim3A_1013 = vector.broadcast %and3A_1012 : i32 to vector<16xi32>
    %broadcast_in_dim3A_1014 = arith.constant 511 : i32
    %broadcast_in_dim3A_1015 = vector.broadcast %broadcast_in_dim3A_1014 : i32 to vector<16xi32>
    %gather3A_1016 = arith.constant 7 : i32
    %gather3A_1017 = arith.constant 0 : i32
    %gather3A_1018 = arith.constant 0 : i32
    %gather3A_1019 = tpu.memref_slice %arg6[%gather3A_1016, %gather3A_1017, %gather3A_1018] : memref<8x64x128xf32, #tpu.memory_space<vmem>> -> memref<1x64x128xf32, #tpu.memory_space<vmem>>
    %gather3A_1020 = tpu.memref_squeeze %gather3A_1019 : memref<1x64x128xf32, #tpu.memory_space<vmem>> -> memref<64x128xf32, #tpu.memory_space<vmem>>
    %gather3A_1021 = tpu.vector_load_idx %gather3A_1020[%add3A_5, %broadcast_in_dim3A_1013] : memref<64x128xf32, #tpu.memory_space<vmem>>[vector<16xi32>, vector<16xi32>], vector<16xf32>,
    tpu.vector_store_idx %arg7[%add3A_5, %broadcast_in_dim3A_1015], %gather3A_1021 : memref<64x512xf32, #tpu.memory_space<vmem>>[vector<16xi32>, vector<16xi32>], vector<16xf32>,
    %gather3A_1022 = arith.constant 7 : i32
    %gather3A_1023 = arith.constant 0 : i32
    %gather3A_1024 = arith.constant 0 : i32
    %gather3A_1025 = tpu.memref_slice %arg6[%gather3A_1022, %gather3A_1023, %gather3A_1024] : memref<8x64x128xf32, #tpu.memory_space<vmem>> -> memref<1x64x128xf32, #tpu.memory_space<vmem>>
    %gather3A_1026 = tpu.memref_squeeze %gather3A_1025 : memref<1x64x128xf32, #tpu.memory_space<vmem>> -> memref<64x128xf32, #tpu.memory_space<vmem>>
    %gather3A_1027 = tpu.vector_load_idx %gather3A_1026[%add3A_8, %broadcast_in_dim3A_1013] : memref<64x128xf32, #tpu.memory_space<vmem>>[vector<16xi32>, vector<16xi32>], vector<16xf32>,
    tpu.vector_store_idx %arg7[%add3A_8, %broadcast_in_dim3A_1015], %gather3A_1027 : memref<64x512xf32, #tpu.memory_space<vmem>>[vector<16xi32>, vector<16xi32>], vector<16xf32>,
    %gather3A_1028 = arith.constant 7 : i32
    %gather3A_1029 = arith.constant 0 : i32
    %gather3A_1030 = arith.constant 0 : i32
    %gather3A_1031 = tpu.memref_slice %arg6[%gather3A_1028, %gather3A_1029, %gather3A_1030] : memref<8x64x128xf32, #tpu.memory_space<vmem>> -> memref<1x64x128xf32, #tpu.memory_space<vmem>>
    %gather3A_1032 = tpu.memref_squeeze %gather3A_1031 : memref<1x64x128xf32, #tpu.memory_space<vmem>> -> memref<64x128xf32, #tpu.memory_space<vmem>>
    %gather3A_1033 = tpu.vector_load_idx %gather3A_1032[%add3A_11, %broadcast_in_dim3A_1013] : memref<64x128xf32, #tpu.memory_space<vmem>>[vector<16xi32>, vector<16xi32>], vector<16xf32>,
    tpu.vector_store_idx %arg7[%add3A_11, %broadcast_in_dim3A_1015], %gather3A_1033 : memref<64x512xf32, #tpu.memory_space<vmem>>[vector<16xi32>, vector<16xi32>], vector<16xf32>,
    %gather3A_1034 = arith.constant 7 : i32
    %gather3A_1035 = arith.constant 0 : i32
    %gather3A_1036 = arith.constant 0 : i32
    %gather3A_1037 = tpu.memref_slice %arg6[%gather3A_1034, %gather3A_1035, %gather3A_1036] : memref<8x64x128xf32, #tpu.memory_space<vmem>> -> memref<1x64x128xf32, #tpu.memory_space<vmem>>
    %gather3A_1038 = tpu.memref_squeeze %gather3A_1037 : memref<1x64x128xf32, #tpu.memory_space<vmem>> -> memref<64x128xf32, #tpu.memory_space<vmem>>
    %gather3A_1039 = tpu.vector_load_idx %gather3A_1038[%add3A_14, %broadcast_in_dim3A_1013] : memref<64x128xf32, #tpu.memory_space<vmem>>[vector<16xi32>, vector<16xi32>], vector<16xf32>,
    tpu.vector_store_idx %arg7[%add3A_14, %broadcast_in_dim3A_1015], %gather3A_1039 : memref<64x512xf32, #tpu.memory_space<vmem>>[vector<16xi32>, vector<16xi32>], vector<16xf32>,
    "tpu.region"() ({
      %run_scoped3A = tpu.sem_alloc : memref<!tpu.dma_semaphore, #tpu.memory_space<semaphore_mem>>
      %dma_start3A_1040 = arith.constant 0 : i32
      %dma_start3A_1041 = tpu.memref_slice %arg4[%dma_start3A_1040, %mul3A_2] : memref<64x16384xf32, #tpu.memory_space<hbm>> -> memref<64x512xf32, #tpu.memory_space<hbm>>
      %dma_start3A_1042 = arith.constant 0 : i32
      %dma_start3A_1043 = tpu.memref_slice %arg4[%dma_start3A_1042, %mul3A_2] : memref<64x16384xf32, #tpu.memory_space<hbm>> -> memref<64x512xf32, #tpu.memory_space<hbm>>
      tpu.enqueue_dma source(%arg7 : memref<64x512xf32, #tpu.memory_space<vmem>>) target(%dma_start3A_1043 : memref<64x512xf32, #tpu.memory_space<hbm>>) target_semaphore(%run_scoped3A : memref<!tpu.dma_semaphore, #tpu.memory_space<semaphore_mem>>)
      %dma_wait3A_1044 = arith.constant 0 : i32
      %dma_wait3A_1045 = tpu.memref_slice %arg4[%dma_wait3A_1044, %mul3A_2] : memref<64x16384xf32, #tpu.memory_space<hbm>> -> memref<64x512xf32, #tpu.memory_space<hbm>>
      %dma_wait3A_1046 = arith.constant 0 : i32
      %dma_wait3A_1047 = tpu.memref_slice %arg4[%dma_wait3A_1046, %mul3A_2] : memref<64x16384xf32, #tpu.memory_space<hbm>> -> memref<64x512xf32, #tpu.memory_space<hbm>>
      tpu.wait_dma2 semaphore(%run_scoped3A : memref<!tpu.dma_semaphore, #tpu.memory_space<semaphore_mem>>) src(%arg7 : memref<64x512xf32, #tpu.memory_space<vmem>>) dst(%dma_wait3A_1047 : memref<64x512xf32, #tpu.memory_space<hbm>>)
      tpu.yield
    }) : () -> ()
    return
  }
}

</mosaic_0001>

<sc_bundles>
// kernel: kernel.3.cloned.1.call-start
scs
__scs_entry_jumppad:
0x0: {  	(pc) =	sbr.rel $0x88, $3  }
0x1: {  	(tag) =	ssettag $0x0;
	lr =	simm.s32 $0x1  }
0x2: {  	[smem:$0x3F9F] =	sst lr;
	_ =	strace $0xD0000000  }
0x3: {  	_ = 	snop  }
0x4: {  	_ = 	snop  }
0x5: {  	_ = 	snop  }
0x6: {  	_ = 	snop  }
0x7: {  	_ = 	snop  }
__scs_overlays_trampoline_lowered:
0x8: {  	[smem:$0x3FAE] =	sst s0  }
0x9: {  	[smem:$0x3FAF] =	sst s1  }
0xa: {  	[smem:$0x3FB0] =	sst s2  }
0xb: {  	[smem:$0x3FB1] =	sst s3  }
0xc: {  	[smem:$0x3FB2] =	sst s4  }
0xd: {  	[smem:$0x3FB3] =	sst s5  }
0xe: {  	[smem:$0x3FB4] =	sst s6  }
0xf: {  	[smem:$0x3FB5] =	sst s7  }
0x10: {  	[smem:$0x3FB6] =	sst s8  }
0x11: {  	[smem:$0x3FB7] =	sst s9;
	s0 =	simm.s32 @!p0 $0x0  }
0x12: {  	s1 =	sld [smem:$0x3F9D];
	s0 =	simm.s32 @p0 $0x1  }
0x13: {  	[smem:$0x3FB8] =	sst s0;
	s0 =	simm.s32 @!p1 $0x0  }
0x14: {  	s2 =	sld [smem:$0x3F9C];
	s0 =	simm.s32 @p1 $0x1  }
0x15: {  	[smem:$0x3FB9] =	sst s0;
	s0 =	simm.s32 @!p2 $0x0  }
0x16: {  	s3 =	sld [smem:$0x3FDB];
	s0 =	simm.s32 @p2 $0x1  }
0x17: {  	s4 =	simm.s32 $0x1BF5;
	[smem:$0x3FBB] =	sst s0  }
0x18: {  	s0 =	sld [smem:$0x3F9E];
	_ =	swait.ge [sflag:s4], $0x0  }
0x19: {  	s7 =	sld [smem:$0x3F9F]  }
0x1a: {  	s8 =	sadd.s32 $0xFFFFE003, lr  }
0x1b: {  	s9 =	sadd.s32 $0xFFFFFEF7, lr;
	s5 =	simm.s32 $0xFFFFFFFF;
	p2 =	slt.u32 s8, $0xFFFFF086  }
0x1c: {  	p1 =	slt.u32 s9, $0xF7A;
	s5 =	simm.s32 @!p2 $0x0  }
0x1d: {  	s5 =	simm.s32 @p1 $0x1;
	p0 =	seq.s32 s7, s2  }
0x1e: {  	s7 =	smul.u32 @!p0 $0xF7A, s2;
	p2 =	seq.s32 @!p0 s5, $0x0  }
0x1f: {  	s9 =	smul.u32 $0xF7A, s1;
	s8 =	simm.s32 @!p0 $0x1BF5;
	p2 =	por !p2, p0  }
0x20: {  	[sflag:s8] =	ssyncset.s32 @!p0 $0xFFFFF086;
	s6 =	sadd.s32 @!p0 s3, s7;
	s7 =	simm.s32 @!p0 $0x108  }
0x21: {  	s3 =	sadd.s32 s3, s9;
	s6 =	sadd.s32 @!p0 $0x88, s6;
	s7 =	simm.s32 @p2 $0x1082  }
0x22: {  	[simem:s7], [sflag:s8] =	dma.local @!p0 [hbm:s6], $0xF7A  }
0x23: {  	s9 =	sor.u32 $0xD0000000, s2;
	s6 =	simm.s32 $0x108;
	_ =	swait.ge @!p0 [sflag:s8], $0x0  }
0x24: {  	s3 =	sadd.s32 $0x88, s3;
	s6 =	simm.s32 @!p1 $0x1082;
	[sflag:s4] =	ssyncset.s32 $0xFFFFF086  }
0x25: {  	[simem:s6], [sflag:s4] =	dma.local [hbm:s3], $0xF7A  }
0x26: {  	[smem:$0x3F9F] =	sst s1;
	(tag) =	ssettag s2;
	_ =	strace s9  }
0x27: {  	s1 =	sld [smem:$0x3FAF]  }
0x28: {  	s2 =	sld [smem:$0x3FB0]  }
0x29: {  	s4 =	sld [smem:$0x3FB2]  }
0x2a: {  	p0 =	seq.s32 s5, $0x0;
	s5 =	sld [smem:$0x3FB3]  }
0x2b: {  	s6 =	sld [smem:$0x3FB4]  }
0x2c: {  	s7 =	sld [smem:$0x3FB5]  }
0x2d: {  	s3 =	simm.s32 $0x108;
	s8 =	sld [smem:$0x3FB6]  }
0x2e: {  	s3 =	simm.s32 @!p0 $0x1082;
	s9 =	sld [smem:$0x3FB7]  }
0x2f: {  	lr =	sadd.s32 s0, s3;
	s0 =	sld [smem:$0x3FAE]  }
0x30: {  	s3 =	sld [smem:$0x3FB1]  }
0x31: {  	[smem:$0x3FBA] =	sst s10  }
0x32: {  	s10 =	sld [smem:$0x3FB8];
	_ =	sdelay $0x3  }
0x33: {  	p0 =	seq.s32 s10, $0x1;
	s10 =	sld [smem:$0x3FBA];
	_ =	sdelay $0x3  }
0x34: {  	[smem:$0x3FBA] =	sst s10  }
0x35: {  	s10 =	sld [smem:$0x3FB9];
	_ =	sdelay $0x3  }
0x36: {  	p1 =	seq.s32 s10, $0x1;
	s10 =	sld [smem:$0x3FBA];
	_ =	sdelay $0x3  }
0x37: {  	[smem:$0x3FBA] =	sst s10  }
0x38: {  	s10 =	sld [smem:$0x3FBB]  }
0x39: {  	_ = 	snop;
	(pc) =	sbr.ind lr, $3  }
0x3a: {  	_ = 	snop  }
0x3b: {  	_ = 	snop  }
0x3c: {  	p2 =	seq.s32 s10, $0x1;
	s10 =	sld [smem:$0x3FBA]  }
0x3d: {  	_ =	shalt  }
0x3e: {  	_ =	shalt  }
0x3f: {  	_ =	shalt  }
0x40: {  	_ =	shalt  }
0x41: {  	_ =	shalt  }
0x42: {  	_ =	shalt  }
0x43: {  	_ =	shalt  }
0x44: {  	_ =	shalt  }
0x45: {  	_ =	shalt  }
0x46: {  	_ =	shalt  }
0x47: {  	_ =	shalt  }
0x48: {  	_ =	shalt  }
0x49: {  	_ =	shalt  }
0x4a: {  	_ =	shalt  }
0x4b: {  	_ =	shalt  }
0x4c: {  	_ =	shalt  }
0x4d: {  	_ =	shalt  }
0x4e: {  	_ =	shalt  }
0x4f: {  	_ =	shalt  }
0x50: {  	_ =	shalt  }
0x51: {  	_ =	shalt  }
0x52: {  	_ =	shalt  }
0x53: {  	_ =	shalt  }
0x54: {  	_ =	shalt  }
0x55: {  	_ =	shalt  }
0x56: {  	_ =	shalt  }
0x57: {  	_ =	shalt  }
0x58: {  	_ =	shalt  }
0x59: {  	_ =	shalt  }
0x5a: {  	_ =	shalt  }
0x5b: {  	_ =	shalt  }
0x5c: {  	_ =	shalt  }
0x5d: {  	_ =	shalt  }
0x5e: {  	_ =	shalt  }
0x5f: {  	_ =	shalt  }
0x60: {  	_ =	shalt  }
0x61: {  	_ =	shalt  }
0x62: {  	_ =	shalt  }
0x63: {  	_ =	shalt  }
0x64: {  	_ =	shalt  }
0x65: {  	_ =	shalt  }
0x66: {  	_ =	shalt  }
0x67: {  	_ =	shalt  }
0x68: {  	_ =	shalt  }
0x69: {  	_ =	shalt  }
0x6a: {  	_ =	shalt  }
0x6b: {  	_ =	shalt  }
0x6c: {  	_ =	shalt  }
0x6d: {  	_ =	shalt  }
0x6e: {  	_ =	shalt  }
0x6f: {  	_ =	shalt  }
0x70: {  	_ =	shalt  }
0x71: {  	_ =	shalt  }
0x72: {  	_ =	shalt  }
0x73: {  	_ =	shalt  }
0x74: {  	_ =	shalt  }
0x75: {  	_ =	shalt  }
0x76: {  	_ =	shalt  }
0x77: {  	_ =	shalt  }
0x78: {  	_ =	shalt  }
0x79: {  	_ =	shalt  }
0x7a: {  	_ =	shalt  }
0x7b: {  	_ =	shalt  }
0x7c: {  	_ =	shalt  }
0x7d: {  	_ =	shalt  }
0x7e: {  	_ =	shalt  }
0x7f: {  	_ =	shalt  }
0x80: {  	_ =	shalt  }
0x81: {  	_ =	shalt  }
0x82: {  	_ =	shalt  }
0x83: {  	_ =	shalt  }
0x84: {  	_ =	shalt  }
0x85: {  	_ =	shalt  }
0x86: {  	_ =	shalt  }
0x87: {  	_ =	shalt  }
.Lfunc_end0:
.L_simem_size_0:
called_computation_lowered:
.L_overlay_start_0:
0x88: {  	s2 =	sld [smem:$0x3FD9]  }
0x89: {  	s3 =	sld [smem:$0x3FFE];
	_ =	sdelay $0x1  }
0x8a: {  	s1 =	srdreg.scid  }
0x8b: {  	s0 =	sand.u32 $0x1, s1  }
0x8c: {  	s18 =	sshll.u32 s0, $0xA;
	s2 =	sadd.s32 s3, s2  }
0x8d: {  	s2 =	sadd.s32 s2, s18  }
0x8e: {  	[smem:$0x3FC6] =	sst s2  }
0x8f: {  	_ = 	snop  }
0x90: {  	s2 =	sld [smem:$0x3FC9]  }
0x91: {  	s19 =	sld [smem:$0x3FC8]  }
0x92: {  	s4 =	sld [smem:$0x3FD0];
	(tm) =	ssettm $0x1  }
0x93: {  	s5 =	sld [smem:$0x3FFB];
	_ =	sdelay $0x3  }
0x94: {  	_ =	strace s5  }
0x95: {  	s5 =	sld [smem:$0x3FFC];
	_ =	sdelay $0x3  }
0x96: {  	_ =	strace s5  }
0x97: {  	s5 =	sld [smem:$0x3FFD];
	_ =	sdelay $0x3  }
0x98: {  	_ =	strace s5  }
0x99: {  	_ =	strace $0x8FFFFFFF  }
0x9a: {  	s20 =	sld [smem:$0x3FDB];
	_ =	sdelay $0x1  }
0x9b: {  	s6 =	simm.s32 $_scs_section_size  }
0x9c: {  	s7 =	simm.s32 $_size__tile_overlayer_lowered;
	s8 =	simm.s32 $_tile_overlayer_lowered  }
0x9d: {  	s23 =	simm.s32 $0x1BFF;
	s22 =	sshll.u32 s8, $0x1;
	s5 =	sadd.s32 s6, s20  }
0x9e: {  	s9 =	simm.s32 $0x0;
	s21 =	sshll.u32 s7, $0x1;
	s7 =	sadd.s32 s22, s5  }
0x9f: {  	[timem:s9], [sflag:s23] =	dma.local [hbm:s7], s21  }
0xa0: {  	_ =	swait.ge [sflag:s23], s21  }
0xa1: {  	s6 =	ssub.s32 $0x0, s21;
	[sflag:s23] =	ssyncset.done $0x0  }
0xa2: {  	[sflag:s23] =	ssyncadd.s32 s6;
	_ =	sdelay $0x1  }
0xa3: {  	s24 =	simm.s32 $0x1B8B  }
0xa4: {  	_ =	swait.ge [sflag:s24], $0x1  }
0xa5: {  	[sflag:s24] =	ssyncset.done $0x0  }
0xa6: {  	s25 =	simm.s32 $0x1B8E;
	[sflag:s24] =	ssyncadd.s32 $0xFFFFFFFF  }
0xa7: {  	s26 =	simm.s32 $execute0_lowered;
	[smem:$0x3FD2] =	sst s25  }
0xa8: {  	s6 =	sshll.u32 s26, $0x1;
	_ =	strace $0x80000046;
	[dreg:$0x1] =	wrdreg $0xFFFFFFFF  }
0xa9: {  	s28 =	simm.s32 $_size_execute0_lowered;
	s5 =	sadd.s32 s5, s6;
	[dreg:$0x0] =	wrdreg $0x0  }
0xaa: {  	s6 =	sshll.u32 s28, $0x1;
	[dreg:$0x2] =	wrdreg s5  }
0xab: {  	[dreg:$0x3] =	wrdreg s6  }
0xac: {  	[dreg:$0x4] =	wrdreg $0xC0  }
0xad: {  	_ =	task [dreg:s9], $0x5FFFF  }
0xae: {  	[dreg:$0x1] =	wrdreg $0xFFFFFFFF  }
0xaf: {  	[dreg:$0x0] =	wrdreg $0x60  }
0xb0: {  	[dreg:$0x2] =	wrdreg s2  }
0xb1: {  	[dreg:$0x3] =	wrdreg s19  }
0xb2: {  	[dreg:$0x4] =	wrdreg s4  }
0xb3: {  	[dreg:$0x5] =	wrdreg $0x9  }
0xb4: {  	_ =	task.clear_ibuf [dreg:s9], $0x6FFFF;
	_ =	strace $0x90000046  }
0xb5: {  	s29 =	simm.s32 $0x9;
	_ =	strace $0x80000048  }
0xb6: {  	_ =	swait.ge [sflag:s29], $0x1  }
0xb7: {  	[sflag:s29] =	ssyncadd.s32 $0xFFFFFFFF  }
0xb8: {  	_ =	strace $0x90000048  }
0xb9: {  	_ =	sfence  }
0xba: {  	s30 =	sld [smem:$0x0];
	_ =	sdelay $0x2  }
0xbb: {  	s31 =	sshll.u32 s1, $0xD;
	s1 =	sshrl.u32 s1, $0x2  }
0xbc: {  	s3 =	sand.u32 $0x4000, s31;
	s1 =	sadd.s32 s1, s30  }
0xbd: {  	s0 =	sor.u32 s3, s0;
	s1 =	sshll.u32 s1, $0x11  }
0xbe: {  	s0 =	sor.u32 s1, s0  }
0xbf: {  	s0 =	sadd.s32 $0x8F2B, s0  }
0xc0: {  	[sflag:s0] =	ssyncadd.remote.s32 $0x1  }
0xc1: {  	_ =	sfence.sel $0xFFFF  }
0xc2: {  	[dreg:$0x0] =	wrdreg $0xFFFFFFFF;
	(pc) =	sbr.abs _section_cstart, $3  }
0xc3: {  	[dreg:$0x1] =	wrdreg $0xFFFFFFFF  }
0xc4: {  	_ =	task.clear_ibuf [dreg:s9], $0x2FFFF;
	_ =	strace $0x9FFFFFFF  }
0xc5: {  	(tm) =	ssettm $0x7FFFFFFF  }
tec
execute0_lowered:
.L_overlay_start_1:
0x0: {  	(tag) =	ssettag $0x1  }
0x1: {  	v0 =	vlaneseq.u32  }
0x2: {  	v1 =	vimm.s32 $0x1380;
	vm14 =	vcmask $0x300;
	v2 =	vimm.s32 $0x3380  }
0x3: {  	vm13 =	vcmask $0x704;
	vm12 =	vcmask $0xB08;
	vm11 =	vcmask $0xF0C  }
0x4: {  	vm10 =	vcmask $0x1310;
	vm9 =	vcmask $0x1714;
	vm8 =	vcmask $0x1B18  }
0x5: {  	vm7 =	vcmask $0x1F1C;
	vm6 =	vcmask $0x2320;
	vm5 =	vcmask $0x2724  }
0x6: {  	vm4 =	vcmask $0x2B28;
	vm3 =	vcmask $0x2F2C;
	vm2 =	vcmask $0x3330  }
0x7: {  	vm1 =	vcmask $0x3734;
	vm0 =	vcmask $0x3B38;
	v3 =	vimm.s32 $0x5380  }
0x8: {  	v4 =	vimm.s32 $0x7380;
	v5 =	vimm.s32 $0x1FF0;
	v6 =	vimm.s32 $0x5FF0  }
0x9: {  	v7 =	vimm.s32 $0x7FF0;
	v8 =	vimm.s32 $0x5FFF;
	v9 =	vimm.s32 $0x7FFF  }
0xa: {  	v1 =	vsel vm14, $0x0, v1;
	v2 =	vsel vm14, $0x2000, v2;
	v0 =	vmul.u32 $0x80, v0  }
0xb: {  	v3 =	vsel vm14, $0x4000, v3;
	v4 =	vsel vm14, $0x6000, v4;
	v5 =	vsel vm14, $0xC70, v5  }
0xc: {  	v6 =	vsel vm14, $0x4C70, v6;
	v7 =	vsel vm14, $0x6C70, v7;
	v8 =	vsel vm14, $0x4C7F, v8  }
0xd: {  	v9 =	vsel vm14, $0x6C7F, v9;
	v1 =	vsel vm13, $0x80, v1;
	v2 =	vsel vm13, $0x2080, v2  }
0xe: {  	v3 =	vsel vm13, $0x4080, v3;
	v4 =	vsel vm13, $0x6080, v4;
	v5 =	vsel vm13, $0xCF0, v5  }
0xf: {  	v6 =	vsel vm13, $0x4CF0, v6;
	v7 =	vsel vm13, $0x6CF0, v7;
	v5 =	vsel vm12, $0xD70, v5  }
0x10: {  	v8 =	vsel vm13, $0x4CFF, v8;
	v9 =	vsel vm13, $0x6CFF, v9;
	v5 =	vsel vm11, $0xDF0, v5  }
0x11: {  	v1 =	vsel vm12, $0x100, v1;
	v2 =	vsel vm12, $0x2100, v2;
	v5 =	vsel vm10, $0xE70, v5  }
0x12: {  	v3 =	vsel vm12, $0x4100, v3;
	v4 =	vsel vm12, $0x6100, v4;
	v5 =	vsel vm9, $0xEF0, v5  }
0x13: {  	v6 =	vsel vm12, $0x4D70, v6;
	v7 =	vsel vm12, $0x6D70, v7;
	v5 =	vsel vm8, $0xF70, v5  }
0x14: {  	v8 =	vsel vm12, $0x4D7F, v8;
	v9 =	vsel vm12, $0x6D7F, v9;
	v5 =	vsel vm7, $0xFF0, v5  }
0x15: {  	v10 =	vor.u32 $0x800, v0;
	v11 =	vor.u32 $0x1000, v0;
	v5 =	vsel vm6, $0x1C70, v5  }
0x16: {  	v12 =	vor.u32 $0x1800, v0;
	v1 =	vsel vm11, $0x180, v1;
	v5 =	vsel vm5, $0x1CF0, v5  }
0x17: {  	v2 =	vsel vm11, $0x2180, v2;
	v3 =	vsel vm11, $0x4180, v3;
	v5 =	vsel vm4, $0x1D70, v5  }
0x18: {  	v4 =	vsel vm11, $0x6180, v4;
	v6 =	vsel vm11, $0x4DF0, v6;
	v5 =	vsel vm3, $0x1DF0, v5  }
0x19: {  	v7 =	vsel vm11, $0x6DF0, v7;
	v8 =	vsel vm11, $0x4DFF, v8;
	v5 =	vsel vm2, $0x1E70, v5  }
0x1a: {  	v9 =	vsel vm11, $0x6DFF, v9;
	v1 =	vsel vm10, $0x200, v1;
	v5 =	vsel vm1, $0x1EF0, v5  }
0x1b: {  	v2 =	vsel vm10, $0x2200, v2;
	v3 =	vsel vm10, $0x4200, v3;
	v5 =	vsel vm0, $0x1F70, v5  }
0x1c: {  	v4 =	vsel vm10, $0x6200, v4;
	v6 =	vsel vm10, $0x4E70, v6;
	[tilespmem:$0x1FF20] =	vst v5;
	v5 =	vimm.s32 $0x3FF0  }
0x1d: {  	v7 =	vsel vm10, $0x6E70, v7;
	v8 =	vsel vm10, $0x4E7F, v8;
	v5 =	vsel vm14, $0x2C70, v5  }
0x1e: {  	v9 =	vsel vm10, $0x6E7F, v9;
	v1 =	vsel vm9, $0x280, v1;
	v5 =	vsel vm13, $0x2CF0, v5  }
0x1f: {  	v2 =	vsel vm9, $0x2280, v2;
	v3 =	vsel vm9, $0x4280, v3;
	v5 =	vsel vm12, $0x2D70, v5  }
0x20: {  	v4 =	vsel vm9, $0x6280, v4;
	v6 =	vsel vm9, $0x4EF0, v6;
	v5 =	vsel vm11, $0x2DF0, v5  }
0x21: {  	v7 =	vsel vm9, $0x6EF0, v7;
	v8 =	vsel vm9, $0x4EFF, v8;
	v5 =	vsel vm10, $0x2E70, v5  }
0x22: {  	v9 =	vsel vm9, $0x6EFF, v9;
	v1 =	vsel vm8, $0x300, v1;
	v5 =	vsel vm9, $0x2EF0, v5  }
0x23: {  	v2 =	vsel vm8, $0x2300, v2;
	v3 =	vsel vm8, $0x4300, v3;
	v5 =	vsel vm8, $0x2F70, v5  }
0x24: {  	v4 =	vsel vm8, $0x6300, v4;
	v6 =	vsel vm8, $0x4F70, v6;
	v5 =	vsel vm7, $0x2FF0, v5  }
0x25: {  	v7 =	vsel vm8, $0x6F70, v7;
	v6 =	vsel vm7, $0x4FF0, v6;
	v5 =	vsel vm6, $0x3C70, v5  }
0x26: {  	v7 =	vsel vm7, $0x6FF0, v7;
	v6 =	vsel vm6, $0x5C70, v6;
	v5 =	vsel vm5, $0x3CF0, v5  }
0x27: {  	v7 =	vsel vm6, $0x7C70, v7;
	v6 =	vsel vm5, $0x5CF0, v6;
	v5 =	vsel vm4, $0x3D70, v5  }
0x28: {  	v7 =	vsel vm5, $0x7CF0, v7;
	v6 =	vsel vm4, $0x5D70, v6;
	v5 =	vsel vm3, $0x3DF0, v5  }
0x29: {  	v7 =	vsel vm4, $0x7D70, v7;
	v6 =	vsel vm3, $0x5DF0, v6;
	v5 =	vsel vm2, $0x3E70, v5  }
0x2a: {  	v7 =	vsel vm3, $0x7DF0, v7;
	v6 =	vsel vm2, $0x5E70, v6;
	v5 =	vsel vm1, $0x3EF0, v5  }
0x2b: {  	v7 =	vsel vm2, $0x7E70, v7;
	v6 =	vsel vm1, $0x5EF0, v6;
	v5 =	vsel vm0, $0x3F70, v5  }
0x2c: {  	v8 =	vsel vm8, $0x4F7F, v8;
	v7 =	vsel vm1, $0x7EF0, v7;
	[tilespmem:$0x1FF30] =	vst v5;
	v5 =	vsel vm0, $0x5F70, v6  }
0x2d: {  	v9 =	vsel vm8, $0x6F7F, v9;
	v1 =	vsel vm7, $0x380, v1;
	[tilespmem:$0x1FF40] =	vst v5;
	v5 =	vsel vm0, $0x7F70, v7  }
0x2e: {  	v2 =	vsel vm7, $0x2380, v2;
	v3 =	vsel vm7, $0x4380, v3;
	[tilespmem:$0x1FF50] =	vst v5;
	v5 =	vimm.s32 $0x1FF1  }
0x2f: {  	v4 =	vsel vm7, $0x6380, v4;
	v6 =	vimm.s32 $0x3FF1;
	v5 =	vsel vm14, $0xC71, v5  }
0x30: {  	v7 =	vimm.s32 $0x5FF1;
	v6 =	vsel vm14, $0x2C71, v6;
	v5 =	vsel vm13, $0xCF1, v5  }
0x31: {  	v7 =	vsel vm14, $0x4C71, v7;
	v6 =	vsel vm13, $0x2CF1, v6;
	v5 =	vsel vm12, $0xD71, v5  }
0x32: {  	v7 =	vsel vm13, $0x4CF1, v7;
	v6 =	vsel vm12, $0x2D71, v6;
	v5 =	vsel vm11, $0xDF1, v5  }
0x33: {  	v7 =	vsel vm12, $0x4D71, v7;
	v6 =	vsel vm11, $0x2DF1, v6;
	v5 =	vsel vm10, $0xE71, v5  }
0x34: {  	v7 =	vsel vm11, $0x4DF1, v7;
	v6 =	vsel vm10, $0x2E71, v6;
	v5 =	vsel vm9, $0xEF1, v5  }
0x35: {  	v7 =	vsel vm10, $0x4E71, v7;
	v6 =	vsel vm9, $0x2EF1, v6;
	v5 =	vsel vm8, $0xF71, v5  }
0x36: {  	v7 =	vsel vm9, $0x4EF1, v7;
	v6 =	vsel vm8, $0x2F71, v6;
	v5 =	vsel vm7, $0xFF1, v5  }
0x37: {  	v7 =	vsel vm8, $0x4F71, v7;
	v6 =	vsel vm7, $0x2FF1, v6;
	v5 =	vsel vm6, $0x1C71, v5  }
0x38: {  	v7 =	vsel vm7, $0x4FF1, v7;
	v6 =	vsel vm6, $0x3C71, v6;
	v5 =	vsel vm5, $0x1CF1, v5  }
0x39: {  	v7 =	vsel vm6, $0x5C71, v7;
	v6 =	vsel vm5, $0x3CF1, v6;
	v5 =	vsel vm4, $0x1D71, v5  }
0x3a: {  	v7 =	vsel vm5, $0x5CF1, v7;
	v6 =	vsel vm4, $0x3D71, v6;
	v5 =	vsel vm3, $0x1DF1, v5  }
0x3b: {  	v7 =	vsel vm4, $0x5D71, v7;
	v6 =	vsel vm3, $0x3DF1, v6;
	v5 =	vsel vm2, $0x1E71, v5  }
0x3c: {  	v7 =	vsel vm3, $0x5DF1, v7;
	v6 =	vsel vm2, $0x3E71, v6;
	v5 =	vsel vm1, $0x1EF1, v5  }
0x3d: {  	v7 =	vsel vm2, $0x5E71, v7;
	v6 =	vsel vm1, $0x3EF1, v6;
	v5 =	vsel vm0, $0x1F71, v5  }
0x3e: {  	v8 =	vsel vm7, $0x4FFF, v8;
	v7 =	vsel vm1, $0x5EF1, v7;
	[tilespmem:$0x1FF60] =	vst v5;
	v5 =	vsel vm0, $0x3F71, v6  }
0x3f: {  	v9 =	vsel vm7, $0x6FFF, v9;
	v1 =	vsel vm6, $0x1000, v1;
	[tilespmem:$0x1FF70] =	vst v5;
	v5 =	vsel vm0, $0x5F71, v7  }
0x40: {  	v2 =	vsel vm6, $0x3000, v2;
	v3 =	vsel vm6, $0x5000, v3;
	[tilespmem:$0x1FF80] =	vst v5;
	v5 =	vimm.s32 $0x7FF1  }
0x41: {  	v4 =	vsel vm6, $0x7000, v4;
	v6 =	vimm.s32 $0x1FF2;
	v5 =	vsel vm14, $0x6C71, v5  }
0x42: {  	v7 =	vimm.s32 $0x3FF2;
	v6 =	vsel vm14, $0xC72, v6;
	v5 =	vsel vm13, $0x6CF1, v5  }
0x43: {  	v7 =	vsel vm14, $0x2C72, v7;
	v6 =	vsel vm13, $0xCF2, v6;
	v5 =	vsel vm12, $0x6D71, v5  }
0x44: {  	v7 =	vsel vm13, $0x2CF2, v7;
	v6 =	vsel vm12, $0xD72, v6;
	v5 =	vsel vm11, $0x6DF1, v5  }
0x45: {  	v7 =	vsel vm12, $0x2D72, v7;
	v6 =	vsel vm11, $0xDF2, v6;
	v5 =	vsel vm10, $0x6E71, v5  }
0x46: {  	v7 =	vsel vm11, $0x2DF2, v7;
	v6 =	vsel vm10, $0xE72, v6;
	v5 =	vsel vm9, $0x6EF1, v5  }
0x47: {  	v7 =	vsel vm10, $0x2E72, v7;
	v6 =	vsel vm9, $0xEF2, v6;
	v5 =	vsel vm8, $0x6F71, v5  }
0x48: {  	v7 =	vsel vm9, $0x2EF2, v7;
	v6 =	vsel vm8, $0xF72, v6;
	v5 =	vsel vm7, $0x6FF1, v5  }
0x49: {  	v7 =	vsel vm8, $0x2F72, v7;
	v6 =	vsel vm7, $0xFF2, v6;
	v5 =	vsel vm6, $0x7C71, v5  }
0x4a: {  	v7 =	vsel vm7, $0x2FF2, v7;
	v6 =	vsel vm6, $0x1C72, v6;
	v5 =	vsel vm5, $0x7CF1, v5  }
0x4b: {  	v7 =	vsel vm6, $0x3C72, v7;
	v6 =	vsel vm5, $0x1CF2, v6;
	v5 =	vsel vm4, $0x7D71, v5  }
0x4c: {  	v7 =	vsel vm5, $0x3CF2, v7;
	v6 =	vsel vm4, $0x1D72, v6;
	v5 =	vsel vm3, $0x7DF1, v5  }
0x4d: {  	v7 =	vsel vm4, $0x3D72, v7;
	v6 =	vsel vm3, $0x1DF2, v6;
	v5 =	vsel vm2, $0x7E71, v5  }
0x4e: {  	v7 =	vsel vm3, $0x3DF2, v7;
	v6 =	vsel vm2, $0x1E72, v6;
	v5 =	vsel vm1, $0x7EF1, v5  }
0x4f: {  	v7 =	vsel vm2, $0x3E72, v7;
	v6 =	vsel vm1, $0x1EF2, v6;
	v5 =	vsel vm0, $0x7F71, v5  }
0x50: {  	v8 =	vsel vm6, $0x5C7F, v8;
	v7 =	vsel vm1, $0x3EF2, v7;
	[tilespmem:$0x1FF90] =	vst v5;
	v5 =	vsel vm0, $0x1F72, v6  }
0x51: {  	v9 =	vsel vm6, $0x7C7F, v9;
	v1 =	vsel vm5, $0x1080, v1;
	[tilespmem:$0x1FFA0] =	vst v5;
	v5 =	vsel vm0, $0x3F72, v7  }
0x52: {  	v2 =	vsel vm5, $0x3080, v2;
	v3 =	vsel vm5, $0x5080, v3;
	[tilespmem:$0x1FFB0] =	vst v5;
	v5 =	vimm.s32 $0x5FF2  }
0x53: {  	v4 =	vsel vm5, $0x7080, v4;
	v6 =	vimm.s32 $0x7FF2;
	v5 =	vsel vm14, $0x4C72, v5  }
0x54: {  	v7 =	vimm.s32 $0x1FF3;
	v6 =	vsel vm14, $0x6C72, v6;
	v5 =	vsel vm13, $0x4CF2, v5  }
0x55: {  	v7 =	vsel vm14, $0xC73, v7;
	v6 =	vsel vm13, $0x6CF2, v6;
	v5 =	vsel vm12, $0x4D72, v5  }
0x56: {  	v7 =	vsel vm13, $0xCF3, v7;
	v6 =	vsel vm12, $0x6D72, v6;
	v5 =	vsel vm11, $0x4DF2, v5  }
0x57: {  	v7 =	vsel vm12, $0xD73, v7;
	v6 =	vsel vm11, $0x6DF2, v6;
	v5 =	vsel vm10, $0x4E72, v5  }
0x58: {  	v7 =	vsel vm11, $0xDF3, v7;
	v6 =	vsel vm10, $0x6E72, v6;
	v5 =	vsel vm9, $0x4EF2, v5  }
0x59: {  	v7 =	vsel vm10, $0xE73, v7;
	v6 =	vsel vm9, $0x6EF2, v6;
	v5 =	vsel vm8, $0x4F72, v5  }
0x5a: {  	v7 =	vsel vm9, $0xEF3, v7;
	v6 =	vsel vm8, $0x6F72, v6;
	v5 =	vsel vm7, $0x4FF2, v5  }
0x5b: {  	v7 =	vsel vm8, $0xF73, v7;
	v6 =	vsel vm7, $0x6FF2, v6;
	v5 =	vsel vm6, $0x5C72, v5  }
0x5c: {  	v7 =	vsel vm7, $0xFF3, v7;
	v6 =	vsel vm6, $0x7C72, v6;
	v5 =	vsel vm5, $0x5CF2, v5  }
0x5d: {  	v7 =	vsel vm6, $0x1C73, v7;
	v6 =	vsel vm5, $0x7CF2, v6;
	v5 =	vsel vm4, $0x5D72, v5  }
0x5e: {  	v7 =	vsel vm5, $0x1CF3, v7;
	v6 =	vsel vm4, $0x7D72, v6;
	v5 =	vsel vm3, $0x5DF2, v5  }
0x5f: {  	v7 =	vsel vm4, $0x1D73, v7;
	v6 =	vsel vm3, $0x7DF2, v6;
	v5 =	vsel vm2, $0x5E72, v5  }
0x60: {  	v7 =	vsel vm3, $0x1DF3, v7;
	v6 =	vsel vm2, $0x7E72, v6;
	v5 =	vsel vm1, $0x5EF2, v5  }
0x61: {  	v7 =	vsel vm2, $0x1E73, v7;
	v6 =	vsel vm1, $0x7EF2, v6;
	v5 =	vsel vm0, $0x5F72, v5  }
0x62: {  	v8 =	vsel vm5, $0x5CFF, v8;
	v7 =	vsel vm1, $0x1EF3, v7;
	[tilespmem:$0x1FFC0] =	vst v5;
	v5 =	vsel vm0, $0x7F72, v6  }
0x63: {  	v9 =	vsel vm5, $0x7CFF, v9;
	v6 =	vimm.s32 $0x5FF3;
	[tilespmem:$0x1FFD0] =	vst v5;
	v5 =	vsel vm0, $0x1F73, v7  }
0x64: {  	v7 =	vimm.s32 $0x7FF3;
	v6 =	vsel vm14, $0x4C73, v6;
	[tilespmem:$0x1FFE0] =	vst v5;
	v5 =	vimm.s32 $0x3FF3  }
0x65: {  	v7 =	vsel vm14, $0x6C73, v7;
	v6 =	vsel vm13, $0x4CF3, v6;
	v5 =	vsel vm14, $0x2C73, v5  }
0x66: {  	v7 =	vsel vm13, $0x6CF3, v7;
	v6 =	vsel vm12, $0x4D73, v6;
	v5 =	vsel vm13, $0x2CF3, v5  }
0x67: {  	v7 =	vsel vm12, $0x6D73, v7;
	v6 =	vsel vm11, $0x4DF3, v6;
	v5 =	vsel vm12, $0x2D73, v5  }
0x68: {  	v7 =	vsel vm11, $0x6DF3, v7;
	v6 =	vsel vm10, $0x4E73, v6;
	v5 =	vsel vm11, $0x2DF3, v5  }
0x69: {  	v7 =	vsel vm10, $0x6E73, v7;
	v6 =	vsel vm9, $0x4EF3, v6;
	v5 =	vsel vm10, $0x2E73, v5  }
0x6a: {  	v7 =	vsel vm9, $0x6EF3, v7;
	v6 =	vsel vm8, $0x4F73, v6;
	v5 =	vsel vm9, $0x2EF3, v5  }
0x6b: {  	v7 =	vsel vm8, $0x6F73, v7;
	v6 =	vsel vm7, $0x4FF3, v6;
	v5 =	vsel vm8, $0x2F73, v5  }
0x6c: {  	v7 =	vsel vm7, $0x6FF3, v7;
	v6 =	vsel vm6, $0x5C73, v6;
	v5 =	vsel vm7, $0x2FF3, v5  }
0x6d: {  	v7 =	vsel vm6, $0x7C73, v7;
	v6 =	vsel vm5, $0x5CF3, v6;
	v5 =	vsel vm6, $0x3C73, v5  }
0x6e: {  	v7 =	vsel vm5, $0x7CF3, v7;
	v6 =	vsel vm4, $0x5D73, v6;
	v5 =	vsel vm5, $0x3CF3, v5  }
0x6f: {  	v7 =	vsel vm4, $0x7D73, v7;
	v6 =	vsel vm3, $0x5DF3, v6;
	v5 =	vsel vm4, $0x3D73, v5  }
0x70: {  	v7 =	vsel vm3, $0x7DF3, v7;
	v6 =	vsel vm2, $0x5E73, v6;
	v5 =	vsel vm3, $0x3DF3, v5  }
0x71: {  	v7 =	vsel vm2, $0x7E73, v7;
	v6 =	vsel vm1, $0x5EF3, v6;
	v5 =	vsel vm2, $0x3E73, v5  }
0x72: {  	v7 =	vsel vm1, $0x7EF3, v7;
	v19 =	vsel vm0, $0x5F73, v6;
	v6 =	vimm.s32 $0x3FF4  }
0x73: {  	v5 =	vsel vm1, $0x3EF3, v5;
	v20 =	vsel vm0, $0x7F73, v7;
	v7 =	vimm.s32 $0x5FF4  }
0x74: {  	v6 =	vsel vm14, $0x2C74, v6;
	v5 =	vsel vm0, $0x3F73, v5;
	v7 =	vsel vm14, $0x4C74, v7  }
0x75: {  	v6 =	vsel vm13, $0x2CF4, v6;
	[tilespmem:$0x1FFF0] =	vst v5;
	v5 =	vimm.s32 $0x1FF4;
	v7 =	vsel vm13, $0x4CF4, v7  }
0x76: {  	v6 =	vsel vm12, $0x2D74, v6;
	v5 =	vsel vm14, $0xC74, v5;
	v7 =	vsel vm12, $0x4D74, v7  }
0x77: {  	v6 =	vsel vm11, $0x2DF4, v6;
	v5 =	vsel vm13, $0xCF4, v5;
	v7 =	vsel vm11, $0x4DF4, v7  }
0x78: {  	v6 =	vsel vm10, $0x2E74, v6;
	v5 =	vsel vm12, $0xD74, v5;
	v7 =	vsel vm10, $0x4E74, v7  }
0x79: {  	v6 =	vsel vm9, $0x2EF4, v6;
	v5 =	vsel vm11, $0xDF4, v5;
	v7 =	vsel vm9, $0x4EF4, v7  }
0x7a: {  	v6 =	vsel vm8, $0x2F74, v6;
	v5 =	vsel vm10, $0xE74, v5;
	v7 =	vsel vm8, $0x4F74, v7  }
0x7b: {  	v6 =	vsel vm7, $0x2FF4, v6;
	v5 =	vsel vm9, $0xEF4, v5;
	v7 =	vsel vm7, $0x4FF4, v7  }
0x7c: {  	v6 =	vsel vm6, $0x3C74, v6;
	v5 =	vsel vm8, $0xF74, v5;
	v7 =	vsel vm6, $0x5C74, v7  }
0x7d: {  	v6 =	vsel vm5, $0x3CF4, v6;
	v5 =	vsel vm7, $0xFF4, v5;
	v7 =	vsel vm5, $0x5CF4, v7  }
0x7e: {  	v6 =	vsel vm4, $0x3D74, v6;
	v5 =	vsel vm6, $0x1C74, v5;
	v7 =	vsel vm4, $0x5D74, v7  }
0x7f: {  	v6 =	vsel vm3, $0x3DF4, v6;
	v5 =	vsel vm5, $0x1CF4, v5;
	v7 =	vsel vm3, $0x5DF4, v7  }
0x80: {  	v6 =	vsel vm2, $0x3E74, v6;
	v5 =	vsel vm4, $0x1D74, v5;
	v7 =	vsel vm2, $0x5E74, v7  }
0x81: {  	v6 =	vsel vm1, $0x3EF4, v6;
	v5 =	vsel vm3, $0x1DF4, v5;
	v7 =	vsel vm1, $0x5EF4, v7  }
0x82: {  	v22 =	vsel vm0, $0x3F74, v6;
	v6 =	vimm.s32 $0x1FF5;
	v5 =	vsel vm2, $0x1E74, v5  }
0x83: {  	v23 =	vsel vm0, $0x5F74, v7;
	v7 =	vimm.s32 $0x3FF5;
	v6 =	vsel vm14, $0xC75, v6  }
0x84: {  	v5 =	vsel vm1, $0x1EF4, v5;
	v7 =	vsel vm14, $0x2C75, v7;
	v6 =	vsel vm13, $0xCF5, v6  }
0x85: {  	v21 =	vsel vm0, $0x1F74, v5;
	v5 =	vimm.s32 $0x7FF4;
	v7 =	vsel vm13, $0x2CF5, v7  }
0x86: {  	v6 =	vsel vm12, $0xD75, v6;
	v5 =	vsel vm14, $0x6C74, v5;
	v7 =	vsel vm12, $0x2D75, v7  }
0x87: {  	v6 =	vsel vm11, $0xDF5, v6;
	v5 =	vsel vm13, $0x6CF4, v5;
	v7 =	vsel vm11, $0x2DF5, v7  }
0x88: {  	v6 =	vsel vm10, $0xE75, v6;
	v5 =	vsel vm12, $0x6D74, v5;
	v7 =	vsel vm10, $0x2E75, v7  }
0x89: {  	v6 =	vsel vm9, $0xEF5, v6;
	v5 =	vsel vm11, $0x6DF4, v5;
	v7 =	vsel vm9, $0x2EF5, v7  }
0x8a: {  	v6 =	vsel vm8, $0xF75, v6;
	v5 =	vsel vm10, $0x6E74, v5;
	v7 =	vsel vm8, $0x2F75, v7  }
0x8b: {  	v6 =	vsel vm7, $0xFF5, v6;
	v5 =	vsel vm9, $0x6EF4, v5;
	v7 =	vsel vm7, $0x2FF5, v7  }
0x8c: {  	v6 =	vsel vm6, $0x1C75, v6;
	v5 =	vsel vm8, $0x6F74, v5;
	v7 =	vsel vm6, $0x3C75, v7  }
0x8d: {  	v6 =	vsel vm5, $0x1CF5, v6;
	v5 =	vsel vm7, $0x6FF4, v5;
	v7 =	vsel vm5, $0x3CF5, v7  }
0x8e: {  	v6 =	vsel vm4, $0x1D75, v6;
	v5 =	vsel vm6, $0x7C74, v5;
	v7 =	vsel vm4, $0x3D75, v7  }
0x8f: {  	v6 =	vsel vm3, $0x1DF5, v6;
	v5 =	vsel vm5, $0x7CF4, v5;
	v7 =	vsel vm3, $0x3DF5, v7  }
0x90: {  	v6 =	vsel vm2, $0x1E75, v6;
	v5 =	vsel vm4, $0x7D74, v5;
	v7 =	vsel vm2, $0x3E75, v7  }
0x91: {  	v6 =	vsel vm1, $0x1EF5, v6;
	v5 =	vsel vm3, $0x7DF4, v5;
	v7 =	vsel vm1, $0x3EF5, v7  }
0x92: {  	v25 =	vsel vm0, $0x1F75, v6;
	v6 =	vimm.s32 $0x7FF5;
	v5 =	vsel vm2, $0x7E74, v5  }
0x93: {  	v26 =	vsel vm0, $0x3F75, v7;
	v7 =	vimm.s32 $0x1FF6;
	v6 =	vsel vm14, $0x6C75, v6  }
0x94: {  	v5 =	vsel vm1, $0x7EF4, v5;
	v7 =	vsel vm14, $0xC76, v7;
	v6 =	vsel vm13, $0x6CF5, v6  }
0x95: {  	v24 =	vsel vm0, $0x7F74, v5;
	v5 =	vimm.s32 $0x5FF5;
	v7 =	vsel vm13, $0xCF6, v7  }
0x96: {  	v6 =	vsel vm12, $0x6D75, v6;
	v5 =	vsel vm14, $0x4C75, v5;
	v7 =	vsel vm12, $0xD76, v7  }
0x97: {  	v6 =	vsel vm11, $0x6DF5, v6;
	v5 =	vsel vm13, $0x4CF5, v5;
	v7 =	vsel vm11, $0xDF6, v7  }
0x98: {  	v6 =	vsel vm10, $0x6E75, v6;
	v5 =	vsel vm12, $0x4D75, v5;
	v7 =	vsel vm10, $0xE76, v7  }
0x99: {  	v6 =	vsel vm9, $0x6EF5, v6;
	v5 =	vsel vm11, $0x4DF5, v5;
	v7 =	vsel vm9, $0xEF6, v7  }
0x9a: {  	v6 =	vsel vm8, $0x6F75, v6;
	v5 =	vsel vm10, $0x4E75, v5;
	v7 =	vsel vm8, $0xF76, v7  }
0x9b: {  	v6 =	vsel vm7, $0x6FF5, v6;
	v5 =	vsel vm9, $0x4EF5, v5;
	v7 =	vsel vm7, $0xFF6, v7  }
0x9c: {  	v6 =	vsel vm6, $0x7C75, v6;
	v5 =	vsel vm8, $0x4F75, v5;
	v7 =	vsel vm6, $0x1C76, v7  }
0x9d: {  	v6 =	vsel vm5, $0x7CF5, v6;
	v5 =	vsel vm7, $0x4FF5, v5;
	v7 =	vsel vm5, $0x1CF6, v7  }
0x9e: {  	v6 =	vsel vm4, $0x7D75, v6;
	v5 =	vsel vm6, $0x5C75, v5;
	v7 =	vsel vm4, $0x1D76, v7  }
0x9f: {  	v6 =	vsel vm3, $0x7DF5, v6;
	v5 =	vsel vm5, $0x5CF5, v5;
	v7 =	vsel vm3, $0x1DF6, v7  }
0xa0: {  	v6 =	vsel vm2, $0x7E75, v6;
	v5 =	vsel vm4, $0x5D75, v5;
	v7 =	vsel vm2, $0x1E76, v7  }
0xa1: {  	v6 =	vsel vm1, $0x7EF5, v6;
	v5 =	vsel vm3, $0x5DF5, v5;
	v7 =	vsel vm1, $0x1EF6, v7  }
0xa2: {  	v28 =	vsel vm0, $0x7F75, v6;
	v6 =	vimm.s32 $0x5FF6;
	v5 =	vsel vm2, $0x5E75, v5  }
0xa3: {  	v29 =	vsel vm0, $0x1F76, v7;
	v7 =	vimm.s32 $0x7FF6;
	v6 =	vsel vm14, $0x4C76, v6  }
0xa4: {  	v5 =	vsel vm1, $0x5EF5, v5;
	v7 =	vsel vm14, $0x6C76, v7;
	v6 =	vsel vm13, $0x4CF6, v6  }
0xa5: {  	v27 =	vsel vm0, $0x5F75, v5;
	v5 =	vimm.s32 $0x3FF6;
	v7 =	vsel vm13, $0x6CF6, v7  }
0xa6: {  	v6 =	vsel vm12, $0x4D76, v6;
	v5 =	vsel vm14, $0x2C76, v5;
	v7 =	vsel vm12, $0x6D76, v7  }
0xa7: {  	v6 =	vsel vm11, $0x4DF6, v6;
	v5 =	vsel vm13, $0x2CF6, v5;
	v7 =	vsel vm11, $0x6DF6, v7  }
0xa8: {  	v6 =	vsel vm10, $0x4E76, v6;
	v5 =	vsel vm12, $0x2D76, v5;
	v7 =	vsel vm10, $0x6E76, v7  }
0xa9: {  	v6 =	vsel vm9, $0x4EF6, v6;
	v5 =	vsel vm11, $0x2DF6, v5;
	v7 =	vsel vm9, $0x6EF6, v7  }
0xaa: {  	v6 =	vsel vm8, $0x4F76, v6;
	v5 =	vsel vm10, $0x2E76, v5;
	v7 =	vsel vm8, $0x6F76, v7  }
0xab: {  	v6 =	vsel vm7, $0x4FF6, v6;
	v5 =	vsel vm9, $0x2EF6, v5;
	v7 =	vsel vm7, $0x6FF6, v7  }
0xac: {  	v6 =	vsel vm6, $0x5C76, v6;
	v5 =	vsel vm8, $0x2F76, v5;
	v7 =	vsel vm6, $0x7C76, v7  }
0xad: {  	v6 =	vsel vm5, $0x5CF6, v6;
	v5 =	vsel vm7, $0x2FF6, v5;
	v7 =	vsel vm5, $0x7CF6, v7  }
0xae: {  	v6 =	vsel vm4, $0x5D76, v6;
	v5 =	vsel vm6, $0x3C76, v5;
	v7 =	vsel vm4, $0x7D76, v7  }
0xaf: {  	v6 =	vsel vm3, $0x5DF6, v6;
	v5 =	vsel vm5, $0x3CF6, v5;
	v7 =	vsel vm3, $0x7DF6, v7  }
0xb0: {  	v6 =	vsel vm2, $0x5E76, v6;
	v5 =	vsel vm4, $0x3D76, v5;
	v7 =	vsel vm2, $0x7E76, v7  }
0xb1: {  	v6 =	vsel vm1, $0x5EF6, v6;
	v5 =	vsel vm3, $0x3DF6, v5;
	v7 =	vsel vm1, $0x7EF6, v7  }
0xb2: {  	v31 =	vsel vm0, $0x5F76, v6;
	v6 =	vimm.s32 $0x3FF7;
	v5 =	vsel vm2, $0x3E76, v5  }
0xb3: {  	v32 =	vsel vm0, $0x7F76, v7;
	v7 =	vimm.s32 $0x5FF7;
	v6 =	vsel vm14, $0x2C77, v6  }
0xb4: {  	v5 =	vsel vm1, $0x3EF6, v5;
	v7 =	vsel vm14, $0x4C77, v7;
	v6 =	vsel vm13, $0x2CF7, v6  }
0xb5: {  	v30 =	vsel vm0, $0x3F76, v5;
	v5 =	vimm.s32 $0x1FF7;
	v7 =	vsel vm13, $0x4CF7, v7  }
0xb6: {  	v6 =	vsel vm12, $0x2D77, v6;
	v5 =	vsel vm14, $0xC77, v5;
	v7 =	vsel vm12, $0x4D77, v7  }
0xb7: {  	v6 =	vsel vm11, $0x2DF7, v6;
	v5 =	vsel vm13, $0xCF7, v5;
	v7 =	vsel vm11, $0x4DF7, v7  }
0xb8: {  	v6 =	vsel vm10, $0x2E77, v6;
	v5 =	vsel vm12, $0xD77, v5;
	v7 =	vsel vm10, $0x4E77, v7  }
0xb9: {  	v6 =	vsel vm9, $0x2EF7, v6;
	v5 =	vsel vm11, $0xDF7, v5;
	v7 =	vsel vm9, $0x4EF7, v7  }
0xba: {  	v6 =	vsel vm8, $0x2F77, v6;
	v5 =	vsel vm10, $0xE77, v5;
	v7 =	vsel vm8, $0x4F77, v7  }
0xbb: {  	v6 =	vsel vm7, $0x2FF7, v6;
	v5 =	vsel vm9, $0xEF7, v5;
	v7 =	vsel vm7, $0x4FF7, v7  }
0xbc: {  	v6 =	vsel vm6, $0x3C77, v6;
	v5 =	vsel vm8, $0xF77, v5;
	v7 =	vsel vm6, $0x5C77, v7  }
0xbd: {  	v6 =	vsel vm5, $0x3CF7, v6;
	v5 =	vsel vm7, $0xFF7, v5;
	v7 =	vsel vm5, $0x5CF7, v7  }
0xbe: {  	v6 =	vsel vm4, $0x3D77, v6;
	v5 =	vsel vm6, $0x1C77, v5;
	v7 =	vsel vm4, $0x5D77, v7  }
0xbf: {  	v6 =	vsel vm3, $0x3DF7, v6;
	v5 =	vsel vm5, $0x1CF7, v5;
	v7 =	vsel vm3, $0x5DF7, v7  }
0xc0: {  	v6 =	vsel vm2, $0x3E77, v6;
	v5 =	vsel vm4, $0x1D77, v5;
	v7 =	vsel vm2, $0x5E77, v7  }
0xc1: {  	v6 =	vsel vm1, $0x3EF7, v6;
	v5 =	vsel vm3, $0x1DF7, v5;
	v7 =	vsel vm1, $0x5EF7, v7  }
0xc2: {  	v34 =	vsel vm0, $0x3F77, v6;
	v6 =	vimm.s32 $0x1FF8;
	v5 =	vsel vm2, $0x1E77, v5  }
0xc3: {  	v35 =	vsel vm0, $0x5F77, v7;
	v7 =	vimm.s32 $0x3FF8;
	v6 =	vsel vm14, $0xC78, v6  }
0xc4: {  	v5 =	vsel vm1, $0x1EF7, v5;
	v7 =	vsel vm14, $0x2C78, v7;
	v6 =	vsel vm13, $0xCF8, v6  }
0xc5: {  	v33 =	vsel vm0, $0x1F77, v5;
	v5 =	vimm.s32 $0x7FF7;
	v7 =	vsel vm13, $0x2CF8, v7  }
0xc6: {  	v6 =	vsel vm12, $0xD78, v6;
	v5 =	vsel vm14, $0x6C77, v5;
	v7 =	vsel vm12, $0x2D78, v7  }
0xc7: {  	v6 =	vsel vm11, $0xDF8, v6;
	v5 =	vsel vm13, $0x6CF7, v5;
	v7 =	vsel vm11, $0x2DF8, v7  }
0xc8: {  	v6 =	vsel vm10, $0xE78, v6;
	v5 =	vsel vm12, $0x6D77, v5;
	v7 =	vsel vm10, $0x2E78, v7  }
0xc9: {  	v6 =	vsel vm9, $0xEF8, v6;
	v5 =	vsel vm11, $0x6DF7, v5;
	v7 =	vsel vm9, $0x2EF8, v7  }
0xca: {  	v6 =	vsel vm8, $0xF78, v6;
	v5 =	vsel vm10, $0x6E77, v5;
	v7 =	vsel vm8, $0x2F78, v7  }
0xcb: {  	v6 =	vsel vm7, $0xFF8, v6;
	v5 =	vsel vm9, $0x6EF7, v5;
	v7 =	vsel vm7, $0x2FF8, v7  }
0xcc: {  	v6 =	vsel vm6, $0x1C78, v6;
	v5 =	vsel vm8, $0x6F77, v5;
	v7 =	vsel vm6, $0x3C78, v7  }
0xcd: {  	v6 =	vsel vm5, $0x1CF8, v6;
	v5 =	vsel vm7, $0x6FF7, v5;
	v7 =	vsel vm5, $0x3CF8, v7  }
0xce: {  	v6 =	vsel vm4, $0x1D78, v6;
	v5 =	vsel vm6, $0x7C77, v5;
	v7 =	vsel vm4, $0x3D78, v7  }
0xcf: {  	v6 =	vsel vm3, $0x1DF8, v6;
	v5 =	vsel vm5, $0x7CF7, v5;
	v7 =	vsel vm3, $0x3DF8, v7  }
0xd0: {  	v6 =	vsel vm2, $0x1E78, v6;
	v5 =	vsel vm4, $0x7D77, v5;
	v7 =	vsel vm2, $0x3E78, v7  }
0xd1: {  	v6 =	vsel vm1, $0x1EF8, v6;
	v5 =	vsel vm3, $0x7DF7, v5;
	v7 =	vsel vm1, $0x3EF8, v7  }
0xd2: {  	v37 =	vsel vm0, $0x1F78, v6;
	v6 =	vimm.s32 $0x7FF8;
	v5 =	vsel vm2, $0x7E77, v5  }
0xd3: {  	v38 =	vsel vm0, $0x3F78, v7;
	v7 =	vimm.s32 $0x1FF9;
	v6 =	vsel vm14, $0x6C78, v6  }
0xd4: {  	v5 =	vsel vm1, $0x7EF7, v5;
	v7 =	vsel vm14, $0xC79, v7;
	v6 =	vsel vm13, $0x6CF8, v6  }
0xd5: {  	v36 =	vsel vm0, $0x7F77, v5;
	v5 =	vimm.s32 $0x5FF8;
	v7 =	vsel vm13, $0xCF9, v7  }
0xd6: {  	v6 =	vsel vm12, $0x6D78, v6;
	v5 =	vsel vm14, $0x4C78, v5;
	v7 =	vsel vm12, $0xD79, v7  }
0xd7: {  	v6 =	vsel vm11, $0x6DF8, v6;
	v5 =	vsel vm13, $0x4CF8, v5;
	v7 =	vsel vm11, $0xDF9, v7  }
0xd8: {  	v6 =	vsel vm10, $0x6E78, v6;
	v5 =	vsel vm12, $0x4D78, v5;
	v7 =	vsel vm10, $0xE79, v7  }
0xd9: {  	v6 =	vsel vm9, $0x6EF8, v6;
	v5 =	vsel vm11, $0x4DF8, v5;
	v7 =	vsel vm9, $0xEF9, v7  }
0xda: {  	v6 =	vsel vm8, $0x6F78, v6;
	v5 =	vsel vm10, $0x4E78, v5;
	v7 =	vsel vm8, $0xF79, v7  }
0xdb: {  	v6 =	vsel vm7, $0x6FF8, v6;
	v5 =	vsel vm9, $0x4EF8, v5;
	v7 =	vsel vm7, $0xFF9, v7  }
0xdc: {  	v6 =	vsel vm6, $0x7C78, v6;
	v5 =	vsel vm8, $0x4F78, v5;
	v7 =	vsel vm6, $0x1C79, v7  }
0xdd: {  	v6 =	vsel vm5, $0x7CF8, v6;
	v5 =	vsel vm7, $0x4FF8, v5;
	v7 =	vsel vm5, $0x1CF9, v7  }
0xde: {  	v6 =	vsel vm4, $0x7D78, v6;
	v5 =	vsel vm6, $0x5C78, v5;
	v7 =	vsel vm4, $0x1D79, v7  }
0xdf: {  	v6 =	vsel vm3, $0x7DF8, v6;
	v5 =	vsel vm5, $0x5CF8, v5;
	v7 =	vsel vm3, $0x1DF9, v7  }
0xe0: {  	v6 =	vsel vm2, $0x7E78, v6;
	v5 =	vsel vm4, $0x5D78, v5;
	v7 =	vsel vm2, $0x1E79, v7  }
0xe1: {  	v6 =	vsel vm1, $0x7EF8, v6;
	v5 =	vsel vm3, $0x5DF8, v5;
	v7 =	vsel vm1, $0x1EF9, v7  }
0xe2: {  	v40 =	vsel vm0, $0x7F78, v6;
	v6 =	vimm.s32 $0x5FF9;
	v5 =	vsel vm2, $0x5E78, v5  }
0xe3: {  	v41 =	vsel vm0, $0x1F79, v7;
	v7 =	vimm.s32 $0x7FF9;
	v6 =	vsel vm14, $0x4C79, v6  }
0xe4: {  	v5 =	vsel vm1, $0x5EF8, v5;
	v7 =	vsel vm14, $0x6C79, v7;
	v6 =	vsel vm13, $0x4CF9, v6  }
0xe5: {  	v39 =	vsel vm0, $0x5F78, v5;
	v5 =	vimm.s32 $0x3FF9;
	v7 =	vsel vm13, $0x6CF9, v7  }
0xe6: {  	v6 =	vsel vm12, $0x4D79, v6;
	v5 =	vsel vm14, $0x2C79, v5;
	v7 =	vsel vm12, $0x6D79, v7  }
0xe7: {  	v6 =	vsel vm11, $0x4DF9, v6;
	v5 =	vsel vm13, $0x2CF9, v5;
	v7 =	vsel vm11, $0x6DF9, v7  }
0xe8: {  	v6 =	vsel vm10, $0x4E79, v6;
	v5 =	vsel vm12, $0x2D79, v5;
	v7 =	vsel vm10, $0x6E79, v7  }
0xe9: {  	v6 =	vsel vm9, $0x4EF9, v6;
	v5 =	vsel vm11, $0x2DF9, v5;
	v7 =	vsel vm9, $0x6EF9, v7  }
0xea: {  	v6 =	vsel vm8, $0x4F79, v6;
	v5 =	vsel vm10, $0x2E79, v5;
	v7 =	vsel vm8, $0x6F79, v7  }
0xeb: {  	v6 =	vsel vm7, $0x4FF9, v6;
	v5 =	vsel vm9, $0x2EF9, v5;
	v7 =	vsel vm7, $0x6FF9, v7  }
0xec: {  	v6 =	vsel vm6, $0x5C79, v6;
	v5 =	vsel vm8, $0x2F79, v5;
	v7 =	vsel vm6, $0x7C79, v7  }
0xed: {  	v6 =	vsel vm5, $0x5CF9, v6;
	v5 =	vsel vm7, $0x2FF9, v5;
	v7 =	vsel vm5, $0x7CF9, v7  }
0xee: {  	v6 =	vsel vm4, $0x5D79, v6;
	v5 =	vsel vm6, $0x3C79, v5;
	v7 =	vsel vm4, $0x7D79, v7  }
0xef: {  	v6 =	vsel vm3, $0x5DF9, v6;
	v5 =	vsel vm5, $0x3CF9, v5;
	v7 =	vsel vm3, $0x7DF9, v7  }
0xf0: {  	v6 =	vsel vm2, $0x5E79, v6;
	v5 =	vsel vm4, $0x3D79, v5;
	v7 =	vsel vm2, $0x7E79, v7  }
0xf1: {  	v6 =	vsel vm1, $0x5EF9, v6;
	v5 =	vsel vm3, $0x3DF9, v5;
	v7 =	vsel vm1, $0x7EF9, v7  }
0xf2: {  	v43 =	vsel vm0, $0x5F79, v6;
	v6 =	vimm.s32 $0x3FFA;
	v5 =	vsel vm2, $0x3E79, v5  }
0xf3: {  	v44 =	vsel vm0, $0x7F79, v7;
	v7 =	vimm.s32 $0x5FFA;
	v6 =	vsel vm14, $0x2C7A, v6  }
0xf4: {  	v5 =	vsel vm1, $0x3EF9, v5;
	v7 =	vsel vm14, $0x4C7A, v7;
	v6 =	vsel vm13, $0x2CFA, v6  }
0xf5: {  	v42 =	vsel vm0, $0x3F79, v5;
	v5 =	vimm.s32 $0x1FFA;
	v7 =	vsel vm13, $0x4CFA, v7  }
0xf6: {  	v6 =	vsel vm12, $0x2D7A, v6;
	v5 =	vsel vm14, $0xC7A, v5;
	v7 =	vsel vm12, $0x4D7A, v7  }
0xf7: {  	v6 =	vsel vm11, $0x2DFA, v6;
	v5 =	vsel vm13, $0xCFA, v5;
	v7 =	vsel vm11, $0x4DFA, v7  }
0xf8: {  	v6 =	vsel vm10, $0x2E7A, v6;
	v5 =	vsel vm12, $0xD7A, v5;
	v7 =	vsel vm10, $0x4E7A, v7  }
0xf9: {  	v6 =	vsel vm9, $0x2EFA, v6;
	v5 =	vsel vm11, $0xDFA, v5;
	v7 =	vsel vm9, $0x4EFA, v7  }
0xfa: {  	v6 =	vsel vm8, $0x2F7A, v6;
	v5 =	vsel vm10, $0xE7A, v5;
	v7 =	vsel vm8, $0x4F7A, v7  }
0xfb: {  	v6 =	vsel vm7, $0x2FFA, v6;
	v5 =	vsel vm9, $0xEFA, v5;
	v7 =	vsel vm7, $0x4FFA, v7  }
0xfc: {  	v6 =	vsel vm6, $0x3C7A, v6;
	v5 =	vsel vm8, $0xF7A, v5;
	v7 =	vsel vm6, $0x5C7A, v7  }
0xfd: {  	v6 =	vsel vm5, $0x3CFA, v6;
	v5 =	vsel vm7, $0xFFA, v5;
	v7 =	vsel vm5, $0x5CFA, v7  }
0xfe: {  	v6 =	vsel vm4, $0x3D7A, v6;
	v5 =	vsel vm6, $0x1C7A, v5;
	v7 =	vsel vm4, $0x5D7A, v7  }
0xff: {  	v6 =	vsel vm3, $0x3DFA, v6;
	v5 =	vsel vm5, $0x1CFA, v5;
	v7 =	vsel vm3, $0x5DFA, v7  }
0x100: {  	v6 =	vsel vm2, $0x3E7A, v6;
	v5 =	vsel vm4, $0x1D7A, v5;
	v7 =	vsel vm2, $0x5E7A, v7  }
0x101: {  	v6 =	vsel vm1, $0x3EFA, v6;
	v5 =	vsel vm3, $0x1DFA, v5;
	v7 =	vsel vm1, $0x5EFA, v7  }
0x102: {  	v46 =	vsel vm0, $0x3F7A, v6;
	v6 =	vimm.s32 $0x1FFB;
	v5 =	vsel vm2, $0x1E7A, v5  }
0x103: {  	v47 =	vsel vm0, $0x5F7A, v7;
	v7 =	vimm.s32 $0x3FFB;
	v6 =	vsel vm14, $0xC7B, v6  }
0x104: {  	v5 =	vsel vm1, $0x1EFA, v5;
	v7 =	vsel vm14, $0x2C7B, v7;
	v6 =	vsel vm13, $0xCFB, v6  }
0x105: {  	v45 =	vsel vm0, $0x1F7A, v5;
	v5 =	vimm.s32 $0x7FFA;
	v7 =	vsel vm13, $0x2CFB, v7  }
0x106: {  	v6 =	vsel vm12, $0xD7B, v6;
	v5 =	vsel vm14, $0x6C7A, v5;
	v7 =	vsel vm12, $0x2D7B, v7  }
0x107: {  	v6 =	vsel vm11, $0xDFB, v6;
	v5 =	vsel vm13, $0x6CFA, v5;
	v7 =	vsel vm11, $0x2DFB, v7  }
0x108: {  	v6 =	vsel vm10, $0xE7B, v6;
	v5 =	vsel vm12, $0x6D7A, v5;
	v7 =	vsel vm10, $0x2E7B, v7  }
0x109: {  	v6 =	vsel vm9, $0xEFB, v6;
	v5 =	vsel vm11, $0x6DFA, v5;
	v7 =	vsel vm9, $0x2EFB, v7  }
0x10a: {  	v6 =	vsel vm8, $0xF7B, v6;
	v5 =	vsel vm10, $0x6E7A, v5;
	v7 =	vsel vm8, $0x2F7B, v7  }
0x10b: {  	v6 =	vsel vm7, $0xFFB, v6;
	v5 =	vsel vm9, $0x6EFA, v5;
	v7 =	vsel vm7, $0x2FFB, v7  }
0x10c: {  	v6 =	vsel vm6, $0x1C7B, v6;
	v5 =	vsel vm8, $0x6F7A, v5;
	v7 =	vsel vm6, $0x3C7B, v7  }
0x10d: {  	v6 =	vsel vm5, $0x1CFB, v6;
	v5 =	vsel vm7, $0x6FFA, v5;
	v7 =	vsel vm5, $0x3CFB, v7  }
0x10e: {  	v6 =	vsel vm4, $0x1D7B, v6;
	v5 =	vsel vm6, $0x7C7A, v5;
	v7 =	vsel vm4, $0x3D7B, v7  }
0x10f: {  	v6 =	vsel vm3, $0x1DFB, v6;
	v5 =	vsel vm5, $0x7CFA, v5;
	v7 =	vsel vm3, $0x3DFB, v7  }
0x110: {  	v6 =	vsel vm2, $0x1E7B, v6;
	v5 =	vsel vm4, $0x7D7A, v5;
	v7 =	vsel vm2, $0x3E7B, v7  }
0x111: {  	v6 =	vsel vm1, $0x1EFB, v6;
	v5 =	vsel vm3, $0x7DFA, v5;
	v7 =	vsel vm1, $0x3EFB, v7  }
0x112: {  	v49 =	vsel vm0, $0x1F7B, v6;
	v6 =	vimm.s32 $0x7FFB;
	v5 =	vsel vm2, $0x7E7A, v5  }
0x113: {  	v50 =	vsel vm0, $0x3F7B, v7;
	v7 =	vimm.s32 $0x1FFC;
	v6 =	vsel vm14, $0x6C7B, v6  }
0x114: {  	v5 =	vsel vm1, $0x7EFA, v5;
	v7 =	vsel vm14, $0xC7C, v7;
	v6 =	vsel vm13, $0x6CFB, v6  }
0x115: {  	v48 =	vsel vm0, $0x7F7A, v5;
	v5 =	vimm.s32 $0x5FFB;
	v7 =	vsel vm13, $0xCFC, v7  }
0x116: {  	v6 =	vsel vm12, $0x6D7B, v6;
	v5 =	vsel vm14, $0x4C7B, v5;
	v7 =	vsel vm12, $0xD7C, v7  }
0x117: {  	v6 =	vsel vm11, $0x6DFB, v6;
	v5 =	vsel vm13, $0x4CFB, v5;
	v7 =	vsel vm11, $0xDFC, v7  }
0x118: {  	v6 =	vsel vm10, $0x6E7B, v6;
	v5 =	vsel vm12, $0x4D7B, v5;
	v7 =	vsel vm10, $0xE7C, v7  }
0x119: {  	v6 =	vsel vm9, $0x6EFB, v6;
	v5 =	vsel vm11, $0x4DFB, v5;
	v7 =	vsel vm9, $0xEFC, v7  }
0x11a: {  	v6 =	vsel vm8, $0x6F7B, v6;
	v5 =	vsel vm10, $0x4E7B, v5;
	v7 =	vsel vm8, $0xF7C, v7  }
0x11b: {  	v6 =	vsel vm7, $0x6FFB, v6;
	v5 =	vsel vm9, $0x4EFB, v5;
	v7 =	vsel vm7, $0xFFC, v7  }
0x11c: {  	v6 =	vsel vm6, $0x7C7B, v6;
	v5 =	vsel vm8, $0x4F7B, v5;
	v7 =	vsel vm6, $0x1C7C, v7  }
0x11d: {  	v6 =	vsel vm5, $0x7CFB, v6;
	v5 =	vsel vm7, $0x4FFB, v5;
	v7 =	vsel vm5, $0x1CFC, v7  }
0x11e: {  	v6 =	vsel vm4, $0x7D7B, v6;
	v5 =	vsel vm6, $0x5C7B, v5;
	v7 =	vsel vm4, $0x1D7C, v7  }
0x11f: {  	v6 =	vsel vm3, $0x7DFB, v6;
	v5 =	vsel vm5, $0x5CFB, v5;
	v7 =	vsel vm3, $0x1DFC, v7  }
0x120: {  	v6 =	vsel vm2, $0x7E7B, v6;
	v5 =	vsel vm4, $0x5D7B, v5;
	v7 =	vsel vm2, $0x1E7C, v7  }
0x121: {  	v6 =	vsel vm1, $0x7EFB, v6;
	v5 =	vsel vm3, $0x5DFB, v5;
	v7 =	vsel vm1, $0x1EFC, v7  }
0x122: {  	v52 =	vsel vm0, $0x7F7B, v6;
	v6 =	vimm.s32 $0x5FFC;
	v5 =	vsel vm2, $0x5E7B, v5  }
0x123: {  	v53 =	vsel vm0, $0x1F7C, v7;
	v7 =	vimm.s32 $0x7FFC;
	v6 =	vsel vm14, $0x4C7C, v6  }
0x124: {  	v5 =	vsel vm1, $0x5EFB, v5;
	v7 =	vsel vm14, $0x6C7C, v7;
	v6 =	vsel vm13, $0x4CFC, v6  }
0x125: {  	v51 =	vsel vm0, $0x5F7B, v5;
	v5 =	vimm.s32 $0x3FFC;
	v7 =	vsel vm13, $0x6CFC, v7  }
0x126: {  	v6 =	vsel vm12, $0x4D7C, v6;
	v5 =	vsel vm14, $0x2C7C, v5;
	v7 =	vsel vm12, $0x6D7C, v7  }
0x127: {  	v6 =	vsel vm11, $0x4DFC, v6;
	v5 =	vsel vm13, $0x2CFC, v5;
	v7 =	vsel vm11, $0x6DFC, v7  }
0x128: {  	v6 =	vsel vm10, $0x4E7C, v6;
	v5 =	vsel vm12, $0x2D7C, v5;
	v7 =	vsel vm10, $0x6E7C, v7  }
0x129: {  	v6 =	vsel vm9, $0x4EFC, v6;
	v5 =	vsel vm11, $0x2DFC, v5;
	v7 =	vsel vm9, $0x6EFC, v7  }
0x12a: {  	v6 =	vsel vm8, $0x4F7C, v6;
	v5 =	vsel vm10, $0x2E7C, v5;
	v7 =	vsel vm8, $0x6F7C, v7  }
0x12b: {  	v6 =	vsel vm7, $0x4FFC, v6;
	v5 =	vsel vm9, $0x2EFC, v5;
	v7 =	vsel vm7, $0x6FFC, v7  }
0x12c: {  	v6 =	vsel vm6, $0x5C7C, v6;
	v5 =	vsel vm8, $0x2F7C, v5;
	v7 =	vsel vm6, $0x7C7C, v7  }
0x12d: {  	v6 =	vsel vm5, $0x5CFC, v6;
	v5 =	vsel vm7, $0x2FFC, v5;
	v7 =	vsel vm5, $0x7CFC, v7  }
0x12e: {  	v6 =	vsel vm4, $0x5D7C, v6;
	v5 =	vsel vm6, $0x3C7C, v5;
	v7 =	vsel vm4, $0x7D7C, v7  }
0x12f: {  	v6 =	vsel vm3, $0x5DFC, v6;
	v5 =	vsel vm5, $0x3CFC, v5;
	v7 =	vsel vm3, $0x7DFC, v7  }
0x130: {  	v6 =	vsel vm2, $0x5E7C, v6;
	v5 =	vsel vm4, $0x3D7C, v5;
	v7 =	vsel vm2, $0x7E7C, v7  }
0x131: {  	v6 =	vsel vm1, $0x5EFC, v6;
	v5 =	vsel vm3, $0x3DFC, v5;
	v7 =	vsel vm1, $0x7EFC, v7  }
0x132: {  	v55 =	vsel vm0, $0x5F7C, v6;
	v6 =	vimm.s32 $0x3FFD;
	v5 =	vsel vm2, $0x3E7C, v5  }
0x133: {  	v56 =	vsel vm0, $0x7F7C, v7;
	v7 =	vimm.s32 $0x5FFD;
	v6 =	vsel vm14, $0x2C7D, v6  }
0x134: {  	v5 =	vsel vm1, $0x3EFC, v5;
	v7 =	vsel vm14, $0x4C7D, v7;
	v6 =	vsel vm13, $0x2CFD, v6  }
0x135: {  	v54 =	vsel vm0, $0x3F7C, v5;
	v5 =	vimm.s32 $0x1FFD;
	v7 =	vsel vm13, $0x4CFD, v7  }
0x136: {  	v6 =	vsel vm12, $0x2D7D, v6;
	v5 =	vsel vm14, $0xC7D, v5;
	v7 =	vsel vm12, $0x4D7D, v7  }
0x137: {  	v6 =	vsel vm11, $0x2DFD, v6;
	v5 =	vsel vm13, $0xCFD, v5;
	v7 =	vsel vm11, $0x4DFD, v7  }
0x138: {  	v6 =	vsel vm10, $0x2E7D, v6;
	v5 =	vsel vm12, $0xD7D, v5;
	v7 =	vsel vm10, $0x4E7D, v7  }
0x139: {  	v6 =	vsel vm9, $0x2EFD, v6;
	v5 =	vsel vm11, $0xDFD, v5;
	v7 =	vsel vm9, $0x4EFD, v7  }
0x13a: {  	v6 =	vsel vm8, $0x2F7D, v6;
	v5 =	vsel vm10, $0xE7D, v5;
	v7 =	vsel vm8, $0x4F7D, v7  }
0x13b: {  	v6 =	vsel vm7, $0x2FFD, v6;
	v5 =	vsel vm9, $0xEFD, v5;
	v7 =	vsel vm7, $0x4FFD, v7  }
0x13c: {  	v6 =	vsel vm6, $0x3C7D, v6;
	v5 =	vsel vm8, $0xF7D, v5;
	v7 =	vsel vm6, $0x5C7D, v7  }
0x13d: {  	v6 =	vsel vm5, $0x3CFD, v6;
	v5 =	vsel vm7, $0xFFD, v5;
	v7 =	vsel vm5, $0x5CFD, v7  }
0x13e: {  	v6 =	vsel vm4, $0x3D7D, v6;
	v5 =	vsel vm6, $0x1C7D, v5;
	v7 =	vsel vm4, $0x5D7D, v7  }
0x13f: {  	v6 =	vsel vm3, $0x3DFD, v6;
	v5 =	vsel vm5, $0x1CFD, v5;
	v7 =	vsel vm3, $0x5DFD, v7  }
0x140: {  	v6 =	vsel vm2, $0x3E7D, v6;
	v5 =	vsel vm4, $0x1D7D, v5;
	v7 =	vsel vm2, $0x5E7D, v7  }
0x141: {  	v6 =	vsel vm1, $0x3EFD, v6;
	v5 =	vsel vm3, $0x1DFD, v5;
	v7 =	vsel vm1, $0x5EFD, v7  }
0x142: {  	v58 =	vsel vm0, $0x3F7D, v6;
	v6 =	vimm.s32 $0x1FFE;
	v5 =	vsel vm2, $0x1E7D, v5  }
0x143: {  	v59 =	vsel vm0, $0x5F7D, v7;
	v7 =	vimm.s32 $0x3FFE;
	v5 =	vsel vm1, $0x1EFD, v5  }
0x144: {  	v6 =	vsel vm14, $0xC7E, v6;
	v57 =	vsel vm0, $0x1F7D, v5;
	v5 =	vimm.s32 $0x7FFD  }
0x145: {  	v7 =	vsel vm14, $0x2C7E, v7;
	v6 =	vsel vm13, $0xCFE, v6;
	v5 =	vsel vm14, $0x6C7D, v5  }
0x146: {  	v7 =	vsel vm13, $0x2CFE, v7;
	v6 =	vsel vm12, $0xD7E, v6;
	v5 =	vsel vm13, $0x6CFD, v5  }
0x147: {  	v7 =	vsel vm12, $0x2D7E, v7;
	v6 =	vsel vm11, $0xDFE, v6;
	v5 =	vsel vm12, $0x6D7D, v5  }
0x148: {  	v7 =	vsel vm11, $0x2DFE, v7;
	v6 =	vsel vm10, $0xE7E, v6;
	v5 =	vsel vm11, $0x6DFD, v5  }
0x149: {  	v7 =	vsel vm10, $0x2E7E, v7;
	v6 =	vsel vm9, $0xEFE, v6;
	v5 =	vsel vm10, $0x6E7D, v5  }
0x14a: {  	v7 =	vsel vm9, $0x2EFE, v7;
	v6 =	vsel vm8, $0xF7E, v6;
	v5 =	vsel vm9, $0x6EFD, v5  }
0x14b: {  	v7 =	vsel vm8, $0x2F7E, v7;
	v6 =	vsel vm7, $0xFFE, v6;
	v5 =	vsel vm8, $0x6F7D, v5  }
0x14c: {  	v7 =	vsel vm7, $0x2FFE, v7;
	v6 =	vsel vm6, $0x1C7E, v6;
	v5 =	vsel vm7, $0x6FFD, v5  }
0x14d: {  	v7 =	vsel vm6, $0x3C7E, v7;
	v6 =	vsel vm5, $0x1CFE, v6;
	v5 =	vsel vm6, $0x7C7D, v5  }
0x14e: {  	v7 =	vsel vm5, $0x3CFE, v7;
	v6 =	vsel vm4, $0x1D7E, v6;
	v5 =	vsel vm5, $0x7CFD, v5  }
0x14f: {  	v7 =	vsel vm4, $0x3D7E, v7;
	v6 =	vsel vm3, $0x1DFE, v6;
	v5 =	vsel vm4, $0x7D7D, v5  }
0x150: {  	v7 =	vsel vm3, $0x3DFE, v7;
	v6 =	vsel vm2, $0x1E7E, v6;
	v5 =	vsel vm3, $0x7DFD, v5  }
0x151: {  	v7 =	vsel vm2, $0x3E7E, v7;
	v6 =	vsel vm1, $0x1EFE, v6;
	v5 =	vsel vm2, $0x7E7D, v5  }
0x152: {  	v7 =	vsel vm1, $0x3EFE, v7;
	v61 =	vsel vm0, $0x1F7E, v6;
	v5 =	vsel vm1, $0x7EFD, v5  }
0x153: {  	v6 =	vimm.s32 $0x7FFE;
	v60 =	vsel vm0, $0x7F7D, v5;
	v5 =	vimm.s32 $0x5FFE  }
0x154: {  	v62 =	vsel vm0, $0x3F7E, v7;
	v7 =	vimm.s32 $0x1FFF;
	v5 =	vsel vm14, $0x4C7E, v5  }
0x155: {  	v6 =	vsel vm14, $0x6C7E, v6;
	v7 =	vsel vm14, $0xC7F, v7;
	v5 =	vsel vm13, $0x4CFE, v5  }
0x156: {  	v6 =	vsel vm13, $0x6CFE, v6;
	v7 =	vsel vm13, $0xCFF, v7;
	v5 =	vsel vm12, $0x4D7E, v5  }
0x157: {  	v6 =	vsel vm12, $0x6D7E, v6;
	v7 =	vsel vm12, $0xD7F, v7;
	v5 =	vsel vm11, $0x4DFE, v5  }
0x158: {  	v6 =	vsel vm11, $0x6DFE, v6;
	v7 =	vsel vm11, $0xDFF, v7;
	v5 =	vsel vm10, $0x4E7E, v5  }
0x159: {  	v6 =	vsel vm10, $0x6E7E, v6;
	v7 =	vsel vm10, $0xE7F, v7;
	v5 =	vsel vm9, $0x4EFE, v5  }
0x15a: {  	v6 =	vsel vm9, $0x6EFE, v6;
	v7 =	vsel vm9, $0xEFF, v7;
	v5 =	vsel vm8, $0x4F7E, v5  }
0x15b: {  	v6 =	vsel vm8, $0x6F7E, v6;
	v7 =	vsel vm8, $0xF7F, v7;
	v5 =	vsel vm7, $0x4FFE, v5  }
0x15c: {  	v6 =	vsel vm7, $0x6FFE, v6;
	v7 =	vsel vm7, $0xFFF, v7;
	v5 =	vsel vm6, $0x5C7E, v5  }
0x15d: {  	v6 =	vsel vm6, $0x7C7E, v6;
	v7 =	vsel vm6, $0x1C7F, v7;
	v5 =	vsel vm5, $0x5CFE, v5  }
0x15e: {  	v6 =	vsel vm5, $0x7CFE, v6;
	v7 =	vsel vm5, $0x1CFF, v7;
	v5 =	vsel vm4, $0x5D7E, v5  }
0x15f: {  	v6 =	vsel vm4, $0x7D7E, v6;
	v7 =	vsel vm4, $0x1D7F, v7;
	v5 =	vsel vm3, $0x5DFE, v5  }
0x160: {  	v6 =	vsel vm3, $0x7DFE, v6;
	v7 =	vsel vm3, $0x1DFF, v7;
	v5 =	vsel vm2, $0x5E7E, v5  }
0x161: {  	v6 =	vsel vm2, $0x7E7E, v6;
	v7 =	vsel vm2, $0x1E7F, v7;
	v5 =	vsel vm1, $0x5EFE, v5  }
0x162: {  	v6 =	vsel vm1, $0x7EFE, v6;
	v7 =	vsel vm1, $0x1EFF, v7;
	v63 =	vsel vm0, $0x5F7E, v5  }
0x163: {  	s1 =	rddreg [dreg:$0x0];
	v5 =	vsel vm0, $0x7F7E, v6;
	v6 =	vsel vm0, $0x1F7F, v7;
	v7 =	vimm.s32 $0x3FFF  }
0x164: {  	s0 =	rddreg [dreg:$0x1];
	v1 =	vsel vm4, $0x1100, v1;
	v2 =	vsel vm4, $0x3100, v2;
	v7 =	vsel vm14, $0x2C7F, v7  }
0x165: {  	s2 =	rddreg [dreg:$0x2];
	s3 =	srdreg.scid;
	v3 =	vsel vm4, $0x5100, v3;
	v4 =	vsel vm4, $0x7100, v4;
	v7 =	vsel vm13, $0x2CFF, v7  }
0x166: {  	s4 =	stileid.u32;
	s6 =	simm.s32 $0x0;
	s8 =	simm.s32 $0x7A1400;
	v8 =	vsel vm4, $0x5D7F, v8;
	v9 =	vsel vm4, $0x7D7F, v9;
	v7 =	vsel vm12, $0x2D7F, v7  }
0x167: {  	s9 =	simm.s32 $0x400;
	s10 =	simm.s32 $0x200;
	s11 =	simm.s32 $0x2200;
	v1 =	vsel vm3, $0x1180, v1;
	v2 =	vsel vm3, $0x3180, v2;
	v7 =	vsel vm11, $0x2DFF, v7  }
0x168: {  	s12 =	simm.s32 $0x4200;
	s13 =	simm.s32 $0x6200;
	s14 =	simm.s32 $0x8200;
	v3 =	vsel vm3, $0x5180, v3;
	v4 =	vsel vm3, $0x7180, v4;
	v7 =	vsel vm10, $0x2E7F, v7  }
0x169: {  	s15 =	simm.s32 $0xA200;
	s16 =	simm.s32 $0xC200;
	s17 =	simm.s32 $0xE200;
	v8 =	vsel vm3, $0x5DFF, v8;
	v9 =	vsel vm3, $0x7DFF, v9;
	v7 =	vsel vm9, $0x2EFF, v7  }
0x16a: {  	s30 =	simm.s32 $0x1;
	s19 =	simm.s32 $0x10200;
	s20 =	simm.s32 $0x2;
	v1 =	vsel vm2, $0x1200, v1;
	v2 =	vsel vm2, $0x3200, v2;
	v7 =	vsel vm8, $0x2F7F, v7  }
0x16b: {  	s21 =	simm.s32 $0x3;
	s22 =	simm.s32 $0x4;
	s3 =	sand.u32 $0x1, s3;
	v3 =	vsel vm2, $0x5200, v3;
	v4 =	vsel vm2, $0x7200, v4;
	v7 =	vsel vm7, $0x2FFF, v7  }
0x16c: {  	s23 =	simm.s32 $0x5;
	s4 =	sshll.u32 s4, $0xA;
	s5 =	sshll.u32 s3, $0x9;
	v8 =	vsel vm2, $0x5E7F, v8;
	v9 =	vsel vm2, $0x7E7F, v9;
	v7 =	vsel vm6, $0x3C7F, v7  }
0x16d: {  	s24 =	simm.s32 $0x6;
	s3 =	ssub.s32 $0x2, s3;
	s4 =	sor.u32 s5, s4;
	v1 =	vsel vm1, $0x1280, v1;
	v2 =	vsel vm1, $0x3280, v2;
	v7 =	vsel vm5, $0x3CFF, v7  }
0x16e: {  	s25 =	simm.s32 $0x7;
	s26 =	sshrl.u32 s3, $0x1;
	s28 =	sshrl.u32 s4, $0x3;
	v3 =	vsel vm1, $0x5280, v3;
	v4 =	vsel vm1, $0x7280, v4;
	v7 =	vsel vm4, $0x3D7F, v7  }
0x16f: {  	[smem:$0x7FF] =	sst s6;
	s3 =	ssub.s32 s3, s26;
	s1 =	sadd.s32 s1, s28;
	v8 =	vsel vm1, $0x5EFF, v8;
	v9 =	vsel vm1, $0x7EFF, v9;
	v7 =	vsel vm3, $0x3DFF, v7  }
0x170: {  	s29 =	sadd.s32 s2, s4;
	v1 =	vsel vm0, $0x1300, v1;
	v2 =	vsel vm0, $0x3300, v2;
	_ =	strace $0x80000047;
	[dreg:$0x4] =	wrdreg s1;
	v7 =	vsel vm2, $0x3E7F, v7  }
0x171: {  	s26 =	simm.s32 $0x8;
	s31 =	smax.u32 s3, $0x1;
	v3 =	vsel vm0, $0x5300, v3;
	v4 =	vsel vm0, $0x7300, v4;
	[dreg:$0x5] =	wrdreg s29;
	v7 =	vsel vm1, $0x3EFF, v7  }
0x172: {  	s2 =	simm.s32 $0x0;
	s3 =	simm.s32 $0x9;
	v8 =	vsel vm0, $0x5F7F, v8;
	v9 =	vsel vm0, $0x7F7F, v9;
	[dreg:$0x6] =	wrdreg s31;
	v7 =	vsel vm0, $0x3F7F, v7  }
.LBB2_1:
0x173: {  	[dreg:$0x7] =	wrdreg s2  }
0x174: {  	s1 =	simm.s32 $0x0;
	s6 =	rddreg [dreg:$0x4]  }
0x175: {  	[tilespmem:s1], [sflag:$0x9] =	stream.linear.gather [hbm4b:s6+s1], $0x200, $0x38;
	[tilespmem:$0x18200] =	vst v63  }
0x176: {  	_ =	swait.ge [sflag:s3], $0x200  }
0x177: {  	[sflag:s3] =	ssyncset.done $0x0  }
0x178: {  	[sflag:s3] =	ssyncadd.s32 $0xFFFFFE00  }
0x179: {  	v13 =	vld [tilespmem:$0x0];
	_ =	sdelay $0x4  }
0x17a: {  	(v2sf) =	vpush v13, $0x0  }
0x17b: {  	(v2sf) =	vpush v13, $0x1;
	_ =	sdelay $0x1  }
0x17c: {  	(v2sf) =	vpush v13, $0x2;
	_ =	sdelay $0x4  }
0x17d: {  	(v2sf) =	vpush v13, $0x3  }
0x17e: {  	(v2sf) =	vpush v13, $0x4;
	_ =	sdelay $0x5  }
0x17f: {  	s7 =	spop (v2sf);
	(v2sf) =	vpush v13, $0x5  }
0x180: {  	s18 =	spop (v2sf);
	(v2sf) =	vpush v13, $0x6  }
0x181: {  	s1 =	sand.u32 $0xFFFFF80, s7  }
0x182: {  	s1 =	sadd.s32 s0, s1;
	s28 =	spop (v2sf)  }
0x183: {  	(v2sf) =	vpush v13, $0x7;
	[tilespmem:s10], [sflag:$0x1] =	stream.strided.gather [hbm4b:s1+s9], $0x2000, s8, s9, $0x38;
	[tilespmem:$0x18200] =	vst v63  }
0x184: {  	s1 =	sand.u32 $0xFFFFF80, s18  }
0x185: {  	s1 =	sadd.s32 s0, s1  }
0x186: {  	[tilespmem:s11], [sflag:$0x2] =	stream.strided.gather [hbm4b:s1+s9], $0x2000, s8, s9, $0x38;
	[tilespmem:$0x18200] =	vst v63  }
0x187: {  	s29 =	spop (v2sf);
	s1 =	sand.u32 $0xFFFFF80, s28  }
0x188: {  	s3 =	sand.u32 $0xFFFFF80, s29;
	s4 =	spop (v2sf);
	s1 =	sadd.s32 s0, s1  }
0x189: {  	[tilespmem:s12], [sflag:$0x3] =	stream.strided.gather [hbm4b:s1+s9], $0x2000, s8, s9, $0x38;
	[tilespmem:$0x18200] =	vst v63  }
0x18a: {  	s5 =	sand.u32 $0xFFFFF80, s4;
	s1 =	sadd.s32 s0, s3  }
0x18b: {  	[tilespmem:s13], [sflag:$0x4] =	stream.strided.gather [hbm4b:s1+s9], $0x2000, s8, s9, $0x38;
	[tilespmem:$0x18200] =	vst v63  }
0x18c: {  	s1 =	sadd.s32 s0, s5  }
0x18d: {  	[tilespmem:s14], [sflag:$0x5] =	stream.strided.gather [hbm4b:s1+s9], $0x2000, s8, s9, $0x38;
	[tilespmem:$0x18200] =	vst v63  }
0x18e: {  	s6 =	spop (v2sf)  }
0x18f: {  	s7 =	sand.u32 $0xFFFFF80, s6;
	s18 =	spop (v2sf)  }
0x190: {  	s1 =	sadd.s32 s0, s7;
	s28 =	sand.u32 $0xFFFFF80, s18  }
0x191: {  	[tilespmem:s15], [sflag:$0x6] =	stream.strided.gather [hbm4b:s1+s9], $0x2000, s8, s9, $0x38;
	[tilespmem:$0x18200] =	vst v63  }
0x192: {  	s29 =	spop (v2sf);
	s1 =	sadd.s32 s0, s28  }
0x193: {  	[tilespmem:s16], [sflag:$0x7] =	stream.strided.gather [hbm4b:s1+s9], $0x2000, s8, s9, $0x38;
	[tilespmem:$0x18200] =	vst v63  }
0x194: {  	s1 =	sand.u32 $0xFFFFF80, s29  }
0x195: {  	s1 =	sadd.s32 s0, s1  }
0x196: {  	[tilespmem:s17], [sflag:$0x8] =	stream.strided.gather [hbm4b:s1+s9], $0x2000, s8, s9, $0x38;
	[tilespmem:$0x18200] =	vst v63  }
0x197: {  	s31 =	simm.s32 $0xF;
	s1 =	simm.s32 $0x10  }
.LBB2_2:
0x198: {  	v14 =	vld [tilespmem:s1+$0xFFFFFFF0];
	_ =	sdelay $0x3  }
0x199: {  	v13 =	vld [tilespmem:s1+$0x0];
	_ =	swait.ge [sflag:s30], $0x2000  }
0x19a: {  	(v2sf) =	vpush v14, $0x0;
	_ =	sdelay $0xe  }
0x19b: {  	s2 =	spop (v2sf)  }
0x19c: {  	s2 =	sand.u32 $0x7F, s2  }
0x19d: {  	s3 =	sadd.s32 $0xFFFFFFF1, s31;
	v15 =	vor.u32 s2, v0  }
0x19e: {  	v16 =	vmov s3  }
0x19f: {  	v17 =	vshll.u32 v16, $0x3  }
0x1a0: {  	[sflag:s30] =	ssyncset.done $0x0;
	v16 =	vand.u32 $0x70, v16;
	v17 =	vand.u32 $0xC00, v17  }
0x1a1: {  	[sflag:s30] =	ssyncadd.s32 $0xFFFFE000;
	v16 =	vor.u32 v16, v17  }
0x1a2: {  	v17 =	vor.u32 v1, v16;
	v15 =	vld.idx.msk [tilespmem:v15+s10+$0x0], $0xffff  }
0x1a3: {  	v18 =	vor.u32 s2, v10;
	_ =	sdelay $0x3  }
0x1a4: {  	[tilespmem:v17+s19+$0x0] =	vst.idx.msk $0xffff, v15  }
0x1a5: {  	(v2sf) =	vpush v14, $0x8;
	v17 =	vor.u32 v2, v16;
	v15 =	vld.idx.msk [tilespmem:v18+s10+$0x0], $0xffff  }
0x1a6: {  	v18 =	vor.u32 s2, v11;
	_ =	sdelay $0x3  }
0x1a7: {  	[tilespmem:v17+s19+$0x0] =	vst.idx.msk $0xffff, v15  }
0x1a8: {  	v17 =	vor.u32 v3, v16;
	v15 =	vld.idx.msk [tilespmem:v18+s10+$0x0], $0xffff  }
0x1a9: {  	v18 =	vor.u32 s2, v12;
	_ =	sdelay $0x3  }
0x1aa: {  	[tilespmem:v17+s19+$0x0] =	vst.idx.msk $0xffff, v15  }
0x1ab: {  	v16 =	vor.u32 v4, v16;
	v15 =	vld.idx.msk [tilespmem:v18+s10+$0x0], $0xffff;
	_ =	sdelay $0x2  }
0x1ac: {  	s2 =	spop (v2sf)  }
0x1ad: {  	s29 =	sand.u32 $0xFFFFF80, s2  }
0x1ae: {  	s3 =	sadd.s32 s0, s29;
	[tilespmem:v16+s19+$0x0] =	vst.idx.msk $0xffff, v15  }
0x1af: {  	[tilespmem:s10], [sflag:$0x1] =	stream.strided.gather [hbm4b:s3+s9], $0x2000, s8, s9, $0x38;
	[tilespmem:$0x18200] =	vst v63  }
0x1b0: {  	_ =	swait.ge [sflag:s20], $0x2000  }
0x1b1: {  	(v2sf) =	vpush v14, $0x1;
	_ =	sdelay $0xe  }
0x1b2: {  	s4 =	spop (v2sf)  }
0x1b3: {  	s3 =	sand.u32 $0x7F, s4  }
0x1b4: {  	s4 =	sadd.s32 $0xFFFFFFF2, s31;
	v15 =	vor.u32 s3, v0  }
0x1b5: {  	v16 =	vmov s4  }
0x1b6: {  	v17 =	vshll.u32 v16, $0x3  }
0x1b7: {  	[sflag:s20] =	ssyncset.done $0x0;
	v16 =	vand.u32 $0x71, v16;
	v17 =	vand.u32 $0xC00, v17  }
0x1b8: {  	[sflag:s20] =	ssyncadd.s32 $0xFFFFE000;
	v16 =	vor.u32 v16, v17  }
0x1b9: {  	v17 =	vor.u32 v1, v16;
	v15 =	vld.idx.msk [tilespmem:v15+s11+$0x0], $0xffff  }
0x1ba: {  	v18 =	vor.u32 s3, v10;
	_ =	sdelay $0x3  }
0x1bb: {  	[tilespmem:v17+s19+$0x0] =	vst.idx.msk $0xffff, v15  }
0x1bc: {  	(v2sf) =	vpush v14, $0x9;
	v17 =	vor.u32 v2, v16;
	v15 =	vld.idx.msk [tilespmem:v18+s11+$0x0], $0xffff  }
0x1bd: {  	v18 =	vor.u32 s3, v11;
	_ =	sdelay $0x3  }
0x1be: {  	[tilespmem:v17+s19+$0x0] =	vst.idx.msk $0xffff, v15  }
0x1bf: {  	v17 =	vor.u32 v3, v16;
	v15 =	vld.idx.msk [tilespmem:v18+s11+$0x0], $0xffff  }
0x1c0: {  	v18 =	vor.u32 s3, v12;
	_ =	sdelay $0x3  }
0x1c1: {  	[tilespmem:v17+s19+$0x0] =	vst.idx.msk $0xffff, v15  }
0x1c2: {  	v16 =	vor.u32 v4, v16;
	v15 =	vld.idx.msk [tilespmem:v18+s11+$0x0], $0xffff;
	_ =	sdelay $0x2  }
0x1c3: {  	s3 =	spop (v2sf)  }
0x1c4: {  	s5 =	sand.u32 $0xFFFFF80, s3  }
0x1c5: {  	s4 =	sadd.s32 s0, s5;
	[tilespmem:v16+s19+$0x0] =	vst.idx.msk $0xffff, v15  }
0x1c6: {  	[tilespmem:s11], [sflag:$0x2] =	stream.strided.gather [hbm4b:s4+s9], $0x2000, s8, s9, $0x38;
	[tilespmem:$0x18200] =	vst v63  }
0x1c7: {  	_ =	swait.ge [sflag:s21], $0x2000  }
0x1c8: {  	(v2sf) =	vpush v14, $0x2;
	_ =	sdelay $0xe  }
0x1c9: {  	s6 =	spop (v2sf)  }
0x1ca: {  	s4 =	sand.u32 $0x7F, s6  }
0x1cb: {  	s5 =	sadd.s32 $0xFFFFFFF3, s31;
	v15 =	vor.u32 s4, v0  }
0x1cc: {  	v16 =	vmov s5  }
0x1cd: {  	v17 =	vshll.u32 v16, $0x3  }
0x1ce: {  	v16 =	vand.u32 $0x72, v16;
	v17 =	vand.u32 $0xC00, v17;
	[sflag:s21] =	ssyncset.done $0x0  }
0x1cf: {  	v16 =	vor.u32 v16, v17;
	[sflag:s21] =	ssyncadd.s32 $0xFFFFE000  }
0x1d0: {  	v17 =	vor.u32 v1, v16;
	v15 =	vld.idx.msk [tilespmem:v15+s12+$0x0], $0xffff  }
0x1d1: {  	v18 =	vor.u32 s4, v10;
	_ =	sdelay $0x3  }
0x1d2: {  	[tilespmem:v17+s19+$0x0] =	vst.idx.msk $0xffff, v15  }
0x1d3: {  	(v2sf) =	vpush v14, $0xA;
	v17 =	vor.u32 v2, v16;
	v15 =	vld.idx.msk [tilespmem:v18+s12+$0x0], $0xffff  }
0x1d4: {  	v18 =	vor.u32 s4, v11;
	_ =	sdelay $0x3  }
0x1d5: {  	[tilespmem:v17+s19+$0x0] =	vst.idx.msk $0xffff, v15  }
0x1d6: {  	v17 =	vor.u32 v3, v16;
	v15 =	vld.idx.msk [tilespmem:v18+s12+$0x0], $0xffff  }
0x1d7: {  	v18 =	vor.u32 s4, v12;
	_ =	sdelay $0x3  }
0x1d8: {  	[tilespmem:v17+s19+$0x0] =	vst.idx.msk $0xffff, v15  }
0x1d9: {  	v16 =	vor.u32 v4, v16;
	v15 =	vld.idx.msk [tilespmem:v18+s12+$0x0], $0xffff;
	_ =	sdelay $0x2  }
0x1da: {  	s28 =	spop (v2sf)  }
0x1db: {  	s7 =	sand.u32 $0xFFFFF80, s28  }
0x1dc: {  	s4 =	sadd.s32 s0, s7;
	[tilespmem:v16+s19+$0x0] =	vst.idx.msk $0xffff, v15  }
0x1dd: {  	[tilespmem:s12], [sflag:$0x3] =	stream.strided.gather [hbm4b:s4+s9], $0x2000, s8, s9, $0x38;
	[tilespmem:$0x18200] =	vst v63  }
0x1de: {  	_ =	swait.ge [sflag:s22], $0x2000  }
0x1df: {  	(v2sf) =	vpush v14, $0x3;
	_ =	sdelay $0xe  }
0x1e0: {  	s18 =	spop (v2sf)  }
0x1e1: {  	s4 =	sand.u32 $0x7F, s18  }
0x1e2: {  	s29 =	sadd.s32 $0xFFFFFFF4, s31;
	v15 =	vor.u32 s4, v0  }
0x1e3: {  	v16 =	vmov s29  }
0x1e4: {  	v17 =	vshll.u32 v16, $0x3  }
0x1e5: {  	v16 =	vand.u32 $0x73, v16;
	v17 =	vand.u32 $0xC00, v17;
	[sflag:s22] =	ssyncset.done $0x0  }
0x1e6: {  	v16 =	vor.u32 v16, v17;
	[sflag:s22] =	ssyncadd.s32 $0xFFFFE000  }
0x1e7: {  	v17 =	vor.u32 v1, v16;
	v15 =	vld.idx.msk [tilespmem:v15+s13+$0x0], $0xffff  }
0x1e8: {  	v18 =	vor.u32 s4, v10;
	_ =	sdelay $0x3  }
0x1e9: {  	[tilespmem:v17+s19+$0x0] =	vst.idx.msk $0xffff, v15  }
0x1ea: {  	(v2sf) =	vpush v14, $0xB;
	v17 =	vor.u32 v2, v16;
	v15 =	vld.idx.msk [tilespmem:v18+s13+$0x0], $0xffff  }
0x1eb: {  	v18 =	vor.u32 s4, v11;
	_ =	sdelay $0x3  }
0x1ec: {  	[tilespmem:v17+s19+$0x0] =	vst.idx.msk $0xffff, v15  }
0x1ed: {  	v17 =	vor.u32 v3, v16;
	v15 =	vld.idx.msk [tilespmem:v18+s13+$0x0], $0xffff  }
0x1ee: {  	v18 =	vor.u32 s4, v12;
	_ =	sdelay $0x3  }
0x1ef: {  	[tilespmem:v17+s19+$0x0] =	vst.idx.msk $0xffff, v15  }
0x1f0: {  	v16 =	vor.u32 v4, v16;
	v15 =	vld.idx.msk [tilespmem:v18+s13+$0x0], $0xffff;
	_ =	sdelay $0x2  }
0x1f1: {  	s29 =	spop (v2sf)  }
0x1f2: {  	s6 =	sand.u32 $0xFFFFF80, s29  }
0x1f3: {  	s4 =	sadd.s32 s0, s6;
	[tilespmem:v16+s19+$0x0] =	vst.idx.msk $0xffff, v15  }
0x1f4: {  	[tilespmem:s13], [sflag:$0x4] =	stream.strided.gather [hbm4b:s4+s9], $0x2000, s8, s9, $0x38;
	[tilespmem:$0x18200] =	vst v63  }
0x1f5: {  	_ =	swait.ge [sflag:s23], $0x2000  }
0x1f6: {  	(v2sf) =	vpush v14, $0x4;
	_ =	sdelay $0xe  }
0x1f7: {  	s7 =	spop (v2sf)  }
0x1f8: {  	s4 =	sand.u32 $0x7F, s7  }
0x1f9: {  	s18 =	sadd.s32 $0xFFFFFFF5, s31;
	v15 =	vor.u32 s4, v0  }
0x1fa: {  	v16 =	vmov s18  }
0x1fb: {  	v17 =	vshll.u32 v16, $0x3  }
0x1fc: {  	v16 =	vand.u32 $0x74, v16;
	v17 =	vand.u32 $0xC00, v17;
	[sflag:s23] =	ssyncset.done $0x0  }
0x1fd: {  	v16 =	vor.u32 v16, v17;
	[sflag:s23] =	ssyncadd.s32 $0xFFFFE000  }
0x1fe: {  	v17 =	vor.u32 v1, v16;
	v15 =	vld.idx.msk [tilespmem:v15+s14+$0x0], $0xffff  }
0x1ff: {  	v18 =	vor.u32 s4, v10;
	_ =	sdelay $0x3  }
0x200: {  	[tilespmem:v17+s19+$0x0] =	vst.idx.msk $0xffff, v15  }
0x201: {  	(v2sf) =	vpush v14, $0xC;
	v17 =	vor.u32 v2, v16;
	v15 =	vld.idx.msk [tilespmem:v18+s14+$0x0], $0xffff  }
0x202: {  	v18 =	vor.u32 s4, v11;
	_ =	sdelay $0x3  }
0x203: {  	[tilespmem:v17+s19+$0x0] =	vst.idx.msk $0xffff, v15  }
0x204: {  	v17 =	vor.u32 v3, v16;
	v15 =	vld.idx.msk [tilespmem:v18+s14+$0x0], $0xffff  }
0x205: {  	v18 =	vor.u32 s4, v12;
	_ =	sdelay $0x3  }
0x206: {  	[tilespmem:v17+s19+$0x0] =	vst.idx.msk $0xffff, v15  }
0x207: {  	v16 =	vor.u32 v4, v16;
	v15 =	vld.idx.msk [tilespmem:v18+s14+$0x0], $0xffff;
	_ =	sdelay $0x2  }
0x208: {  	s4 =	spop (v2sf)  }
0x209: {  	s6 =	sand.u32 $0xFFFFF80, s4  }
0x20a: {  	s5 =	sadd.s32 s0, s6;
	[tilespmem:v16+s19+$0x0] =	vst.idx.msk $0xffff, v15  }
0x20b: {  	[tilespmem:s14], [sflag:$0x5] =	stream.strided.gather [hbm4b:s5+s9], $0x2000, s8, s9, $0x38;
	[tilespmem:$0x18200] =	vst v63  }
0x20c: {  	_ =	swait.ge [sflag:s24], $0x2000  }
0x20d: {  	(v2sf) =	vpush v14, $0x5;
	_ =	sdelay $0xe  }
0x20e: {  	s7 =	spop (v2sf)  }
0x20f: {  	s5 =	sand.u32 $0x7F, s7  }
0x210: {  	s6 =	sadd.s32 $0xFFFFFFF6, s31;
	v15 =	vor.u32 s5, v0  }
0x211: {  	v16 =	vmov s6  }
0x212: {  	v17 =	vshll.u32 v16, $0x3  }
0x213: {  	v16 =	vand.u32 $0x75, v16;
	v17 =	vand.u32 $0xC00, v17;
	[sflag:s24] =	ssyncset.done $0x0  }
0x214: {  	v16 =	vor.u32 v16, v17;
	[sflag:s24] =	ssyncadd.s32 $0xFFFFE000  }
0x215: {  	v17 =	vor.u32 v1, v16;
	v15 =	vld.idx.msk [tilespmem:v15+s15+$0x0], $0xffff  }
0x216: {  	v18 =	vor.u32 s5, v10;
	_ =	sdelay $0x3  }
0x217: {  	[tilespmem:v17+s19+$0x0] =	vst.idx.msk $0xffff, v15  }
0x218: {  	(v2sf) =	vpush v14, $0xD;
	v17 =	vor.u32 v2, v16;
	v15 =	vld.idx.msk [tilespmem:v18+s15+$0x0], $0xffff  }
0x219: {  	v18 =	vor.u32 s5, v11;
	_ =	sdelay $0x3  }
0x21a: {  	[tilespmem:v17+s19+$0x0] =	vst.idx.msk $0xffff, v15  }
0x21b: {  	v17 =	vor.u32 v3, v16;
	v15 =	vld.idx.msk [tilespmem:v18+s15+$0x0], $0xffff  }
0x21c: {  	v18 =	vor.u32 s5, v12;
	_ =	sdelay $0x3  }
0x21d: {  	[tilespmem:v17+s19+$0x0] =	vst.idx.msk $0xffff, v15  }
0x21e: {  	v16 =	vor.u32 v4, v16;
	v15 =	vld.idx.msk [tilespmem:v18+s15+$0x0], $0xffff;
	_ =	sdelay $0x2  }
0x21f: {  	s5 =	spop (v2sf)  }
0x220: {  	s18 =	sand.u32 $0xFFFFF80, s5  }
0x221: {  	s6 =	sadd.s32 s0, s18;
	[tilespmem:v16+s19+$0x0] =	vst.idx.msk $0xffff, v15  }
0x222: {  	[tilespmem:s15], [sflag:$0x6] =	stream.strided.gather [hbm4b:s6+s9], $0x2000, s8, s9, $0x38;
	[tilespmem:$0x18200] =	vst v63  }
0x223: {  	_ =	swait.ge [sflag:s25], $0x2000  }
0x224: {  	(v2sf) =	vpush v14, $0x6;
	_ =	sdelay $0xe  }
0x225: {  	s7 =	spop (v2sf)  }
0x226: {  	s6 =	sand.u32 $0x7F, s7  }
0x227: {  	s7 =	sadd.s32 $0xFFFFFFF7, s31;
	v15 =	vor.u32 s6, v0  }
0x228: {  	v16 =	vmov s7  }
0x229: {  	v17 =	vshll.u32 v16, $0x3  }
0x22a: {  	[sflag:s25] =	ssyncset.done $0x0;
	v16 =	vand.u32 $0x76, v16;
	v17 =	vand.u32 $0xC00, v17  }
0x22b: {  	[sflag:s25] =	ssyncadd.s32 $0xFFFFE000;
	v16 =	vor.u32 v16, v17  }
0x22c: {  	v17 =	vor.u32 v1, v16;
	v15 =	vld.idx.msk [tilespmem:v15+s16+$0x0], $0xffff  }
0x22d: {  	v18 =	vor.u32 s6, v10;
	_ =	sdelay $0x3  }
0x22e: {  	[tilespmem:v17+s19+$0x0] =	vst.idx.msk $0xffff, v15  }
0x22f: {  	(v2sf) =	vpush v14, $0xE;
	v17 =	vor.u32 v2, v16;
	v15 =	vld.idx.msk [tilespmem:v18+s16+$0x0], $0xffff  }
0x230: {  	v18 =	vor.u32 s6, v11;
	_ =	sdelay $0x3  }
0x231: {  	[tilespmem:v17+s19+$0x0] =	vst.idx.msk $0xffff, v15  }
0x232: {  	v17 =	vor.u32 v3, v16;
	v15 =	vld.idx.msk [tilespmem:v18+s16+$0x0], $0xffff  }
0x233: {  	v18 =	vor.u32 s6, v12;
	_ =	sdelay $0x3  }
0x234: {  	[tilespmem:v17+s19+$0x0] =	vst.idx.msk $0xffff, v15  }
0x235: {  	v16 =	vor.u32 v4, v16;
	v15 =	vld.idx.msk [tilespmem:v18+s16+$0x0], $0xffff;
	_ =	sdelay $0x2  }
0x236: {  	s6 =	spop (v2sf)  }
0x237: {  	s18 =	sand.u32 $0xFFFFF80, s6  }
0x238: {  	s7 =	sadd.s32 s0, s18;
	[tilespmem:v16+s19+$0x0] =	vst.idx.msk $0xffff, v15  }
0x239: {  	[tilespmem:s16], [sflag:$0x7] =	stream.strided.gather [hbm4b:s7+s9], $0x2000, s8, s9, $0x38;
	[tilespmem:$0x18200] =	vst v63  }
0x23a: {  	_ =	swait.ge [sflag:s26], $0x2000  }
0x23b: {  	(v2sf) =	vpush v14, $0x7;
	_ =	sdelay $0xe  }
0x23c: {  	s18 =	spop (v2sf)  }
0x23d: {  	s7 =	sand.u32 $0x7F, s18  }
0x23e: {  	s30 =	sadd.s32 $0xFFFFFFF8, s31;
	v15 =	vor.u32 s7, v0  }
0x23f: {  	v16 =	vmov s30  }
0x240: {  	v17 =	vshll.u32 v16, $0x3  }
0x241: {  	v16 =	vand.u32 $0x77, v16;
	v17 =	vand.u32 $0xC00, v17;
	[sflag:s26] =	ssyncset.done $0x0  }
0x242: {  	v16 =	vor.u32 v16, v17;
	[sflag:s26] =	ssyncadd.s32 $0xFFFFE000  }
0x243: {  	v17 =	vor.u32 v1, v16;
	v15 =	vld.idx.msk [tilespmem:v15+s17+$0x0], $0xffff  }
0x244: {  	v18 =	vor.u32 s7, v10;
	_ =	sdelay $0x3  }
0x245: {  	[tilespmem:v17+s19+$0x0] =	vst.idx.msk $0xffff, v15  }
0x246: {  	(v2sf) =	vpush v14, $0xF;
	v17 =	vor.u32 v2, v16;
	v15 =	vld.idx.msk [tilespmem:v18+s17+$0x0], $0xffff  }
0x247: {  	v14 =	vor.u32 s7, v11;
	_ =	sdelay $0x3  }
0x248: {  	[tilespmem:v17+s19+$0x0] =	vst.idx.msk $0xffff, v15  }
0x249: {  	v15 =	vor.u32 v3, v16;
	v14 =	vld.idx.msk [tilespmem:v14+s17+$0x0], $0xffff  }
0x24a: {  	v17 =	vor.u32 s7, v12;
	_ =	sdelay $0x3  }
0x24b: {  	[tilespmem:v15+s19+$0x0] =	vst.idx.msk $0xffff, v14  }
0x24c: {  	v15 =	vor.u32 v4, v16;
	v14 =	vld.idx.msk [tilespmem:v17+s17+$0x0], $0xffff;
	_ =	sdelay $0x2  }
0x24d: {  	s7 =	spop (v2sf)  }
0x24e: {  	s30 =	sand.u32 $0xFFFFF80, s7  }
0x24f: {  	s2 =	sand.u32 $0x7F, s2;
	s18 =	sadd.s32 $0xFFFFFFF9, s31;
	s30 =	sadd.s32 s0, s30;
	[tilespmem:v15+s19+$0x0] =	vst.idx.msk $0xffff, v14  }
0x250: {  	v14 =	vor.u32 s2, v0;
	[tilespmem:s17], [sflag:$0x8] =	stream.strided.gather [hbm4b:s30+s9], $0x2000, s8, s9, $0x38;
	[tilespmem:$0x18200] =	vst v63  }
0x251: {  	v15 =	vmov s18;
	s30 =	simm.s32 $0x1  }
0x252: {  	v16 =	vshll.u32 v15, $0x3;
	_ =	swait.ge [sflag:s30], $0x2000  }
0x253: {  	v15 =	vand.u32 $0x78, v15;
	v16 =	vand.u32 $0xC00, v16;
	[sflag:s30] =	ssyncset.done $0x0  }
0x254: {  	v15 =	vor.u32 v15, v16;
	[sflag:s30] =	ssyncadd.s32 $0xFFFFE000  }
0x255: {  	v16 =	vor.u32 v1, v15;
	v14 =	vld.idx.msk [tilespmem:v14+s10+$0x0], $0xffff  }
0x256: {  	v17 =	vor.u32 s2, v10;
	_ =	sdelay $0x3  }
0x257: {  	[tilespmem:v16+s19+$0x0] =	vst.idx.msk $0xffff, v14  }
0x258: {  	(v2sf) =	vpush v13, $0x0;
	v16 =	vor.u32 v2, v15;
	v14 =	vld.idx.msk [tilespmem:v17+s10+$0x0], $0xffff  }
0x259: {  	v17 =	vor.u32 s2, v11;
	_ =	sdelay $0x3  }
0x25a: {  	[tilespmem:v16+s19+$0x0] =	vst.idx.msk $0xffff, v14  }
0x25b: {  	v16 =	vor.u32 v3, v15;
	v14 =	vld.idx.msk [tilespmem:v17+s10+$0x0], $0xffff  }
0x25c: {  	v17 =	vor.u32 s2, v12;
	_ =	sdelay $0x3  }
0x25d: {  	[tilespmem:v16+s19+$0x0] =	vst.idx.msk $0xffff, v14  }
0x25e: {  	v15 =	vor.u32 v4, v15;
	v14 =	vld.idx.msk [tilespmem:v17+s10+$0x0], $0xffff;
	_ =	sdelay $0x2  }
0x25f: {  	s18 =	spop (v2sf)  }
0x260: {  	s3 =	sand.u32 $0x7F, s3;
	s2 =	sand.u32 $0xFFFFF80, s18  }
0x261: {  	s18 =	sadd.s32 $0xFFFFFFFA, s31;
	s2 =	sadd.s32 s0, s2;
	[tilespmem:v15+s19+$0x0] =	vst.idx.msk $0xffff, v14;
	v14 =	vor.u32 s3, v0  }
0x262: {  	v15 =	vmov s18;
	[tilespmem:s10], [sflag:$0x1] =	stream.strided.gather [hbm4b:s2+s9], $0x2000, s8, s9, $0x38;
	[tilespmem:$0x18200] =	vst v63  }
0x263: {  	v16 =	vshll.u32 v15, $0x3;
	_ =	swait.ge [sflag:s20], $0x2000  }
0x264: {  	v15 =	vand.u32 $0x79, v15;
	v16 =	vand.u32 $0xC00, v16;
	[sflag:s20] =	ssyncset.done $0x0  }
0x265: {  	v15 =	vor.u32 v15, v16;
	[sflag:s20] =	ssyncadd.s32 $0xFFFFE000  }
0x266: {  	v16 =	vor.u32 v1, v15;
	v14 =	vld.idx.msk [tilespmem:v14+s11+$0x0], $0xffff  }
0x267: {  	v17 =	vor.u32 s3, v10;
	_ =	sdelay $0x3  }
0x268: {  	[tilespmem:v16+s19+$0x0] =	vst.idx.msk $0xffff, v14  }
0x269: {  	(v2sf) =	vpush v13, $0x1;
	v16 =	vor.u32 v2, v15;
	v14 =	vld.idx.msk [tilespmem:v17+s11+$0x0], $0xffff  }
0x26a: {  	v17 =	vor.u32 s3, v11;
	_ =	sdelay $0x3  }
0x26b: {  	[tilespmem:v16+s19+$0x0] =	vst.idx.msk $0xffff, v14  }
0x26c: {  	v16 =	vor.u32 v3, v15;
	v14 =	vld.idx.msk [tilespmem:v17+s11+$0x0], $0xffff  }
0x26d: {  	v17 =	vor.u32 s3, v12;
	_ =	sdelay $0x3  }
0x26e: {  	[tilespmem:v16+s19+$0x0] =	vst.idx.msk $0xffff, v14  }
0x26f: {  	v15 =	vor.u32 v4, v15;
	v14 =	vld.idx.msk [tilespmem:v17+s11+$0x0], $0xffff;
	_ =	sdelay $0x2  }
0x270: {  	s18 =	spop (v2sf)  }
0x271: {  	s3 =	sand.u32 $0x7F, s28;
	s2 =	sand.u32 $0xFFFFF80, s18  }
0x272: {  	s28 =	sadd.s32 $0xFFFFFFFB, s31;
	s2 =	sadd.s32 s0, s2;
	[tilespmem:v15+s19+$0x0] =	vst.idx.msk $0xffff, v14;
	v14 =	vor.u32 s3, v0  }
0x273: {  	v15 =	vmov s28;
	[tilespmem:s11], [sflag:$0x2] =	stream.strided.gather [hbm4b:s2+s9], $0x2000, s8, s9, $0x38;
	[tilespmem:$0x18200] =	vst v63  }
0x274: {  	v16 =	vshll.u32 v15, $0x3;
	_ =	swait.ge [sflag:s21], $0x2000  }
0x275: {  	v15 =	vand.u32 $0x7A, v15;
	v16 =	vand.u32 $0xC00, v16;
	[sflag:s21] =	ssyncset.done $0x0  }
0x276: {  	v15 =	vor.u32 v15, v16;
	[sflag:s21] =	ssyncadd.s32 $0xFFFFE000  }
0x277: {  	v16 =	vor.u32 v1, v15;
	v14 =	vld.idx.msk [tilespmem:v14+s12+$0x0], $0xffff  }
0x278: {  	v17 =	vor.u32 s3, v10;
	_ =	sdelay $0x3  }
0x279: {  	[tilespmem:v16+s19+$0x0] =	vst.idx.msk $0xffff, v14  }
0x27a: {  	(v2sf) =	vpush v13, $0x2;
	v16 =	vor.u32 v2, v15;
	v14 =	vld.idx.msk [tilespmem:v17+s12+$0x0], $0xffff  }
0x27b: {  	v17 =	vor.u32 s3, v11;
	_ =	sdelay $0x3  }
0x27c: {  	[tilespmem:v16+s19+$0x0] =	vst.idx.msk $0xffff, v14  }
0x27d: {  	v16 =	vor.u32 v3, v15;
	v14 =	vld.idx.msk [tilespmem:v17+s12+$0x0], $0xffff  }
0x27e: {  	v17 =	vor.u32 s3, v12;
	_ =	sdelay $0x3  }
0x27f: {  	[tilespmem:v16+s19+$0x0] =	vst.idx.msk $0xffff, v14  }
0x280: {  	v15 =	vor.u32 v4, v15;
	v14 =	vld.idx.msk [tilespmem:v17+s12+$0x0], $0xffff;
	_ =	sdelay $0x2  }
0x281: {  	s18 =	spop (v2sf)  }
0x282: {  	s28 =	sand.u32 $0x7F, s29;
	s2 =	sand.u32 $0xFFFFF80, s18  }
0x283: {  	s29 =	sadd.s32 $0xFFFFFFFC, s31;
	s2 =	sadd.s32 s0, s2;
	[tilespmem:v15+s19+$0x0] =	vst.idx.msk $0xffff, v14;
	v14 =	vor.u32 s28, v0  }
0x284: {  	v15 =	vmov s29;
	[tilespmem:s12], [sflag:$0x3] =	stream.strided.gather [hbm4b:s2+s9], $0x2000, s8, s9, $0x38;
	[tilespmem:$0x18200] =	vst v63  }
0x285: {  	v16 =	vshll.u32 v15, $0x3;
	_ =	swait.ge [sflag:s22], $0x2000  }
0x286: {  	v15 =	vand.u32 $0x7B, v15;
	v16 =	vand.u32 $0xC00, v16;
	[sflag:s22] =	ssyncset.done $0x0  }
0x287: {  	v15 =	vor.u32 v15, v16;
	[sflag:s22] =	ssyncadd.s32 $0xFFFFE000  }
0x288: {  	v16 =	vor.u32 v1, v15;
	v14 =	vld.idx.msk [tilespmem:v14+s13+$0x0], $0xffff  }
0x289: {  	v17 =	vor.u32 s28, v10;
	_ =	sdelay $0x3  }
0x28a: {  	[tilespmem:v16+s19+$0x0] =	vst.idx.msk $0xffff, v14  }
0x28b: {  	(v2sf) =	vpush v13, $0x3;
	v16 =	vor.u32 v2, v15;
	v14 =	vld.idx.msk [tilespmem:v17+s13+$0x0], $0xffff  }
0x28c: {  	v17 =	vor.u32 s28, v11;
	_ =	sdelay $0x3  }
0x28d: {  	[tilespmem:v16+s19+$0x0] =	vst.idx.msk $0xffff, v14  }
0x28e: {  	v16 =	vor.u32 v3, v15;
	v14 =	vld.idx.msk [tilespmem:v17+s13+$0x0], $0xffff  }
0x28f: {  	v17 =	vor.u32 s28, v12;
	_ =	sdelay $0x3  }
0x290: {  	[tilespmem:v16+s19+$0x0] =	vst.idx.msk $0xffff, v14  }
0x291: {  	v15 =	vor.u32 v4, v15;
	v14 =	vld.idx.msk [tilespmem:v17+s13+$0x0], $0xffff;
	_ =	sdelay $0x2  }
0x292: {  	s18 =	spop (v2sf)  }
0x293: {  	s28 =	sand.u32 $0x7F, s4;
	s2 =	sand.u32 $0xFFFFF80, s18  }
0x294: {  	s29 =	sadd.s32 $0xFFFFFFFD, s31;
	s2 =	sadd.s32 s0, s2;
	[tilespmem:v15+s19+$0x0] =	vst.idx.msk $0xffff, v14;
	v14 =	vor.u32 s28, v0  }
0x295: {  	v15 =	vmov s29;
	[tilespmem:s13], [sflag:$0x4] =	stream.strided.gather [hbm4b:s2+s9], $0x2000, s8, s9, $0x38;
	[tilespmem:$0x18200] =	vst v63  }
0x296: {  	v16 =	vshll.u32 v15, $0x3;
	_ =	swait.ge [sflag:s23], $0x2000  }
0x297: {  	v15 =	vand.u32 $0x7C, v15;
	v16 =	vand.u32 $0xC00, v16;
	[sflag:s23] =	ssyncset.done $0x0  }
0x298: {  	v15 =	vor.u32 v15, v16;
	[sflag:s23] =	ssyncadd.s32 $0xFFFFE000  }
0x299: {  	v16 =	vor.u32 v1, v15;
	v14 =	vld.idx.msk [tilespmem:v14+s14+$0x0], $0xffff  }
0x29a: {  	v17 =	vor.u32 s28, v10;
	_ =	sdelay $0x3  }
0x29b: {  	[tilespmem:v16+s19+$0x0] =	vst.idx.msk $0xffff, v14  }
0x29c: {  	(v2sf) =	vpush v13, $0x4;
	v16 =	vor.u32 v2, v15;
	v14 =	vld.idx.msk [tilespmem:v17+s14+$0x0], $0xffff  }
0x29d: {  	v17 =	vor.u32 s28, v11;
	_ =	sdelay $0x3  }
0x29e: {  	[tilespmem:v16+s19+$0x0] =	vst.idx.msk $0xffff, v14  }
0x29f: {  	v16 =	vor.u32 v3, v15;
	v14 =	vld.idx.msk [tilespmem:v17+s14+$0x0], $0xffff  }
0x2a0: {  	v17 =	vor.u32 s28, v12;
	_ =	sdelay $0x3  }
0x2a1: {  	[tilespmem:v16+s19+$0x0] =	vst.idx.msk $0xffff, v14  }
0x2a2: {  	v15 =	vor.u32 v4, v15;
	v14 =	vld.idx.msk [tilespmem:v17+s14+$0x0], $0xffff;
	_ =	sdelay $0x2  }
0x2a3: {  	s18 =	spop (v2sf)  }
0x2a4: {  	s28 =	sand.u32 $0x7F, s5;
	s2 =	sand.u32 $0xFFFFF80, s18  }
0x2a5: {  	s29 =	sadd.s32 $0xFFFFFFFE, s31;
	s2 =	sadd.s32 s0, s2;
	[tilespmem:v15+s19+$0x0] =	vst.idx.msk $0xffff, v14;
	v14 =	vor.u32 s28, v0  }
0x2a6: {  	v15 =	vmov s29;
	[tilespmem:s14], [sflag:$0x5] =	stream.strided.gather [hbm4b:s2+s9], $0x2000, s8, s9, $0x38;
	[tilespmem:$0x18200] =	vst v63  }
0x2a7: {  	v16 =	vshll.u32 v15, $0x3;
	_ =	swait.ge [sflag:s24], $0x2000  }
0x2a8: {  	v15 =	vand.u32 $0x7D, v15;
	v16 =	vand.u32 $0xC00, v16;
	[sflag:s24] =	ssyncset.done $0x0  }
0x2a9: {  	v15 =	vor.u32 v15, v16;
	[sflag:s24] =	ssyncadd.s32 $0xFFFFE000  }
0x2aa: {  	v16 =	vor.u32 v1, v15;
	v14 =	vld.idx.msk [tilespmem:v14+s15+$0x0], $0xffff  }
0x2ab: {  	v17 =	vor.u32 s28, v10;
	_ =	sdelay $0x3  }
0x2ac: {  	[tilespmem:v16+s19+$0x0] =	vst.idx.msk $0xffff, v14  }
0x2ad: {  	(v2sf) =	vpush v13, $0x5;
	v16 =	vor.u32 v2, v15;
	v14 =	vld.idx.msk [tilespmem:v17+s15+$0x0], $0xffff  }
0x2ae: {  	v17 =	vor.u32 s28, v11;
	_ =	sdelay $0x3  }
0x2af: {  	[tilespmem:v16+s19+$0x0] =	vst.idx.msk $0xffff, v14  }
0x2b0: {  	v16 =	vor.u32 v3, v15;
	v14 =	vld.idx.msk [tilespmem:v17+s15+$0x0], $0xffff  }
0x2b1: {  	v17 =	vor.u32 s28, v12;
	_ =	sdelay $0x3  }
0x2b2: {  	[tilespmem:v16+s19+$0x0] =	vst.idx.msk $0xffff, v14  }
0x2b3: {  	v15 =	vor.u32 v4, v15;
	v14 =	vld.idx.msk [tilespmem:v17+s15+$0x0], $0xffff;
	_ =	sdelay $0x2  }
0x2b4: {  	s4 =	spop (v2sf)  }
0x2b5: {  	s5 =	sand.u32 $0x7F, s6;
	s2 =	sand.u32 $0xFFFFF80, s4  }
0x2b6: {  	s6 =	sadd.s32 $0xFFFFFFFF, s31;
	s2 =	sadd.s32 s0, s2;
	[tilespmem:v15+s19+$0x0] =	vst.idx.msk $0xffff, v14;
	v14 =	vor.u32 s5, v0  }
0x2b7: {  	v15 =	vmov s6;
	[tilespmem:s15], [sflag:$0x6] =	stream.strided.gather [hbm4b:s2+s9], $0x2000, s8, s9, $0x38;
	[tilespmem:$0x18200] =	vst v63  }
0x2b8: {  	v16 =	vshll.u32 v15, $0x3;
	_ =	swait.ge [sflag:s25], $0x2000  }
0x2b9: {  	v15 =	vand.u32 $0x7E, v15;
	v16 =	vand.u32 $0xC00, v16;
	[sflag:s25] =	ssyncset.done $0x0  }
0x2ba: {  	v15 =	vor.u32 v15, v16;
	[sflag:s25] =	ssyncadd.s32 $0xFFFFE000  }
0x2bb: {  	v16 =	vor.u32 v1, v15;
	v14 =	vld.idx.msk [tilespmem:v14+s16+$0x0], $0xffff  }
0x2bc: {  	v17 =	vor.u32 s5, v10;
	_ =	sdelay $0x3  }
0x2bd: {  	[tilespmem:v16+s19+$0x0] =	vst.idx.msk $0xffff, v14  }
0x2be: {  	(v2sf) =	vpush v13, $0x6;
	v16 =	vor.u32 v2, v15;
	v14 =	vld.idx.msk [tilespmem:v17+s16+$0x0], $0xffff  }
0x2bf: {  	v17 =	vor.u32 s5, v11;
	_ =	sdelay $0x3  }
0x2c0: {  	[tilespmem:v16+s19+$0x0] =	vst.idx.msk $0xffff, v14  }
0x2c1: {  	v16 =	vor.u32 v3, v15;
	v14 =	vld.idx.msk [tilespmem:v17+s16+$0x0], $0xffff  }
0x2c2: {  	v17 =	vor.u32 s5, v12;
	_ =	sdelay $0x3  }
0x2c3: {  	[tilespmem:v16+s19+$0x0] =	vst.idx.msk $0xffff, v14  }
0x2c4: {  	v15 =	vor.u32 v4, v15;
	v14 =	vld.idx.msk [tilespmem:v17+s16+$0x0], $0xffff;
	_ =	sdelay $0x2  }
0x2c5: {  	s18 =	spop (v2sf)  }
0x2c6: {  	s28 =	sand.u32 $0x7F, s7;
	s2 =	sand.u32 $0xFFFFF80, s18  }
0x2c7: {  	s2 =	sadd.s32 s0, s2;
	[tilespmem:v15+s19+$0x0] =	vst.idx.msk $0xffff, v14;
	v14 =	vor.u32 s28, v0  }
0x2c8: {  	v15 =	vmov s31;
	[tilespmem:s16], [sflag:$0x7] =	stream.strided.gather [hbm4b:s2+s9], $0x2000, s8, s9, $0x38;
	[tilespmem:$0x18200] =	vst v63  }
0x2c9: {  	v16 =	vshll.u32 v15, $0x3;
	_ =	swait.ge [sflag:s26], $0x2000  }
0x2ca: {  	v15 =	vand.u32 $0x7F, v15;
	v16 =	vand.u32 $0xC00, v16;
	[sflag:s26] =	ssyncset.done $0x0  }
0x2cb: {  	v15 =	vor.u32 v15, v16;
	[sflag:s26] =	ssyncadd.s32 $0xFFFFE000  }
0x2cc: {  	v16 =	vor.u32 v1, v15;
	v14 =	vld.idx.msk [tilespmem:v14+s17+$0x0], $0xffff  }
0x2cd: {  	v17 =	vor.u32 s28, v10;
	_ =	sdelay $0x3  }
0x2ce: {  	[tilespmem:v16+s19+$0x0] =	vst.idx.msk $0xffff, v14  }
0x2cf: {  	(v2sf) =	vpush v13, $0x7;
	v16 =	vor.u32 v2, v15;
	v14 =	vld.idx.msk [tilespmem:v17+s17+$0x0], $0xffff  }
0x2d0: {  	v13 =	vor.u32 s28, v11;
	_ =	sdelay $0x3  }
0x2d1: {  	[tilespmem:v16+s19+$0x0] =	vst.idx.msk $0xffff, v14  }
0x2d2: {  	v14 =	vor.u32 v3, v15;
	v13 =	vld.idx.msk [tilespmem:v13+s17+$0x0], $0xffff  }
0x2d3: {  	v16 =	vor.u32 s28, v12;
	_ =	sdelay $0x3  }
0x2d4: {  	[tilespmem:v14+s19+$0x0] =	vst.idx.msk $0xffff, v13  }
0x2d5: {  	v14 =	vor.u32 v4, v15;
	v13 =	vld.idx.msk [tilespmem:v16+s17+$0x0], $0xffff  }
0x2d6: {  	p0 =	sne.s32 s31, $0x1EF  }
.Ltmp0:
0x2d7: {  	_ = 	snop;
	(pc) =	sbr.rel @p0 .LBB2_2-.Ltmp0, $4  }
0x2d8: {  	s29 =	spop (v2sf)  }
0x2d9: {  	s2 =	sand.u32 $0xFFFFF80, s29  }
0x2da: {  	s1 =	sadd.s32 $0x10, s1;
	s31 =	sadd.s32 $0x10, s31;
	s2 =	sadd.s32 s0, s2;
	[tilespmem:v14+s19+$0x0] =	vst.idx.msk $0xffff, v13  }
0x2db: {  	[tilespmem:s17], [sflag:$0x8] =	stream.strided.gather [hbm4b:s2+s9], $0x2000, s8, s9, $0x38;
	[tilespmem:$0x18200] =	vst v63  }
0x2dc: {  	v13 =	vld [tilespmem:$0x1F0];
	_ =	sdelay $0x3  }
0x2dd: {  	_ =	swait.ge [sflag:s30], $0x2000  }
0x2de: {  	(v2sf) =	vpush v13, $0x0;
	_ =	sdelay $0xe  }
0x2df: {  	s1 =	spop (v2sf)  }
0x2e0: {  	s1 =	sand.u32 $0x7F, s1  }
0x2e1: {  	v14 =	vor.u32 s1, v0;
	_ =	sdelay $0x1  }
0x2e2: {  	v16 =	vld [tilespmem:$0x1FF20]  }
0x2e3: {  	[sflag:s30] =	ssyncset.done $0x0  }
0x2e4: {  	[sflag:s30] =	ssyncadd.s32 $0xFFFFE000  }
0x2e5: {  	v14 =	vld.idx.msk [tilespmem:v14+s10+$0x0], $0xffff;
	_ =	sdelay $0x2  }
0x2e6: {  	v15 =	vor.u32 s1, v10;
	_ =	sdelay $0x1  }
0x2e7: {  	[tilespmem:v16+s19+$0x0] =	vst.idx.msk $0xffff, v14;
	v16 =	vld [tilespmem:$0x1FF30];
	_ =	sdelay $0x2  }
0x2e8: {  	v14 =	vld.idx.msk [tilespmem:v15+s10+$0x0], $0xffff;
	_ =	sdelay $0x2  }
0x2e9: {  	v15 =	vor.u32 s1, v11;
	_ =	sdelay $0x1  }
0x2ea: {  	[tilespmem:v16+s19+$0x0] =	vst.idx.msk $0xffff, v14;
	v16 =	vld [tilespmem:$0x1FF40]  }
0x2eb: {  	(v2sf) =	vpush v13, $0x8;
	_ =	sdelay $0x1  }
0x2ec: {  	v14 =	vld.idx.msk [tilespmem:v15+s10+$0x0], $0xffff  }
0x2ed: {  	v15 =	vor.u32 s1, v12;
	_ =	sdelay $0x3  }
0x2ee: {  	[tilespmem:v16+s19+$0x0] =	vst.idx.msk $0xffff, v14  }
0x2ef: {  	v14 =	vld.idx.msk [tilespmem:v15+s10+$0x0], $0xffff  }
0x2f0: {  	v15 =	vld [tilespmem:$0x1FF50];
	_ =	sdelay $0x5  }
0x2f1: {  	s1 =	spop (v2sf)  }
0x2f2: {  	s2 =	sand.u32 $0xFFFFF80, s1  }
0x2f3: {  	s2 =	sadd.s32 s0, s2;
	[tilespmem:v15+s19+$0x0] =	vst.idx.msk $0xffff, v14  }
0x2f4: {  	[tilespmem:s10], [sflag:$0x1] =	stream.strided.gather [hbm4b:s2+s9], $0x2000, s8, s9, $0x38;
	[tilespmem:$0x18200] =	vst v63  }
0x2f5: {  	_ =	swait.ge [sflag:s20], $0x2000  }
0x2f6: {  	(v2sf) =	vpush v13, $0x1;
	_ =	sdelay $0xe  }
0x2f7: {  	s4 =	spop (v2sf)  }
0x2f8: {  	s2 =	sand.u32 $0x7F, s4  }
0x2f9: {  	v14 =	vor.u32 s2, v0;
	_ =	sdelay $0x1  }
0x2fa: {  	v16 =	vld [tilespmem:$0x1FF60]  }
0x2fb: {  	[sflag:s20] =	ssyncset.done $0x0  }
0x2fc: {  	[sflag:s20] =	ssyncadd.s32 $0xFFFFE000  }
0x2fd: {  	v14 =	vld.idx.msk [tilespmem:v14+s11+$0x0], $0xffff;
	_ =	sdelay $0x2  }
0x2fe: {  	v15 =	vor.u32 s2, v10;
	_ =	sdelay $0x1  }
0x2ff: {  	[tilespmem:v16+s19+$0x0] =	vst.idx.msk $0xffff, v14;
	v16 =	vld [tilespmem:$0x1FF70];
	_ =	sdelay $0x2  }
0x300: {  	v14 =	vld.idx.msk [tilespmem:v15+s11+$0x0], $0xffff;
	_ =	sdelay $0x2  }
0x301: {  	v15 =	vor.u32 s2, v11;
	_ =	sdelay $0x1  }
0x302: {  	[tilespmem:v16+s19+$0x0] =	vst.idx.msk $0xffff, v14;
	v16 =	vld [tilespmem:$0x1FF80]  }
0x303: {  	(v2sf) =	vpush v13, $0x9;
	_ =	sdelay $0x1  }
0x304: {  	v14 =	vld.idx.msk [tilespmem:v15+s11+$0x0], $0xffff  }
0x305: {  	v15 =	vor.u32 s2, v12;
	_ =	sdelay $0x3  }
0x306: {  	[tilespmem:v16+s19+$0x0] =	vst.idx.msk $0xffff, v14  }
0x307: {  	v14 =	vld.idx.msk [tilespmem:v15+s11+$0x0], $0xffff  }
0x308: {  	v15 =	vld [tilespmem:$0x1FF90];
	_ =	sdelay $0x5  }
0x309: {  	s2 =	spop (v2sf)  }
0x30a: {  	s3 =	sand.u32 $0xFFFFF80, s2  }
0x30b: {  	s3 =	sadd.s32 s0, s3;
	[tilespmem:v15+s19+$0x0] =	vst.idx.msk $0xffff, v14  }
0x30c: {  	[tilespmem:s11], [sflag:$0x2] =	stream.strided.gather [hbm4b:s3+s9], $0x2000, s8, s9, $0x38;
	[tilespmem:$0x18200] =	vst v63  }
0x30d: {  	_ =	swait.ge [sflag:s21], $0x2000  }
0x30e: {  	(v2sf) =	vpush v13, $0x2;
	_ =	sdelay $0xe  }
0x30f: {  	s5 =	spop (v2sf)  }
0x310: {  	s3 =	sand.u32 $0x7F, s5  }
0x311: {  	v14 =	vor.u32 s3, v0;
	_ =	sdelay $0x1  }
0x312: {  	v16 =	vld [tilespmem:$0x1FFA0]  }
0x313: {  	[sflag:s21] =	ssyncset.done $0x0  }
0x314: {  	[sflag:s21] =	ssyncadd.s32 $0xFFFFE000  }
0x315: {  	v14 =	vld.idx.msk [tilespmem:v14+s12+$0x0], $0xffff;
	_ =	sdelay $0x2  }
0x316: {  	v15 =	vor.u32 s3, v10;
	_ =	sdelay $0x1  }
0x317: {  	[tilespmem:v16+s19+$0x0] =	vst.idx.msk $0xffff, v14;
	v16 =	vld [tilespmem:$0x1FFB0];
	_ =	sdelay $0x2  }
0x318: {  	v14 =	vld.idx.msk [tilespmem:v15+s12+$0x0], $0xffff;
	_ =	sdelay $0x2  }
0x319: {  	v15 =	vor.u32 s3, v11;
	_ =	sdelay $0x1  }
0x31a: {  	[tilespmem:v16+s19+$0x0] =	vst.idx.msk $0xffff, v14;
	v16 =	vld [tilespmem:$0x1FFC0]  }
0x31b: {  	(v2sf) =	vpush v13, $0xA;
	_ =	sdelay $0x1  }
0x31c: {  	v14 =	vld.idx.msk [tilespmem:v15+s12+$0x0], $0xffff  }
0x31d: {  	v15 =	vor.u32 s3, v12;
	_ =	sdelay $0x3  }
0x31e: {  	[tilespmem:v16+s19+$0x0] =	vst.idx.msk $0xffff, v14  }
0x31f: {  	v14 =	vld.idx.msk [tilespmem:v15+s12+$0x0], $0xffff  }
0x320: {  	v15 =	vld [tilespmem:$0x1FFD0];
	_ =	sdelay $0x5  }
0x321: {  	s3 =	spop (v2sf)  }
0x322: {  	s4 =	sand.u32 $0xFFFFF80, s3  }
0x323: {  	s4 =	sadd.s32 s0, s4;
	[tilespmem:v15+s19+$0x0] =	vst.idx.msk $0xffff, v14  }
0x324: {  	[tilespmem:s12], [sflag:$0x3] =	stream.strided.gather [hbm4b:s4+s9], $0x2000, s8, s9, $0x38;
	[tilespmem:$0x18200] =	vst v63  }
0x325: {  	_ =	swait.ge [sflag:s22], $0x2000  }
0x326: {  	(v2sf) =	vpush v13, $0x3;
	_ =	sdelay $0xe  }
0x327: {  	s6 =	spop (v2sf)  }
0x328: {  	s4 =	sand.u32 $0x7F, s6  }
0x329: {  	v14 =	vor.u32 s4, v0;
	_ =	sdelay $0x1  }
0x32a: {  	v16 =	vld [tilespmem:$0x1FFE0]  }
0x32b: {  	[sflag:s22] =	ssyncset.done $0x0  }
0x32c: {  	[sflag:s22] =	ssyncadd.s32 $0xFFFFE000  }
0x32d: {  	v14 =	vld.idx.msk [tilespmem:v14+s13+$0x0], $0xffff;
	_ =	sdelay $0x2  }
0x32e: {  	v15 =	vor.u32 s4, v10;
	_ =	sdelay $0x1  }
0x32f: {  	[tilespmem:v16+s19+$0x0] =	vst.idx.msk $0xffff, v14;
	v16 =	vld [tilespmem:$0x1FFF0];
	_ =	sdelay $0x2  }
0x330: {  	(v2sf) =	vpush v13, $0xB;
	v14 =	vld.idx.msk [tilespmem:v15+s13+$0x0], $0xffff  }
0x331: {  	v15 =	vor.u32 s4, v11;
	_ =	sdelay $0x3  }
0x332: {  	[tilespmem:v16+s19+$0x0] =	vst.idx.msk $0xffff, v14  }
0x333: {  	v14 =	vld.idx.msk [tilespmem:v15+s13+$0x0], $0xffff  }
0x334: {  	v15 =	vor.u32 s4, v12;
	_ =	sdelay $0x3  }
0x335: {  	[tilespmem:v19+s19+$0x0] =	vst.idx.msk $0xffff, v14  }
0x336: {  	v14 =	vld.idx.msk [tilespmem:v15+s13+$0x0], $0xffff;
	_ =	sdelay $0x2  }
0x337: {  	s4 =	spop (v2sf)  }
0x338: {  	s5 =	sand.u32 $0xFFFFF80, s4  }
0x339: {  	s5 =	sadd.s32 s0, s5;
	[tilespmem:v20+s19+$0x0] =	vst.idx.msk $0xffff, v14  }
0x33a: {  	[tilespmem:s13], [sflag:$0x4] =	stream.strided.gather [hbm4b:s5+s9], $0x2000, s8, s9, $0x38;
	[tilespmem:$0x18200] =	vst v63  }
0x33b: {  	_ =	swait.ge [sflag:s23], $0x2000  }
0x33c: {  	(v2sf) =	vpush v13, $0x4;
	_ =	sdelay $0xe  }
0x33d: {  	s7 =	spop (v2sf)  }
0x33e: {  	s5 =	sand.u32 $0x7F, s7  }
0x33f: {  	v14 =	vor.u32 s5, v0;
	_ =	sdelay $0x2  }
0x340: {  	[sflag:s23] =	ssyncset.done $0x0  }
0x341: {  	[sflag:s23] =	ssyncadd.s32 $0xFFFFE000  }
0x342: {  	v14 =	vld.idx.msk [tilespmem:v14+s14+$0x0], $0xffff  }
0x343: {  	v15 =	vor.u32 s5, v10;
	_ =	sdelay $0x3  }
0x344: {  	[tilespmem:v21+s19+$0x0] =	vst.idx.msk $0xffff, v14  }
0x345: {  	(v2sf) =	vpush v13, $0xC;
	v14 =	vld.idx.msk [tilespmem:v15+s14+$0x0], $0xffff  }
0x346: {  	v15 =	vor.u32 s5, v11;
	_ =	sdelay $0x3  }
0x347: {  	[tilespmem:v22+s19+$0x0] =	vst.idx.msk $0xffff, v14  }
0x348: {  	v14 =	vld.idx.msk [tilespmem:v15+s14+$0x0], $0xffff  }
0x349: {  	v15 =	vor.u32 s5, v12;
	_ =	sdelay $0x3  }
0x34a: {  	[tilespmem:v23+s19+$0x0] =	vst.idx.msk $0xffff, v14  }
0x34b: {  	v14 =	vld.idx.msk [tilespmem:v15+s14+$0x0], $0xffff;
	_ =	sdelay $0x2  }
0x34c: {  	s5 =	spop (v2sf)  }
0x34d: {  	s6 =	sand.u32 $0xFFFFF80, s5  }
0x34e: {  	s6 =	sadd.s32 s0, s6;
	[tilespmem:v24+s19+$0x0] =	vst.idx.msk $0xffff, v14  }
0x34f: {  	[tilespmem:s14], [sflag:$0x5] =	stream.strided.gather [hbm4b:s6+s9], $0x2000, s8, s9, $0x38;
	[tilespmem:$0x18200] =	vst v63  }
0x350: {  	_ =	swait.ge [sflag:s24], $0x2000  }
0x351: {  	(v2sf) =	vpush v13, $0x5;
	_ =	sdelay $0xe  }
0x352: {  	s18 =	spop (v2sf)  }
0x353: {  	s6 =	sand.u32 $0x7F, s18  }
0x354: {  	v14 =	vor.u32 s6, v0;
	_ =	sdelay $0x2  }
0x355: {  	[sflag:s24] =	ssyncset.done $0x0  }
0x356: {  	[sflag:s24] =	ssyncadd.s32 $0xFFFFE000  }
0x357: {  	v14 =	vld.idx.msk [tilespmem:v14+s15+$0x0], $0xffff  }
0x358: {  	v15 =	vor.u32 s6, v10;
	_ =	sdelay $0x3  }
0x359: {  	[tilespmem:v25+s19+$0x0] =	vst.idx.msk $0xffff, v14  }
0x35a: {  	(v2sf) =	vpush v13, $0xD;
	v14 =	vld.idx.msk [tilespmem:v15+s15+$0x0], $0xffff  }
0x35b: {  	v15 =	vor.u32 s6, v11;
	_ =	sdelay $0x3  }
0x35c: {  	[tilespmem:v26+s19+$0x0] =	vst.idx.msk $0xffff, v14  }
0x35d: {  	v14 =	vld.idx.msk [tilespmem:v15+s15+$0x0], $0xffff  }
0x35e: {  	v15 =	vor.u32 s6, v12;
	_ =	sdelay $0x3  }
0x35f: {  	[tilespmem:v27+s19+$0x0] =	vst.idx.msk $0xffff, v14  }
0x360: {  	v14 =	vld.idx.msk [tilespmem:v15+s15+$0x0], $0xffff;
	_ =	sdelay $0x2  }
0x361: {  	s6 =	spop (v2sf)  }
0x362: {  	s7 =	sand.u32 $0xFFFFF80, s6  }
0x363: {  	s7 =	sadd.s32 s0, s7;
	[tilespmem:v28+s19+$0x0] =	vst.idx.msk $0xffff, v14  }
0x364: {  	[tilespmem:s15], [sflag:$0x6] =	stream.strided.gather [hbm4b:s7+s9], $0x2000, s8, s9, $0x38;
	[tilespmem:$0x18200] =	vst v63  }
0x365: {  	_ =	swait.ge [sflag:s25], $0x2000  }
0x366: {  	(v2sf) =	vpush v13, $0x6;
	_ =	sdelay $0xe  }
0x367: {  	s28 =	spop (v2sf)  }
0x368: {  	s7 =	sand.u32 $0x7F, s28  }
0x369: {  	v14 =	vor.u32 s7, v0;
	_ =	sdelay $0x2  }
0x36a: {  	[sflag:s25] =	ssyncset.done $0x0  }
0x36b: {  	[sflag:s25] =	ssyncadd.s32 $0xFFFFE000  }
0x36c: {  	v14 =	vld.idx.msk [tilespmem:v14+s16+$0x0], $0xffff  }
0x36d: {  	v15 =	vor.u32 s7, v10;
	_ =	sdelay $0x3  }
0x36e: {  	[tilespmem:v29+s19+$0x0] =	vst.idx.msk $0xffff, v14  }
0x36f: {  	(v2sf) =	vpush v13, $0xE;
	v14 =	vld.idx.msk [tilespmem:v15+s16+$0x0], $0xffff  }
0x370: {  	v15 =	vor.u32 s7, v11;
	_ =	sdelay $0x3  }
0x371: {  	[tilespmem:v30+s19+$0x0] =	vst.idx.msk $0xffff, v14  }
0x372: {  	v14 =	vld.idx.msk [tilespmem:v15+s16+$0x0], $0xffff  }
0x373: {  	v15 =	vor.u32 s7, v12;
	_ =	sdelay $0x3  }
0x374: {  	[tilespmem:v31+s19+$0x0] =	vst.idx.msk $0xffff, v14  }
0x375: {  	v14 =	vld.idx.msk [tilespmem:v15+s16+$0x0], $0xffff;
	_ =	sdelay $0x2  }
0x376: {  	s7 =	spop (v2sf)  }
0x377: {  	s18 =	sand.u32 $0xFFFFF80, s7  }
0x378: {  	s18 =	sadd.s32 s0, s18;
	[tilespmem:v32+s19+$0x0] =	vst.idx.msk $0xffff, v14  }
0x379: {  	[tilespmem:s16], [sflag:$0x7] =	stream.strided.gather [hbm4b:s18+s9], $0x2000, s8, s9, $0x38;
	[tilespmem:$0x18200] =	vst v63  }
0x37a: {  	_ =	swait.ge [sflag:s26], $0x2000  }
0x37b: {  	(v2sf) =	vpush v13, $0x7;
	_ =	sdelay $0xe  }
0x37c: {  	s29 =	spop (v2sf)  }
0x37d: {  	s18 =	sand.u32 $0x7F, s29  }
0x37e: {  	v14 =	vor.u32 s18, v0;
	_ =	sdelay $0x2  }
0x37f: {  	[sflag:s26] =	ssyncset.done $0x0  }
0x380: {  	[sflag:s26] =	ssyncadd.s32 $0xFFFFE000  }
0x381: {  	v14 =	vld.idx.msk [tilespmem:v14+s17+$0x0], $0xffff  }
0x382: {  	v15 =	vor.u32 s18, v10;
	_ =	sdelay $0x3  }
0x383: {  	[tilespmem:v33+s19+$0x0] =	vst.idx.msk $0xffff, v14  }
0x384: {  	(v2sf) =	vpush v13, $0xF;
	v14 =	vld.idx.msk [tilespmem:v15+s17+$0x0], $0xffff  }
0x385: {  	v13 =	vor.u32 s18, v11;
	_ =	sdelay $0x3  }
0x386: {  	[tilespmem:v34+s19+$0x0] =	vst.idx.msk $0xffff, v14  }
0x387: {  	v13 =	vld.idx.msk [tilespmem:v13+s17+$0x0], $0xffff  }
0x388: {  	v14 =	vor.u32 s18, v12;
	_ =	sdelay $0x3  }
0x389: {  	[tilespmem:v35+s19+$0x0] =	vst.idx.msk $0xffff, v13  }
0x38a: {  	v13 =	vld.idx.msk [tilespmem:v14+s17+$0x0], $0xffff;
	_ =	sdelay $0x2  }
0x38b: {  	s28 =	spop (v2sf)  }
0x38c: {  	s1 =	sand.u32 $0x7F, s1;
	s31 =	sand.u32 $0xFFFFF80, s28  }
0x38d: {  	s18 =	sadd.s32 s0, s31;
	[tilespmem:v36+s19+$0x0] =	vst.idx.msk $0xffff, v13;
	v13 =	vor.u32 s1, v0  }
0x38e: {  	[tilespmem:s17], [sflag:$0x8] =	stream.strided.gather [hbm4b:s18+s9], $0x2000, s8, s9, $0x38;
	[tilespmem:$0x18200] =	vst v63  }
0x38f: {  	_ =	swait.ge [sflag:s30], $0x2000  }
0x390: {  	[sflag:s30] =	ssyncset.done $0x0  }
0x391: {  	[sflag:s30] =	ssyncadd.s32 $0xFFFFE000  }
0x392: {  	v13 =	vld.idx.msk [tilespmem:v13+s10+$0x0], $0xffff  }
0x393: {  	v14 =	vor.u32 s1, v10;
	_ =	sdelay $0x3  }
0x394: {  	[tilespmem:v37+s19+$0x0] =	vst.idx.msk $0xffff, v13  }
0x395: {  	v13 =	vld.idx.msk [tilespmem:v14+s10+$0x0], $0xffff  }
0x396: {  	v14 =	vor.u32 s1, v11;
	_ =	sdelay $0x3  }
0x397: {  	[tilespmem:v38+s19+$0x0] =	vst.idx.msk $0xffff, v13  }
0x398: {  	v13 =	vld.idx.msk [tilespmem:v14+s10+$0x0], $0xffff  }
0x399: {  	v14 =	vor.u32 s1, v12;
	_ =	sdelay $0x3  }
0x39a: {  	[tilespmem:v39+s19+$0x0] =	vst.idx.msk $0xffff, v13  }
0x39b: {  	v13 =	vld.idx.msk [tilespmem:v14+s10+$0x0], $0xffff;
	_ =	sdelay $0x2  }
0x39c: {  	s29 =	sand.u32 $0x7F, s2  }
0x39d: {  	v14 =	vor.u32 s29, v0  }
0x39e: {  	[tilespmem:v40+s19+$0x0] =	vst.idx.msk $0xffff, v13  }
0x39f: {  	_ =	swait.ge [sflag:s20], $0x2000  }
0x3a0: {  	[sflag:s20] =	ssyncset.done $0x0  }
0x3a1: {  	[sflag:s20] =	ssyncadd.s32 $0xFFFFE000  }
0x3a2: {  	v13 =	vld.idx.msk [tilespmem:v14+s11+$0x0], $0xffff  }
0x3a3: {  	v14 =	vor.u32 s29, v10;
	_ =	sdelay $0x3  }
0x3a4: {  	[tilespmem:v41+s19+$0x0] =	vst.idx.msk $0xffff, v13  }
0x3a5: {  	v13 =	vld.idx.msk [tilespmem:v14+s11+$0x0], $0xffff  }
0x3a6: {  	v14 =	vor.u32 s29, v11;
	_ =	sdelay $0x3  }
0x3a7: {  	[tilespmem:v42+s19+$0x0] =	vst.idx.msk $0xffff, v13  }
0x3a8: {  	v13 =	vld.idx.msk [tilespmem:v14+s11+$0x0], $0xffff  }
0x3a9: {  	v14 =	vor.u32 s29, v12;
	_ =	sdelay $0x3  }
0x3aa: {  	[tilespmem:v43+s19+$0x0] =	vst.idx.msk $0xffff, v13  }
0x3ab: {  	v13 =	vld.idx.msk [tilespmem:v14+s11+$0x0], $0xffff;
	_ =	sdelay $0x2  }
0x3ac: {  	s31 =	sand.u32 $0x7F, s3  }
0x3ad: {  	v14 =	vor.u32 s31, v0  }
0x3ae: {  	[tilespmem:v44+s19+$0x0] =	vst.idx.msk $0xffff, v13  }
0x3af: {  	_ =	swait.ge [sflag:s21], $0x2000  }
0x3b0: {  	[sflag:s21] =	ssyncset.done $0x0  }
0x3b1: {  	[sflag:s21] =	ssyncadd.s32 $0xFFFFE000  }
0x3b2: {  	v13 =	vld.idx.msk [tilespmem:v14+s12+$0x0], $0xffff  }
0x3b3: {  	v14 =	vor.u32 s31, v10;
	_ =	sdelay $0x3  }
0x3b4: {  	[tilespmem:v45+s19+$0x0] =	vst.idx.msk $0xffff, v13  }
0x3b5: {  	v13 =	vld.idx.msk [tilespmem:v14+s12+$0x0], $0xffff  }
0x3b6: {  	v14 =	vor.u32 s31, v11;
	_ =	sdelay $0x3  }
0x3b7: {  	[tilespmem:v46+s19+$0x0] =	vst.idx.msk $0xffff, v13  }
0x3b8: {  	v13 =	vld.idx.msk [tilespmem:v14+s12+$0x0], $0xffff  }
0x3b9: {  	v14 =	vor.u32 s31, v12;
	_ =	sdelay $0x3  }
0x3ba: {  	[tilespmem:v47+s19+$0x0] =	vst.idx.msk $0xffff, v13  }
0x3bb: {  	v13 =	vld.idx.msk [tilespmem:v14+s12+$0x0], $0xffff;
	_ =	sdelay $0x2  }
0x3bc: {  	s2 =	sand.u32 $0x7F, s4  }
0x3bd: {  	v14 =	vor.u32 s2, v0  }
0x3be: {  	[tilespmem:v48+s19+$0x0] =	vst.idx.msk $0xffff, v13  }
0x3bf: {  	_ =	swait.ge [sflag:s22], $0x2000  }
0x3c0: {  	[sflag:s22] =	ssyncset.done $0x0  }
0x3c1: {  	[sflag:s22] =	ssyncadd.s32 $0xFFFFE000  }
0x3c2: {  	v13 =	vld.idx.msk [tilespmem:v14+s13+$0x0], $0xffff  }
0x3c3: {  	v14 =	vor.u32 s2, v10;
	_ =	sdelay $0x3  }
0x3c4: {  	[tilespmem:v49+s19+$0x0] =	vst.idx.msk $0xffff, v13  }
0x3c5: {  	v13 =	vld.idx.msk [tilespmem:v14+s13+$0x0], $0xffff  }
0x3c6: {  	v14 =	vor.u32 s2, v11;
	_ =	sdelay $0x3  }
0x3c7: {  	[tilespmem:v50+s19+$0x0] =	vst.idx.msk $0xffff, v13  }
0x3c8: {  	v13 =	vld.idx.msk [tilespmem:v14+s13+$0x0], $0xffff  }
0x3c9: {  	v14 =	vor.u32 s2, v12;
	_ =	sdelay $0x3  }
0x3ca: {  	[tilespmem:v51+s19+$0x0] =	vst.idx.msk $0xffff, v13  }
0x3cb: {  	v13 =	vld.idx.msk [tilespmem:v14+s13+$0x0], $0xffff;
	_ =	sdelay $0x2  }
0x3cc: {  	s3 =	sand.u32 $0x7F, s5  }
0x3cd: {  	v14 =	vor.u32 s3, v0  }
0x3ce: {  	[tilespmem:v52+s19+$0x0] =	vst.idx.msk $0xffff, v13  }
0x3cf: {  	_ =	swait.ge [sflag:s23], $0x2000  }
0x3d0: {  	[sflag:s23] =	ssyncset.done $0x0  }
0x3d1: {  	[sflag:s23] =	ssyncadd.s32 $0xFFFFE000  }
0x3d2: {  	v13 =	vld.idx.msk [tilespmem:v14+s14+$0x0], $0xffff  }
0x3d3: {  	v14 =	vor.u32 s3, v10;
	_ =	sdelay $0x3  }
0x3d4: {  	[tilespmem:v53+s19+$0x0] =	vst.idx.msk $0xffff, v13  }
0x3d5: {  	v13 =	vld.idx.msk [tilespmem:v14+s14+$0x0], $0xffff  }
0x3d6: {  	v14 =	vor.u32 s3, v11;
	_ =	sdelay $0x3  }
0x3d7: {  	[tilespmem:v54+s19+$0x0] =	vst.idx.msk $0xffff, v13  }
0x3d8: {  	v13 =	vld.idx.msk [tilespmem:v14+s14+$0x0], $0xffff  }
0x3d9: {  	v14 =	vor.u32 s3, v12;
	_ =	sdelay $0x3  }
0x3da: {  	[tilespmem:v55+s19+$0x0] =	vst.idx.msk $0xffff, v13  }
0x3db: {  	v13 =	vld.idx.msk [tilespmem:v14+s14+$0x0], $0xffff;
	_ =	sdelay $0x2  }
0x3dc: {  	s4 =	sand.u32 $0x7F, s6  }
0x3dd: {  	v14 =	vor.u32 s4, v0  }
0x3de: {  	[tilespmem:v56+s19+$0x0] =	vst.idx.msk $0xffff, v13  }
0x3df: {  	_ =	swait.ge [sflag:s24], $0x2000  }
0x3e0: {  	[sflag:s24] =	ssyncset.done $0x0  }
0x3e1: {  	[sflag:s24] =	ssyncadd.s32 $0xFFFFE000  }
0x3e2: {  	v13 =	vld.idx.msk [tilespmem:v14+s15+$0x0], $0xffff  }
0x3e3: {  	v14 =	vor.u32 s4, v10;
	_ =	sdelay $0x3  }
0x3e4: {  	[tilespmem:v57+s19+$0x0] =	vst.idx.msk $0xffff, v13  }
0x3e5: {  	v13 =	vld.idx.msk [tilespmem:v14+s15+$0x0], $0xffff  }
0x3e6: {  	v14 =	vor.u32 s4, v11;
	_ =	sdelay $0x3  }
0x3e7: {  	[tilespmem:v58+s19+$0x0] =	vst.idx.msk $0xffff, v13  }
0x3e8: {  	v13 =	vld.idx.msk [tilespmem:v14+s15+$0x0], $0xffff  }
0x3e9: {  	v14 =	vor.u32 s4, v12;
	_ =	sdelay $0x3  }
0x3ea: {  	[tilespmem:v59+s19+$0x0] =	vst.idx.msk $0xffff, v13  }
0x3eb: {  	v13 =	vld.idx.msk [tilespmem:v14+s15+$0x0], $0xffff;
	_ =	sdelay $0x2  }
0x3ec: {  	s5 =	sand.u32 $0x7F, s7  }
0x3ed: {  	v14 =	vor.u32 s5, v0  }
0x3ee: {  	[tilespmem:v60+s19+$0x0] =	vst.idx.msk $0xffff, v13  }
0x3ef: {  	_ =	swait.ge [sflag:s25], $0x2000  }
0x3f0: {  	[sflag:s25] =	ssyncset.done $0x0  }
0x3f1: {  	[sflag:s25] =	ssyncadd.s32 $0xFFFFE000  }
0x3f2: {  	v13 =	vld.idx.msk [tilespmem:v14+s16+$0x0], $0xffff  }
0x3f3: {  	v14 =	vor.u32 s5, v10;
	_ =	sdelay $0x3  }
0x3f4: {  	[tilespmem:v61+s19+$0x0] =	vst.idx.msk $0xffff, v13  }
0x3f5: {  	v13 =	vld.idx.msk [tilespmem:v14+s16+$0x0], $0xffff  }
0x3f6: {  	v14 =	vor.u32 s5, v11;
	_ =	sdelay $0x3  }
0x3f7: {  	[tilespmem:v62+s19+$0x0] =	vst.idx.msk $0xffff, v13  }
0x3f8: {  	v13 =	vld.idx.msk [tilespmem:v14+s16+$0x0], $0xffff  }
0x3f9: {  	v14 =	vor.u32 s5, v12;
	_ =	sdelay $0x3  }
0x3fa: {  	[tilespmem:v63+s19+$0x0] =	vst.idx.msk $0xffff, v13  }
0x3fb: {  	v13 =	vld.idx.msk [tilespmem:v14+s16+$0x0], $0xffff;
	_ =	sdelay $0x2  }
0x3fc: {  	s6 =	sand.u32 $0x7F, s28  }
0x3fd: {  	v14 =	vor.u32 s6, v0  }
0x3fe: {  	[tilespmem:v5+s19+$0x0] =	vst.idx.msk $0xffff, v13  }
0x3ff: {  	_ =	swait.ge [sflag:s26], $0x2000  }
0x400: {  	[sflag:s26] =	ssyncset.done $0x0  }
0x401: {  	[sflag:s26] =	ssyncadd.s32 $0xFFFFE000  }
0x402: {  	v13 =	vld.idx.msk [tilespmem:v14+s17+$0x0], $0xffff  }
0x403: {  	v14 =	vor.u32 s6, v10;
	_ =	sdelay $0x3  }
0x404: {  	[tilespmem:v6+s19+$0x0] =	vst.idx.msk $0xffff, v13  }
0x405: {  	v13 =	vld.idx.msk [tilespmem:v14+s17+$0x0], $0xffff  }
0x406: {  	v14 =	vor.u32 s6, v11;
	_ =	sdelay $0x3  }
0x407: {  	[tilespmem:v7+s19+$0x0] =	vst.idx.msk $0xffff, v13  }
0x408: {  	v13 =	vld.idx.msk [tilespmem:v14+s17+$0x0], $0xffff  }
0x409: {  	v14 =	vor.u32 s6, v12;
	_ =	sdelay $0x3  }
0x40a: {  	[tilespmem:v8+s19+$0x0] =	vst.idx.msk $0xffff, v13  }
0x40b: {  	v13 =	vld.idx.msk [tilespmem:v14+s17+$0x0], $0xffff;
	_ =	sdelay $0x3  }
0x40c: {  	s28 =	simm.s32 $0x20000  }
0x40d: {  	s18 =	simm.s32 $0x1000;
	s3 =	simm.s32 $0x9;
	s7 =	rddreg [dreg:$0x5];
	[tilespmem:v9+s19+$0x0] =	vst.idx.msk $0xffff, v13  }
0x40e: {  	[hbm4b:s7+s18] =	stream.strided.scatter [tilespmem:s19], [sflag:$0x9], $0x8000, s28, s18, $0x38;
	[tilespmem:$0x18200] =	vst v63  }
0x40f: {  	_ =	swait.ge [sflag:s3], $0x8000  }
0x410: {  	s29 =	rddreg [dreg:$0x7]  }
0x411: {  	s31 =	rddreg [dreg:$0x6];
	s2 =	sadd.s32 $0x1, s29  }
0x412: {  	p0 =	sne.s32 s2, s31  }
.Ltmp1:
0x413: {  	_ = 	snop;
	(pc) =	sbr.rel @p0 .LBB2_1-.Ltmp1, $3  }
0x414: {  	_ =	sdelay $0x1  }
0x415: {  	[sflag:s3] =	ssyncset.done $0x0  }
0x416: {  	[sflag:s3] =	ssyncadd.s32 $0xFFFF8000  }
0x417: {  	_ =	sfence.sel $0x180000  }
0x418: {  	[bflag:$0x0] =	sbarrier.arrive $0xFFFF  }
0x419: {  	_ =	strace $0x90000047  }
0x41a: {  	s0 =	stileid.u32;
	[bflag:$0x2] =	sbarrier.arrive $0xFFFF  }
0x41b: {  	p0 =	sne.s32 s0, $0x0;
	s0 =	rddreg [dreg:$0x3]  }
0x41c: {  	s0 =	sadd.s32 @!p0 $0x100000, s0  }
0x41d: {  	[sflag:s0] =	ssyncadd.tile.s32 @!p0 $0x1;
	_ =	shalt  }
.Lfunc_end2:
_tile_overlayer_lowered:
.L_overlay_start_2:
0x41e: {  	(tag) =	ssettag $0x2  }
0x41f: {  	s0 =	rddreg [dreg:$0x0];
	s2 =	stileid.u32  }
0x420: {  	s1 =	rddreg [dreg:$0x1];
	p0 =	sne.s32 s2, $0x0  }
0x421: {  	s3 =	rddreg [dreg:$0x2];
	[bflag:$0x3] =	sbarrier.arrive $0xFFFF;
	s2 =	simm.s32 @!p0 $0x1C09  }
0x422: {  	[timem:s3], [sflag:s2] =	dma.local @!p0 [hbm:s0], s1  }
0x423: {  	s0 =	simm.s32 @!p0 $0x9  }
0x424: {  	_ =	swait.ge @!p0 [sflag:s0], s1  }
0x425: {  	s1 =	ssub.s32 @!p0 $0x0, s1;
	[sflag:s0] =	ssyncset.done @!p0 $0x0  }
0x426: {  	[sflag:s0] =	ssyncadd.s32 @!p0 s1  }
0x427: {  	[bflag:$0x3] =	sbarrier.arrive $0xFFFF  }
0x428: {  	_ =	shalt  }

</sc_bundles>
